<compile_context>
chip_gen: v7x
topology: tpu7x:2x2x1
jax: 0.10.2.dev20260603
libtpu: 0.0.44.dev20260713+nightly
codegen_flags: <defaults>
</compile_context>

<pallas_src>
import functools

import jax
import jax.numpy as jnp
from jax import lax
from jax.experimental import pallas as pl
from jax.experimental.pallas import tpu as pltpu
from jax.experimental.pallas import tpu_sc as plsc

_BATCH = 4
_SEQ = 8192
_D = 64
_NC, _NS = 2, 16
_NW = _NC * _NS
_DB = 8
_NSH = 2
_SH = _SEQ // _NSH
_CH = 2048
_NCHB = _SH // _CH
_NTASK = _BATCH * _NCHB
_L = 16

_mesh = plsc.VectorSubcoreMesh(core_axis_name="c", subcore_axis_name="s")


@functools.partial(
    pl.kernel,
    mesh=_mesh,
    out_type=(
        jax.ShapeDtypeStruct((_BATCH, _D, _SEQ), jnp.float32),
        jax.ShapeDtypeStruct((_BATCH, _D, _SEQ), jnp.float32),
    ),
    scratch_types=[
        pltpu.VMEM((_DB, _SEQ), jnp.float32),
        [pltpu.VMEM((_CH,), jnp.int32) for _ in range(2)],
        [pltpu.VMEM((_DB, _CH), jnp.float32) for _ in range(2)],
        pltpu.SemaphoreType.DMA((2,)),
        pltpu.SemaphoreType.DMA((2,)),
    ],
    compiler_params=pltpu.CompilerParams(needs_layout_passes=False),
)
def _gather_t(pos_hbm, sint_hbm, cost_hbm, out_sin, out_cos,
              slab, pbufs, obufs, p_sem, w_sem):
    wid = lax.axis_index("s") * _NC + lax.axis_index("c")
    table = wid // (_NW // 2)
    dblk = (wid % (_NW // 2)) // _NSH
    shalf = wid % _NSH

    @pl.when(table == 0)
    def _():
        pltpu.sync_copy(sint_hbm.at[pl.ds(dblk * _DB, _DB)], slab)

    @pl.when(table == 1)
    def _():
        pltpu.sync_copy(cost_hbm.at[pl.ds(dblk * _DB, _DB)], slab)

    def start_pos(t):
        b, c = t // _NCHB, t % _NCHB
        src = pos_hbm.at[b, pl.ds(shalf * _SH + c * _CH, _CH)]
        return pltpu.async_copy(src, pbufs[t % 2], p_sem.at[t % 2])

    def _wb_dst(out, t):
        b, c = t // _NCHB, t % _NCHB
        return out.at[b, pl.ds(dblk * _DB, _DB),
                      pl.ds(shalf * _SH + c * _CH, _CH)]

    def start_wb(t):
        @pl.when(table == 0)
        def _():
            pltpu.async_copy(obufs[t % 2], _wb_dst(out_sin, t), w_sem.at[t % 2])

        @pl.when(table == 1)
        def _():
            pltpu.async_copy(obufs[t % 2], _wb_dst(out_cos, t), w_sem.at[t % 2])

        return pltpu.make_async_copy(obufs[t % 2], _wb_dst(out_sin, t),
                                     w_sem.at[t % 2])

    def fill(t):
        pb, ob = pbufs[t % 2], obufs[t % 2]
        rows = [jnp.full((_L,), d, jnp.int32) for d in range(_DB)]

        @plsc.parallel_loop(0, _CH, _L, unroll=4)
        def _(s):
            pvec = pb[pl.ds(s, _L)]
            for d in range(_DB):
                ob[d, pl.ds(s, _L)] = plsc.load_gather(slab, [rows[d], pvec])

    poss = {0: start_pos(0), 1: start_pos(1)}
    wbs = {}
    for t in range(_NTASK):
        poss[t].wait()
        if t >= 2:
            wbs[t - 2].wait()
        fill(t)
        wbs[t] = start_wb(t)
        if t + 2 < _NTASK:
            poss[t + 2] = start_pos(t + 2)
    for t in range(_NTASK - 2, _NTASK):
        wbs[t].wait()


def kernel(position, sin_values, cos_values):
    sin_t, cos_t = _gather_t(position, sin_values.T, cos_values.T)
    return (
        jnp.transpose(sin_t, (0, 2, 1)),
        jnp.transpose(cos_t, (0, 2, 1)),
    )

# --- scband reference (transcript-rebuilt; emitter-appended) ---
"""Pipeline reference for scband-anerotary-embedding-44255343018177 (READ-ONLY COPY).

The authoritative reference and input builder live on the scoring server;
editing this copy changes nothing except your own understanding.
"""

import jax, jax.numpy as jnp
import numpy as np

MAX_SEQ_LEN = 8192
EMBEDDING_DIMS = 128  # head_dim of rotary_embedding
HALF_DIM = EMBEDDING_DIMS // 2
MIN_TIMESCALE = 1.0
MAX_TIMESCALE = 10000.0


def setup_inputs(seed: int = 0) -> dict:
    key = jax.random.key(seed)
    # position indices [batch, seq_len]
    position = jax.random.randint(key, (4, 8192), 0, MAX_SEQ_LEN, dtype=jnp.int64 if jax.config.jax_enable_x64 else jnp.int32)
    # Precompute sin/cos buffers exactly as the module's __init__ does.
    positions = jnp.arange(MAX_SEQ_LEN, dtype=jnp.float32)[:, None]  # [max_seq_len, 1]
    fraction = 2.0 * jnp.arange(HALF_DIM, dtype=jnp.float32) / float(EMBEDDING_DIMS)
    timescale = MIN_TIMESCALE * (MAX_TIMESCALE / MIN_TIMESCALE) ** fraction  # [half_dim]
    sinusoid_inp = positions / timescale  # [max_seq_len, half_dim]
    sin_values = jnp.sin(sinusoid_inp)
    cos_values = jnp.cos(sinusoid_inp)
    return {"position": position, "sin_values": sin_values, "cos_values": cos_values}


def reference(position, sin_values, cos_values):
    # forward(position, permute_for_ane=False)
    sin = jnp.take(sin_values, position, axis=0)  # [batch, seq_len, half_dim]
    cos = jnp.take(cos_values, position, axis=0)  # [batch, seq_len, half_dim]
    return (sin, cos)

if __name__ == "__main__":
    import jax
    _d = setup_inputs()
    print(jax.jit(kernel)(*tuple(_d.values())))

</pallas_src>

<mosaic_0001>
#map = affine_map<(d0, d1) -> (0, 0)>
#map1 = affine_map<(d0, d1) -> (0, 0, 0)>
module attributes {stable_mosaic.version = 14 : i64} {
  func.func @_gather_t(%arg0: i32, %arg1: i32, %arg2: memref<4x8192xi32, #tpu.memory_space<hbm>>, %arg3: memref<64x8192xf32, #tpu.memory_space<hbm>>, %arg4: memref<64x8192xf32, #tpu.memory_space<hbm>>, %arg5: memref<4x64x8192xf32, #tpu.memory_space<hbm>>, %arg6: memref<4x64x8192xf32, #tpu.memory_space<hbm>>, %arg7: memref<8x8192xf32, #tpu.memory_space<vmem>>, %arg8: memref<2048xi32, #tpu.memory_space<vmem>>, %arg9: memref<2048xi32, #tpu.memory_space<vmem>>, %arg10: memref<8x2048xf32, #tpu.memory_space<vmem>>, %arg11: memref<8x2048xf32, #tpu.memory_space<vmem>>, %arg12: memref<2x!tpu.dma_semaphore, #tpu.memory_space<semaphore_mem>>, %arg13: memref<2x!tpu.dma_semaphore, #tpu.memory_space<semaphore_mem>>) attributes {dimension_semantics = [#tpu.dimension_semantics<core_parallel>, #tpu.dimension_semantics<subcore_parallel>], iteration_bounds = array<i64: 2, 16>, scalar_prefetch = 0 : i64, scratch_operands = 7 : i64, tpu.core_type = #tpu.core_type<sc_vector_subcore>, window_params = [{transform_indices = #map}, {transform_indices = #map}, {transform_indices = #map}, {transform_indices = #map1}, {transform_indices = #map1}]} {
    %mul3A = arith.constant 2 : i32
    %mul3A_0 = arith.muli %arg1, %mul3A : i32
    %add3A = arith.addi %mul3A_0, %arg0 : i32
    %jit3A = arith.constant 16 : i32
    %div3A = arith.divsi %add3A, %jit3A : i32
    %sign3A = arith.constant 0 : i32
    %sign3A_1 = arith.cmpi sgt, %add3A, %sign3A : i32
    %sign3A_2 = arith.extui %sign3A_1 : i1 to i32
    %sign3A_3 = arith.constant 0 : i32
    %sign3A_4 = arith.cmpi slt, %add3A, %sign3A_3 : i32
    %sign3A_5 = arith.extui %sign3A_4 : i1 to i32
    %sign3A_6 = arith.subi %sign3A_2, %sign3A_5 : i32
    %sign3A_7 = arith.constant 0 : i32
    %sign3A_8 = arith.cmpi sgt, %jit3A, %sign3A_7 : i32
    %sign3A_9 = arith.extui %sign3A_8 : i1 to i32
    %sign3A_10 = arith.constant 0 : i32
    %sign3A_11 = arith.cmpi slt, %jit3A, %sign3A_10 : i32
    %sign3A_12 = arith.extui %sign3A_11 : i1 to i32
    %sign3A_13 = arith.subi %sign3A_9, %sign3A_12 : i32
    %ne3A = arith.cmpi ne, %sign3A_6, %sign3A_13 : i32
    %rem3A = arith.remsi %add3A, %jit3A : i32
    %ne3A_14 = arith.constant 0 : i32
    %ne3A_15 = arith.cmpi ne, %rem3A, %ne3A_14 : i32
    %and3A = arith.andi %ne3A, %ne3A_15 : i1
    %sub3A = arith.constant 1 : i32
    %sub3A_16 = arith.subi %div3A, %sub3A : i32
    %select_n3A = arith.select %and3A, %sub3A_16, %div3A : i32
    %jit3A_17 = arith.constant 16 : i32
    %eq3A = arith.constant 0 : i32
    %eq3A_18 = arith.cmpi eq, %jit3A_17, %eq3A : i32
    %jit3A_19 = arith.constant 1 : i32
    %select_n3A_20 = arith.select %eq3A_18, %jit3A_19, %jit3A_17 : i32
    %rem3A_21 = arith.remsi %add3A, %select_n3A_20 : i32
    %ne3A_22 = arith.constant 0 : i32
    %ne3A_23 = arith.cmpi ne, %rem3A_21, %ne3A_22 : i32
    %lt3A = arith.constant 0 : i32
    %lt3A_24 = arith.cmpi slt, %rem3A_21, %lt3A : i32
    %lt3A_25 = arith.constant 0 : i32
    %lt3A_26 = arith.cmpi slt, %select_n3A_20, %lt3A_25 : i32
    %ne3A_27 = arith.xori %lt3A_24, %lt3A_26 : i1
    %and3A_28 = arith.andi %ne3A_27, %ne3A_23 : i1
    %add3A_29 = arith.addi %rem3A_21, %select_n3A_20 : i32
    %select_n3A_30 = arith.select %and3A_28, %add3A_29, %rem3A_21 : i32
    %jit3A_31 = arith.constant 2 : i32
    %div3A_32 = arith.divsi %select_n3A_30, %jit3A_31 : i32
    %sign3A_33 = arith.constant 0 : i32
    %sign3A_34 = arith.cmpi sgt, %select_n3A_30, %sign3A_33 : i32
    %sign3A_35 = arith.extui %sign3A_34 : i1 to i32
    %sign3A_36 = arith.constant 0 : i32
    %sign3A_37 = arith.cmpi slt, %select_n3A_30, %sign3A_36 : i32
    %sign3A_38 = arith.extui %sign3A_37 : i1 to i32
    %sign3A_39 = arith.subi %sign3A_35, %sign3A_38 : i32
    %sign3A_40 = arith.constant 0 : i32
    %sign3A_41 = arith.cmpi sgt, %jit3A_31, %sign3A_40 : i32
    %sign3A_42 = arith.extui %sign3A_41 : i1 to i32
    %sign3A_43 = arith.constant 0 : i32
    %sign3A_44 = arith.cmpi slt, %jit3A_31, %sign3A_43 : i32
    %sign3A_45 = arith.extui %sign3A_44 : i1 to i32
    %sign3A_46 = arith.subi %sign3A_42, %sign3A_45 : i32
    %ne3A_47 = arith.cmpi ne, %sign3A_39, %sign3A_46 : i32
    %rem3A_48 = arith.remsi %select_n3A_30, %jit3A_31 : i32
    %ne3A_49 = arith.constant 0 : i32
    %ne3A_50 = arith.cmpi ne, %rem3A_48, %ne3A_49 : i32
    %and3A_51 = arith.andi %ne3A_47, %ne3A_50 : i1
    %sub3A_52 = arith.constant 1 : i32
    %sub3A_53 = arith.subi %div3A_32, %sub3A_52 : i32
    %select_n3A_54 = arith.select %and3A_51, %sub3A_53, %div3A_32 : i32
    %jit3A_55 = arith.constant 2 : i32
    %eq3A_56 = arith.constant 0 : i32
    %eq3A_57 = arith.cmpi eq, %jit3A_55, %eq3A_56 : i32
    %jit3A_58 = arith.constant 1 : i32
    %select_n3A_59 = arith.select %eq3A_57, %jit3A_58, %jit3A_55 : i32
    %rem3A_60 = arith.remsi %add3A, %select_n3A_59 : i32
    %ne3A_61 = arith.constant 0 : i32
    %ne3A_62 = arith.cmpi ne, %rem3A_60, %ne3A_61 : i32
    %lt3A_63 = arith.constant 0 : i32
    %lt3A_64 = arith.cmpi slt, %rem3A_60, %lt3A_63 : i32
    %lt3A_65 = arith.constant 0 : i32
    %lt3A_66 = arith.cmpi slt, %select_n3A_59, %lt3A_65 : i32
    %ne3A_67 = arith.xori %lt3A_64, %lt3A_66 : i1
    %and3A_68 = arith.andi %ne3A_67, %ne3A_62 : i1
    %add3A_69 = arith.addi %rem3A_60, %select_n3A_59 : i32
    %select_n3A_70 = arith.select %and3A_68, %add3A_69, %rem3A_60 : i32
    %eq3A_71 = arith.constant 0 : i32
    %eq3A_72 = arith.cmpi eq, %select_n3A, %eq3A_71 : i32
    %convert_element_type3A = arith.extui %eq3A_72 : i1 to i32
    %cond3A = arith.constant 0 : i32
    %cond3A_73 = arith.cmpi ne, %convert_element_type3A, %cond3A : i32
    scf.if %cond3A_73 {
      %mul3A_579 = arith.constant 8 : i32
      %mul3A_580 = arith.muli %select_n3A_54, %mul3A_579 : i32
      "tpu.region"() ({
        %run_scoped3A = tpu.sem_alloc : memref<!tpu.dma_semaphore, #tpu.memory_space<semaphore_mem>>
        %dma_start3A_581 = arith.constant 0 : i32
        %dma_start3A_582 = tpu.memref_slice %arg3[%mul3A_580, %dma_start3A_581] : memref<64x8192xf32, #tpu.memory_space<hbm>> -> memref<8x8192xf32, #tpu.memory_space<hbm>>
        %dma_start3A_583 = arith.constant 0 : i32
        %dma_start3A_584 = tpu.memref_slice %arg3[%mul3A_580, %dma_start3A_583] : memref<64x8192xf32, #tpu.memory_space<hbm>> -> memref<8x8192xf32, #tpu.memory_space<hbm>>
        tpu.enqueue_dma source(%dma_start3A_584 : memref<8x8192xf32, #tpu.memory_space<hbm>>) target(%arg7 : memref<8x8192xf32, #tpu.memory_space<vmem>>) target_semaphore(%run_scoped3A : memref<!tpu.dma_semaphore, #tpu.memory_space<semaphore_mem>>)
        %dma_wait3A_585 = arith.constant 0 : i32
        %dma_wait3A_586 = tpu.memref_slice %arg3[%mul3A_580, %dma_wait3A_585] : memref<64x8192xf32, #tpu.memory_space<hbm>> -> memref<8x8192xf32, #tpu.memory_space<hbm>>
        %dma_wait3A_587 = arith.constant 0 : i32
        %dma_wait3A_588 = tpu.memref_slice %arg3[%mul3A_580, %dma_wait3A_587] : memref<64x8192xf32, #tpu.memory_space<hbm>> -> memref<8x8192xf32, #tpu.memory_space<hbm>>
        tpu.wait_dma2 semaphore(%run_scoped3A : memref<!tpu.dma_semaphore, #tpu.memory_space<semaphore_mem>>) src(%dma_wait3A_588 : memref<8x8192xf32, #tpu.memory_space<hbm>>) dst(%arg7 : memref<8x8192xf32, #tpu.memory_space<vmem>>)
        tpu.yield
      }) : () -> ()
    } else {
    }
    %eq3A_74 = arith.constant 1 : i32
    %eq3A_75 = arith.cmpi eq, %select_n3A, %eq3A_74 : i32
    %convert_element_type3A_76 = arith.extui %eq3A_75 : i1 to i32
    %cond3A_77 = arith.constant 0 : i32
    %cond3A_78 = arith.cmpi ne, %convert_element_type3A_76, %cond3A_77 : i32
    scf.if %cond3A_78 {
      %mul3A_579 = arith.constant 8 : i32
      %mul3A_580 = arith.muli %select_n3A_54, %mul3A_579 : i32
      "tpu.region"() ({
        %run_scoped3A = tpu.sem_alloc : memref<!tpu.dma_semaphore, #tpu.memory_space<semaphore_mem>>
        %dma_start3A_581 = arith.constant 0 : i32
        %dma_start3A_582 = tpu.memref_slice %arg4[%mul3A_580, %dma_start3A_581] : memref<64x8192xf32, #tpu.memory_space<hbm>> -> memref<8x8192xf32, #tpu.memory_space<hbm>>
        %dma_start3A_583 = arith.constant 0 : i32
        %dma_start3A_584 = tpu.memref_slice %arg4[%mul3A_580, %dma_start3A_583] : memref<64x8192xf32, #tpu.memory_space<hbm>> -> memref<8x8192xf32, #tpu.memory_space<hbm>>
        tpu.enqueue_dma source(%dma_start3A_584 : memref<8x8192xf32, #tpu.memory_space<hbm>>) target(%arg7 : memref<8x8192xf32, #tpu.memory_space<vmem>>) target_semaphore(%run_scoped3A : memref<!tpu.dma_semaphore, #tpu.memory_space<semaphore_mem>>)
        %dma_wait3A_585 = arith.constant 0 : i32
        %dma_wait3A_586 = tpu.memref_slice %arg4[%mul3A_580, %dma_wait3A_585] : memref<64x8192xf32, #tpu.memory_space<hbm>> -> memref<8x8192xf32, #tpu.memory_space<hbm>>
        %dma_wait3A_587 = arith.constant 0 : i32
        %dma_wait3A_588 = tpu.memref_slice %arg4[%mul3A_580, %dma_wait3A_587] : memref<64x8192xf32, #tpu.memory_space<hbm>> -> memref<8x8192xf32, #tpu.memory_space<hbm>>
        tpu.wait_dma2 semaphore(%run_scoped3A : memref<!tpu.dma_semaphore, #tpu.memory_space<semaphore_mem>>) src(%dma_wait3A_588 : memref<8x8192xf32, #tpu.memory_space<hbm>>) dst(%arg7 : memref<8x8192xf32, #tpu.memory_space<vmem>>)
        tpu.yield
      }) : () -> ()
    } else {
    }
    %mul3A_79 = arith.constant 4096 : i32
    %mul3A_80 = arith.muli %select_n3A_70, %mul3A_79 : i32
    %add3A_81 = arith.constant 0 : i32
    %add3A_82 = arith.addi %mul3A_80, %add3A_81 : i32
    %dma_start3A = arith.constant 0 : i32
    %dma_start3A_83 = arith.constant 0 : i32
    %dma_start3A_84 = tpu.memref_slice %arg2[%dma_start3A, %add3A_82] : memref<4x8192xi32, #tpu.memory_space<hbm>> -> memref<1x2048xi32, #tpu.memory_space<hbm>>
    %dma_start3A_85 = tpu.memref_squeeze %dma_start3A_84 : memref<1x2048xi32, #tpu.memory_space<hbm>> -> memref<2048xi32, #tpu.memory_space<hbm>>
    %dma_start3A_86 = tpu.memref_slice %arg12[%dma_start3A_83] : memref<2x!tpu.dma_semaphore, #tpu.memory_space<semaphore_mem>> -> memref<1x!tpu.dma_semaphore, #tpu.memory_space<semaphore_mem>>
    %dma_start3A_87 = tpu.memref_squeeze %dma_start3A_86 : memref<1x!tpu.dma_semaphore, #tpu.memory_space<semaphore_mem>> -> memref<!tpu.dma_semaphore, #tpu.memory_space<semaphore_mem>>
    %dma_start3A_88 = tpu.memref_slice %arg2[%dma_start3A, %add3A_82] : memref<4x8192xi32, #tpu.memory_space<hbm>> -> memref<1x2048xi32, #tpu.memory_space<hbm>>
    %dma_start3A_89 = tpu.memref_squeeze %dma_start3A_88 : memref<1x2048xi32, #tpu.memory_space<hbm>> -> memref<2048xi32, #tpu.memory_space<hbm>>
    tpu.enqueue_dma source(%dma_start3A_89 : memref<2048xi32, #tpu.memory_space<hbm>>) target(%arg8 : memref<2048xi32, #tpu.memory_space<vmem>>) target_semaphore(%dma_start3A_87 : memref<!tpu.dma_semaphore, #tpu.memory_space<semaphore_mem>>)
    %mul3A_90 = arith.constant 4096 : i32
    %mul3A_91 = arith.muli %select_n3A_70, %mul3A_90 : i32
    %add3A_92 = arith.constant 2048 : i32
    %add3A_93 = arith.addi %mul3A_91, %add3A_92 : i32
    %dma_start3A_94 = arith.constant 0 : i32
    %dma_start3A_95 = arith.constant 1 : i32
    %dma_start3A_96 = tpu.memref_slice %arg2[%dma_start3A_94, %add3A_93] : memref<4x8192xi32, #tpu.memory_space<hbm>> -> memref<1x2048xi32, #tpu.memory_space<hbm>>
    %dma_start3A_97 = tpu.memref_squeeze %dma_start3A_96 : memref<1x2048xi32, #tpu.memory_space<hbm>> -> memref<2048xi32, #tpu.memory_space<hbm>>
    %dma_start3A_98 = tpu.memref_slice %arg12[%dma_start3A_95] : memref<2x!tpu.dma_semaphore, #tpu.memory_space<semaphore_mem>> -> memref<1x!tpu.dma_semaphore, #tpu.memory_space<semaphore_mem>>
    %dma_start3A_99 = tpu.memref_squeeze %dma_start3A_98 : memref<1x!tpu.dma_semaphore, #tpu.memory_space<semaphore_mem>> -> memref<!tpu.dma_semaphore, #tpu.memory_space<semaphore_mem>>
    %dma_start3A_100 = tpu.memref_slice %arg2[%dma_start3A_94, %add3A_93] : memref<4x8192xi32, #tpu.memory_space<hbm>> -> memref<1x2048xi32, #tpu.memory_space<hbm>>
    %dma_start3A_101 = tpu.memref_squeeze %dma_start3A_100 : memref<1x2048xi32, #tpu.memory_space<hbm>> -> memref<2048xi32, #tpu.memory_space<hbm>>
    tpu.enqueue_dma source(%dma_start3A_101 : memref<2048xi32, #tpu.memory_space<hbm>>) target(%arg9 : memref<2048xi32, #tpu.memory_space<vmem>>) target_semaphore(%dma_start3A_99 : memref<!tpu.dma_semaphore, #tpu.memory_space<semaphore_mem>>)
    %dma_wait3A = arith.constant 0 : i32
    %dma_wait3A_102 = arith.constant 0 : i32
    %dma_wait3A_103 = tpu.memref_slice %arg2[%dma_wait3A, %add3A_82] : memref<4x8192xi32, #tpu.memory_space<hbm>> -> memref<1x2048xi32, #tpu.memory_space<hbm>>
    %dma_wait3A_104 = tpu.memref_squeeze %dma_wait3A_103 : memref<1x2048xi32, #tpu.memory_space<hbm>> -> memref<2048xi32, #tpu.memory_space<hbm>>
    %dma_wait3A_105 = tpu.memref_slice %arg12[%dma_wait3A_102] : memref<2x!tpu.dma_semaphore, #tpu.memory_space<semaphore_mem>> -> memref<1x!tpu.dma_semaphore, #tpu.memory_space<semaphore_mem>>
    %dma_wait3A_106 = tpu.memref_squeeze %dma_wait3A_105 : memref<1x!tpu.dma_semaphore, #tpu.memory_space<semaphore_mem>> -> memref<!tpu.dma_semaphore, #tpu.memory_space<semaphore_mem>>
    %dma_wait3A_107 = tpu.memref_slice %arg2[%dma_wait3A, %add3A_82] : memref<4x8192xi32, #tpu.memory_space<hbm>> -> memref<1x2048xi32, #tpu.memory_space<hbm>>
    %dma_wait3A_108 = tpu.memref_squeeze %dma_wait3A_107 : memref<1x2048xi32, #tpu.memory_space<hbm>> -> memref<2048xi32, #tpu.memory_space<hbm>>
    tpu.wait_dma2 semaphore(%dma_wait3A_106 : memref<!tpu.dma_semaphore, #tpu.memory_space<semaphore_mem>>) src(%dma_wait3A_108 : memref<2048xi32, #tpu.memory_space<hbm>>) dst(%arg8 : memref<2048xi32, #tpu.memory_space<vmem>>)
    %broadcast_in_dim3A = arith.constant 0 : i32
    %broadcast_in_dim3A_109 = vector.broadcast %broadcast_in_dim3A : i32 to vector<16xi32>
    %broadcast_in_dim3A_110 = arith.constant 1 : i32
    %broadcast_in_dim3A_111 = vector.broadcast %broadcast_in_dim3A_110 : i32 to vector<16xi32>
    %broadcast_in_dim3A_112 = arith.constant 2 : i32
    %broadcast_in_dim3A_113 = vector.broadcast %broadcast_in_dim3A_112 : i32 to vector<16xi32>
    %broadcast_in_dim3A_114 = arith.constant 3 : i32
    %broadcast_in_dim3A_115 = vector.broadcast %broadcast_in_dim3A_114 : i32 to vector<16xi32>
    %broadcast_in_dim3A_116 = arith.constant 4 : i32
    %broadcast_in_dim3A_117 = vector.broadcast %broadcast_in_dim3A_116 : i32 to vector<16xi32>
    %broadcast_in_dim3A_118 = arith.constant 5 : i32
    %broadcast_in_dim3A_119 = vector.broadcast %broadcast_in_dim3A_118 : i32 to vector<16xi32>
    %broadcast_in_dim3A_120 = arith.constant 6 : i32
    %broadcast_in_dim3A_121 = vector.broadcast %broadcast_in_dim3A_120 : i32 to vector<16xi32>
    %broadcast_in_dim3A_122 = arith.constant 7 : i32
    %broadcast_in_dim3A_123 = vector.broadcast %broadcast_in_dim3A_122 : i32 to vector<16xi32>
    %parallel_loop3A = arith.constant 0 : i32
    %parallel_loop3A_124 = arith.constant 2048 : i32
    %parallel_loop3A_125 = arith.constant 16 : i32
    scf.for %parallel_loop3A_579 = %parallel_loop3A to %parallel_loop3A_124 step %parallel_loop3A_125  : i32 {
      %parallel_loop3A_580 = arith.index_cast %parallel_loop3A_579 : i32 to index
      %parallel_loop3A_581 = tpu.vector_load %arg8[%parallel_loop3A_580] {strides = array<i32>} : memref<2048xi32, #tpu.memory_space<vmem>>, vector<16xi32>,
      %parallel_loop3A_582 = tpu.vector_load_idx %arg7[%broadcast_in_dim3A_109, %parallel_loop3A_581] : memref<8x8192xf32, #tpu.memory_space<vmem>>[vector<16xi32>, vector<16xi32>], vector<16xf32>,
      %parallel_loop3A_583 = arith.constant 0 : i32
      %parallel_loop3A_584 = arith.index_cast %parallel_loop3A_583 : i32 to index
      %parallel_loop3A_585 = arith.index_cast %parallel_loop3A_579 : i32 to index
      %parallel_loop3A_586 = tpu.vector_load %arg10[%parallel_loop3A_584, %parallel_loop3A_585] {strides = array<i32>} : memref<8x2048xf32, #tpu.memory_space<vmem>>, vector<16xf32>,
      tpu.vector_store %arg10[%parallel_loop3A_584, %parallel_loop3A_585], %parallel_loop3A_582 {strides = array<i32>} : memref<8x2048xf32, #tpu.memory_space<vmem>>, vector<16xf32>,
      %parallel_loop3A_587 = tpu.vector_load_idx %arg7[%broadcast_in_dim3A_111, %parallel_loop3A_581] : memref<8x8192xf32, #tpu.memory_space<vmem>>[vector<16xi32>, vector<16xi32>], vector<16xf32>,
      %parallel_loop3A_588 = arith.constant 1 : i32
      %parallel_loop3A_589 = arith.index_cast %parallel_loop3A_588 : i32 to index
      %parallel_loop3A_590 = arith.index_cast %parallel_loop3A_579 : i32 to index
      %parallel_loop3A_591 = tpu.vector_load %arg10[%parallel_loop3A_589, %parallel_loop3A_590] {strides = array<i32>} : memref<8x2048xf32, #tpu.memory_space<vmem>>, vector<16xf32>,
      tpu.vector_store %arg10[%parallel_loop3A_589, %parallel_loop3A_590], %parallel_loop3A_587 {strides = array<i32>} : memref<8x2048xf32, #tpu.memory_space<vmem>>, vector<16xf32>,
      %parallel_loop3A_592 = tpu.vector_load_idx %arg7[%broadcast_in_dim3A_113, %parallel_loop3A_581] : memref<8x8192xf32, #tpu.memory_space<vmem>>[vector<16xi32>, vector<16xi32>], vector<16xf32>,
      %parallel_loop3A_593 = arith.constant 2 : i32
      %parallel_loop3A_594 = arith.index_cast %parallel_loop3A_593 : i32 to index
      %parallel_loop3A_595 = arith.index_cast %parallel_loop3A_579 : i32 to index
      %parallel_loop3A_596 = tpu.vector_load %arg10[%parallel_loop3A_594, %parallel_loop3A_595] {strides = array<i32>} : memref<8x2048xf32, #tpu.memory_space<vmem>>, vector<16xf32>,
      tpu.vector_store %arg10[%parallel_loop3A_594, %parallel_loop3A_595], %parallel_loop3A_592 {strides = array<i32>} : memref<8x2048xf32, #tpu.memory_space<vmem>>, vector<16xf32>,
      %parallel_loop3A_597 = tpu.vector_load_idx %arg7[%broadcast_in_dim3A_115, %parallel_loop3A_581] : memref<8x8192xf32, #tpu.memory_space<vmem>>[vector<16xi32>, vector<16xi32>], vector<16xf32>,
      %parallel_loop3A_598 = arith.constant 3 : i32
      %parallel_loop3A_599 = arith.index_cast %parallel_loop3A_598 : i32 to index
      %parallel_loop3A_600 = arith.index_cast %parallel_loop3A_579 : i32 to index
      %parallel_loop3A_601 = tpu.vector_load %arg10[%parallel_loop3A_599, %parallel_loop3A_600] {strides = array<i32>} : memref<8x2048xf32, #tpu.memory_space<vmem>>, vector<16xf32>,
      tpu.vector_store %arg10[%parallel_loop3A_599, %parallel_loop3A_600], %parallel_loop3A_597 {strides = array<i32>} : memref<8x2048xf32, #tpu.memory_space<vmem>>, vector<16xf32>,
      %parallel_loop3A_602 = tpu.vector_load_idx %arg7[%broadcast_in_dim3A_117, %parallel_loop3A_581] : memref<8x8192xf32, #tpu.memory_space<vmem>>[vector<16xi32>, vector<16xi32>], vector<16xf32>,
      %parallel_loop3A_603 = arith.constant 4 : i32
      %parallel_loop3A_604 = arith.index_cast %parallel_loop3A_603 : i32 to index
      %parallel_loop3A_605 = arith.index_cast %parallel_loop3A_579 : i32 to index
      %parallel_loop3A_606 = tpu.vector_load %arg10[%parallel_loop3A_604, %parallel_loop3A_605] {strides = array<i32>} : memref<8x2048xf32, #tpu.memory_space<vmem>>, vector<16xf32>,
      tpu.vector_store %arg10[%parallel_loop3A_604, %parallel_loop3A_605], %parallel_loop3A_602 {strides = array<i32>} : memref<8x2048xf32, #tpu.memory_space<vmem>>, vector<16xf32>,
      %parallel_loop3A_607 = tpu.vector_load_idx %arg7[%broadcast_in_dim3A_119, %parallel_loop3A_581] : memref<8x8192xf32, #tpu.memory_space<vmem>>[vector<16xi32>, vector<16xi32>], vector<16xf32>,
      %parallel_loop3A_608 = arith.constant 5 : i32
      %parallel_loop3A_609 = arith.index_cast %parallel_loop3A_608 : i32 to index
      %parallel_loop3A_610 = arith.index_cast %parallel_loop3A_579 : i32 to index
      %parallel_loop3A_611 = tpu.vector_load %arg10[%parallel_loop3A_609, %parallel_loop3A_610] {strides = array<i32>} : memref<8x2048xf32, #tpu.memory_space<vmem>>, vector<16xf32>,
      tpu.vector_store %arg10[%parallel_loop3A_609, %parallel_loop3A_610], %parallel_loop3A_607 {strides = array<i32>} : memref<8x2048xf32, #tpu.memory_space<vmem>>, vector<16xf32>,
      %parallel_loop3A_612 = tpu.vector_load_idx %arg7[%broadcast_in_dim3A_121, %parallel_loop3A_581] : memref<8x8192xf32, #tpu.memory_space<vmem>>[vector<16xi32>, vector<16xi32>], vector<16xf32>,
      %parallel_loop3A_613 = arith.constant 6 : i32
      %parallel_loop3A_614 = arith.index_cast %parallel_loop3A_613 : i32 to index
      %parallel_loop3A_615 = arith.index_cast %parallel_loop3A_579 : i32 to index
      %parallel_loop3A_616 = tpu.vector_load %arg10[%parallel_loop3A_614, %parallel_loop3A_615] {strides = array<i32>} : memref<8x2048xf32, #tpu.memory_space<vmem>>, vector<16xf32>,
      tpu.vector_store %arg10[%parallel_loop3A_614, %parallel_loop3A_615], %parallel_loop3A_612 {strides = array<i32>} : memref<8x2048xf32, #tpu.memory_space<vmem>>, vector<16xf32>,
      %parallel_loop3A_617 = tpu.vector_load_idx %arg7[%broadcast_in_dim3A_123, %parallel_loop3A_581] : memref<8x8192xf32, #tpu.memory_space<vmem>>[vector<16xi32>, vector<16xi32>], vector<16xf32>,
      %parallel_loop3A_618 = arith.constant 7 : i32
      %parallel_loop3A_619 = arith.index_cast %parallel_loop3A_618 : i32 to index
      %parallel_loop3A_620 = arith.index_cast %parallel_loop3A_579 : i32 to index
      %parallel_loop3A_621 = tpu.vector_load %arg10[%parallel_loop3A_619, %parallel_loop3A_620] {strides = array<i32>} : memref<8x2048xf32, #tpu.memory_space<vmem>>, vector<16xf32>,
      tpu.vector_store %arg10[%parallel_loop3A_619, %parallel_loop3A_620], %parallel_loop3A_617 {strides = array<i32>} : memref<8x2048xf32, #tpu.memory_space<vmem>>, vector<16xf32>,
    } {sc.loop_unroll_factor = 4 : i64, sc.parallel_access}
    %eq3A_126 = arith.constant 0 : i32
    %eq3A_127 = arith.cmpi eq, %select_n3A, %eq3A_126 : i32
    %convert_element_type3A_128 = arith.extui %eq3A_127 : i1 to i32
    %cond3A_129 = arith.constant 0 : i32
    %cond3A_130 = arith.cmpi ne, %convert_element_type3A_128, %cond3A_129 : i32
    scf.if %cond3A_130 {
      %mul3A_579 = arith.constant 8 : i32
      %mul3A_580 = arith.muli %select_n3A_54, %mul3A_579 : i32
      %mul3A_581 = arith.constant 4096 : i32
      %mul3A_582 = arith.muli %select_n3A_70, %mul3A_581 : i32
      %add3A_583 = arith.constant 0 : i32
      %add3A_584 = arith.addi %mul3A_582, %add3A_583 : i32
      %dma_start3A_585 = arith.constant 0 : i32
      %dma_start3A_586 = arith.constant 0 : i32
      %dma_start3A_587 = tpu.memref_slice %arg5[%dma_start3A_585, %mul3A_580, %add3A_584] : memref<4x64x8192xf32, #tpu.memory_space<hbm>> -> memref<1x8x2048xf32, #tpu.memory_space<hbm>>
      %dma_start3A_588 = tpu.memref_squeeze %dma_start3A_587 : memref<1x8x2048xf32, #tpu.memory_space<hbm>> -> memref<8x2048xf32, #tpu.memory_space<hbm>>
      %dma_start3A_589 = tpu.memref_slice %arg13[%dma_start3A_586] : memref<2x!tpu.dma_semaphore, #tpu.memory_space<semaphore_mem>> -> memref<1x!tpu.dma_semaphore, #tpu.memory_space<semaphore_mem>>
      %dma_start3A_590 = tpu.memref_squeeze %dma_start3A_589 : memref<1x!tpu.dma_semaphore, #tpu.memory_space<semaphore_mem>> -> memref<!tpu.dma_semaphore, #tpu.memory_space<semaphore_mem>>
      %dma_start3A_591 = tpu.memref_slice %arg5[%dma_start3A_585, %mul3A_580, %add3A_584] : memref<4x64x8192xf32, #tpu.memory_space<hbm>> -> memref<1x8x2048xf32, #tpu.memory_space<hbm>>
      %dma_start3A_592 = tpu.memref_squeeze %dma_start3A_591 : memref<1x8x2048xf32, #tpu.memory_space<hbm>> -> memref<8x2048xf32, #tpu.memory_space<hbm>>
      tpu.enqueue_dma source(%arg10 : memref<8x2048xf32, #tpu.memory_space<vmem>>) target(%dma_start3A_592 : memref<8x2048xf32, #tpu.memory_space<hbm>>) target_semaphore(%dma_start3A_590 : memref<!tpu.dma_semaphore, #tpu.memory_space<semaphore_mem>>)
    } else {
    }
    %eq3A_131 = arith.constant 1 : i32
    %eq3A_132 = arith.cmpi eq, %select_n3A, %eq3A_131 : i32
    %convert_element_type3A_133 = arith.extui %eq3A_132 : i1 to i32
    %cond3A_134 = arith.constant 0 : i32
    %cond3A_135 = arith.cmpi ne, %convert_element_type3A_133, %cond3A_134 : i32
    scf.if %cond3A_135 {
      %mul3A_579 = arith.constant 8 : i32
      %mul3A_580 = arith.muli %select_n3A_54, %mul3A_579 : i32
      %mul3A_581 = arith.constant 4096 : i32
      %mul3A_582 = arith.muli %select_n3A_70, %mul3A_581 : i32
      %add3A_583 = arith.constant 0 : i32
      %add3A_584 = arith.addi %mul3A_582, %add3A_583 : i32
      %dma_start3A_585 = arith.constant 0 : i32
      %dma_start3A_586 = arith.constant 0 : i32
      %dma_start3A_587 = tpu.memref_slice %arg6[%dma_start3A_585, %mul3A_580, %add3A_584] : memref<4x64x8192xf32, #tpu.memory_space<hbm>> -> memref<1x8x2048xf32, #tpu.memory_space<hbm>>
      %dma_start3A_588 = tpu.memref_squeeze %dma_start3A_587 : memref<1x8x2048xf32, #tpu.memory_space<hbm>> -> memref<8x2048xf32, #tpu.memory_space<hbm>>
      %dma_start3A_589 = tpu.memref_slice %arg13[%dma_start3A_586] : memref<2x!tpu.dma_semaphore, #tpu.memory_space<semaphore_mem>> -> memref<1x!tpu.dma_semaphore, #tpu.memory_space<semaphore_mem>>
      %dma_start3A_590 = tpu.memref_squeeze %dma_start3A_589 : memref<1x!tpu.dma_semaphore, #tpu.memory_space<semaphore_mem>> -> memref<!tpu.dma_semaphore, #tpu.memory_space<semaphore_mem>>
      %dma_start3A_591 = tpu.memref_slice %arg6[%dma_start3A_585, %mul3A_580, %add3A_584] : memref<4x64x8192xf32, #tpu.memory_space<hbm>> -> memref<1x8x2048xf32, #tpu.memory_space<hbm>>
      %dma_start3A_592 = tpu.memref_squeeze %dma_start3A_591 : memref<1x8x2048xf32, #tpu.memory_space<hbm>> -> memref<8x2048xf32, #tpu.memory_space<hbm>>
      tpu.enqueue_dma source(%arg10 : memref<8x2048xf32, #tpu.memory_space<vmem>>) target(%dma_start3A_592 : memref<8x2048xf32, #tpu.memory_space<hbm>>) target_semaphore(%dma_start3A_590 : memref<!tpu.dma_semaphore, #tpu.memory_space<semaphore_mem>>)
    } else {
    }
    %mul3A_136 = arith.constant 8 : i32
    %mul3A_137 = arith.muli %select_n3A_54, %mul3A_136 : i32
    %mul3A_138 = arith.constant 4096 : i32
    %mul3A_139 = arith.muli %select_n3A_70, %mul3A_138 : i32
    %add3A_140 = arith.constant 0 : i32
    %add3A_141 = arith.addi %mul3A_139, %add3A_140 : i32
    %mul3A_142 = arith.constant 4096 : i32
    %mul3A_143 = arith.muli %select_n3A_70, %mul3A_142 : i32
    %add3A_144 = arith.constant 0 : i32
    %add3A_145 = arith.addi %mul3A_143, %add3A_144 : i32
    %dma_start3A_146 = arith.constant 1 : i32
    %dma_start3A_147 = arith.constant 0 : i32
    %dma_start3A_148 = tpu.memref_slice %arg2[%dma_start3A_146, %add3A_145] : memref<4x8192xi32, #tpu.memory_space<hbm>> -> memref<1x2048xi32, #tpu.memory_space<hbm>>
    %dma_start3A_149 = tpu.memref_squeeze %dma_start3A_148 : memref<1x2048xi32, #tpu.memory_space<hbm>> -> memref<2048xi32, #tpu.memory_space<hbm>>
    %dma_start3A_150 = tpu.memref_slice %arg12[%dma_start3A_147] : memref<2x!tpu.dma_semaphore, #tpu.memory_space<semaphore_mem>> -> memref<1x!tpu.dma_semaphore, #tpu.memory_space<semaphore_mem>>
    %dma_start3A_151 = tpu.memref_squeeze %dma_start3A_150 : memref<1x!tpu.dma_semaphore, #tpu.memory_space<semaphore_mem>> -> memref<!tpu.dma_semaphore, #tpu.memory_space<semaphore_mem>>
    %dma_start3A_152 = tpu.memref_slice %arg2[%dma_start3A_146, %add3A_145] : memref<4x8192xi32, #tpu.memory_space<hbm>> -> memref<1x2048xi32, #tpu.memory_space<hbm>>
    %dma_start3A_153 = tpu.memref_squeeze %dma_start3A_152 : memref<1x2048xi32, #tpu.memory_space<hbm>> -> memref<2048xi32, #tpu.memory_space<hbm>>
    tpu.enqueue_dma source(%dma_start3A_153 : memref<2048xi32, #tpu.memory_space<hbm>>) target(%arg8 : memref<2048xi32, #tpu.memory_space<vmem>>) target_semaphore(%dma_start3A_151 : memref<!tpu.dma_semaphore, #tpu.memory_space<semaphore_mem>>)
    %dma_wait3A_154 = arith.constant 0 : i32
    %dma_wait3A_155 = arith.constant 1 : i32
    %dma_wait3A_156 = tpu.memref_slice %arg2[%dma_wait3A_154, %add3A_93] : memref<4x8192xi32, #tpu.memory_space<hbm>> -> memref<1x2048xi32, #tpu.memory_space<hbm>>
    %dma_wait3A_157 = tpu.memref_squeeze %dma_wait3A_156 : memref<1x2048xi32, #tpu.memory_space<hbm>> -> memref<2048xi32, #tpu.memory_space<hbm>>
    %dma_wait3A_158 = tpu.memref_slice %arg12[%dma_wait3A_155] : memref<2x!tpu.dma_semaphore, #tpu.memory_space<semaphore_mem>> -> memref<1x!tpu.dma_semaphore, #tpu.memory_space<semaphore_mem>>
    %dma_wait3A_159 = tpu.memref_squeeze %dma_wait3A_158 : memref<1x!tpu.dma_semaphore, #tpu.memory_space<semaphore_mem>> -> memref<!tpu.dma_semaphore, #tpu.memory_space<semaphore_mem>>
    %dma_wait3A_160 = tpu.memref_slice %arg2[%dma_wait3A_154, %add3A_93] : memref<4x8192xi32, #tpu.memory_space<hbm>> -> memref<1x2048xi32, #tpu.memory_space<hbm>>
    %dma_wait3A_161 = tpu.memref_squeeze %dma_wait3A_160 : memref<1x2048xi32, #tpu.memory_space<hbm>> -> memref<2048xi32, #tpu.memory_space<hbm>>
    tpu.wait_dma2 semaphore(%dma_wait3A_159 : memref<!tpu.dma_semaphore, #tpu.memory_space<semaphore_mem>>) src(%dma_wait3A_161 : memref<2048xi32, #tpu.memory_space<hbm>>) dst(%arg9 : memref<2048xi32, #tpu.memory_space<vmem>>)
    %broadcast_in_dim3A_162 = arith.constant 0 : i32
    %broadcast_in_dim3A_163 = vector.broadcast %broadcast_in_dim3A_162 : i32 to vector<16xi32>
    %broadcast_in_dim3A_164 = arith.constant 1 : i32
    %broadcast_in_dim3A_165 = vector.broadcast %broadcast_in_dim3A_164 : i32 to vector<16xi32>
    %broadcast_in_dim3A_166 = arith.constant 2 : i32
    %broadcast_in_dim3A_167 = vector.broadcast %broadcast_in_dim3A_166 : i32 to vector<16xi32>
    %broadcast_in_dim3A_168 = arith.constant 3 : i32
    %broadcast_in_dim3A_169 = vector.broadcast %broadcast_in_dim3A_168 : i32 to vector<16xi32>
    %broadcast_in_dim3A_170 = arith.constant 4 : i32
    %broadcast_in_dim3A_171 = vector.broadcast %broadcast_in_dim3A_170 : i32 to vector<16xi32>
    %broadcast_in_dim3A_172 = arith.constant 5 : i32
    %broadcast_in_dim3A_173 = vector.broadcast %broadcast_in_dim3A_172 : i32 to vector<16xi32>
    %broadcast_in_dim3A_174 = arith.constant 6 : i32
    %broadcast_in_dim3A_175 = vector.broadcast %broadcast_in_dim3A_174 : i32 to vector<16xi32>
    %broadcast_in_dim3A_176 = arith.constant 7 : i32
    %broadcast_in_dim3A_177 = vector.broadcast %broadcast_in_dim3A_176 : i32 to vector<16xi32>
    %parallel_loop3A_178 = arith.constant 0 : i32
    %parallel_loop3A_179 = arith.constant 2048 : i32
    %parallel_loop3A_180 = arith.constant 16 : i32
    scf.for %parallel_loop3A_579 = %parallel_loop3A_178 to %parallel_loop3A_179 step %parallel_loop3A_180  : i32 {
      %parallel_loop3A_580 = arith.index_cast %parallel_loop3A_579 : i32 to index
      %parallel_loop3A_581 = tpu.vector_load %arg9[%parallel_loop3A_580] {strides = array<i32>} : memref<2048xi32, #tpu.memory_space<vmem>>, vector<16xi32>,
      %parallel_loop3A_582 = tpu.vector_load_idx %arg7[%broadcast_in_dim3A_163, %parallel_loop3A_581] : memref<8x8192xf32, #tpu.memory_space<vmem>>[vector<16xi32>, vector<16xi32>], vector<16xf32>,
      %parallel_loop3A_583 = arith.constant 0 : i32
      %parallel_loop3A_584 = arith.index_cast %parallel_loop3A_583 : i32 to index
      %parallel_loop3A_585 = arith.index_cast %parallel_loop3A_579 : i32 to index
      %parallel_loop3A_586 = tpu.vector_load %arg11[%parallel_loop3A_584, %parallel_loop3A_585] {strides = array<i32>} : memref<8x2048xf32, #tpu.memory_space<vmem>>, vector<16xf32>,
      tpu.vector_store %arg11[%parallel_loop3A_584, %parallel_loop3A_585], %parallel_loop3A_582 {strides = array<i32>} : memref<8x2048xf32, #tpu.memory_space<vmem>>, vector<16xf32>,
      %parallel_loop3A_587 = tpu.vector_load_idx %arg7[%broadcast_in_dim3A_165, %parallel_loop3A_581] : memref<8x8192xf32, #tpu.memory_space<vmem>>[vector<16xi32>, vector<16xi32>], vector<16xf32>,
      %parallel_loop3A_588 = arith.constant 1 : i32
      %parallel_loop3A_589 = arith.index_cast %parallel_loop3A_588 : i32 to index
      %parallel_loop3A_590 = arith.index_cast %parallel_loop3A_579 : i32 to index
      %parallel_loop3A_591 = tpu.vector_load %arg11[%parallel_loop3A_589, %parallel_loop3A_590] {strides = array<i32>} : memref<8x2048xf32, #tpu.memory_space<vmem>>, vector<16xf32>,
      tpu.vector_store %arg11[%parallel_loop3A_589, %parallel_loop3A_590], %parallel_loop3A_587 {strides = array<i32>} : memref<8x2048xf32, #tpu.memory_space<vmem>>, vector<16xf32>,
      %parallel_loop3A_592 = tpu.vector_load_idx %arg7[%broadcast_in_dim3A_167, %parallel_loop3A_581] : memref<8x8192xf32, #tpu.memory_space<vmem>>[vector<16xi32>, vector<16xi32>], vector<16xf32>,
      %parallel_loop3A_593 = arith.constant 2 : i32
      %parallel_loop3A_594 = arith.index_cast %parallel_loop3A_593 : i32 to index
      %parallel_loop3A_595 = arith.index_cast %parallel_loop3A_579 : i32 to index
      %parallel_loop3A_596 = tpu.vector_load %arg11[%parallel_loop3A_594, %parallel_loop3A_595] {strides = array<i32>} : memref<8x2048xf32, #tpu.memory_space<vmem>>, vector<16xf32>,
      tpu.vector_store %arg11[%parallel_loop3A_594, %parallel_loop3A_595], %parallel_loop3A_592 {strides = array<i32>} : memref<8x2048xf32, #tpu.memory_space<vmem>>, vector<16xf32>,
      %parallel_loop3A_597 = tpu.vector_load_idx %arg7[%broadcast_in_dim3A_169, %parallel_loop3A_581] : memref<8x8192xf32, #tpu.memory_space<vmem>>[vector<16xi32>, vector<16xi32>], vector<16xf32>,
      %parallel_loop3A_598 = arith.constant 3 : i32
      %parallel_loop3A_599 = arith.index_cast %parallel_loop3A_598 : i32 to index
      %parallel_loop3A_600 = arith.index_cast %parallel_loop3A_579 : i32 to index
      %parallel_loop3A_601 = tpu.vector_load %arg11[%parallel_loop3A_599, %parallel_loop3A_600] {strides = array<i32>} : memref<8x2048xf32, #tpu.memory_space<vmem>>, vector<16xf32>,
      tpu.vector_store %arg11[%parallel_loop3A_599, %parallel_loop3A_600], %parallel_loop3A_597 {strides = array<i32>} : memref<8x2048xf32, #tpu.memory_space<vmem>>, vector<16xf32>,
      %parallel_loop3A_602 = tpu.vector_load_idx %arg7[%broadcast_in_dim3A_171, %parallel_loop3A_581] : memref<8x8192xf32, #tpu.memory_space<vmem>>[vector<16xi32>, vector<16xi32>], vector<16xf32>,
      %parallel_loop3A_603 = arith.constant 4 : i32
      %parallel_loop3A_604 = arith.index_cast %parallel_loop3A_603 : i32 to index
      %parallel_loop3A_605 = arith.index_cast %parallel_loop3A_579 : i32 to index
      %parallel_loop3A_606 = tpu.vector_load %arg11[%parallel_loop3A_604, %parallel_loop3A_605] {strides = array<i32>} : memref<8x2048xf32, #tpu.memory_space<vmem>>, vector<16xf32>,
      tpu.vector_store %arg11[%parallel_loop3A_604, %parallel_loop3A_605], %parallel_loop3A_602 {strides = array<i32>} : memref<8x2048xf32, #tpu.memory_space<vmem>>, vector<16xf32>,
      %parallel_loop3A_607 = tpu.vector_load_idx %arg7[%broadcast_in_dim3A_173, %parallel_loop3A_581] : memref<8x8192xf32, #tpu.memory_space<vmem>>[vector<16xi32>, vector<16xi32>], vector<16xf32>,
      %parallel_loop3A_608 = arith.constant 5 : i32
      %parallel_loop3A_609 = arith.index_cast %parallel_loop3A_608 : i32 to index
      %parallel_loop3A_610 = arith.index_cast %parallel_loop3A_579 : i32 to index
      %parallel_loop3A_611 = tpu.vector_load %arg11[%parallel_loop3A_609, %parallel_loop3A_610] {strides = array<i32>} : memref<8x2048xf32, #tpu.memory_space<vmem>>, vector<16xf32>,
      tpu.vector_store %arg11[%parallel_loop3A_609, %parallel_loop3A_610], %parallel_loop3A_607 {strides = array<i32>} : memref<8x2048xf32, #tpu.memory_space<vmem>>, vector<16xf32>,
      %parallel_loop3A_612 = tpu.vector_load_idx %arg7[%broadcast_in_dim3A_175, %parallel_loop3A_581] : memref<8x8192xf32, #tpu.memory_space<vmem>>[vector<16xi32>, vector<16xi32>], vector<16xf32>,
      %parallel_loop3A_613 = arith.constant 6 : i32
      %parallel_loop3A_614 = arith.index_cast %parallel_loop3A_613 : i32 to index
      %parallel_loop3A_615 = arith.index_cast %parallel_loop3A_579 : i32 to index
      %parallel_loop3A_616 = tpu.vector_load %arg11[%parallel_loop3A_614, %parallel_loop3A_615] {strides = array<i32>} : memref<8x2048xf32, #tpu.memory_space<vmem>>, vector<16xf32>,
      tpu.vector_store %arg11[%parallel_loop3A_614, %parallel_loop3A_615], %parallel_loop3A_612 {strides = array<i32>} : memref<8x2048xf32, #tpu.memory_space<vmem>>, vector<16xf32>,
      %parallel_loop3A_617 = tpu.vector_load_idx %arg7[%broadcast_in_dim3A_177, %parallel_loop3A_581] : memref<8x8192xf32, #tpu.memory_space<vmem>>[vector<16xi32>, vector<16xi32>], vector<16xf32>,
      %parallel_loop3A_618 = arith.constant 7 : i32
      %parallel_loop3A_619 = arith.index_cast %parallel_loop3A_618 : i32 to index
      %parallel_loop3A_620 = arith.index_cast %parallel_loop3A_579 : i32 to index
      %parallel_loop3A_621 = tpu.vector_load %arg11[%parallel_loop3A_619, %parallel_loop3A_620] {strides = array<i32>} : memref<8x2048xf32, #tpu.memory_space<vmem>>, vector<16xf32>,
      tpu.vector_store %arg11[%parallel_loop3A_619, %parallel_loop3A_620], %parallel_loop3A_617 {strides = array<i32>} : memref<8x2048xf32, #tpu.memory_space<vmem>>, vector<16xf32>,
    } {sc.loop_unroll_factor = 4 : i64, sc.parallel_access}
    %eq3A_181 = arith.constant 0 : i32
    %eq3A_182 = arith.cmpi eq, %select_n3A, %eq3A_181 : i32
    %convert_element_type3A_183 = arith.extui %eq3A_182 : i1 to i32
    %cond3A_184 = arith.constant 0 : i32
    %cond3A_185 = arith.cmpi ne, %convert_element_type3A_183, %cond3A_184 : i32
    scf.if %cond3A_185 {
      %mul3A_579 = arith.constant 8 : i32
      %mul3A_580 = arith.muli %select_n3A_54, %mul3A_579 : i32
      %mul3A_581 = arith.constant 4096 : i32
      %mul3A_582 = arith.muli %select_n3A_70, %mul3A_581 : i32
      %add3A_583 = arith.constant 2048 : i32
      %add3A_584 = arith.addi %mul3A_582, %add3A_583 : i32
      %dma_start3A_585 = arith.constant 0 : i32
      %dma_start3A_586 = arith.constant 1 : i32
      %dma_start3A_587 = tpu.memref_slice %arg5[%dma_start3A_585, %mul3A_580, %add3A_584] : memref<4x64x8192xf32, #tpu.memory_space<hbm>> -> memref<1x8x2048xf32, #tpu.memory_space<hbm>>
      %dma_start3A_588 = tpu.memref_squeeze %dma_start3A_587 : memref<1x8x2048xf32, #tpu.memory_space<hbm>> -> memref<8x2048xf32, #tpu.memory_space<hbm>>
      %dma_start3A_589 = tpu.memref_slice %arg13[%dma_start3A_586] : memref<2x!tpu.dma_semaphore, #tpu.memory_space<semaphore_mem>> -> memref<1x!tpu.dma_semaphore, #tpu.memory_space<semaphore_mem>>
      %dma_start3A_590 = tpu.memref_squeeze %dma_start3A_589 : memref<1x!tpu.dma_semaphore, #tpu.memory_space<semaphore_mem>> -> memref<!tpu.dma_semaphore, #tpu.memory_space<semaphore_mem>>
      %dma_start3A_591 = tpu.memref_slice %arg5[%dma_start3A_585, %mul3A_580, %add3A_584] : memref<4x64x8192xf32, #tpu.memory_space<hbm>> -> memref<1x8x2048xf32, #tpu.memory_space<hbm>>
      %dma_start3A_592 = tpu.memref_squeeze %dma_start3A_591 : memref<1x8x2048xf32, #tpu.memory_space<hbm>> -> memref<8x2048xf32, #tpu.memory_space<hbm>>
      tpu.enqueue_dma source(%arg11 : memref<8x2048xf32, #tpu.memory_space<vmem>>) target(%dma_start3A_592 : memref<8x2048xf32, #tpu.memory_space<hbm>>) target_semaphore(%dma_start3A_590 : memref<!tpu.dma_semaphore, #tpu.memory_space<semaphore_mem>>)
    } else {
    }
    %eq3A_186 = arith.constant 1 : i32
    %eq3A_187 = arith.cmpi eq, %select_n3A, %eq3A_186 : i32
    %convert_element_type3A_188 = arith.extui %eq3A_187 : i1 to i32
    %cond3A_189 = arith.constant 0 : i32
    %cond3A_190 = arith.cmpi ne, %convert_element_type3A_188, %cond3A_189 : i32
    scf.if %cond3A_190 {
      %mul3A_579 = arith.constant 8 : i32
      %mul3A_580 = arith.muli %select_n3A_54, %mul3A_579 : i32
      %mul3A_581 = arith.constant 4096 : i32
      %mul3A_582 = arith.muli %select_n3A_70, %mul3A_581 : i32
      %add3A_583 = arith.constant 2048 : i32
      %add3A_584 = arith.addi %mul3A_582, %add3A_583 : i32
      %dma_start3A_585 = arith.constant 0 : i32
      %dma_start3A_586 = arith.constant 1 : i32
      %dma_start3A_587 = tpu.memref_slice %arg6[%dma_start3A_585, %mul3A_580, %add3A_584] : memref<4x64x8192xf32, #tpu.memory_space<hbm>> -> memref<1x8x2048xf32, #tpu.memory_space<hbm>>
      %dma_start3A_588 = tpu.memref_squeeze %dma_start3A_587 : memref<1x8x2048xf32, #tpu.memory_space<hbm>> -> memref<8x2048xf32, #tpu.memory_space<hbm>>
      %dma_start3A_589 = tpu.memref_slice %arg13[%dma_start3A_586] : memref<2x!tpu.dma_semaphore, #tpu.memory_space<semaphore_mem>> -> memref<1x!tpu.dma_semaphore, #tpu.memory_space<semaphore_mem>>
      %dma_start3A_590 = tpu.memref_squeeze %dma_start3A_589 : memref<1x!tpu.dma_semaphore, #tpu.memory_space<semaphore_mem>> -> memref<!tpu.dma_semaphore, #tpu.memory_space<semaphore_mem>>
      %dma_start3A_591 = tpu.memref_slice %arg6[%dma_start3A_585, %mul3A_580, %add3A_584] : memref<4x64x8192xf32, #tpu.memory_space<hbm>> -> memref<1x8x2048xf32, #tpu.memory_space<hbm>>
      %dma_start3A_592 = tpu.memref_squeeze %dma_start3A_591 : memref<1x8x2048xf32, #tpu.memory_space<hbm>> -> memref<8x2048xf32, #tpu.memory_space<hbm>>
      tpu.enqueue_dma source(%arg11 : memref<8x2048xf32, #tpu.memory_space<vmem>>) target(%dma_start3A_592 : memref<8x2048xf32, #tpu.memory_space<hbm>>) target_semaphore(%dma_start3A_590 : memref<!tpu.dma_semaphore, #tpu.memory_space<semaphore_mem>>)
    } else {
    }
    %mul3A_191 = arith.constant 8 : i32
    %mul3A_192 = arith.muli %select_n3A_54, %mul3A_191 : i32
    %mul3A_193 = arith.constant 4096 : i32
    %mul3A_194 = arith.muli %select_n3A_70, %mul3A_193 : i32
    %add3A_195 = arith.constant 2048 : i32
    %add3A_196 = arith.addi %mul3A_194, %add3A_195 : i32
    %mul3A_197 = arith.constant 4096 : i32
    %mul3A_198 = arith.muli %select_n3A_70, %mul3A_197 : i32
    %add3A_199 = arith.constant 2048 : i32
    %add3A_200 = arith.addi %mul3A_198, %add3A_199 : i32
    %dma_start3A_201 = arith.constant 1 : i32
    %dma_start3A_202 = arith.constant 1 : i32
    %dma_start3A_203 = tpu.memref_slice %arg2[%dma_start3A_201, %add3A_200] : memref<4x8192xi32, #tpu.memory_space<hbm>> -> memref<1x2048xi32, #tpu.memory_space<hbm>>
    %dma_start3A_204 = tpu.memref_squeeze %dma_start3A_203 : memref<1x2048xi32, #tpu.memory_space<hbm>> -> memref<2048xi32, #tpu.memory_space<hbm>>
    %dma_start3A_205 = tpu.memref_slice %arg12[%dma_start3A_202] : memref<2x!tpu.dma_semaphore, #tpu.memory_space<semaphore_mem>> -> memref<1x!tpu.dma_semaphore, #tpu.memory_space<semaphore_mem>>
    %dma_start3A_206 = tpu.memref_squeeze %dma_start3A_205 : memref<1x!tpu.dma_semaphore, #tpu.memory_space<semaphore_mem>> -> memref<!tpu.dma_semaphore, #tpu.memory_space<semaphore_mem>>
    %dma_start3A_207 = tpu.memref_slice %arg2[%dma_start3A_201, %add3A_200] : memref<4x8192xi32, #tpu.memory_space<hbm>> -> memref<1x2048xi32, #tpu.memory_space<hbm>>
    %dma_start3A_208 = tpu.memref_squeeze %dma_start3A_207 : memref<1x2048xi32, #tpu.memory_space<hbm>> -> memref<2048xi32, #tpu.memory_space<hbm>>
    tpu.enqueue_dma source(%dma_start3A_208 : memref<2048xi32, #tpu.memory_space<hbm>>) target(%arg9 : memref<2048xi32, #tpu.memory_space<vmem>>) target_semaphore(%dma_start3A_206 : memref<!tpu.dma_semaphore, #tpu.memory_space<semaphore_mem>>)
    %dma_wait3A_209 = arith.constant 1 : i32
    %dma_wait3A_210 = arith.constant 0 : i32
    %dma_wait3A_211 = tpu.memref_slice %arg2[%dma_wait3A_209, %add3A_145] : memref<4x8192xi32, #tpu.memory_space<hbm>> -> memref<1x2048xi32, #tpu.memory_space<hbm>>
    %dma_wait3A_212 = tpu.memref_squeeze %dma_wait3A_211 : memref<1x2048xi32, #tpu.memory_space<hbm>> -> memref<2048xi32, #tpu.memory_space<hbm>>
    %dma_wait3A_213 = tpu.memref_slice %arg12[%dma_wait3A_210] : memref<2x!tpu.dma_semaphore, #tpu.memory_space<semaphore_mem>> -> memref<1x!tpu.dma_semaphore, #tpu.memory_space<semaphore_mem>>
    %dma_wait3A_214 = tpu.memref_squeeze %dma_wait3A_213 : memref<1x!tpu.dma_semaphore, #tpu.memory_space<semaphore_mem>> -> memref<!tpu.dma_semaphore, #tpu.memory_space<semaphore_mem>>
    %dma_wait3A_215 = tpu.memref_slice %arg2[%dma_wait3A_209, %add3A_145] : memref<4x8192xi32, #tpu.memory_space<hbm>> -> memref<1x2048xi32, #tpu.memory_space<hbm>>
    %dma_wait3A_216 = tpu.memref_squeeze %dma_wait3A_215 : memref<1x2048xi32, #tpu.memory_space<hbm>> -> memref<2048xi32, #tpu.memory_space<hbm>>
    tpu.wait_dma2 semaphore(%dma_wait3A_214 : memref<!tpu.dma_semaphore, #tpu.memory_space<semaphore_mem>>) src(%dma_wait3A_216 : memref<2048xi32, #tpu.memory_space<hbm>>) dst(%arg8 : memref<2048xi32, #tpu.memory_space<vmem>>)
    %dma_wait3A_217 = arith.constant 0 : i32
    %dma_wait3A_218 = arith.constant 0 : i32
    %dma_wait3A_219 = tpu.memref_slice %arg5[%dma_wait3A_217, %mul3A_137, %add3A_141] : memref<4x64x8192xf32, #tpu.memory_space<hbm>> -> memref<1x8x2048xf32, #tpu.memory_space<hbm>>
    %dma_wait3A_220 = tpu.memref_squeeze %dma_wait3A_219 : memref<1x8x2048xf32, #tpu.memory_space<hbm>> -> memref<8x2048xf32, #tpu.memory_space<hbm>>
    %dma_wait3A_221 = tpu.memref_slice %arg13[%dma_wait3A_218] : memref<2x!tpu.dma_semaphore, #tpu.memory_space<semaphore_mem>> -> memref<1x!tpu.dma_semaphore, #tpu.memory_space<semaphore_mem>>
    %dma_wait3A_222 = tpu.memref_squeeze %dma_wait3A_221 : memref<1x!tpu.dma_semaphore, #tpu.memory_space<semaphore_mem>> -> memref<!tpu.dma_semaphore, #tpu.memory_space<semaphore_mem>>
    %dma_wait3A_223 = tpu.memref_slice %arg5[%dma_wait3A_217, %mul3A_137, %add3A_141] : memref<4x64x8192xf32, #tpu.memory_space<hbm>> -> memref<1x8x2048xf32, #tpu.memory_space<hbm>>
    %dma_wait3A_224 = tpu.memref_squeeze %dma_wait3A_223 : memref<1x8x2048xf32, #tpu.memory_space<hbm>> -> memref<8x2048xf32, #tpu.memory_space<hbm>>
    tpu.wait_dma2 semaphore(%dma_wait3A_222 : memref<!tpu.dma_semaphore, #tpu.memory_space<semaphore_mem>>) src(%arg10 : memref<8x2048xf32, #tpu.memory_space<vmem>>) dst(%dma_wait3A_224 : memref<8x2048xf32, #tpu.memory_space<hbm>>)
    %broadcast_in_dim3A_225 = arith.constant 0 : i32
    %broadcast_in_dim3A_226 = vector.broadcast %broadcast_in_dim3A_225 : i32 to vector<16xi32>
    %broadcast_in_dim3A_227 = arith.constant 1 : i32
    %broadcast_in_dim3A_228 = vector.broadcast %broadcast_in_dim3A_227 : i32 to vector<16xi32>
    %broadcast_in_dim3A_229 = arith.constant 2 : i32
    %broadcast_in_dim3A_230 = vector.broadcast %broadcast_in_dim3A_229 : i32 to vector<16xi32>
    %broadcast_in_dim3A_231 = arith.constant 3 : i32
    %broadcast_in_dim3A_232 = vector.broadcast %broadcast_in_dim3A_231 : i32 to vector<16xi32>
    %broadcast_in_dim3A_233 = arith.constant 4 : i32
    %broadcast_in_dim3A_234 = vector.broadcast %broadcast_in_dim3A_233 : i32 to vector<16xi32>
    %broadcast_in_dim3A_235 = arith.constant 5 : i32
    %broadcast_in_dim3A_236 = vector.broadcast %broadcast_in_dim3A_235 : i32 to vector<16xi32>
    %broadcast_in_dim3A_237 = arith.constant 6 : i32
    %broadcast_in_dim3A_238 = vector.broadcast %broadcast_in_dim3A_237 : i32 to vector<16xi32>
    %broadcast_in_dim3A_239 = arith.constant 7 : i32
    %broadcast_in_dim3A_240 = vector.broadcast %broadcast_in_dim3A_239 : i32 to vector<16xi32>
    %parallel_loop3A_241 = arith.constant 0 : i32
    %parallel_loop3A_242 = arith.constant 2048 : i32
    %parallel_loop3A_243 = arith.constant 16 : i32
    scf.for %parallel_loop3A_579 = %parallel_loop3A_241 to %parallel_loop3A_242 step %parallel_loop3A_243  : i32 {
      %parallel_loop3A_580 = arith.index_cast %parallel_loop3A_579 : i32 to index
      %parallel_loop3A_581 = tpu.vector_load %arg8[%parallel_loop3A_580] {strides = array<i32>} : memref<2048xi32, #tpu.memory_space<vmem>>, vector<16xi32>,
      %parallel_loop3A_582 = tpu.vector_load_idx %arg7[%broadcast_in_dim3A_226, %parallel_loop3A_581] : memref<8x8192xf32, #tpu.memory_space<vmem>>[vector<16xi32>, vector<16xi32>], vector<16xf32>,
      %parallel_loop3A_583 = arith.constant 0 : i32
      %parallel_loop3A_584 = arith.index_cast %parallel_loop3A_583 : i32 to index
      %parallel_loop3A_585 = arith.index_cast %parallel_loop3A_579 : i32 to index
      %parallel_loop3A_586 = tpu.vector_load %arg10[%parallel_loop3A_584, %parallel_loop3A_585] {strides = array<i32>} : memref<8x2048xf32, #tpu.memory_space<vmem>>, vector<16xf32>,
      tpu.vector_store %arg10[%parallel_loop3A_584, %parallel_loop3A_585], %parallel_loop3A_582 {strides = array<i32>} : memref<8x2048xf32, #tpu.memory_space<vmem>>, vector<16xf32>,
      %parallel_loop3A_587 = tpu.vector_load_idx %arg7[%broadcast_in_dim3A_228, %parallel_loop3A_581] : memref<8x8192xf32, #tpu.memory_space<vmem>>[vector<16xi32>, vector<16xi32>], vector<16xf32>,
      %parallel_loop3A_588 = arith.constant 1 : i32
      %parallel_loop3A_589 = arith.index_cast %parallel_loop3A_588 : i32 to index
      %parallel_loop3A_590 = arith.index_cast %parallel_loop3A_579 : i32 to index
      %parallel_loop3A_591 = tpu.vector_load %arg10[%parallel_loop3A_589, %parallel_loop3A_590] {strides = array<i32>} : memref<8x2048xf32, #tpu.memory_space<vmem>>, vector<16xf32>,
      tpu.vector_store %arg10[%parallel_loop3A_589, %parallel_loop3A_590], %parallel_loop3A_587 {strides = array<i32>} : memref<8x2048xf32, #tpu.memory_space<vmem>>, vector<16xf32>,
      %parallel_loop3A_592 = tpu.vector_load_idx %arg7[%broadcast_in_dim3A_230, %parallel_loop3A_581] : memref<8x8192xf32, #tpu.memory_space<vmem>>[vector<16xi32>, vector<16xi32>], vector<16xf32>,
      %parallel_loop3A_593 = arith.constant 2 : i32
      %parallel_loop3A_594 = arith.index_cast %parallel_loop3A_593 : i32 to index
      %parallel_loop3A_595 = arith.index_cast %parallel_loop3A_579 : i32 to index
      %parallel_loop3A_596 = tpu.vector_load %arg10[%parallel_loop3A_594, %parallel_loop3A_595] {strides = array<i32>} : memref<8x2048xf32, #tpu.memory_space<vmem>>, vector<16xf32>,
      tpu.vector_store %arg10[%parallel_loop3A_594, %parallel_loop3A_595], %parallel_loop3A_592 {strides = array<i32>} : memref<8x2048xf32, #tpu.memory_space<vmem>>, vector<16xf32>,
      %parallel_loop3A_597 = tpu.vector_load_idx %arg7[%broadcast_in_dim3A_232, %parallel_loop3A_581] : memref<8x8192xf32, #tpu.memory_space<vmem>>[vector<16xi32>, vector<16xi32>], vector<16xf32>,
      %parallel_loop3A_598 = arith.constant 3 : i32
      %parallel_loop3A_599 = arith.index_cast %parallel_loop3A_598 : i32 to index
      %parallel_loop3A_600 = arith.index_cast %parallel_loop3A_579 : i32 to index
      %parallel_loop3A_601 = tpu.vector_load %arg10[%parallel_loop3A_599, %parallel_loop3A_600] {strides = array<i32>} : memref<8x2048xf32, #tpu.memory_space<vmem>>, vector<16xf32>,
      tpu.vector_store %arg10[%parallel_loop3A_599, %parallel_loop3A_600], %parallel_loop3A_597 {strides = array<i32>} : memref<8x2048xf32, #tpu.memory_space<vmem>>, vector<16xf32>,
      %parallel_loop3A_602 = tpu.vector_load_idx %arg7[%broadcast_in_dim3A_234, %parallel_loop3A_581] : memref<8x8192xf32, #tpu.memory_space<vmem>>[vector<16xi32>, vector<16xi32>], vector<16xf32>,
      %parallel_loop3A_603 = arith.constant 4 : i32
      %parallel_loop3A_604 = arith.index_cast %parallel_loop3A_603 : i32 to index
      %parallel_loop3A_605 = arith.index_cast %parallel_loop3A_579 : i32 to index
      %parallel_loop3A_606 = tpu.vector_load %arg10[%parallel_loop3A_604, %parallel_loop3A_605] {strides = array<i32>} : memref<8x2048xf32, #tpu.memory_space<vmem>>, vector<16xf32>,
      tpu.vector_store %arg10[%parallel_loop3A_604, %parallel_loop3A_605], %parallel_loop3A_602 {strides = array<i32>} : memref<8x2048xf32, #tpu.memory_space<vmem>>, vector<16xf32>,
      %parallel_loop3A_607 = tpu.vector_load_idx %arg7[%broadcast_in_dim3A_236, %parallel_loop3A_581] : memref<8x8192xf32, #tpu.memory_space<vmem>>[vector<16xi32>, vector<16xi32>], vector<16xf32>,
      %parallel_loop3A_608 = arith.constant 5 : i32
      %parallel_loop3A_609 = arith.index_cast %parallel_loop3A_608 : i32 to index
      %parallel_loop3A_610 = arith.index_cast %parallel_loop3A_579 : i32 to index
      %parallel_loop3A_611 = tpu.vector_load %arg10[%parallel_loop3A_609, %parallel_loop3A_610] {strides = array<i32>} : memref<8x2048xf32, #tpu.memory_space<vmem>>, vector<16xf32>,
      tpu.vector_store %arg10[%parallel_loop3A_609, %parallel_loop3A_610], %parallel_loop3A_607 {strides = array<i32>} : memref<8x2048xf32, #tpu.memory_space<vmem>>, vector<16xf32>,
      %parallel_loop3A_612 = tpu.vector_load_idx %arg7[%broadcast_in_dim3A_238, %parallel_loop3A_581] : memref<8x8192xf32, #tpu.memory_space<vmem>>[vector<16xi32>, vector<16xi32>], vector<16xf32>,
      %parallel_loop3A_613 = arith.constant 6 : i32
      %parallel_loop3A_614 = arith.index_cast %parallel_loop3A_613 : i32 to index
      %parallel_loop3A_615 = arith.index_cast %parallel_loop3A_579 : i32 to index
      %parallel_loop3A_616 = tpu.vector_load %arg10[%parallel_loop3A_614, %parallel_loop3A_615] {strides = array<i32>} : memref<8x2048xf32, #tpu.memory_space<vmem>>, vector<16xf32>,
      tpu.vector_store %arg10[%parallel_loop3A_614, %parallel_loop3A_615], %parallel_loop3A_612 {strides = array<i32>} : memref<8x2048xf32, #tpu.memory_space<vmem>>, vector<16xf32>,
      %parallel_loop3A_617 = tpu.vector_load_idx %arg7[%broadcast_in_dim3A_240, %parallel_loop3A_581] : memref<8x8192xf32, #tpu.memory_space<vmem>>[vector<16xi32>, vector<16xi32>], vector<16xf32>,
      %parallel_loop3A_618 = arith.constant 7 : i32
      %parallel_loop3A_619 = arith.index_cast %parallel_loop3A_618 : i32 to index
      %parallel_loop3A_620 = arith.index_cast %parallel_loop3A_579 : i32 to index
      %parallel_loop3A_621 = tpu.vector_load %arg10[%parallel_loop3A_619, %parallel_loop3A_620] {strides = array<i32>} : memref<8x2048xf32, #tpu.memory_space<vmem>>, vector<16xf32>,
      tpu.vector_store %arg10[%parallel_loop3A_619, %parallel_loop3A_620], %parallel_loop3A_617 {strides = array<i32>} : memref<8x2048xf32, #tpu.memory_space<vmem>>, vector<16xf32>,
    } {sc.loop_unroll_factor = 4 : i64, sc.parallel_access}
    %eq3A_244 = arith.constant 0 : i32
    %eq3A_245 = arith.cmpi eq, %select_n3A, %eq3A_244 : i32
    %convert_element_type3A_246 = arith.extui %eq3A_245 : i1 to i32
    %cond3A_247 = arith.constant 0 : i32
    %cond3A_248 = arith.cmpi ne, %convert_element_type3A_246, %cond3A_247 : i32
    scf.if %cond3A_248 {
      %mul3A_579 = arith.constant 8 : i32
      %mul3A_580 = arith.muli %select_n3A_54, %mul3A_579 : i32
      %mul3A_581 = arith.constant 4096 : i32
      %mul3A_582 = arith.muli %select_n3A_70, %mul3A_581 : i32
      %add3A_583 = arith.constant 0 : i32
      %add3A_584 = arith.addi %mul3A_582, %add3A_583 : i32
      %dma_start3A_585 = arith.constant 1 : i32
      %dma_start3A_586 = arith.constant 0 : i32
      %dma_start3A_587 = tpu.memref_slice %arg5[%dma_start3A_585, %mul3A_580, %add3A_584] : memref<4x64x8192xf32, #tpu.memory_space<hbm>> -> memref<1x8x2048xf32, #tpu.memory_space<hbm>>
      %dma_start3A_588 = tpu.memref_squeeze %dma_start3A_587 : memref<1x8x2048xf32, #tpu.memory_space<hbm>> -> memref<8x2048xf32, #tpu.memory_space<hbm>>
      %dma_start3A_589 = tpu.memref_slice %arg13[%dma_start3A_586] : memref<2x!tpu.dma_semaphore, #tpu.memory_space<semaphore_mem>> -> memref<1x!tpu.dma_semaphore, #tpu.memory_space<semaphore_mem>>
      %dma_start3A_590 = tpu.memref_squeeze %dma_start3A_589 : memref<1x!tpu.dma_semaphore, #tpu.memory_space<semaphore_mem>> -> memref<!tpu.dma_semaphore, #tpu.memory_space<semaphore_mem>>
      %dma_start3A_591 = tpu.memref_slice %arg5[%dma_start3A_585, %mul3A_580, %add3A_584] : memref<4x64x8192xf32, #tpu.memory_space<hbm>> -> memref<1x8x2048xf32, #tpu.memory_space<hbm>>
      %dma_start3A_592 = tpu.memref_squeeze %dma_start3A_591 : memref<1x8x2048xf32, #tpu.memory_space<hbm>> -> memref<8x2048xf32, #tpu.memory_space<hbm>>
      tpu.enqueue_dma source(%arg10 : memref<8x2048xf32, #tpu.memory_space<vmem>>) target(%dma_start3A_592 : memref<8x2048xf32, #tpu.memory_space<hbm>>) target_semaphore(%dma_start3A_590 : memref<!tpu.dma_semaphore, #tpu.memory_space<semaphore_mem>>)
    } else {
    }
    %eq3A_249 = arith.constant 1 : i32
    %eq3A_250 = arith.cmpi eq, %select_n3A, %eq3A_249 : i32
    %convert_element_type3A_251 = arith.extui %eq3A_250 : i1 to i32
    %cond3A_252 = arith.constant 0 : i32
    %cond3A_253 = arith.cmpi ne, %convert_element_type3A_251, %cond3A_252 : i32
    scf.if %cond3A_253 {
      %mul3A_579 = arith.constant 8 : i32
      %mul3A_580 = arith.muli %select_n3A_54, %mul3A_579 : i32
      %mul3A_581 = arith.constant 4096 : i32
      %mul3A_582 = arith.muli %select_n3A_70, %mul3A_581 : i32
      %add3A_583 = arith.constant 0 : i32
      %add3A_584 = arith.addi %mul3A_582, %add3A_583 : i32
      %dma_start3A_585 = arith.constant 1 : i32
      %dma_start3A_586 = arith.constant 0 : i32
      %dma_start3A_587 = tpu.memref_slice %arg6[%dma_start3A_585, %mul3A_580, %add3A_584] : memref<4x64x8192xf32, #tpu.memory_space<hbm>> -> memref<1x8x2048xf32, #tpu.memory_space<hbm>>
      %dma_start3A_588 = tpu.memref_squeeze %dma_start3A_587 : memref<1x8x2048xf32, #tpu.memory_space<hbm>> -> memref<8x2048xf32, #tpu.memory_space<hbm>>
      %dma_start3A_589 = tpu.memref_slice %arg13[%dma_start3A_586] : memref<2x!tpu.dma_semaphore, #tpu.memory_space<semaphore_mem>> -> memref<1x!tpu.dma_semaphore, #tpu.memory_space<semaphore_mem>>
      %dma_start3A_590 = tpu.memref_squeeze %dma_start3A_589 : memref<1x!tpu.dma_semaphore, #tpu.memory_space<semaphore_mem>> -> memref<!tpu.dma_semaphore, #tpu.memory_space<semaphore_mem>>
      %dma_start3A_591 = tpu.memref_slice %arg6[%dma_start3A_585, %mul3A_580, %add3A_584] : memref<4x64x8192xf32, #tpu.memory_space<hbm>> -> memref<1x8x2048xf32, #tpu.memory_space<hbm>>
      %dma_start3A_592 = tpu.memref_squeeze %dma_start3A_591 : memref<1x8x2048xf32, #tpu.memory_space<hbm>> -> memref<8x2048xf32, #tpu.memory_space<hbm>>
      tpu.enqueue_dma source(%arg10 : memref<8x2048xf32, #tpu.memory_space<vmem>>) target(%dma_start3A_592 : memref<8x2048xf32, #tpu.memory_space<hbm>>) target_semaphore(%dma_start3A_590 : memref<!tpu.dma_semaphore, #tpu.memory_space<semaphore_mem>>)
    } else {
    }
    %mul3A_254 = arith.constant 8 : i32
    %mul3A_255 = arith.muli %select_n3A_54, %mul3A_254 : i32
    %mul3A_256 = arith.constant 4096 : i32
    %mul3A_257 = arith.muli %select_n3A_70, %mul3A_256 : i32
    %add3A_258 = arith.constant 0 : i32
    %add3A_259 = arith.addi %mul3A_257, %add3A_258 : i32
    %mul3A_260 = arith.constant 4096 : i32
    %mul3A_261 = arith.muli %select_n3A_70, %mul3A_260 : i32
    %add3A_262 = arith.constant 0 : i32
    %add3A_263 = arith.addi %mul3A_261, %add3A_262 : i32
    %dma_start3A_264 = arith.constant 2 : i32
    %dma_start3A_265 = arith.constant 0 : i32
    %dma_start3A_266 = tpu.memref_slice %arg2[%dma_start3A_264, %add3A_263] : memref<4x8192xi32, #tpu.memory_space<hbm>> -> memref<1x2048xi32, #tpu.memory_space<hbm>>
    %dma_start3A_267 = tpu.memref_squeeze %dma_start3A_266 : memref<1x2048xi32, #tpu.memory_space<hbm>> -> memref<2048xi32, #tpu.memory_space<hbm>>
    %dma_start3A_268 = tpu.memref_slice %arg12[%dma_start3A_265] : memref<2x!tpu.dma_semaphore, #tpu.memory_space<semaphore_mem>> -> memref<1x!tpu.dma_semaphore, #tpu.memory_space<semaphore_mem>>
    %dma_start3A_269 = tpu.memref_squeeze %dma_start3A_268 : memref<1x!tpu.dma_semaphore, #tpu.memory_space<semaphore_mem>> -> memref<!tpu.dma_semaphore, #tpu.memory_space<semaphore_mem>>
    %dma_start3A_270 = tpu.memref_slice %arg2[%dma_start3A_264, %add3A_263] : memref<4x8192xi32, #tpu.memory_space<hbm>> -> memref<1x2048xi32, #tpu.memory_space<hbm>>
    %dma_start3A_271 = tpu.memref_squeeze %dma_start3A_270 : memref<1x2048xi32, #tpu.memory_space<hbm>> -> memref<2048xi32, #tpu.memory_space<hbm>>
    tpu.enqueue_dma source(%dma_start3A_271 : memref<2048xi32, #tpu.memory_space<hbm>>) target(%arg8 : memref<2048xi32, #tpu.memory_space<vmem>>) target_semaphore(%dma_start3A_269 : memref<!tpu.dma_semaphore, #tpu.memory_space<semaphore_mem>>)
    %dma_wait3A_272 = arith.constant 1 : i32
    %dma_wait3A_273 = arith.constant 1 : i32
    %dma_wait3A_274 = tpu.memref_slice %arg2[%dma_wait3A_272, %add3A_200] : memref<4x8192xi32, #tpu.memory_space<hbm>> -> memref<1x2048xi32, #tpu.memory_space<hbm>>
    %dma_wait3A_275 = tpu.memref_squeeze %dma_wait3A_274 : memref<1x2048xi32, #tpu.memory_space<hbm>> -> memref<2048xi32, #tpu.memory_space<hbm>>
    %dma_wait3A_276 = tpu.memref_slice %arg12[%dma_wait3A_273] : memref<2x!tpu.dma_semaphore, #tpu.memory_space<semaphore_mem>> -> memref<1x!tpu.dma_semaphore, #tpu.memory_space<semaphore_mem>>
    %dma_wait3A_277 = tpu.memref_squeeze %dma_wait3A_276 : memref<1x!tpu.dma_semaphore, #tpu.memory_space<semaphore_mem>> -> memref<!tpu.dma_semaphore, #tpu.memory_space<semaphore_mem>>
    %dma_wait3A_278 = tpu.memref_slice %arg2[%dma_wait3A_272, %add3A_200] : memref<4x8192xi32, #tpu.memory_space<hbm>> -> memref<1x2048xi32, #tpu.memory_space<hbm>>
    %dma_wait3A_279 = tpu.memref_squeeze %dma_wait3A_278 : memref<1x2048xi32, #tpu.memory_space<hbm>> -> memref<2048xi32, #tpu.memory_space<hbm>>
    tpu.wait_dma2 semaphore(%dma_wait3A_277 : memref<!tpu.dma_semaphore, #tpu.memory_space<semaphore_mem>>) src(%dma_wait3A_279 : memref<2048xi32, #tpu.memory_space<hbm>>) dst(%arg9 : memref<2048xi32, #tpu.memory_space<vmem>>)
    %dma_wait3A_280 = arith.constant 0 : i32
    %dma_wait3A_281 = arith.constant 1 : i32
    %dma_wait3A_282 = tpu.memref_slice %arg5[%dma_wait3A_280, %mul3A_192, %add3A_196] : memref<4x64x8192xf32, #tpu.memory_space<hbm>> -> memref<1x8x2048xf32, #tpu.memory_space<hbm>>
    %dma_wait3A_283 = tpu.memref_squeeze %dma_wait3A_282 : memref<1x8x2048xf32, #tpu.memory_space<hbm>> -> memref<8x2048xf32, #tpu.memory_space<hbm>>
    %dma_wait3A_284 = tpu.memref_slice %arg13[%dma_wait3A_281] : memref<2x!tpu.dma_semaphore, #tpu.memory_space<semaphore_mem>> -> memref<1x!tpu.dma_semaphore, #tpu.memory_space<semaphore_mem>>
    %dma_wait3A_285 = tpu.memref_squeeze %dma_wait3A_284 : memref<1x!tpu.dma_semaphore, #tpu.memory_space<semaphore_mem>> -> memref<!tpu.dma_semaphore, #tpu.memory_space<semaphore_mem>>
    %dma_wait3A_286 = tpu.memref_slice %arg5[%dma_wait3A_280, %mul3A_192, %add3A_196] : memref<4x64x8192xf32, #tpu.memory_space<hbm>> -> memref<1x8x2048xf32, #tpu.memory_space<hbm>>
    %dma_wait3A_287 = tpu.memref_squeeze %dma_wait3A_286 : memref<1x8x2048xf32, #tpu.memory_space<hbm>> -> memref<8x2048xf32, #tpu.memory_space<hbm>>
    tpu.wait_dma2 semaphore(%dma_wait3A_285 : memref<!tpu.dma_semaphore, #tpu.memory_space<semaphore_mem>>) src(%arg11 : memref<8x2048xf32, #tpu.memory_space<vmem>>) dst(%dma_wait3A_287 : memref<8x2048xf32, #tpu.memory_space<hbm>>)
    %broadcast_in_dim3A_288 = arith.constant 0 : i32
    %broadcast_in_dim3A_289 = vector.broadcast %broadcast_in_dim3A_288 : i32 to vector<16xi32>
    %broadcast_in_dim3A_290 = arith.constant 1 : i32
    %broadcast_in_dim3A_291 = vector.broadcast %broadcast_in_dim3A_290 : i32 to vector<16xi32>
    %broadcast_in_dim3A_292 = arith.constant 2 : i32
    %broadcast_in_dim3A_293 = vector.broadcast %broadcast_in_dim3A_292 : i32 to vector<16xi32>
    %broadcast_in_dim3A_294 = arith.constant 3 : i32
    %broadcast_in_dim3A_295 = vector.broadcast %broadcast_in_dim3A_294 : i32 to vector<16xi32>
    %broadcast_in_dim3A_296 = arith.constant 4 : i32
    %broadcast_in_dim3A_297 = vector.broadcast %broadcast_in_dim3A_296 : i32 to vector<16xi32>
    %broadcast_in_dim3A_298 = arith.constant 5 : i32
    %broadcast_in_dim3A_299 = vector.broadcast %broadcast_in_dim3A_298 : i32 to vector<16xi32>
    %broadcast_in_dim3A_300 = arith.constant 6 : i32
    %broadcast_in_dim3A_301 = vector.broadcast %broadcast_in_dim3A_300 : i32 to vector<16xi32>
    %broadcast_in_dim3A_302 = arith.constant 7 : i32
    %broadcast_in_dim3A_303 = vector.broadcast %broadcast_in_dim3A_302 : i32 to vector<16xi32>
    %parallel_loop3A_304 = arith.constant 0 : i32
    %parallel_loop3A_305 = arith.constant 2048 : i32
    %parallel_loop3A_306 = arith.constant 16 : i32
    scf.for %parallel_loop3A_579 = %parallel_loop3A_304 to %parallel_loop3A_305 step %parallel_loop3A_306  : i32 {
      %parallel_loop3A_580 = arith.index_cast %parallel_loop3A_579 : i32 to index
      %parallel_loop3A_581 = tpu.vector_load %arg9[%parallel_loop3A_580] {strides = array<i32>} : memref<2048xi32, #tpu.memory_space<vmem>>, vector<16xi32>,
      %parallel_loop3A_582 = tpu.vector_load_idx %arg7[%broadcast_in_dim3A_289, %parallel_loop3A_581] : memref<8x8192xf32, #tpu.memory_space<vmem>>[vector<16xi32>, vector<16xi32>], vector<16xf32>,
      %parallel_loop3A_583 = arith.constant 0 : i32
      %parallel_loop3A_584 = arith.index_cast %parallel_loop3A_583 : i32 to index
      %parallel_loop3A_585 = arith.index_cast %parallel_loop3A_579 : i32 to index
      %parallel_loop3A_586 = tpu.vector_load %arg11[%parallel_loop3A_584, %parallel_loop3A_585] {strides = array<i32>} : memref<8x2048xf32, #tpu.memory_space<vmem>>, vector<16xf32>,
      tpu.vector_store %arg11[%parallel_loop3A_584, %parallel_loop3A_585], %parallel_loop3A_582 {strides = array<i32>} : memref<8x2048xf32, #tpu.memory_space<vmem>>, vector<16xf32>,
      %parallel_loop3A_587 = tpu.vector_load_idx %arg7[%broadcast_in_dim3A_291, %parallel_loop3A_581] : memref<8x8192xf32, #tpu.memory_space<vmem>>[vector<16xi32>, vector<16xi32>], vector<16xf32>,
      %parallel_loop3A_588 = arith.constant 1 : i32
      %parallel_loop3A_589 = arith.index_cast %parallel_loop3A_588 : i32 to index
      %parallel_loop3A_590 = arith.index_cast %parallel_loop3A_579 : i32 to index
      %parallel_loop3A_591 = tpu.vector_load %arg11[%parallel_loop3A_589, %parallel_loop3A_590] {strides = array<i32>} : memref<8x2048xf32, #tpu.memory_space<vmem>>, vector<16xf32>,
      tpu.vector_store %arg11[%parallel_loop3A_589, %parallel_loop3A_590], %parallel_loop3A_587 {strides = array<i32>} : memref<8x2048xf32, #tpu.memory_space<vmem>>, vector<16xf32>,
      %parallel_loop3A_592 = tpu.vector_load_idx %arg7[%broadcast_in_dim3A_293, %parallel_loop3A_581] : memref<8x8192xf32, #tpu.memory_space<vmem>>[vector<16xi32>, vector<16xi32>], vector<16xf32>,
      %parallel_loop3A_593 = arith.constant 2 : i32
      %parallel_loop3A_594 = arith.index_cast %parallel_loop3A_593 : i32 to index
      %parallel_loop3A_595 = arith.index_cast %parallel_loop3A_579 : i32 to index
      %parallel_loop3A_596 = tpu.vector_load %arg11[%parallel_loop3A_594, %parallel_loop3A_595] {strides = array<i32>} : memref<8x2048xf32, #tpu.memory_space<vmem>>, vector<16xf32>,
      tpu.vector_store %arg11[%parallel_loop3A_594, %parallel_loop3A_595], %parallel_loop3A_592 {strides = array<i32>} : memref<8x2048xf32, #tpu.memory_space<vmem>>, vector<16xf32>,
      %parallel_loop3A_597 = tpu.vector_load_idx %arg7[%broadcast_in_dim3A_295, %parallel_loop3A_581] : memref<8x8192xf32, #tpu.memory_space<vmem>>[vector<16xi32>, vector<16xi32>], vector<16xf32>,
      %parallel_loop3A_598 = arith.constant 3 : i32
      %parallel_loop3A_599 = arith.index_cast %parallel_loop3A_598 : i32 to index
      %parallel_loop3A_600 = arith.index_cast %parallel_loop3A_579 : i32 to index
      %parallel_loop3A_601 = tpu.vector_load %arg11[%parallel_loop3A_599, %parallel_loop3A_600] {strides = array<i32>} : memref<8x2048xf32, #tpu.memory_space<vmem>>, vector<16xf32>,
      tpu.vector_store %arg11[%parallel_loop3A_599, %parallel_loop3A_600], %parallel_loop3A_597 {strides = array<i32>} : memref<8x2048xf32, #tpu.memory_space<vmem>>, vector<16xf32>,
      %parallel_loop3A_602 = tpu.vector_load_idx %arg7[%broadcast_in_dim3A_297, %parallel_loop3A_581] : memref<8x8192xf32, #tpu.memory_space<vmem>>[vector<16xi32>, vector<16xi32>], vector<16xf32>,
      %parallel_loop3A_603 = arith.constant 4 : i32
      %parallel_loop3A_604 = arith.index_cast %parallel_loop3A_603 : i32 to index
      %parallel_loop3A_605 = arith.index_cast %parallel_loop3A_579 : i32 to index
      %parallel_loop3A_606 = tpu.vector_load %arg11[%parallel_loop3A_604, %parallel_loop3A_605] {strides = array<i32>} : memref<8x2048xf32, #tpu.memory_space<vmem>>, vector<16xf32>,
      tpu.vector_store %arg11[%parallel_loop3A_604, %parallel_loop3A_605], %parallel_loop3A_602 {strides = array<i32>} : memref<8x2048xf32, #tpu.memory_space<vmem>>, vector<16xf32>,
      %parallel_loop3A_607 = tpu.vector_load_idx %arg7[%broadcast_in_dim3A_299, %parallel_loop3A_581] : memref<8x8192xf32, #tpu.memory_space<vmem>>[vector<16xi32>, vector<16xi32>], vector<16xf32>,
      %parallel_loop3A_608 = arith.constant 5 : i32
      %parallel_loop3A_609 = arith.index_cast %parallel_loop3A_608 : i32 to index
      %parallel_loop3A_610 = arith.index_cast %parallel_loop3A_579 : i32 to index
      %parallel_loop3A_611 = tpu.vector_load %arg11[%parallel_loop3A_609, %parallel_loop3A_610] {strides = array<i32>} : memref<8x2048xf32, #tpu.memory_space<vmem>>, vector<16xf32>,
      tpu.vector_store %arg11[%parallel_loop3A_609, %parallel_loop3A_610], %parallel_loop3A_607 {strides = array<i32>} : memref<8x2048xf32, #tpu.memory_space<vmem>>, vector<16xf32>,
      %parallel_loop3A_612 = tpu.vector_load_idx %arg7[%broadcast_in_dim3A_301, %parallel_loop3A_581] : memref<8x8192xf32, #tpu.memory_space<vmem>>[vector<16xi32>, vector<16xi32>], vector<16xf32>,
      %parallel_loop3A_613 = arith.constant 6 : i32
      %parallel_loop3A_614 = arith.index_cast %parallel_loop3A_613 : i32 to index
      %parallel_loop3A_615 = arith.index_cast %parallel_loop3A_579 : i32 to index
      %parallel_loop3A_616 = tpu.vector_load %arg11[%parallel_loop3A_614, %parallel_loop3A_615] {strides = array<i32>} : memref<8x2048xf32, #tpu.memory_space<vmem>>, vector<16xf32>,
      tpu.vector_store %arg11[%parallel_loop3A_614, %parallel_loop3A_615], %parallel_loop3A_612 {strides = array<i32>} : memref<8x2048xf32, #tpu.memory_space<vmem>>, vector<16xf32>,
      %parallel_loop3A_617 = tpu.vector_load_idx %arg7[%broadcast_in_dim3A_303, %parallel_loop3A_581] : memref<8x8192xf32, #tpu.memory_space<vmem>>[vector<16xi32>, vector<16xi32>], vector<16xf32>,
      %parallel_loop3A_618 = arith.constant 7 : i32
      %parallel_loop3A_619 = arith.index_cast %parallel_loop3A_618 : i32 to index
      %parallel_loop3A_620 = arith.index_cast %parallel_loop3A_579 : i32 to index
      %parallel_loop3A_621 = tpu.vector_load %arg11[%parallel_loop3A_619, %parallel_loop3A_620] {strides = array<i32>} : memref<8x2048xf32, #tpu.memory_space<vmem>>, vector<16xf32>,
      tpu.vector_store %arg11[%parallel_loop3A_619, %parallel_loop3A_620], %parallel_loop3A_617 {strides = array<i32>} : memref<8x2048xf32, #tpu.memory_space<vmem>>, vector<16xf32>,
    } {sc.loop_unroll_factor = 4 : i64, sc.parallel_access}
    %eq3A_307 = arith.constant 0 : i32
    %eq3A_308 = arith.cmpi eq, %select_n3A, %eq3A_307 : i32
    %convert_element_type3A_309 = arith.extui %eq3A_308 : i1 to i32
    %cond3A_310 = arith.constant 0 : i32
    %cond3A_311 = arith.cmpi ne, %convert_element_type3A_309, %cond3A_310 : i32
    scf.if %cond3A_311 {
      %mul3A_579 = arith.constant 8 : i32
      %mul3A_580 = arith.muli %select_n3A_54, %mul3A_579 : i32
      %mul3A_581 = arith.constant 4096 : i32
      %mul3A_582 = arith.muli %select_n3A_70, %mul3A_581 : i32
      %add3A_583 = arith.constant 2048 : i32
      %add3A_584 = arith.addi %mul3A_582, %add3A_583 : i32
      %dma_start3A_585 = arith.constant 1 : i32
      %dma_start3A_586 = arith.constant 1 : i32
      %dma_start3A_587 = tpu.memref_slice %arg5[%dma_start3A_585, %mul3A_580, %add3A_584] : memref<4x64x8192xf32, #tpu.memory_space<hbm>> -> memref<1x8x2048xf32, #tpu.memory_space<hbm>>
      %dma_start3A_588 = tpu.memref_squeeze %dma_start3A_587 : memref<1x8x2048xf32, #tpu.memory_space<hbm>> -> memref<8x2048xf32, #tpu.memory_space<hbm>>
      %dma_start3A_589 = tpu.memref_slice %arg13[%dma_start3A_586] : memref<2x!tpu.dma_semaphore, #tpu.memory_space<semaphore_mem>> -> memref<1x!tpu.dma_semaphore, #tpu.memory_space<semaphore_mem>>
      %dma_start3A_590 = tpu.memref_squeeze %dma_start3A_589 : memref<1x!tpu.dma_semaphore, #tpu.memory_space<semaphore_mem>> -> memref<!tpu.dma_semaphore, #tpu.memory_space<semaphore_mem>>
      %dma_start3A_591 = tpu.memref_slice %arg5[%dma_start3A_585, %mul3A_580, %add3A_584] : memref<4x64x8192xf32, #tpu.memory_space<hbm>> -> memref<1x8x2048xf32, #tpu.memory_space<hbm>>
      %dma_start3A_592 = tpu.memref_squeeze %dma_start3A_591 : memref<1x8x2048xf32, #tpu.memory_space<hbm>> -> memref<8x2048xf32, #tpu.memory_space<hbm>>
      tpu.enqueue_dma source(%arg11 : memref<8x2048xf32, #tpu.memory_space<vmem>>) target(%dma_start3A_592 : memref<8x2048xf32, #tpu.memory_space<hbm>>) target_semaphore(%dma_start3A_590 : memref<!tpu.dma_semaphore, #tpu.memory_space<semaphore_mem>>)
    } else {
    }
    %eq3A_312 = arith.constant 1 : i32
    %eq3A_313 = arith.cmpi eq, %select_n3A, %eq3A_312 : i32
    %convert_element_type3A_314 = arith.extui %eq3A_313 : i1 to i32
    %cond3A_315 = arith.constant 0 : i32
    %cond3A_316 = arith.cmpi ne, %convert_element_type3A_314, %cond3A_315 : i32
    scf.if %cond3A_316 {
      %mul3A_579 = arith.constant 8 : i32
      %mul3A_580 = arith.muli %select_n3A_54, %mul3A_579 : i32
      %mul3A_581 = arith.constant 4096 : i32
      %mul3A_582 = arith.muli %select_n3A_70, %mul3A_581 : i32
      %add3A_583 = arith.constant 2048 : i32
      %add3A_584 = arith.addi %mul3A_582, %add3A_583 : i32
      %dma_start3A_585 = arith.constant 1 : i32
      %dma_start3A_586 = arith.constant 1 : i32
      %dma_start3A_587 = tpu.memref_slice %arg6[%dma_start3A_585, %mul3A_580, %add3A_584] : memref<4x64x8192xf32, #tpu.memory_space<hbm>> -> memref<1x8x2048xf32, #tpu.memory_space<hbm>>
      %dma_start3A_588 = tpu.memref_squeeze %dma_start3A_587 : memref<1x8x2048xf32, #tpu.memory_space<hbm>> -> memref<8x2048xf32, #tpu.memory_space<hbm>>
      %dma_start3A_589 = tpu.memref_slice %arg13[%dma_start3A_586] : memref<2x!tpu.dma_semaphore, #tpu.memory_space<semaphore_mem>> -> memref<1x!tpu.dma_semaphore, #tpu.memory_space<semaphore_mem>>
      %dma_start3A_590 = tpu.memref_squeeze %dma_start3A_589 : memref<1x!tpu.dma_semaphore, #tpu.memory_space<semaphore_mem>> -> memref<!tpu.dma_semaphore, #tpu.memory_space<semaphore_mem>>
      %dma_start3A_591 = tpu.memref_slice %arg6[%dma_start3A_585, %mul3A_580, %add3A_584] : memref<4x64x8192xf32, #tpu.memory_space<hbm>> -> memref<1x8x2048xf32, #tpu.memory_space<hbm>>
      %dma_start3A_592 = tpu.memref_squeeze %dma_start3A_591 : memref<1x8x2048xf32, #tpu.memory_space<hbm>> -> memref<8x2048xf32, #tpu.memory_space<hbm>>
      tpu.enqueue_dma source(%arg11 : memref<8x2048xf32, #tpu.memory_space<vmem>>) target(%dma_start3A_592 : memref<8x2048xf32, #tpu.memory_space<hbm>>) target_semaphore(%dma_start3A_590 : memref<!tpu.dma_semaphore, #tpu.memory_space<semaphore_mem>>)
    } else {
    }
    %mul3A_317 = arith.constant 8 : i32
    %mul3A_318 = arith.muli %select_n3A_54, %mul3A_317 : i32
    %mul3A_319 = arith.constant 4096 : i32
    %mul3A_320 = arith.muli %select_n3A_70, %mul3A_319 : i32
    %add3A_321 = arith.constant 2048 : i32
    %add3A_322 = arith.addi %mul3A_320, %add3A_321 : i32
    %mul3A_323 = arith.constant 4096 : i32
    %mul3A_324 = arith.muli %select_n3A_70, %mul3A_323 : i32
    %add3A_325 = arith.constant 2048 : i32
    %add3A_326 = arith.addi %mul3A_324, %add3A_325 : i32
    %dma_start3A_327 = arith.constant 2 : i32
    %dma_start3A_328 = arith.constant 1 : i32
    %dma_start3A_329 = tpu.memref_slice %arg2[%dma_start3A_327, %add3A_326] : memref<4x8192xi32, #tpu.memory_space<hbm>> -> memref<1x2048xi32, #tpu.memory_space<hbm>>
    %dma_start3A_330 = tpu.memref_squeeze %dma_start3A_329 : memref<1x2048xi32, #tpu.memory_space<hbm>> -> memref<2048xi32, #tpu.memory_space<hbm>>
    %dma_start3A_331 = tpu.memref_slice %arg12[%dma_start3A_328] : memref<2x!tpu.dma_semaphore, #tpu.memory_space<semaphore_mem>> -> memref<1x!tpu.dma_semaphore, #tpu.memory_space<semaphore_mem>>
    %dma_start3A_332 = tpu.memref_squeeze %dma_start3A_331 : memref<1x!tpu.dma_semaphore, #tpu.memory_space<semaphore_mem>> -> memref<!tpu.dma_semaphore, #tpu.memory_space<semaphore_mem>>
    %dma_start3A_333 = tpu.memref_slice %arg2[%dma_start3A_327, %add3A_326] : memref<4x8192xi32, #tpu.memory_space<hbm>> -> memref<1x2048xi32, #tpu.memory_space<hbm>>
    %dma_start3A_334 = tpu.memref_squeeze %dma_start3A_333 : memref<1x2048xi32, #tpu.memory_space<hbm>> -> memref<2048xi32, #tpu.memory_space<hbm>>
    tpu.enqueue_dma source(%dma_start3A_334 : memref<2048xi32, #tpu.memory_space<hbm>>) target(%arg9 : memref<2048xi32, #tpu.memory_space<vmem>>) target_semaphore(%dma_start3A_332 : memref<!tpu.dma_semaphore, #tpu.memory_space<semaphore_mem>>)
    %dma_wait3A_335 = arith.constant 2 : i32
    %dma_wait3A_336 = arith.constant 0 : i32
    %dma_wait3A_337 = tpu.memref_slice %arg2[%dma_wait3A_335, %add3A_263] : memref<4x8192xi32, #tpu.memory_space<hbm>> -> memref<1x2048xi32, #tpu.memory_space<hbm>>
    %dma_wait3A_338 = tpu.memref_squeeze %dma_wait3A_337 : memref<1x2048xi32, #tpu.memory_space<hbm>> -> memref<2048xi32, #tpu.memory_space<hbm>>
    %dma_wait3A_339 = tpu.memref_slice %arg12[%dma_wait3A_336] : memref<2x!tpu.dma_semaphore, #tpu.memory_space<semaphore_mem>> -> memref<1x!tpu.dma_semaphore, #tpu.memory_space<semaphore_mem>>
    %dma_wait3A_340 = tpu.memref_squeeze %dma_wait3A_339 : memref<1x!tpu.dma_semaphore, #tpu.memory_space<semaphore_mem>> -> memref<!tpu.dma_semaphore, #tpu.memory_space<semaphore_mem>>
    %dma_wait3A_341 = tpu.memref_slice %arg2[%dma_wait3A_335, %add3A_263] : memref<4x8192xi32, #tpu.memory_space<hbm>> -> memref<1x2048xi32, #tpu.memory_space<hbm>>
    %dma_wait3A_342 = tpu.memref_squeeze %dma_wait3A_341 : memref<1x2048xi32, #tpu.memory_space<hbm>> -> memref<2048xi32, #tpu.memory_space<hbm>>
    tpu.wait_dma2 semaphore(%dma_wait3A_340 : memref<!tpu.dma_semaphore, #tpu.memory_space<semaphore_mem>>) src(%dma_wait3A_342 : memref<2048xi32, #tpu.memory_space<hbm>>) dst(%arg8 : memref<2048xi32, #tpu.memory_space<vmem>>)
    %dma_wait3A_343 = arith.constant 1 : i32
    %dma_wait3A_344 = arith.constant 0 : i32
    %dma_wait3A_345 = tpu.memref_slice %arg5[%dma_wait3A_343, %mul3A_255, %add3A_259] : memref<4x64x8192xf32, #tpu.memory_space<hbm>> -> memref<1x8x2048xf32, #tpu.memory_space<hbm>>
    %dma_wait3A_346 = tpu.memref_squeeze %dma_wait3A_345 : memref<1x8x2048xf32, #tpu.memory_space<hbm>> -> memref<8x2048xf32, #tpu.memory_space<hbm>>
    %dma_wait3A_347 = tpu.memref_slice %arg13[%dma_wait3A_344] : memref<2x!tpu.dma_semaphore, #tpu.memory_space<semaphore_mem>> -> memref<1x!tpu.dma_semaphore, #tpu.memory_space<semaphore_mem>>
    %dma_wait3A_348 = tpu.memref_squeeze %dma_wait3A_347 : memref<1x!tpu.dma_semaphore, #tpu.memory_space<semaphore_mem>> -> memref<!tpu.dma_semaphore, #tpu.memory_space<semaphore_mem>>
    %dma_wait3A_349 = tpu.memref_slice %arg5[%dma_wait3A_343, %mul3A_255, %add3A_259] : memref<4x64x8192xf32, #tpu.memory_space<hbm>> -> memref<1x8x2048xf32, #tpu.memory_space<hbm>>
    %dma_wait3A_350 = tpu.memref_squeeze %dma_wait3A_349 : memref<1x8x2048xf32, #tpu.memory_space<hbm>> -> memref<8x2048xf32, #tpu.memory_space<hbm>>
    tpu.wait_dma2 semaphore(%dma_wait3A_348 : memref<!tpu.dma_semaphore, #tpu.memory_space<semaphore_mem>>) src(%arg10 : memref<8x2048xf32, #tpu.memory_space<vmem>>) dst(%dma_wait3A_350 : memref<8x2048xf32, #tpu.memory_space<hbm>>)
    %broadcast_in_dim3A_351 = arith.constant 0 : i32
    %broadcast_in_dim3A_352 = vector.broadcast %broadcast_in_dim3A_351 : i32 to vector<16xi32>
    %broadcast_in_dim3A_353 = arith.constant 1 : i32
    %broadcast_in_dim3A_354 = vector.broadcast %broadcast_in_dim3A_353 : i32 to vector<16xi32>
    %broadcast_in_dim3A_355 = arith.constant 2 : i32
    %broadcast_in_dim3A_356 = vector.broadcast %broadcast_in_dim3A_355 : i32 to vector<16xi32>
    %broadcast_in_dim3A_357 = arith.constant 3 : i32
    %broadcast_in_dim3A_358 = vector.broadcast %broadcast_in_dim3A_357 : i32 to vector<16xi32>
    %broadcast_in_dim3A_359 = arith.constant 4 : i32
    %broadcast_in_dim3A_360 = vector.broadcast %broadcast_in_dim3A_359 : i32 to vector<16xi32>
    %broadcast_in_dim3A_361 = arith.constant 5 : i32
    %broadcast_in_dim3A_362 = vector.broadcast %broadcast_in_dim3A_361 : i32 to vector<16xi32>
    %broadcast_in_dim3A_363 = arith.constant 6 : i32
    %broadcast_in_dim3A_364 = vector.broadcast %broadcast_in_dim3A_363 : i32 to vector<16xi32>
    %broadcast_in_dim3A_365 = arith.constant 7 : i32
    %broadcast_in_dim3A_366 = vector.broadcast %broadcast_in_dim3A_365 : i32 to vector<16xi32>
    %parallel_loop3A_367 = arith.constant 0 : i32
    %parallel_loop3A_368 = arith.constant 2048 : i32
    %parallel_loop3A_369 = arith.constant 16 : i32
    scf.for %parallel_loop3A_579 = %parallel_loop3A_367 to %parallel_loop3A_368 step %parallel_loop3A_369  : i32 {
      %parallel_loop3A_580 = arith.index_cast %parallel_loop3A_579 : i32 to index
      %parallel_loop3A_581 = tpu.vector_load %arg8[%parallel_loop3A_580] {strides = array<i32>} : memref<2048xi32, #tpu.memory_space<vmem>>, vector<16xi32>,
      %parallel_loop3A_582 = tpu.vector_load_idx %arg7[%broadcast_in_dim3A_352, %parallel_loop3A_581] : memref<8x8192xf32, #tpu.memory_space<vmem>>[vector<16xi32>, vector<16xi32>], vector<16xf32>,
      %parallel_loop3A_583 = arith.constant 0 : i32
      %parallel_loop3A_584 = arith.index_cast %parallel_loop3A_583 : i32 to index
      %parallel_loop3A_585 = arith.index_cast %parallel_loop3A_579 : i32 to index
      %parallel_loop3A_586 = tpu.vector_load %arg10[%parallel_loop3A_584, %parallel_loop3A_585] {strides = array<i32>} : memref<8x2048xf32, #tpu.memory_space<vmem>>, vector<16xf32>,
      tpu.vector_store %arg10[%parallel_loop3A_584, %parallel_loop3A_585], %parallel_loop3A_582 {strides = array<i32>} : memref<8x2048xf32, #tpu.memory_space<vmem>>, vector<16xf32>,
      %parallel_loop3A_587 = tpu.vector_load_idx %arg7[%broadcast_in_dim3A_354, %parallel_loop3A_581] : memref<8x8192xf32, #tpu.memory_space<vmem>>[vector<16xi32>, vector<16xi32>], vector<16xf32>,
      %parallel_loop3A_588 = arith.constant 1 : i32
      %parallel_loop3A_589 = arith.index_cast %parallel_loop3A_588 : i32 to index
      %parallel_loop3A_590 = arith.index_cast %parallel_loop3A_579 : i32 to index
      %parallel_loop3A_591 = tpu.vector_load %arg10[%parallel_loop3A_589, %parallel_loop3A_590] {strides = array<i32>} : memref<8x2048xf32, #tpu.memory_space<vmem>>, vector<16xf32>,
      tpu.vector_store %arg10[%parallel_loop3A_589, %parallel_loop3A_590], %parallel_loop3A_587 {strides = array<i32>} : memref<8x2048xf32, #tpu.memory_space<vmem>>, vector<16xf32>,
      %parallel_loop3A_592 = tpu.vector_load_idx %arg7[%broadcast_in_dim3A_356, %parallel_loop3A_581] : memref<8x8192xf32, #tpu.memory_space<vmem>>[vector<16xi32>, vector<16xi32>], vector<16xf32>,
      %parallel_loop3A_593 = arith.constant 2 : i32
      %parallel_loop3A_594 = arith.index_cast %parallel_loop3A_593 : i32 to index
      %parallel_loop3A_595 = arith.index_cast %parallel_loop3A_579 : i32 to index
      %parallel_loop3A_596 = tpu.vector_load %arg10[%parallel_loop3A_594, %parallel_loop3A_595] {strides = array<i32>} : memref<8x2048xf32, #tpu.memory_space<vmem>>, vector<16xf32>,
      tpu.vector_store %arg10[%parallel_loop3A_594, %parallel_loop3A_595], %parallel_loop3A_592 {strides = array<i32>} : memref<8x2048xf32, #tpu.memory_space<vmem>>, vector<16xf32>,
      %parallel_loop3A_597 = tpu.vector_load_idx %arg7[%broadcast_in_dim3A_358, %parallel_loop3A_581] : memref<8x8192xf32, #tpu.memory_space<vmem>>[vector<16xi32>, vector<16xi32>], vector<16xf32>,
      %parallel_loop3A_598 = arith.constant 3 : i32
      %parallel_loop3A_599 = arith.index_cast %parallel_loop3A_598 : i32 to index
      %parallel_loop3A_600 = arith.index_cast %parallel_loop3A_579 : i32 to index
      %parallel_loop3A_601 = tpu.vector_load %arg10[%parallel_loop3A_599, %parallel_loop3A_600] {strides = array<i32>} : memref<8x2048xf32, #tpu.memory_space<vmem>>, vector<16xf32>,
      tpu.vector_store %arg10[%parallel_loop3A_599, %parallel_loop3A_600], %parallel_loop3A_597 {strides = array<i32>} : memref<8x2048xf32, #tpu.memory_space<vmem>>, vector<16xf32>,
      %parallel_loop3A_602 = tpu.vector_load_idx %arg7[%broadcast_in_dim3A_360, %parallel_loop3A_581] : memref<8x8192xf32, #tpu.memory_space<vmem>>[vector<16xi32>, vector<16xi32>], vector<16xf32>,
      %parallel_loop3A_603 = arith.constant 4 : i32
      %parallel_loop3A_604 = arith.index_cast %parallel_loop3A_603 : i32 to index
      %parallel_loop3A_605 = arith.index_cast %parallel_loop3A_579 : i32 to index
      %parallel_loop3A_606 = tpu.vector_load %arg10[%parallel_loop3A_604, %parallel_loop3A_605] {strides = array<i32>} : memref<8x2048xf32, #tpu.memory_space<vmem>>, vector<16xf32>,
      tpu.vector_store %arg10[%parallel_loop3A_604, %parallel_loop3A_605], %parallel_loop3A_602 {strides = array<i32>} : memref<8x2048xf32, #tpu.memory_space<vmem>>, vector<16xf32>,
      %parallel_loop3A_607 = tpu.vector_load_idx %arg7[%broadcast_in_dim3A_362, %parallel_loop3A_581] : memref<8x8192xf32, #tpu.memory_space<vmem>>[vector<16xi32>, vector<16xi32>], vector<16xf32>,
      %parallel_loop3A_608 = arith.constant 5 : i32
      %parallel_loop3A_609 = arith.index_cast %parallel_loop3A_608 : i32 to index
      %parallel_loop3A_610 = arith.index_cast %parallel_loop3A_579 : i32 to index
      %parallel_loop3A_611 = tpu.vector_load %arg10[%parallel_loop3A_609, %parallel_loop3A_610] {strides = array<i32>} : memref<8x2048xf32, #tpu.memory_space<vmem>>, vector<16xf32>,
      tpu.vector_store %arg10[%parallel_loop3A_609, %parallel_loop3A_610], %parallel_loop3A_607 {strides = array<i32>} : memref<8x2048xf32, #tpu.memory_space<vmem>>, vector<16xf32>,
      %parallel_loop3A_612 = tpu.vector_load_idx %arg7[%broadcast_in_dim3A_364, %parallel_loop3A_581] : memref<8x8192xf32, #tpu.memory_space<vmem>>[vector<16xi32>, vector<16xi32>], vector<16xf32>,
      %parallel_loop3A_613 = arith.constant 6 : i32
      %parallel_loop3A_614 = arith.index_cast %parallel_loop3A_613 : i32 to index
      %parallel_loop3A_615 = arith.index_cast %parallel_loop3A_579 : i32 to index
      %parallel_loop3A_616 = tpu.vector_load %arg10[%parallel_loop3A_614, %parallel_loop3A_615] {strides = array<i32>} : memref<8x2048xf32, #tpu.memory_space<vmem>>, vector<16xf32>,
      tpu.vector_store %arg10[%parallel_loop3A_614, %parallel_loop3A_615], %parallel_loop3A_612 {strides = array<i32>} : memref<8x2048xf32, #tpu.memory_space<vmem>>, vector<16xf32>,
      %parallel_loop3A_617 = tpu.vector_load_idx %arg7[%broadcast_in_dim3A_366, %parallel_loop3A_581] : memref<8x8192xf32, #tpu.memory_space<vmem>>[vector<16xi32>, vector<16xi32>], vector<16xf32>,
      %parallel_loop3A_618 = arith.constant 7 : i32
      %parallel_loop3A_619 = arith.index_cast %parallel_loop3A_618 : i32 to index
      %parallel_loop3A_620 = arith.index_cast %parallel_loop3A_579 : i32 to index
      %parallel_loop3A_621 = tpu.vector_load %arg10[%parallel_loop3A_619, %parallel_loop3A_620] {strides = array<i32>} : memref<8x2048xf32, #tpu.memory_space<vmem>>, vector<16xf32>,
      tpu.vector_store %arg10[%parallel_loop3A_619, %parallel_loop3A_620], %parallel_loop3A_617 {strides = array<i32>} : memref<8x2048xf32, #tpu.memory_space<vmem>>, vector<16xf32>,
    } {sc.loop_unroll_factor = 4 : i64, sc.parallel_access}
    %eq3A_370 = arith.constant 0 : i32
    %eq3A_371 = arith.cmpi eq, %select_n3A, %eq3A_370 : i32
    %convert_element_type3A_372 = arith.extui %eq3A_371 : i1 to i32
    %cond3A_373 = arith.constant 0 : i32
    %cond3A_374 = arith.cmpi ne, %convert_element_type3A_372, %cond3A_373 : i32
    scf.if %cond3A_374 {
      %mul3A_579 = arith.constant 8 : i32
      %mul3A_580 = arith.muli %select_n3A_54, %mul3A_579 : i32
      %mul3A_581 = arith.constant 4096 : i32
      %mul3A_582 = arith.muli %select_n3A_70, %mul3A_581 : i32
      %add3A_583 = arith.constant 0 : i32
      %add3A_584 = arith.addi %mul3A_582, %add3A_583 : i32
      %dma_start3A_585 = arith.constant 2 : i32
      %dma_start3A_586 = arith.constant 0 : i32
      %dma_start3A_587 = tpu.memref_slice %arg5[%dma_start3A_585, %mul3A_580, %add3A_584] : memref<4x64x8192xf32, #tpu.memory_space<hbm>> -> memref<1x8x2048xf32, #tpu.memory_space<hbm>>
      %dma_start3A_588 = tpu.memref_squeeze %dma_start3A_587 : memref<1x8x2048xf32, #tpu.memory_space<hbm>> -> memref<8x2048xf32, #tpu.memory_space<hbm>>
      %dma_start3A_589 = tpu.memref_slice %arg13[%dma_start3A_586] : memref<2x!tpu.dma_semaphore, #tpu.memory_space<semaphore_mem>> -> memref<1x!tpu.dma_semaphore, #tpu.memory_space<semaphore_mem>>
      %dma_start3A_590 = tpu.memref_squeeze %dma_start3A_589 : memref<1x!tpu.dma_semaphore, #tpu.memory_space<semaphore_mem>> -> memref<!tpu.dma_semaphore, #tpu.memory_space<semaphore_mem>>
      %dma_start3A_591 = tpu.memref_slice %arg5[%dma_start3A_585, %mul3A_580, %add3A_584] : memref<4x64x8192xf32, #tpu.memory_space<hbm>> -> memref<1x8x2048xf32, #tpu.memory_space<hbm>>
      %dma_start3A_592 = tpu.memref_squeeze %dma_start3A_591 : memref<1x8x2048xf32, #tpu.memory_space<hbm>> -> memref<8x2048xf32, #tpu.memory_space<hbm>>
      tpu.enqueue_dma source(%arg10 : memref<8x2048xf32, #tpu.memory_space<vmem>>) target(%dma_start3A_592 : memref<8x2048xf32, #tpu.memory_space<hbm>>) target_semaphore(%dma_start3A_590 : memref<!tpu.dma_semaphore, #tpu.memory_space<semaphore_mem>>)
    } else {
    }
    %eq3A_375 = arith.constant 1 : i32
    %eq3A_376 = arith.cmpi eq, %select_n3A, %eq3A_375 : i32
    %convert_element_type3A_377 = arith.extui %eq3A_376 : i1 to i32
    %cond3A_378 = arith.constant 0 : i32
    %cond3A_379 = arith.cmpi ne, %convert_element_type3A_377, %cond3A_378 : i32
    scf.if %cond3A_379 {
      %mul3A_579 = arith.constant 8 : i32
      %mul3A_580 = arith.muli %select_n3A_54, %mul3A_579 : i32
      %mul3A_581 = arith.constant 4096 : i32
      %mul3A_582 = arith.muli %select_n3A_70, %mul3A_581 : i32
      %add3A_583 = arith.constant 0 : i32
      %add3A_584 = arith.addi %mul3A_582, %add3A_583 : i32
      %dma_start3A_585 = arith.constant 2 : i32
      %dma_start3A_586 = arith.constant 0 : i32
      %dma_start3A_587 = tpu.memref_slice %arg6[%dma_start3A_585, %mul3A_580, %add3A_584] : memref<4x64x8192xf32, #tpu.memory_space<hbm>> -> memref<1x8x2048xf32, #tpu.memory_space<hbm>>
      %dma_start3A_588 = tpu.memref_squeeze %dma_start3A_587 : memref<1x8x2048xf32, #tpu.memory_space<hbm>> -> memref<8x2048xf32, #tpu.memory_space<hbm>>
      %dma_start3A_589 = tpu.memref_slice %arg13[%dma_start3A_586] : memref<2x!tpu.dma_semaphore, #tpu.memory_space<semaphore_mem>> -> memref<1x!tpu.dma_semaphore, #tpu.memory_space<semaphore_mem>>
      %dma_start3A_590 = tpu.memref_squeeze %dma_start3A_589 : memref<1x!tpu.dma_semaphore, #tpu.memory_space<semaphore_mem>> -> memref<!tpu.dma_semaphore, #tpu.memory_space<semaphore_mem>>
      %dma_start3A_591 = tpu.memref_slice %arg6[%dma_start3A_585, %mul3A_580, %add3A_584] : memref<4x64x8192xf32, #tpu.memory_space<hbm>> -> memref<1x8x2048xf32, #tpu.memory_space<hbm>>
      %dma_start3A_592 = tpu.memref_squeeze %dma_start3A_591 : memref<1x8x2048xf32, #tpu.memory_space<hbm>> -> memref<8x2048xf32, #tpu.memory_space<hbm>>
      tpu.enqueue_dma source(%arg10 : memref<8x2048xf32, #tpu.memory_space<vmem>>) target(%dma_start3A_592 : memref<8x2048xf32, #tpu.memory_space<hbm>>) target_semaphore(%dma_start3A_590 : memref<!tpu.dma_semaphore, #tpu.memory_space<semaphore_mem>>)
    } else {
    }
    %mul3A_380 = arith.constant 8 : i32
    %mul3A_381 = arith.muli %select_n3A_54, %mul3A_380 : i32
    %mul3A_382 = arith.constant 4096 : i32
    %mul3A_383 = arith.muli %select_n3A_70, %mul3A_382 : i32
    %add3A_384 = arith.constant 0 : i32
    %add3A_385 = arith.addi %mul3A_383, %add3A_384 : i32
    %mul3A_386 = arith.constant 4096 : i32
    %mul3A_387 = arith.muli %select_n3A_70, %mul3A_386 : i32
    %add3A_388 = arith.constant 0 : i32
    %add3A_389 = arith.addi %mul3A_387, %add3A_388 : i32
    %dma_start3A_390 = arith.constant 3 : i32
    %dma_start3A_391 = arith.constant 0 : i32
    %dma_start3A_392 = tpu.memref_slice %arg2[%dma_start3A_390, %add3A_389] : memref<4x8192xi32, #tpu.memory_space<hbm>> -> memref<1x2048xi32, #tpu.memory_space<hbm>>
    %dma_start3A_393 = tpu.memref_squeeze %dma_start3A_392 : memref<1x2048xi32, #tpu.memory_space<hbm>> -> memref<2048xi32, #tpu.memory_space<hbm>>
    %dma_start3A_394 = tpu.memref_slice %arg12[%dma_start3A_391] : memref<2x!tpu.dma_semaphore, #tpu.memory_space<semaphore_mem>> -> memref<1x!tpu.dma_semaphore, #tpu.memory_space<semaphore_mem>>
    %dma_start3A_395 = tpu.memref_squeeze %dma_start3A_394 : memref<1x!tpu.dma_semaphore, #tpu.memory_space<semaphore_mem>> -> memref<!tpu.dma_semaphore, #tpu.memory_space<semaphore_mem>>
    %dma_start3A_396 = tpu.memref_slice %arg2[%dma_start3A_390, %add3A_389] : memref<4x8192xi32, #tpu.memory_space<hbm>> -> memref<1x2048xi32, #tpu.memory_space<hbm>>
    %dma_start3A_397 = tpu.memref_squeeze %dma_start3A_396 : memref<1x2048xi32, #tpu.memory_space<hbm>> -> memref<2048xi32, #tpu.memory_space<hbm>>
    tpu.enqueue_dma source(%dma_start3A_397 : memref<2048xi32, #tpu.memory_space<hbm>>) target(%arg8 : memref<2048xi32, #tpu.memory_space<vmem>>) target_semaphore(%dma_start3A_395 : memref<!tpu.dma_semaphore, #tpu.memory_space<semaphore_mem>>)
    %dma_wait3A_398 = arith.constant 2 : i32
    %dma_wait3A_399 = arith.constant 1 : i32
    %dma_wait3A_400 = tpu.memref_slice %arg2[%dma_wait3A_398, %add3A_326] : memref<4x8192xi32, #tpu.memory_space<hbm>> -> memref<1x2048xi32, #tpu.memory_space<hbm>>
    %dma_wait3A_401 = tpu.memref_squeeze %dma_wait3A_400 : memref<1x2048xi32, #tpu.memory_space<hbm>> -> memref<2048xi32, #tpu.memory_space<hbm>>
    %dma_wait3A_402 = tpu.memref_slice %arg12[%dma_wait3A_399] : memref<2x!tpu.dma_semaphore, #tpu.memory_space<semaphore_mem>> -> memref<1x!tpu.dma_semaphore, #tpu.memory_space<semaphore_mem>>
    %dma_wait3A_403 = tpu.memref_squeeze %dma_wait3A_402 : memref<1x!tpu.dma_semaphore, #tpu.memory_space<semaphore_mem>> -> memref<!tpu.dma_semaphore, #tpu.memory_space<semaphore_mem>>
    %dma_wait3A_404 = tpu.memref_slice %arg2[%dma_wait3A_398, %add3A_326] : memref<4x8192xi32, #tpu.memory_space<hbm>> -> memref<1x2048xi32, #tpu.memory_space<hbm>>
    %dma_wait3A_405 = tpu.memref_squeeze %dma_wait3A_404 : memref<1x2048xi32, #tpu.memory_space<hbm>> -> memref<2048xi32, #tpu.memory_space<hbm>>
    tpu.wait_dma2 semaphore(%dma_wait3A_403 : memref<!tpu.dma_semaphore, #tpu.memory_space<semaphore_mem>>) src(%dma_wait3A_405 : memref<2048xi32, #tpu.memory_space<hbm>>) dst(%arg9 : memref<2048xi32, #tpu.memory_space<vmem>>)
    %dma_wait3A_406 = arith.constant 1 : i32
    %dma_wait3A_407 = arith.constant 1 : i32
    %dma_wait3A_408 = tpu.memref_slice %arg5[%dma_wait3A_406, %mul3A_318, %add3A_322] : memref<4x64x8192xf32, #tpu.memory_space<hbm>> -> memref<1x8x2048xf32, #tpu.memory_space<hbm>>
    %dma_wait3A_409 = tpu.memref_squeeze %dma_wait3A_408 : memref<1x8x2048xf32, #tpu.memory_space<hbm>> -> memref<8x2048xf32, #tpu.memory_space<hbm>>
    %dma_wait3A_410 = tpu.memref_slice %arg13[%dma_wait3A_407] : memref<2x!tpu.dma_semaphore, #tpu.memory_space<semaphore_mem>> -> memref<1x!tpu.dma_semaphore, #tpu.memory_space<semaphore_mem>>
    %dma_wait3A_411 = tpu.memref_squeeze %dma_wait3A_410 : memref<1x!tpu.dma_semaphore, #tpu.memory_space<semaphore_mem>> -> memref<!tpu.dma_semaphore, #tpu.memory_space<semaphore_mem>>
    %dma_wait3A_412 = tpu.memref_slice %arg5[%dma_wait3A_406, %mul3A_318, %add3A_322] : memref<4x64x8192xf32, #tpu.memory_space<hbm>> -> memref<1x8x2048xf32, #tpu.memory_space<hbm>>
    %dma_wait3A_413 = tpu.memref_squeeze %dma_wait3A_412 : memref<1x8x2048xf32, #tpu.memory_space<hbm>> -> memref<8x2048xf32, #tpu.memory_space<hbm>>
    tpu.wait_dma2 semaphore(%dma_wait3A_411 : memref<!tpu.dma_semaphore, #tpu.memory_space<semaphore_mem>>) src(%arg11 : memref<8x2048xf32, #tpu.memory_space<vmem>>) dst(%dma_wait3A_413 : memref<8x2048xf32, #tpu.memory_space<hbm>>)
    %broadcast_in_dim3A_414 = arith.constant 0 : i32
    %broadcast_in_dim3A_415 = vector.broadcast %broadcast_in_dim3A_414 : i32 to vector<16xi32>
    %broadcast_in_dim3A_416 = arith.constant 1 : i32
    %broadcast_in_dim3A_417 = vector.broadcast %broadcast_in_dim3A_416 : i32 to vector<16xi32>
    %broadcast_in_dim3A_418 = arith.constant 2 : i32
    %broadcast_in_dim3A_419 = vector.broadcast %broadcast_in_dim3A_418 : i32 to vector<16xi32>
    %broadcast_in_dim3A_420 = arith.constant 3 : i32
    %broadcast_in_dim3A_421 = vector.broadcast %broadcast_in_dim3A_420 : i32 to vector<16xi32>
    %broadcast_in_dim3A_422 = arith.constant 4 : i32
    %broadcast_in_dim3A_423 = vector.broadcast %broadcast_in_dim3A_422 : i32 to vector<16xi32>
    %broadcast_in_dim3A_424 = arith.constant 5 : i32
    %broadcast_in_dim3A_425 = vector.broadcast %broadcast_in_dim3A_424 : i32 to vector<16xi32>
    %broadcast_in_dim3A_426 = arith.constant 6 : i32
    %broadcast_in_dim3A_427 = vector.broadcast %broadcast_in_dim3A_426 : i32 to vector<16xi32>
    %broadcast_in_dim3A_428 = arith.constant 7 : i32
    %broadcast_in_dim3A_429 = vector.broadcast %broadcast_in_dim3A_428 : i32 to vector<16xi32>
    %parallel_loop3A_430 = arith.constant 0 : i32
    %parallel_loop3A_431 = arith.constant 2048 : i32
    %parallel_loop3A_432 = arith.constant 16 : i32
    scf.for %parallel_loop3A_579 = %parallel_loop3A_430 to %parallel_loop3A_431 step %parallel_loop3A_432  : i32 {
      %parallel_loop3A_580 = arith.index_cast %parallel_loop3A_579 : i32 to index
      %parallel_loop3A_581 = tpu.vector_load %arg9[%parallel_loop3A_580] {strides = array<i32>} : memref<2048xi32, #tpu.memory_space<vmem>>, vector<16xi32>,
      %parallel_loop3A_582 = tpu.vector_load_idx %arg7[%broadcast_in_dim3A_415, %parallel_loop3A_581] : memref<8x8192xf32, #tpu.memory_space<vmem>>[vector<16xi32>, vector<16xi32>], vector<16xf32>,
      %parallel_loop3A_583 = arith.constant 0 : i32
      %parallel_loop3A_584 = arith.index_cast %parallel_loop3A_583 : i32 to index
      %parallel_loop3A_585 = arith.index_cast %parallel_loop3A_579 : i32 to index
      %parallel_loop3A_586 = tpu.vector_load %arg11[%parallel_loop3A_584, %parallel_loop3A_585] {strides = array<i32>} : memref<8x2048xf32, #tpu.memory_space<vmem>>, vector<16xf32>,
      tpu.vector_store %arg11[%parallel_loop3A_584, %parallel_loop3A_585], %parallel_loop3A_582 {strides = array<i32>} : memref<8x2048xf32, #tpu.memory_space<vmem>>, vector<16xf32>,
      %parallel_loop3A_587 = tpu.vector_load_idx %arg7[%broadcast_in_dim3A_417, %parallel_loop3A_581] : memref<8x8192xf32, #tpu.memory_space<vmem>>[vector<16xi32>, vector<16xi32>], vector<16xf32>,
      %parallel_loop3A_588 = arith.constant 1 : i32
      %parallel_loop3A_589 = arith.index_cast %parallel_loop3A_588 : i32 to index
      %parallel_loop3A_590 = arith.index_cast %parallel_loop3A_579 : i32 to index
      %parallel_loop3A_591 = tpu.vector_load %arg11[%parallel_loop3A_589, %parallel_loop3A_590] {strides = array<i32>} : memref<8x2048xf32, #tpu.memory_space<vmem>>, vector<16xf32>,
      tpu.vector_store %arg11[%parallel_loop3A_589, %parallel_loop3A_590], %parallel_loop3A_587 {strides = array<i32>} : memref<8x2048xf32, #tpu.memory_space<vmem>>, vector<16xf32>,
      %parallel_loop3A_592 = tpu.vector_load_idx %arg7[%broadcast_in_dim3A_419, %parallel_loop3A_581] : memref<8x8192xf32, #tpu.memory_space<vmem>>[vector<16xi32>, vector<16xi32>], vector<16xf32>,
      %parallel_loop3A_593 = arith.constant 2 : i32
      %parallel_loop3A_594 = arith.index_cast %parallel_loop3A_593 : i32 to index
      %parallel_loop3A_595 = arith.index_cast %parallel_loop3A_579 : i32 to index
      %parallel_loop3A_596 = tpu.vector_load %arg11[%parallel_loop3A_594, %parallel_loop3A_595] {strides = array<i32>} : memref<8x2048xf32, #tpu.memory_space<vmem>>, vector<16xf32>,
      tpu.vector_store %arg11[%parallel_loop3A_594, %parallel_loop3A_595], %parallel_loop3A_592 {strides = array<i32>} : memref<8x2048xf32, #tpu.memory_space<vmem>>, vector<16xf32>,
      %parallel_loop3A_597 = tpu.vector_load_idx %arg7[%broadcast_in_dim3A_421, %parallel_loop3A_581] : memref<8x8192xf32, #tpu.memory_space<vmem>>[vector<16xi32>, vector<16xi32>], vector<16xf32>,
      %parallel_loop3A_598 = arith.constant 3 : i32
      %parallel_loop3A_599 = arith.index_cast %parallel_loop3A_598 : i32 to index
      %parallel_loop3A_600 = arith.index_cast %parallel_loop3A_579 : i32 to index
      %parallel_loop3A_601 = tpu.vector_load %arg11[%parallel_loop3A_599, %parallel_loop3A_600] {strides = array<i32>} : memref<8x2048xf32, #tpu.memory_space<vmem>>, vector<16xf32>,
      tpu.vector_store %arg11[%parallel_loop3A_599, %parallel_loop3A_600], %parallel_loop3A_597 {strides = array<i32>} : memref<8x2048xf32, #tpu.memory_space<vmem>>, vector<16xf32>,
      %parallel_loop3A_602 = tpu.vector_load_idx %arg7[%broadcast_in_dim3A_423, %parallel_loop3A_581] : memref<8x8192xf32, #tpu.memory_space<vmem>>[vector<16xi32>, vector<16xi32>], vector<16xf32>,
      %parallel_loop3A_603 = arith.constant 4 : i32
      %parallel_loop3A_604 = arith.index_cast %parallel_loop3A_603 : i32 to index
      %parallel_loop3A_605 = arith.index_cast %parallel_loop3A_579 : i32 to index
      %parallel_loop3A_606 = tpu.vector_load %arg11[%parallel_loop3A_604, %parallel_loop3A_605] {strides = array<i32>} : memref<8x2048xf32, #tpu.memory_space<vmem>>, vector<16xf32>,
      tpu.vector_store %arg11[%parallel_loop3A_604, %parallel_loop3A_605], %parallel_loop3A_602 {strides = array<i32>} : memref<8x2048xf32, #tpu.memory_space<vmem>>, vector<16xf32>,
      %parallel_loop3A_607 = tpu.vector_load_idx %arg7[%broadcast_in_dim3A_425, %parallel_loop3A_581] : memref<8x8192xf32, #tpu.memory_space<vmem>>[vector<16xi32>, vector<16xi32>], vector<16xf32>,
      %parallel_loop3A_608 = arith.constant 5 : i32
      %parallel_loop3A_609 = arith.index_cast %parallel_loop3A_608 : i32 to index
      %parallel_loop3A_610 = arith.index_cast %parallel_loop3A_579 : i32 to index
      %parallel_loop3A_611 = tpu.vector_load %arg11[%parallel_loop3A_609, %parallel_loop3A_610] {strides = array<i32>} : memref<8x2048xf32, #tpu.memory_space<vmem>>, vector<16xf32>,
      tpu.vector_store %arg11[%parallel_loop3A_609, %parallel_loop3A_610], %parallel_loop3A_607 {strides = array<i32>} : memref<8x2048xf32, #tpu.memory_space<vmem>>, vector<16xf32>,
      %parallel_loop3A_612 = tpu.vector_load_idx %arg7[%broadcast_in_dim3A_427, %parallel_loop3A_581] : memref<8x8192xf32, #tpu.memory_space<vmem>>[vector<16xi32>, vector<16xi32>], vector<16xf32>,
      %parallel_loop3A_613 = arith.constant 6 : i32
      %parallel_loop3A_614 = arith.index_cast %parallel_loop3A_613 : i32 to index
      %parallel_loop3A_615 = arith.index_cast %parallel_loop3A_579 : i32 to index
      %parallel_loop3A_616 = tpu.vector_load %arg11[%parallel_loop3A_614, %parallel_loop3A_615] {strides = array<i32>} : memref<8x2048xf32, #tpu.memory_space<vmem>>, vector<16xf32>,
      tpu.vector_store %arg11[%parallel_loop3A_614, %parallel_loop3A_615], %parallel_loop3A_612 {strides = array<i32>} : memref<8x2048xf32, #tpu.memory_space<vmem>>, vector<16xf32>,
      %parallel_loop3A_617 = tpu.vector_load_idx %arg7[%broadcast_in_dim3A_429, %parallel_loop3A_581] : memref<8x8192xf32, #tpu.memory_space<vmem>>[vector<16xi32>, vector<16xi32>], vector<16xf32>,
      %parallel_loop3A_618 = arith.constant 7 : i32
      %parallel_loop3A_619 = arith.index_cast %parallel_loop3A_618 : i32 to index
      %parallel_loop3A_620 = arith.index_cast %parallel_loop3A_579 : i32 to index
      %parallel_loop3A_621 = tpu.vector_load %arg11[%parallel_loop3A_619, %parallel_loop3A_620] {strides = array<i32>} : memref<8x2048xf32, #tpu.memory_space<vmem>>, vector<16xf32>,
      tpu.vector_store %arg11[%parallel_loop3A_619, %parallel_loop3A_620], %parallel_loop3A_617 {strides = array<i32>} : memref<8x2048xf32, #tpu.memory_space<vmem>>, vector<16xf32>,
    } {sc.loop_unroll_factor = 4 : i64, sc.parallel_access}
    %eq3A_433 = arith.constant 0 : i32
    %eq3A_434 = arith.cmpi eq, %select_n3A, %eq3A_433 : i32
    %convert_element_type3A_435 = arith.extui %eq3A_434 : i1 to i32
    %cond3A_436 = arith.constant 0 : i32
    %cond3A_437 = arith.cmpi ne, %convert_element_type3A_435, %cond3A_436 : i32
    scf.if %cond3A_437 {
      %mul3A_579 = arith.constant 8 : i32
      %mul3A_580 = arith.muli %select_n3A_54, %mul3A_579 : i32
      %mul3A_581 = arith.constant 4096 : i32
      %mul3A_582 = arith.muli %select_n3A_70, %mul3A_581 : i32
      %add3A_583 = arith.constant 2048 : i32
      %add3A_584 = arith.addi %mul3A_582, %add3A_583 : i32
      %dma_start3A_585 = arith.constant 2 : i32
      %dma_start3A_586 = arith.constant 1 : i32
      %dma_start3A_587 = tpu.memref_slice %arg5[%dma_start3A_585, %mul3A_580, %add3A_584] : memref<4x64x8192xf32, #tpu.memory_space<hbm>> -> memref<1x8x2048xf32, #tpu.memory_space<hbm>>
      %dma_start3A_588 = tpu.memref_squeeze %dma_start3A_587 : memref<1x8x2048xf32, #tpu.memory_space<hbm>> -> memref<8x2048xf32, #tpu.memory_space<hbm>>
      %dma_start3A_589 = tpu.memref_slice %arg13[%dma_start3A_586] : memref<2x!tpu.dma_semaphore, #tpu.memory_space<semaphore_mem>> -> memref<1x!tpu.dma_semaphore, #tpu.memory_space<semaphore_mem>>
      %dma_start3A_590 = tpu.memref_squeeze %dma_start3A_589 : memref<1x!tpu.dma_semaphore, #tpu.memory_space<semaphore_mem>> -> memref<!tpu.dma_semaphore, #tpu.memory_space<semaphore_mem>>
      %dma_start3A_591 = tpu.memref_slice %arg5[%dma_start3A_585, %mul3A_580, %add3A_584] : memref<4x64x8192xf32, #tpu.memory_space<hbm>> -> memref<1x8x2048xf32, #tpu.memory_space<hbm>>
      %dma_start3A_592 = tpu.memref_squeeze %dma_start3A_591 : memref<1x8x2048xf32, #tpu.memory_space<hbm>> -> memref<8x2048xf32, #tpu.memory_space<hbm>>
      tpu.enqueue_dma source(%arg11 : memref<8x2048xf32, #tpu.memory_space<vmem>>) target(%dma_start3A_592 : memref<8x2048xf32, #tpu.memory_space<hbm>>) target_semaphore(%dma_start3A_590 : memref<!tpu.dma_semaphore, #tpu.memory_space<semaphore_mem>>)
    } else {
    }
    %eq3A_438 = arith.constant 1 : i32
    %eq3A_439 = arith.cmpi eq, %select_n3A, %eq3A_438 : i32
    %convert_element_type3A_440 = arith.extui %eq3A_439 : i1 to i32
    %cond3A_441 = arith.constant 0 : i32
    %cond3A_442 = arith.cmpi ne, %convert_element_type3A_440, %cond3A_441 : i32
    scf.if %cond3A_442 {
      %mul3A_579 = arith.constant 8 : i32
      %mul3A_580 = arith.muli %select_n3A_54, %mul3A_579 : i32
      %mul3A_581 = arith.constant 4096 : i32
      %mul3A_582 = arith.muli %select_n3A_70, %mul3A_581 : i32
      %add3A_583 = arith.constant 2048 : i32
      %add3A_584 = arith.addi %mul3A_582, %add3A_583 : i32
      %dma_start3A_585 = arith.constant 2 : i32
      %dma_start3A_586 = arith.constant 1 : i32
      %dma_start3A_587 = tpu.memref_slice %arg6[%dma_start3A_585, %mul3A_580, %add3A_584] : memref<4x64x8192xf32, #tpu.memory_space<hbm>> -> memref<1x8x2048xf32, #tpu.memory_space<hbm>>
      %dma_start3A_588 = tpu.memref_squeeze %dma_start3A_587 : memref<1x8x2048xf32, #tpu.memory_space<hbm>> -> memref<8x2048xf32, #tpu.memory_space<hbm>>
      %dma_start3A_589 = tpu.memref_slice %arg13[%dma_start3A_586] : memref<2x!tpu.dma_semaphore, #tpu.memory_space<semaphore_mem>> -> memref<1x!tpu.dma_semaphore, #tpu.memory_space<semaphore_mem>>
      %dma_start3A_590 = tpu.memref_squeeze %dma_start3A_589 : memref<1x!tpu.dma_semaphore, #tpu.memory_space<semaphore_mem>> -> memref<!tpu.dma_semaphore, #tpu.memory_space<semaphore_mem>>
      %dma_start3A_591 = tpu.memref_slice %arg6[%dma_start3A_585, %mul3A_580, %add3A_584] : memref<4x64x8192xf32, #tpu.memory_space<hbm>> -> memref<1x8x2048xf32, #tpu.memory_space<hbm>>
      %dma_start3A_592 = tpu.memref_squeeze %dma_start3A_591 : memref<1x8x2048xf32, #tpu.memory_space<hbm>> -> memref<8x2048xf32, #tpu.memory_space<hbm>>
      tpu.enqueue_dma source(%arg11 : memref<8x2048xf32, #tpu.memory_space<vmem>>) target(%dma_start3A_592 : memref<8x2048xf32, #tpu.memory_space<hbm>>) target_semaphore(%dma_start3A_590 : memref<!tpu.dma_semaphore, #tpu.memory_space<semaphore_mem>>)
    } else {
    }
    %mul3A_443 = arith.constant 8 : i32
    %mul3A_444 = arith.muli %select_n3A_54, %mul3A_443 : i32
    %mul3A_445 = arith.constant 4096 : i32
    %mul3A_446 = arith.muli %select_n3A_70, %mul3A_445 : i32
    %add3A_447 = arith.constant 2048 : i32
    %add3A_448 = arith.addi %mul3A_446, %add3A_447 : i32
    %mul3A_449 = arith.constant 4096 : i32
    %mul3A_450 = arith.muli %select_n3A_70, %mul3A_449 : i32
    %add3A_451 = arith.constant 2048 : i32
    %add3A_452 = arith.addi %mul3A_450, %add3A_451 : i32
    %dma_start3A_453 = arith.constant 3 : i32
    %dma_start3A_454 = arith.constant 1 : i32
    %dma_start3A_455 = tpu.memref_slice %arg2[%dma_start3A_453, %add3A_452] : memref<4x8192xi32, #tpu.memory_space<hbm>> -> memref<1x2048xi32, #tpu.memory_space<hbm>>
    %dma_start3A_456 = tpu.memref_squeeze %dma_start3A_455 : memref<1x2048xi32, #tpu.memory_space<hbm>> -> memref<2048xi32, #tpu.memory_space<hbm>>
    %dma_start3A_457 = tpu.memref_slice %arg12[%dma_start3A_454] : memref<2x!tpu.dma_semaphore, #tpu.memory_space<semaphore_mem>> -> memref<1x!tpu.dma_semaphore, #tpu.memory_space<semaphore_mem>>
    %dma_start3A_458 = tpu.memref_squeeze %dma_start3A_457 : memref<1x!tpu.dma_semaphore, #tpu.memory_space<semaphore_mem>> -> memref<!tpu.dma_semaphore, #tpu.memory_space<semaphore_mem>>
    %dma_start3A_459 = tpu.memref_slice %arg2[%dma_start3A_453, %add3A_452] : memref<4x8192xi32, #tpu.memory_space<hbm>> -> memref<1x2048xi32, #tpu.memory_space<hbm>>
    %dma_start3A_460 = tpu.memref_squeeze %dma_start3A_459 : memref<1x2048xi32, #tpu.memory_space<hbm>> -> memref<2048xi32, #tpu.memory_space<hbm>>
    tpu.enqueue_dma source(%dma_start3A_460 : memref<2048xi32, #tpu.memory_space<hbm>>) target(%arg9 : memref<2048xi32, #tpu.memory_space<vmem>>) target_semaphore(%dma_start3A_458 : memref<!tpu.dma_semaphore, #tpu.memory_space<semaphore_mem>>)
    %dma_wait3A_461 = arith.constant 3 : i32
    %dma_wait3A_462 = arith.constant 0 : i32
    %dma_wait3A_463 = tpu.memref_slice %arg2[%dma_wait3A_461, %add3A_389] : memref<4x8192xi32, #tpu.memory_space<hbm>> -> memref<1x2048xi32, #tpu.memory_space<hbm>>
    %dma_wait3A_464 = tpu.memref_squeeze %dma_wait3A_463 : memref<1x2048xi32, #tpu.memory_space<hbm>> -> memref<2048xi32, #tpu.memory_space<hbm>>
    %dma_wait3A_465 = tpu.memref_slice %arg12[%dma_wait3A_462] : memref<2x!tpu.dma_semaphore, #tpu.memory_space<semaphore_mem>> -> memref<1x!tpu.dma_semaphore, #tpu.memory_space<semaphore_mem>>
    %dma_wait3A_466 = tpu.memref_squeeze %dma_wait3A_465 : memref<1x!tpu.dma_semaphore, #tpu.memory_space<semaphore_mem>> -> memref<!tpu.dma_semaphore, #tpu.memory_space<semaphore_mem>>
    %dma_wait3A_467 = tpu.memref_slice %arg2[%dma_wait3A_461, %add3A_389] : memref<4x8192xi32, #tpu.memory_space<hbm>> -> memref<1x2048xi32, #tpu.memory_space<hbm>>
    %dma_wait3A_468 = tpu.memref_squeeze %dma_wait3A_467 : memref<1x2048xi32, #tpu.memory_space<hbm>> -> memref<2048xi32, #tpu.memory_space<hbm>>
    tpu.wait_dma2 semaphore(%dma_wait3A_466 : memref<!tpu.dma_semaphore, #tpu.memory_space<semaphore_mem>>) src(%dma_wait3A_468 : memref<2048xi32, #tpu.memory_space<hbm>>) dst(%arg8 : memref<2048xi32, #tpu.memory_space<vmem>>)
    %dma_wait3A_469 = arith.constant 2 : i32
    %dma_wait3A_470 = arith.constant 0 : i32
    %dma_wait3A_471 = tpu.memref_slice %arg5[%dma_wait3A_469, %mul3A_381, %add3A_385] : memref<4x64x8192xf32, #tpu.memory_space<hbm>> -> memref<1x8x2048xf32, #tpu.memory_space<hbm>>
    %dma_wait3A_472 = tpu.memref_squeeze %dma_wait3A_471 : memref<1x8x2048xf32, #tpu.memory_space<hbm>> -> memref<8x2048xf32, #tpu.memory_space<hbm>>
    %dma_wait3A_473 = tpu.memref_slice %arg13[%dma_wait3A_470] : memref<2x!tpu.dma_semaphore, #tpu.memory_space<semaphore_mem>> -> memref<1x!tpu.dma_semaphore, #tpu.memory_space<semaphore_mem>>
    %dma_wait3A_474 = tpu.memref_squeeze %dma_wait3A_473 : memref<1x!tpu.dma_semaphore, #tpu.memory_space<semaphore_mem>> -> memref<!tpu.dma_semaphore, #tpu.memory_space<semaphore_mem>>
    %dma_wait3A_475 = tpu.memref_slice %arg5[%dma_wait3A_469, %mul3A_381, %add3A_385] : memref<4x64x8192xf32, #tpu.memory_space<hbm>> -> memref<1x8x2048xf32, #tpu.memory_space<hbm>>
    %dma_wait3A_476 = tpu.memref_squeeze %dma_wait3A_475 : memref<1x8x2048xf32, #tpu.memory_space<hbm>> -> memref<8x2048xf32, #tpu.memory_space<hbm>>
    tpu.wait_dma2 semaphore(%dma_wait3A_474 : memref<!tpu.dma_semaphore, #tpu.memory_space<semaphore_mem>>) src(%arg10 : memref<8x2048xf32, #tpu.memory_space<vmem>>) dst(%dma_wait3A_476 : memref<8x2048xf32, #tpu.memory_space<hbm>>)
    %broadcast_in_dim3A_477 = arith.constant 0 : i32
    %broadcast_in_dim3A_478 = vector.broadcast %broadcast_in_dim3A_477 : i32 to vector<16xi32>
    %broadcast_in_dim3A_479 = arith.constant 1 : i32
    %broadcast_in_dim3A_480 = vector.broadcast %broadcast_in_dim3A_479 : i32 to vector<16xi32>
    %broadcast_in_dim3A_481 = arith.constant 2 : i32
    %broadcast_in_dim3A_482 = vector.broadcast %broadcast_in_dim3A_481 : i32 to vector<16xi32>
    %broadcast_in_dim3A_483 = arith.constant 3 : i32
    %broadcast_in_dim3A_484 = vector.broadcast %broadcast_in_dim3A_483 : i32 to vector<16xi32>
    %broadcast_in_dim3A_485 = arith.constant 4 : i32
    %broadcast_in_dim3A_486 = vector.broadcast %broadcast_in_dim3A_485 : i32 to vector<16xi32>
    %broadcast_in_dim3A_487 = arith.constant 5 : i32
    %broadcast_in_dim3A_488 = vector.broadcast %broadcast_in_dim3A_487 : i32 to vector<16xi32>
    %broadcast_in_dim3A_489 = arith.constant 6 : i32
    %broadcast_in_dim3A_490 = vector.broadcast %broadcast_in_dim3A_489 : i32 to vector<16xi32>
    %broadcast_in_dim3A_491 = arith.constant 7 : i32
    %broadcast_in_dim3A_492 = vector.broadcast %broadcast_in_dim3A_491 : i32 to vector<16xi32>
    %parallel_loop3A_493 = arith.constant 0 : i32
    %parallel_loop3A_494 = arith.constant 2048 : i32
    %parallel_loop3A_495 = arith.constant 16 : i32
    scf.for %parallel_loop3A_579 = %parallel_loop3A_493 to %parallel_loop3A_494 step %parallel_loop3A_495  : i32 {
      %parallel_loop3A_580 = arith.index_cast %parallel_loop3A_579 : i32 to index
      %parallel_loop3A_581 = tpu.vector_load %arg8[%parallel_loop3A_580] {strides = array<i32>} : memref<2048xi32, #tpu.memory_space<vmem>>, vector<16xi32>,
      %parallel_loop3A_582 = tpu.vector_load_idx %arg7[%broadcast_in_dim3A_478, %parallel_loop3A_581] : memref<8x8192xf32, #tpu.memory_space<vmem>>[vector<16xi32>, vector<16xi32>], vector<16xf32>,
      %parallel_loop3A_583 = arith.constant 0 : i32
      %parallel_loop3A_584 = arith.index_cast %parallel_loop3A_583 : i32 to index
      %parallel_loop3A_585 = arith.index_cast %parallel_loop3A_579 : i32 to index
      %parallel_loop3A_586 = tpu.vector_load %arg10[%parallel_loop3A_584, %parallel_loop3A_585] {strides = array<i32>} : memref<8x2048xf32, #tpu.memory_space<vmem>>, vector<16xf32>,
      tpu.vector_store %arg10[%parallel_loop3A_584, %parallel_loop3A_585], %parallel_loop3A_582 {strides = array<i32>} : memref<8x2048xf32, #tpu.memory_space<vmem>>, vector<16xf32>,
      %parallel_loop3A_587 = tpu.vector_load_idx %arg7[%broadcast_in_dim3A_480, %parallel_loop3A_581] : memref<8x8192xf32, #tpu.memory_space<vmem>>[vector<16xi32>, vector<16xi32>], vector<16xf32>,
      %parallel_loop3A_588 = arith.constant 1 : i32
      %parallel_loop3A_589 = arith.index_cast %parallel_loop3A_588 : i32 to index
      %parallel_loop3A_590 = arith.index_cast %parallel_loop3A_579 : i32 to index
      %parallel_loop3A_591 = tpu.vector_load %arg10[%parallel_loop3A_589, %parallel_loop3A_590] {strides = array<i32>} : memref<8x2048xf32, #tpu.memory_space<vmem>>, vector<16xf32>,
      tpu.vector_store %arg10[%parallel_loop3A_589, %parallel_loop3A_590], %parallel_loop3A_587 {strides = array<i32>} : memref<8x2048xf32, #tpu.memory_space<vmem>>, vector<16xf32>,
      %parallel_loop3A_592 = tpu.vector_load_idx %arg7[%broadcast_in_dim3A_482, %parallel_loop3A_581] : memref<8x8192xf32, #tpu.memory_space<vmem>>[vector<16xi32>, vector<16xi32>], vector<16xf32>,
      %parallel_loop3A_593 = arith.constant 2 : i32
      %parallel_loop3A_594 = arith.index_cast %parallel_loop3A_593 : i32 to index
      %parallel_loop3A_595 = arith.index_cast %parallel_loop3A_579 : i32 to index
      %parallel_loop3A_596 = tpu.vector_load %arg10[%parallel_loop3A_594, %parallel_loop3A_595] {strides = array<i32>} : memref<8x2048xf32, #tpu.memory_space<vmem>>, vector<16xf32>,
      tpu.vector_store %arg10[%parallel_loop3A_594, %parallel_loop3A_595], %parallel_loop3A_592 {strides = array<i32>} : memref<8x2048xf32, #tpu.memory_space<vmem>>, vector<16xf32>,
      %parallel_loop3A_597 = tpu.vector_load_idx %arg7[%broadcast_in_dim3A_484, %parallel_loop3A_581] : memref<8x8192xf32, #tpu.memory_space<vmem>>[vector<16xi32>, vector<16xi32>], vector<16xf32>,
      %parallel_loop3A_598 = arith.constant 3 : i32
      %parallel_loop3A_599 = arith.index_cast %parallel_loop3A_598 : i32 to index
      %parallel_loop3A_600 = arith.index_cast %parallel_loop3A_579 : i32 to index
      %parallel_loop3A_601 = tpu.vector_load %arg10[%parallel_loop3A_599, %parallel_loop3A_600] {strides = array<i32>} : memref<8x2048xf32, #tpu.memory_space<vmem>>, vector<16xf32>,
      tpu.vector_store %arg10[%parallel_loop3A_599, %parallel_loop3A_600], %parallel_loop3A_597 {strides = array<i32>} : memref<8x2048xf32, #tpu.memory_space<vmem>>, vector<16xf32>,
      %parallel_loop3A_602 = tpu.vector_load_idx %arg7[%broadcast_in_dim3A_486, %parallel_loop3A_581] : memref<8x8192xf32, #tpu.memory_space<vmem>>[vector<16xi32>, vector<16xi32>], vector<16xf32>,
      %parallel_loop3A_603 = arith.constant 4 : i32
      %parallel_loop3A_604 = arith.index_cast %parallel_loop3A_603 : i32 to index
      %parallel_loop3A_605 = arith.index_cast %parallel_loop3A_579 : i32 to index
      %parallel_loop3A_606 = tpu.vector_load %arg10[%parallel_loop3A_604, %parallel_loop3A_605] {strides = array<i32>} : memref<8x2048xf32, #tpu.memory_space<vmem>>, vector<16xf32>,
      tpu.vector_store %arg10[%parallel_loop3A_604, %parallel_loop3A_605], %parallel_loop3A_602 {strides = array<i32>} : memref<8x2048xf32, #tpu.memory_space<vmem>>, vector<16xf32>,
      %parallel_loop3A_607 = tpu.vector_load_idx %arg7[%broadcast_in_dim3A_488, %parallel_loop3A_581] : memref<8x8192xf32, #tpu.memory_space<vmem>>[vector<16xi32>, vector<16xi32>], vector<16xf32>,
      %parallel_loop3A_608 = arith.constant 5 : i32
      %parallel_loop3A_609 = arith.index_cast %parallel_loop3A_608 : i32 to index
      %parallel_loop3A_610 = arith.index_cast %parallel_loop3A_579 : i32 to index
      %parallel_loop3A_611 = tpu.vector_load %arg10[%parallel_loop3A_609, %parallel_loop3A_610] {strides = array<i32>} : memref<8x2048xf32, #tpu.memory_space<vmem>>, vector<16xf32>,
      tpu.vector_store %arg10[%parallel_loop3A_609, %parallel_loop3A_610], %parallel_loop3A_607 {strides = array<i32>} : memref<8x2048xf32, #tpu.memory_space<vmem>>, vector<16xf32>,
      %parallel_loop3A_612 = tpu.vector_load_idx %arg7[%broadcast_in_dim3A_490, %parallel_loop3A_581] : memref<8x8192xf32, #tpu.memory_space<vmem>>[vector<16xi32>, vector<16xi32>], vector<16xf32>,
      %parallel_loop3A_613 = arith.constant 6 : i32
      %parallel_loop3A_614 = arith.index_cast %parallel_loop3A_613 : i32 to index
      %parallel_loop3A_615 = arith.index_cast %parallel_loop3A_579 : i32 to index
      %parallel_loop3A_616 = tpu.vector_load %arg10[%parallel_loop3A_614, %parallel_loop3A_615] {strides = array<i32>} : memref<8x2048xf32, #tpu.memory_space<vmem>>, vector<16xf32>,
      tpu.vector_store %arg10[%parallel_loop3A_614, %parallel_loop3A_615], %parallel_loop3A_612 {strides = array<i32>} : memref<8x2048xf32, #tpu.memory_space<vmem>>, vector<16xf32>,
      %parallel_loop3A_617 = tpu.vector_load_idx %arg7[%broadcast_in_dim3A_492, %parallel_loop3A_581] : memref<8x8192xf32, #tpu.memory_space<vmem>>[vector<16xi32>, vector<16xi32>], vector<16xf32>,
      %parallel_loop3A_618 = arith.constant 7 : i32
      %parallel_loop3A_619 = arith.index_cast %parallel_loop3A_618 : i32 to index
      %parallel_loop3A_620 = arith.index_cast %parallel_loop3A_579 : i32 to index
      %parallel_loop3A_621 = tpu.vector_load %arg10[%parallel_loop3A_619, %parallel_loop3A_620] {strides = array<i32>} : memref<8x2048xf32, #tpu.memory_space<vmem>>, vector<16xf32>,
      tpu.vector_store %arg10[%parallel_loop3A_619, %parallel_loop3A_620], %parallel_loop3A_617 {strides = array<i32>} : memref<8x2048xf32, #tpu.memory_space<vmem>>, vector<16xf32>,
    } {sc.loop_unroll_factor = 4 : i64, sc.parallel_access}
    %eq3A_496 = arith.constant 0 : i32
    %eq3A_497 = arith.cmpi eq, %select_n3A, %eq3A_496 : i32
    %convert_element_type3A_498 = arith.extui %eq3A_497 : i1 to i32
    %cond3A_499 = arith.constant 0 : i32
    %cond3A_500 = arith.cmpi ne, %convert_element_type3A_498, %cond3A_499 : i32
    scf.if %cond3A_500 {
      %mul3A_579 = arith.constant 8 : i32
      %mul3A_580 = arith.muli %select_n3A_54, %mul3A_579 : i32
      %mul3A_581 = arith.constant 4096 : i32
      %mul3A_582 = arith.muli %select_n3A_70, %mul3A_581 : i32
      %add3A_583 = arith.constant 0 : i32
      %add3A_584 = arith.addi %mul3A_582, %add3A_583 : i32
      %dma_start3A_585 = arith.constant 3 : i32
      %dma_start3A_586 = arith.constant 0 : i32
      %dma_start3A_587 = tpu.memref_slice %arg5[%dma_start3A_585, %mul3A_580, %add3A_584] : memref<4x64x8192xf32, #tpu.memory_space<hbm>> -> memref<1x8x2048xf32, #tpu.memory_space<hbm>>
      %dma_start3A_588 = tpu.memref_squeeze %dma_start3A_587 : memref<1x8x2048xf32, #tpu.memory_space<hbm>> -> memref<8x2048xf32, #tpu.memory_space<hbm>>
      %dma_start3A_589 = tpu.memref_slice %arg13[%dma_start3A_586] : memref<2x!tpu.dma_semaphore, #tpu.memory_space<semaphore_mem>> -> memref<1x!tpu.dma_semaphore, #tpu.memory_space<semaphore_mem>>
      %dma_start3A_590 = tpu.memref_squeeze %dma_start3A_589 : memref<1x!tpu.dma_semaphore, #tpu.memory_space<semaphore_mem>> -> memref<!tpu.dma_semaphore, #tpu.memory_space<semaphore_mem>>
      %dma_start3A_591 = tpu.memref_slice %arg5[%dma_start3A_585, %mul3A_580, %add3A_584] : memref<4x64x8192xf32, #tpu.memory_space<hbm>> -> memref<1x8x2048xf32, #tpu.memory_space<hbm>>
      %dma_start3A_592 = tpu.memref_squeeze %dma_start3A_591 : memref<1x8x2048xf32, #tpu.memory_space<hbm>> -> memref<8x2048xf32, #tpu.memory_space<hbm>>
      tpu.enqueue_dma source(%arg10 : memref<8x2048xf32, #tpu.memory_space<vmem>>) target(%dma_start3A_592 : memref<8x2048xf32, #tpu.memory_space<hbm>>) target_semaphore(%dma_start3A_590 : memref<!tpu.dma_semaphore, #tpu.memory_space<semaphore_mem>>)
    } else {
    }
    %eq3A_501 = arith.constant 1 : i32
    %eq3A_502 = arith.cmpi eq, %select_n3A, %eq3A_501 : i32
    %convert_element_type3A_503 = arith.extui %eq3A_502 : i1 to i32
    %cond3A_504 = arith.constant 0 : i32
    %cond3A_505 = arith.cmpi ne, %convert_element_type3A_503, %cond3A_504 : i32
    scf.if %cond3A_505 {
      %mul3A_579 = arith.constant 8 : i32
      %mul3A_580 = arith.muli %select_n3A_54, %mul3A_579 : i32
      %mul3A_581 = arith.constant 4096 : i32
      %mul3A_582 = arith.muli %select_n3A_70, %mul3A_581 : i32
      %add3A_583 = arith.constant 0 : i32
      %add3A_584 = arith.addi %mul3A_582, %add3A_583 : i32
      %dma_start3A_585 = arith.constant 3 : i32
      %dma_start3A_586 = arith.constant 0 : i32
      %dma_start3A_587 = tpu.memref_slice %arg6[%dma_start3A_585, %mul3A_580, %add3A_584] : memref<4x64x8192xf32, #tpu.memory_space<hbm>> -> memref<1x8x2048xf32, #tpu.memory_space<hbm>>
      %dma_start3A_588 = tpu.memref_squeeze %dma_start3A_587 : memref<1x8x2048xf32, #tpu.memory_space<hbm>> -> memref<8x2048xf32, #tpu.memory_space<hbm>>
      %dma_start3A_589 = tpu.memref_slice %arg13[%dma_start3A_586] : memref<2x!tpu.dma_semaphore, #tpu.memory_space<semaphore_mem>> -> memref<1x!tpu.dma_semaphore, #tpu.memory_space<semaphore_mem>>
      %dma_start3A_590 = tpu.memref_squeeze %dma_start3A_589 : memref<1x!tpu.dma_semaphore, #tpu.memory_space<semaphore_mem>> -> memref<!tpu.dma_semaphore, #tpu.memory_space<semaphore_mem>>
      %dma_start3A_591 = tpu.memref_slice %arg6[%dma_start3A_585, %mul3A_580, %add3A_584] : memref<4x64x8192xf32, #tpu.memory_space<hbm>> -> memref<1x8x2048xf32, #tpu.memory_space<hbm>>
      %dma_start3A_592 = tpu.memref_squeeze %dma_start3A_591 : memref<1x8x2048xf32, #tpu.memory_space<hbm>> -> memref<8x2048xf32, #tpu.memory_space<hbm>>
      tpu.enqueue_dma source(%arg10 : memref<8x2048xf32, #tpu.memory_space<vmem>>) target(%dma_start3A_592 : memref<8x2048xf32, #tpu.memory_space<hbm>>) target_semaphore(%dma_start3A_590 : memref<!tpu.dma_semaphore, #tpu.memory_space<semaphore_mem>>)
    } else {
    }
    %mul3A_506 = arith.constant 8 : i32
    %mul3A_507 = arith.muli %select_n3A_54, %mul3A_506 : i32
    %mul3A_508 = arith.constant 4096 : i32
    %mul3A_509 = arith.muli %select_n3A_70, %mul3A_508 : i32
    %add3A_510 = arith.constant 0 : i32
    %add3A_511 = arith.addi %mul3A_509, %add3A_510 : i32
    %dma_wait3A_512 = arith.constant 3 : i32
    %dma_wait3A_513 = arith.constant 1 : i32
    %dma_wait3A_514 = tpu.memref_slice %arg2[%dma_wait3A_512, %add3A_452] : memref<4x8192xi32, #tpu.memory_space<hbm>> -> memref<1x2048xi32, #tpu.memory_space<hbm>>
    %dma_wait3A_515 = tpu.memref_squeeze %dma_wait3A_514 : memref<1x2048xi32, #tpu.memory_space<hbm>> -> memref<2048xi32, #tpu.memory_space<hbm>>
    %dma_wait3A_516 = tpu.memref_slice %arg12[%dma_wait3A_513] : memref<2x!tpu.dma_semaphore, #tpu.memory_space<semaphore_mem>> -> memref<1x!tpu.dma_semaphore, #tpu.memory_space<semaphore_mem>>
    %dma_wait3A_517 = tpu.memref_squeeze %dma_wait3A_516 : memref<1x!tpu.dma_semaphore, #tpu.memory_space<semaphore_mem>> -> memref<!tpu.dma_semaphore, #tpu.memory_space<semaphore_mem>>
    %dma_wait3A_518 = tpu.memref_slice %arg2[%dma_wait3A_512, %add3A_452] : memref<4x8192xi32, #tpu.memory_space<hbm>> -> memref<1x2048xi32, #tpu.memory_space<hbm>>
    %dma_wait3A_519 = tpu.memref_squeeze %dma_wait3A_518 : memref<1x2048xi32, #tpu.memory_space<hbm>> -> memref<2048xi32, #tpu.memory_space<hbm>>
    tpu.wait_dma2 semaphore(%dma_wait3A_517 : memref<!tpu.dma_semaphore, #tpu.memory_space<semaphore_mem>>) src(%dma_wait3A_519 : memref<2048xi32, #tpu.memory_space<hbm>>) dst(%arg9 : memref<2048xi32, #tpu.memory_space<vmem>>)
    %dma_wait3A_520 = arith.constant 2 : i32
    %dma_wait3A_521 = arith.constant 1 : i32
    %dma_wait3A_522 = tpu.memref_slice %arg5[%dma_wait3A_520, %mul3A_444, %add3A_448] : memref<4x64x8192xf32, #tpu.memory_space<hbm>> -> memref<1x8x2048xf32, #tpu.memory_space<hbm>>
    %dma_wait3A_523 = tpu.memref_squeeze %dma_wait3A_522 : memref<1x8x2048xf32, #tpu.memory_space<hbm>> -> memref<8x2048xf32, #tpu.memory_space<hbm>>
    %dma_wait3A_524 = tpu.memref_slice %arg13[%dma_wait3A_521] : memref<2x!tpu.dma_semaphore, #tpu.memory_space<semaphore_mem>> -> memref<1x!tpu.dma_semaphore, #tpu.memory_space<semaphore_mem>>
    %dma_wait3A_525 = tpu.memref_squeeze %dma_wait3A_524 : memref<1x!tpu.dma_semaphore, #tpu.memory_space<semaphore_mem>> -> memref<!tpu.dma_semaphore, #tpu.memory_space<semaphore_mem>>
    %dma_wait3A_526 = tpu.memref_slice %arg5[%dma_wait3A_520, %mul3A_444, %add3A_448] : memref<4x64x8192xf32, #tpu.memory_space<hbm>> -> memref<1x8x2048xf32, #tpu.memory_space<hbm>>
    %dma_wait3A_527 = tpu.memref_squeeze %dma_wait3A_526 : memref<1x8x2048xf32, #tpu.memory_space<hbm>> -> memref<8x2048xf32, #tpu.memory_space<hbm>>
    tpu.wait_dma2 semaphore(%dma_wait3A_525 : memref<!tpu.dma_semaphore, #tpu.memory_space<semaphore_mem>>) src(%arg11 : memref<8x2048xf32, #tpu.memory_space<vmem>>) dst(%dma_wait3A_527 : memref<8x2048xf32, #tpu.memory_space<hbm>>)
    %broadcast_in_dim3A_528 = arith.constant 0 : i32
    %broadcast_in_dim3A_529 = vector.broadcast %broadcast_in_dim3A_528 : i32 to vector<16xi32>
    %broadcast_in_dim3A_530 = arith.constant 1 : i32
    %broadcast_in_dim3A_531 = vector.broadcast %broadcast_in_dim3A_530 : i32 to vector<16xi32>
    %broadcast_in_dim3A_532 = arith.constant 2 : i32
    %broadcast_in_dim3A_533 = vector.broadcast %broadcast_in_dim3A_532 : i32 to vector<16xi32>
    %broadcast_in_dim3A_534 = arith.constant 3 : i32
    %broadcast_in_dim3A_535 = vector.broadcast %broadcast_in_dim3A_534 : i32 to vector<16xi32>
    %broadcast_in_dim3A_536 = arith.constant 4 : i32
    %broadcast_in_dim3A_537 = vector.broadcast %broadcast_in_dim3A_536 : i32 to vector<16xi32>
    %broadcast_in_dim3A_538 = arith.constant 5 : i32
    %broadcast_in_dim3A_539 = vector.broadcast %broadcast_in_dim3A_538 : i32 to vector<16xi32>
    %broadcast_in_dim3A_540 = arith.constant 6 : i32
    %broadcast_in_dim3A_541 = vector.broadcast %broadcast_in_dim3A_540 : i32 to vector<16xi32>
    %broadcast_in_dim3A_542 = arith.constant 7 : i32
    %broadcast_in_dim3A_543 = vector.broadcast %broadcast_in_dim3A_542 : i32 to vector<16xi32>
    %parallel_loop3A_544 = arith.constant 0 : i32
    %parallel_loop3A_545 = arith.constant 2048 : i32
    %parallel_loop3A_546 = arith.constant 16 : i32
    scf.for %parallel_loop3A_579 = %parallel_loop3A_544 to %parallel_loop3A_545 step %parallel_loop3A_546  : i32 {
      %parallel_loop3A_580 = arith.index_cast %parallel_loop3A_579 : i32 to index
      %parallel_loop3A_581 = tpu.vector_load %arg9[%parallel_loop3A_580] {strides = array<i32>} : memref<2048xi32, #tpu.memory_space<vmem>>, vector<16xi32>,
      %parallel_loop3A_582 = tpu.vector_load_idx %arg7[%broadcast_in_dim3A_529, %parallel_loop3A_581] : memref<8x8192xf32, #tpu.memory_space<vmem>>[vector<16xi32>, vector<16xi32>], vector<16xf32>,
      %parallel_loop3A_583 = arith.constant 0 : i32
      %parallel_loop3A_584 = arith.index_cast %parallel_loop3A_583 : i32 to index
      %parallel_loop3A_585 = arith.index_cast %parallel_loop3A_579 : i32 to index
      %parallel_loop3A_586 = tpu.vector_load %arg11[%parallel_loop3A_584, %parallel_loop3A_585] {strides = array<i32>} : memref<8x2048xf32, #tpu.memory_space<vmem>>, vector<16xf32>,
      tpu.vector_store %arg11[%parallel_loop3A_584, %parallel_loop3A_585], %parallel_loop3A_582 {strides = array<i32>} : memref<8x2048xf32, #tpu.memory_space<vmem>>, vector<16xf32>,
      %parallel_loop3A_587 = tpu.vector_load_idx %arg7[%broadcast_in_dim3A_531, %parallel_loop3A_581] : memref<8x8192xf32, #tpu.memory_space<vmem>>[vector<16xi32>, vector<16xi32>], vector<16xf32>,
      %parallel_loop3A_588 = arith.constant 1 : i32
      %parallel_loop3A_589 = arith.index_cast %parallel_loop3A_588 : i32 to index
      %parallel_loop3A_590 = arith.index_cast %parallel_loop3A_579 : i32 to index
      %parallel_loop3A_591 = tpu.vector_load %arg11[%parallel_loop3A_589, %parallel_loop3A_590] {strides = array<i32>} : memref<8x2048xf32, #tpu.memory_space<vmem>>, vector<16xf32>,
      tpu.vector_store %arg11[%parallel_loop3A_589, %parallel_loop3A_590], %parallel_loop3A_587 {strides = array<i32>} : memref<8x2048xf32, #tpu.memory_space<vmem>>, vector<16xf32>,
      %parallel_loop3A_592 = tpu.vector_load_idx %arg7[%broadcast_in_dim3A_533, %parallel_loop3A_581] : memref<8x8192xf32, #tpu.memory_space<vmem>>[vector<16xi32>, vector<16xi32>], vector<16xf32>,
      %parallel_loop3A_593 = arith.constant 2 : i32
      %parallel_loop3A_594 = arith.index_cast %parallel_loop3A_593 : i32 to index
      %parallel_loop3A_595 = arith.index_cast %parallel_loop3A_579 : i32 to index
      %parallel_loop3A_596 = tpu.vector_load %arg11[%parallel_loop3A_594, %parallel_loop3A_595] {strides = array<i32>} : memref<8x2048xf32, #tpu.memory_space<vmem>>, vector<16xf32>,
      tpu.vector_store %arg11[%parallel_loop3A_594, %parallel_loop3A_595], %parallel_loop3A_592 {strides = array<i32>} : memref<8x2048xf32, #tpu.memory_space<vmem>>, vector<16xf32>,
      %parallel_loop3A_597 = tpu.vector_load_idx %arg7[%broadcast_in_dim3A_535, %parallel_loop3A_581] : memref<8x8192xf32, #tpu.memory_space<vmem>>[vector<16xi32>, vector<16xi32>], vector<16xf32>,
      %parallel_loop3A_598 = arith.constant 3 : i32
      %parallel_loop3A_599 = arith.index_cast %parallel_loop3A_598 : i32 to index
      %parallel_loop3A_600 = arith.index_cast %parallel_loop3A_579 : i32 to index
      %parallel_loop3A_601 = tpu.vector_load %arg11[%parallel_loop3A_599, %parallel_loop3A_600] {strides = array<i32>} : memref<8x2048xf32, #tpu.memory_space<vmem>>, vector<16xf32>,
      tpu.vector_store %arg11[%parallel_loop3A_599, %parallel_loop3A_600], %parallel_loop3A_597 {strides = array<i32>} : memref<8x2048xf32, #tpu.memory_space<vmem>>, vector<16xf32>,
      %parallel_loop3A_602 = tpu.vector_load_idx %arg7[%broadcast_in_dim3A_537, %parallel_loop3A_581] : memref<8x8192xf32, #tpu.memory_space<vmem>>[vector<16xi32>, vector<16xi32>], vector<16xf32>,
      %parallel_loop3A_603 = arith.constant 4 : i32
      %parallel_loop3A_604 = arith.index_cast %parallel_loop3A_603 : i32 to index
      %parallel_loop3A_605 = arith.index_cast %parallel_loop3A_579 : i32 to index
      %parallel_loop3A_606 = tpu.vector_load %arg11[%parallel_loop3A_604, %parallel_loop3A_605] {strides = array<i32>} : memref<8x2048xf32, #tpu.memory_space<vmem>>, vector<16xf32>,
      tpu.vector_store %arg11[%parallel_loop3A_604, %parallel_loop3A_605], %parallel_loop3A_602 {strides = array<i32>} : memref<8x2048xf32, #tpu.memory_space<vmem>>, vector<16xf32>,
      %parallel_loop3A_607 = tpu.vector_load_idx %arg7[%broadcast_in_dim3A_539, %parallel_loop3A_581] : memref<8x8192xf32, #tpu.memory_space<vmem>>[vector<16xi32>, vector<16xi32>], vector<16xf32>,
      %parallel_loop3A_608 = arith.constant 5 : i32
      %parallel_loop3A_609 = arith.index_cast %parallel_loop3A_608 : i32 to index
      %parallel_loop3A_610 = arith.index_cast %parallel_loop3A_579 : i32 to index
      %parallel_loop3A_611 = tpu.vector_load %arg11[%parallel_loop3A_609, %parallel_loop3A_610] {strides = array<i32>} : memref<8x2048xf32, #tpu.memory_space<vmem>>, vector<16xf32>,
      tpu.vector_store %arg11[%parallel_loop3A_609, %parallel_loop3A_610], %parallel_loop3A_607 {strides = array<i32>} : memref<8x2048xf32, #tpu.memory_space<vmem>>, vector<16xf32>,
      %parallel_loop3A_612 = tpu.vector_load_idx %arg7[%broadcast_in_dim3A_541, %parallel_loop3A_581] : memref<8x8192xf32, #tpu.memory_space<vmem>>[vector<16xi32>, vector<16xi32>], vector<16xf32>,
      %parallel_loop3A_613 = arith.constant 6 : i32
      %parallel_loop3A_614 = arith.index_cast %parallel_loop3A_613 : i32 to index
      %parallel_loop3A_615 = arith.index_cast %parallel_loop3A_579 : i32 to index
      %parallel_loop3A_616 = tpu.vector_load %arg11[%parallel_loop3A_614, %parallel_loop3A_615] {strides = array<i32>} : memref<8x2048xf32, #tpu.memory_space<vmem>>, vector<16xf32>,
      tpu.vector_store %arg11[%parallel_loop3A_614, %parallel_loop3A_615], %parallel_loop3A_612 {strides = array<i32>} : memref<8x2048xf32, #tpu.memory_space<vmem>>, vector<16xf32>,
      %parallel_loop3A_617 = tpu.vector_load_idx %arg7[%broadcast_in_dim3A_543, %parallel_loop3A_581] : memref<8x8192xf32, #tpu.memory_space<vmem>>[vector<16xi32>, vector<16xi32>], vector<16xf32>,
      %parallel_loop3A_618 = arith.constant 7 : i32
      %parallel_loop3A_619 = arith.index_cast %parallel_loop3A_618 : i32 to index
      %parallel_loop3A_620 = arith.index_cast %parallel_loop3A_579 : i32 to index
      %parallel_loop3A_621 = tpu.vector_load %arg11[%parallel_loop3A_619, %parallel_loop3A_620] {strides = array<i32>} : memref<8x2048xf32, #tpu.memory_space<vmem>>, vector<16xf32>,
      tpu.vector_store %arg11[%parallel_loop3A_619, %parallel_loop3A_620], %parallel_loop3A_617 {strides = array<i32>} : memref<8x2048xf32, #tpu.memory_space<vmem>>, vector<16xf32>,
    } {sc.loop_unroll_factor = 4 : i64, sc.parallel_access}
    %eq3A_547 = arith.constant 0 : i32
    %eq3A_548 = arith.cmpi eq, %select_n3A, %eq3A_547 : i32
    %convert_element_type3A_549 = arith.extui %eq3A_548 : i1 to i32
    %cond3A_550 = arith.constant 0 : i32
    %cond3A_551 = arith.cmpi ne, %convert_element_type3A_549, %cond3A_550 : i32
    scf.if %cond3A_551 {
      %mul3A_579 = arith.constant 8 : i32
      %mul3A_580 = arith.muli %select_n3A_54, %mul3A_579 : i32
      %mul3A_581 = arith.constant 4096 : i32
      %mul3A_582 = arith.muli %select_n3A_70, %mul3A_581 : i32
      %add3A_583 = arith.constant 2048 : i32
      %add3A_584 = arith.addi %mul3A_582, %add3A_583 : i32
      %dma_start3A_585 = arith.constant 3 : i32
      %dma_start3A_586 = arith.constant 1 : i32
      %dma_start3A_587 = tpu.memref_slice %arg5[%dma_start3A_585, %mul3A_580, %add3A_584] : memref<4x64x8192xf32, #tpu.memory_space<hbm>> -> memref<1x8x2048xf32, #tpu.memory_space<hbm>>
      %dma_start3A_588 = tpu.memref_squeeze %dma_start3A_587 : memref<1x8x2048xf32, #tpu.memory_space<hbm>> -> memref<8x2048xf32, #tpu.memory_space<hbm>>
      %dma_start3A_589 = tpu.memref_slice %arg13[%dma_start3A_586] : memref<2x!tpu.dma_semaphore, #tpu.memory_space<semaphore_mem>> -> memref<1x!tpu.dma_semaphore, #tpu.memory_space<semaphore_mem>>
      %dma_start3A_590 = tpu.memref_squeeze %dma_start3A_589 : memref<1x!tpu.dma_semaphore, #tpu.memory_space<semaphore_mem>> -> memref<!tpu.dma_semaphore, #tpu.memory_space<semaphore_mem>>
      %dma_start3A_591 = tpu.memref_slice %arg5[%dma_start3A_585, %mul3A_580, %add3A_584] : memref<4x64x8192xf32, #tpu.memory_space<hbm>> -> memref<1x8x2048xf32, #tpu.memory_space<hbm>>
      %dma_start3A_592 = tpu.memref_squeeze %dma_start3A_591 : memref<1x8x2048xf32, #tpu.memory_space<hbm>> -> memref<8x2048xf32, #tpu.memory_space<hbm>>
      tpu.enqueue_dma source(%arg11 : memref<8x2048xf32, #tpu.memory_space<vmem>>) target(%dma_start3A_592 : memref<8x2048xf32, #tpu.memory_space<hbm>>) target_semaphore(%dma_start3A_590 : memref<!tpu.dma_semaphore, #tpu.memory_space<semaphore_mem>>)
    } else {
    }
    %eq3A_552 = arith.constant 1 : i32
    %eq3A_553 = arith.cmpi eq, %select_n3A, %eq3A_552 : i32
    %convert_element_type3A_554 = arith.extui %eq3A_553 : i1 to i32
    %cond3A_555 = arith.constant 0 : i32
    %cond3A_556 = arith.cmpi ne, %convert_element_type3A_554, %cond3A_555 : i32
    scf.if %cond3A_556 {
      %mul3A_579 = arith.constant 8 : i32
      %mul3A_580 = arith.muli %select_n3A_54, %mul3A_579 : i32
      %mul3A_581 = arith.constant 4096 : i32
      %mul3A_582 = arith.muli %select_n3A_70, %mul3A_581 : i32
      %add3A_583 = arith.constant 2048 : i32
      %add3A_584 = arith.addi %mul3A_582, %add3A_583 : i32
      %dma_start3A_585 = arith.constant 3 : i32
      %dma_start3A_586 = arith.constant 1 : i32
      %dma_start3A_587 = tpu.memref_slice %arg6[%dma_start3A_585, %mul3A_580, %add3A_584] : memref<4x64x8192xf32, #tpu.memory_space<hbm>> -> memref<1x8x2048xf32, #tpu.memory_space<hbm>>
      %dma_start3A_588 = tpu.memref_squeeze %dma_start3A_587 : memref<1x8x2048xf32, #tpu.memory_space<hbm>> -> memref<8x2048xf32, #tpu.memory_space<hbm>>
      %dma_start3A_589 = tpu.memref_slice %arg13[%dma_start3A_586] : memref<2x!tpu.dma_semaphore, #tpu.memory_space<semaphore_mem>> -> memref<1x!tpu.dma_semaphore, #tpu.memory_space<semaphore_mem>>
      %dma_start3A_590 = tpu.memref_squeeze %dma_start3A_589 : memref<1x!tpu.dma_semaphore, #tpu.memory_space<semaphore_mem>> -> memref<!tpu.dma_semaphore, #tpu.memory_space<semaphore_mem>>
      %dma_start3A_591 = tpu.memref_slice %arg6[%dma_start3A_585, %mul3A_580, %add3A_584] : memref<4x64x8192xf32, #tpu.memory_space<hbm>> -> memref<1x8x2048xf32, #tpu.memory_space<hbm>>
      %dma_start3A_592 = tpu.memref_squeeze %dma_start3A_591 : memref<1x8x2048xf32, #tpu.memory_space<hbm>> -> memref<8x2048xf32, #tpu.memory_space<hbm>>
      tpu.enqueue_dma source(%arg11 : memref<8x2048xf32, #tpu.memory_space<vmem>>) target(%dma_start3A_592 : memref<8x2048xf32, #tpu.memory_space<hbm>>) target_semaphore(%dma_start3A_590 : memref<!tpu.dma_semaphore, #tpu.memory_space<semaphore_mem>>)
    } else {
    }
    %mul3A_557 = arith.constant 8 : i32
    %mul3A_558 = arith.muli %select_n3A_54, %mul3A_557 : i32
    %mul3A_559 = arith.constant 4096 : i32
    %mul3A_560 = arith.muli %select_n3A_70, %mul3A_559 : i32
    %add3A_561 = arith.constant 2048 : i32
    %add3A_562 = arith.addi %mul3A_560, %add3A_561 : i32
    %dma_wait3A_563 = arith.constant 3 : i32
    %dma_wait3A_564 = arith.constant 0 : i32
    %dma_wait3A_565 = tpu.memref_slice %arg5[%dma_wait3A_563, %mul3A_507, %add3A_511] : memref<4x64x8192xf32, #tpu.memory_space<hbm>> -> memref<1x8x2048xf32, #tpu.memory_space<hbm>>
    %dma_wait3A_566 = tpu.memref_squeeze %dma_wait3A_565 : memref<1x8x2048xf32, #tpu.memory_space<hbm>> -> memref<8x2048xf32, #tpu.memory_space<hbm>>
    %dma_wait3A_567 = tpu.memref_slice %arg13[%dma_wait3A_564] : memref<2x!tpu.dma_semaphore, #tpu.memory_space<semaphore_mem>> -> memref<1x!tpu.dma_semaphore, #tpu.memory_space<semaphore_mem>>
    %dma_wait3A_568 = tpu.memref_squeeze %dma_wait3A_567 : memref<1x!tpu.dma_semaphore, #tpu.memory_space<semaphore_mem>> -> memref<!tpu.dma_semaphore, #tpu.memory_space<semaphore_mem>>
    %dma_wait3A_569 = tpu.memref_slice %arg5[%dma_wait3A_563, %mul3A_507, %add3A_511] : memref<4x64x8192xf32, #tpu.memory_space<hbm>> -> memref<1x8x2048xf32, #tpu.memory_space<hbm>>
    %dma_wait3A_570 = tpu.memref_squeeze %dma_wait3A_569 : memref<1x8x2048xf32, #tpu.memory_space<hbm>> -> memref<8x2048xf32, #tpu.memory_space<hbm>>
    tpu.wait_dma2 semaphore(%dma_wait3A_568 : memref<!tpu.dma_semaphore, #tpu.memory_space<semaphore_mem>>) src(%arg10 : memref<8x2048xf32, #tpu.memory_space<vmem>>) dst(%dma_wait3A_570 : memref<8x2048xf32, #tpu.memory_space<hbm>>)
    %dma_wait3A_571 = arith.constant 3 : i32
    %dma_wait3A_572 = arith.constant 1 : i32
    %dma_wait3A_573 = tpu.memref_slice %arg5[%dma_wait3A_571, %mul3A_558, %add3A_562] : memref<4x64x8192xf32, #tpu.memory_space<hbm>> -> memref<1x8x2048xf32, #tpu.memory_space<hbm>>
    %dma_wait3A_574 = tpu.memref_squeeze %dma_wait3A_573 : memref<1x8x2048xf32, #tpu.memory_space<hbm>> -> memref<8x2048xf32, #tpu.memory_space<hbm>>
    %dma_wait3A_575 = tpu.memref_slice %arg13[%dma_wait3A_572] : memref<2x!tpu.dma_semaphore, #tpu.memory_space<semaphore_mem>> -> memref<1x!tpu.dma_semaphore, #tpu.memory_space<semaphore_mem>>
    %dma_wait3A_576 = tpu.memref_squeeze %dma_wait3A_575 : memref<1x!tpu.dma_semaphore, #tpu.memory_space<semaphore_mem>> -> memref<!tpu.dma_semaphore, #tpu.memory_space<semaphore_mem>>
    %dma_wait3A_577 = tpu.memref_slice %arg5[%dma_wait3A_571, %mul3A_558, %add3A_562] : memref<4x64x8192xf32, #tpu.memory_space<hbm>> -> memref<1x8x2048xf32, #tpu.memory_space<hbm>>
    %dma_wait3A_578 = tpu.memref_squeeze %dma_wait3A_577 : memref<1x8x2048xf32, #tpu.memory_space<hbm>> -> memref<8x2048xf32, #tpu.memory_space<hbm>>
    tpu.wait_dma2 semaphore(%dma_wait3A_576 : memref<!tpu.dma_semaphore, #tpu.memory_space<semaphore_mem>>) src(%arg11 : memref<8x2048xf32, #tpu.memory_space<vmem>>) dst(%dma_wait3A_578 : memref<8x2048xf32, #tpu.memory_space<hbm>>)
    return
  }
}

</mosaic_0001>

<sc_bundles>
// kernel: kernel.3.cloned.1.call-start
scs
__scs_entry_jumppad:
0x0: {  	(pc) =	sbr.rel $0x88, $3  }
0x1: {  	(tag) =	ssettag $0x0;
	lr =	simm.s32 $0x1  }
0x2: {  	[smem:$0x3F9E] =	sst lr;
	_ =	strace $0xD0000000  }
0x3: {  	_ = 	snop  }
0x4: {  	_ = 	snop  }
0x5: {  	_ = 	snop  }
0x6: {  	_ = 	snop  }
0x7: {  	_ = 	snop  }
__scs_overlays_trampoline_lowered:
0x8: {  	[smem:$0x3FAD] =	sst s0  }
0x9: {  	[smem:$0x3FAE] =	sst s1  }
0xa: {  	[smem:$0x3FAF] =	sst s2  }
0xb: {  	[smem:$0x3FB0] =	sst s3  }
0xc: {  	[smem:$0x3FB1] =	sst s4  }
0xd: {  	[smem:$0x3FB2] =	sst s5  }
0xe: {  	[smem:$0x3FB3] =	sst s6  }
0xf: {  	[smem:$0x3FB4] =	sst s7  }
0x10: {  	[smem:$0x3FB5] =	sst s8  }
0x11: {  	[smem:$0x3FB6] =	sst s9;
	s0 =	simm.s32 @!p0 $0x0  }
0x12: {  	s1 =	sld [smem:$0x3F9C];
	s0 =	simm.s32 @p0 $0x1  }
0x13: {  	[smem:$0x3FB7] =	sst s0;
	s0 =	simm.s32 @!p1 $0x0  }
0x14: {  	s2 =	sld [smem:$0x3F9B];
	s0 =	simm.s32 @p1 $0x1  }
0x15: {  	[smem:$0x3FB8] =	sst s0;
	s0 =	simm.s32 @!p2 $0x0  }
0x16: {  	s3 =	sld [smem:$0x3FDB];
	s0 =	simm.s32 @p2 $0x1  }
0x17: {  	s4 =	simm.s32 $0x1BF5;
	[smem:$0x3FBA] =	sst s0  }
0x18: {  	s0 =	sld [smem:$0x3F9D];
	_ =	swait.ge [sflag:s4], $0x0  }
0x19: {  	s7 =	sld [smem:$0x3F9E]  }
0x1a: {  	s8 =	sadd.s32 $0xFFFFE003, lr  }
0x1b: {  	s9 =	sadd.s32 $0xFFFFFEF7, lr;
	s5 =	simm.s32 $0xFFFFFFFF;
	p2 =	slt.u32 s8, $0xFFFFF086  }
0x1c: {  	p1 =	slt.u32 s9, $0xF7A;
	s5 =	simm.s32 @!p2 $0x0  }
0x1d: {  	s5 =	simm.s32 @p1 $0x1;
	p0 =	seq.s32 s7, s2  }
0x1e: {  	s7 =	smul.u32 @!p0 $0xF7A, s2;
	p2 =	seq.s32 @!p0 s5, $0x0  }
0x1f: {  	s9 =	smul.u32 $0xF7A, s1;
	s8 =	simm.s32 @!p0 $0x1BF5;
	p2 =	por !p2, p0  }
0x20: {  	[sflag:s8] =	ssyncset.s32 @!p0 $0xFFFFF086;
	s6 =	sadd.s32 @!p0 s3, s7;
	s7 =	simm.s32 @!p0 $0x108  }
0x21: {  	s3 =	sadd.s32 s3, s9;
	s6 =	sadd.s32 @!p0 $0x88, s6;
	s7 =	simm.s32 @p2 $0x1082  }
0x22: {  	[simem:s7], [sflag:s8] =	dma.local @!p0 [hbm:s6], $0xF7A  }
0x23: {  	s9 =	sor.u32 $0xD0000000, s2;
	s6 =	simm.s32 $0x108;
	_ =	swait.ge @!p0 [sflag:s8], $0x0  }
0x24: {  	s3 =	sadd.s32 $0x88, s3;
	s6 =	simm.s32 @!p1 $0x1082;
	[sflag:s4] =	ssyncset.s32 $0xFFFFF086  }
0x25: {  	[simem:s6], [sflag:s4] =	dma.local [hbm:s3], $0xF7A  }
0x26: {  	[smem:$0x3F9E] =	sst s1;
	(tag) =	ssettag s2;
	_ =	strace s9  }
0x27: {  	s1 =	sld [smem:$0x3FAE]  }
0x28: {  	s2 =	sld [smem:$0x3FAF]  }
0x29: {  	s4 =	sld [smem:$0x3FB1]  }
0x2a: {  	p0 =	seq.s32 s5, $0x0;
	s5 =	sld [smem:$0x3FB2]  }
0x2b: {  	s6 =	sld [smem:$0x3FB3]  }
0x2c: {  	s7 =	sld [smem:$0x3FB4]  }
0x2d: {  	s3 =	simm.s32 $0x108;
	s8 =	sld [smem:$0x3FB5]  }
0x2e: {  	s3 =	simm.s32 @!p0 $0x1082;
	s9 =	sld [smem:$0x3FB6]  }
0x2f: {  	lr =	sadd.s32 s0, s3;
	s0 =	sld [smem:$0x3FAD]  }
0x30: {  	s3 =	sld [smem:$0x3FB0]  }
0x31: {  	[smem:$0x3FB9] =	sst s10  }
0x32: {  	s10 =	sld [smem:$0x3FB7];
	_ =	sdelay $0x3  }
0x33: {  	p0 =	seq.s32 s10, $0x1;
	s10 =	sld [smem:$0x3FB9];
	_ =	sdelay $0x3  }
0x34: {  	[smem:$0x3FB9] =	sst s10  }
0x35: {  	s10 =	sld [smem:$0x3FB8];
	_ =	sdelay $0x3  }
0x36: {  	p1 =	seq.s32 s10, $0x1;
	s10 =	sld [smem:$0x3FB9];
	_ =	sdelay $0x3  }
0x37: {  	[smem:$0x3FB9] =	sst s10  }
0x38: {  	s10 =	sld [smem:$0x3FBA]  }
0x39: {  	_ = 	snop;
	(pc) =	sbr.ind lr, $3  }
0x3a: {  	_ = 	snop  }
0x3b: {  	_ = 	snop  }
0x3c: {  	p2 =	seq.s32 s10, $0x1;
	s10 =	sld [smem:$0x3FB9]  }
0x3d: {  	_ =	shalt  }
0x3e: {  	_ =	shalt  }
0x3f: {  	_ =	shalt  }
0x40: {  	_ =	shalt  }
0x41: {  	_ =	shalt  }
0x42: {  	_ =	shalt  }
0x43: {  	_ =	shalt  }
0x44: {  	_ =	shalt  }
0x45: {  	_ =	shalt  }
0x46: {  	_ =	shalt  }
0x47: {  	_ =	shalt  }
0x48: {  	_ =	shalt  }
0x49: {  	_ =	shalt  }
0x4a: {  	_ =	shalt  }
0x4b: {  	_ =	shalt  }
0x4c: {  	_ =	shalt  }
0x4d: {  	_ =	shalt  }
0x4e: {  	_ =	shalt  }
0x4f: {  	_ =	shalt  }
0x50: {  	_ =	shalt  }
0x51: {  	_ =	shalt  }
0x52: {  	_ =	shalt  }
0x53: {  	_ =	shalt  }
0x54: {  	_ =	shalt  }
0x55: {  	_ =	shalt  }
0x56: {  	_ =	shalt  }
0x57: {  	_ =	shalt  }
0x58: {  	_ =	shalt  }
0x59: {  	_ =	shalt  }
0x5a: {  	_ =	shalt  }
0x5b: {  	_ =	shalt  }
0x5c: {  	_ =	shalt  }
0x5d: {  	_ =	shalt  }
0x5e: {  	_ =	shalt  }
0x5f: {  	_ =	shalt  }
0x60: {  	_ =	shalt  }
0x61: {  	_ =	shalt  }
0x62: {  	_ =	shalt  }
0x63: {  	_ =	shalt  }
0x64: {  	_ =	shalt  }
0x65: {  	_ =	shalt  }
0x66: {  	_ =	shalt  }
0x67: {  	_ =	shalt  }
0x68: {  	_ =	shalt  }
0x69: {  	_ =	shalt  }
0x6a: {  	_ =	shalt  }
0x6b: {  	_ =	shalt  }
0x6c: {  	_ =	shalt  }
0x6d: {  	_ =	shalt  }
0x6e: {  	_ =	shalt  }
0x6f: {  	_ =	shalt  }
0x70: {  	_ =	shalt  }
0x71: {  	_ =	shalt  }
0x72: {  	_ =	shalt  }
0x73: {  	_ =	shalt  }
0x74: {  	_ =	shalt  }
0x75: {  	_ =	shalt  }
0x76: {  	_ =	shalt  }
0x77: {  	_ =	shalt  }
0x78: {  	_ =	shalt  }
0x79: {  	_ =	shalt  }
0x7a: {  	_ =	shalt  }
0x7b: {  	_ =	shalt  }
0x7c: {  	_ =	shalt  }
0x7d: {  	_ =	shalt  }
0x7e: {  	_ =	shalt  }
0x7f: {  	_ =	shalt  }
0x80: {  	_ =	shalt  }
0x81: {  	_ =	shalt  }
0x82: {  	_ =	shalt  }
0x83: {  	_ =	shalt  }
0x84: {  	_ =	shalt  }
0x85: {  	_ =	shalt  }
0x86: {  	_ =	shalt  }
0x87: {  	_ =	shalt  }
.Lfunc_end0:
.L_simem_size_0:
called_computation_lowered:
.L_overlay_start_0:
0x88: {  	s2 =	sld [smem:$0x3FD9]  }
0x89: {  	s3 =	sld [smem:$0x3FFE];
	_ =	sdelay $0x1  }
0x8a: {  	s1 =	srdreg.scid  }
0x8b: {  	s0 =	sand.u32 $0x1, s1  }
0x8c: {  	s15 =	sshll.u32 s0, $0xA;
	s2 =	sadd.s32 s3, s2  }
0x8d: {  	s2 =	sadd.s32 s2, s15  }
0x8e: {  	[smem:$0x3FC5] =	sst s2  }
0x8f: {  	_ = 	snop  }
0x90: {  	s2 =	sld [smem:$0x3FD0]  }
0x91: {  	s16 =	sld [smem:$0x3FC9]  }
0x92: {  	s4 =	sld [smem:$0x3FC8]  }
0x93: {  	s6 =	simm.s32 $0xA;
	s7 =	simm.s32 $0x10;
	s5 =	sld [smem:$0x3FC7]  }
0x94: {  	[smem:s7], [sflag:s6] =	dma.local [hbm:s2], $0x1  }
0x95: {  	_ =	swait.eq [sflag:s6], $0x1  }
0x96: {  	[sflag:s6] =	ssyncset.done $0x0  }
0x97: {  	s17 =	sld [smem:$0x10];
	[sflag:s6] =	ssyncadd.s32 $0xFFFFFFFF  }
0x98: {  	s18 =	sld [smem:$0x11];
	(tm) =	ssettm $0x1  }
0x99: {  	s19 =	sld [smem:$0x3FFB];
	_ =	sdelay $0x3  }
0x9a: {  	_ =	strace s19  }
0x9b: {  	s7 =	sld [smem:$0x3FFC];
	_ =	sdelay $0x3  }
0x9c: {  	_ =	strace s7  }
0x9d: {  	s7 =	sld [smem:$0x3FFD];
	_ =	sdelay $0x3  }
0x9e: {  	_ =	strace s7  }
0x9f: {  	_ =	strace $0x8FFFFFFF  }
0xa0: {  	s20 =	sld [smem:$0x3FDB];
	_ =	sdelay $0x1  }
0xa1: {  	s8 =	simm.s32 $_scs_section_size  }
0xa2: {  	s9 =	simm.s32 $_size__tile_overlayer_lowered;
	s10 =	simm.s32 $_tile_overlayer_lowered  }
0xa3: {  	s23 =	simm.s32 $0x1BFF;
	s22 =	sshll.u32 s10, $0x1;
	s7 =	sadd.s32 s8, s20  }
0xa4: {  	s11 =	simm.s32 $0x0;
	s21 =	sshll.u32 s9, $0x1;
	s9 =	sadd.s32 s22, s7  }
0xa5: {  	[timem:s11], [sflag:s23] =	dma.local [hbm:s9], s21  }
0xa6: {  	_ =	swait.ge [sflag:s23], s21  }
0xa7: {  	s8 =	ssub.s32 $0x0, s21;
	[sflag:s23] =	ssyncset.done $0x0  }
0xa8: {  	[sflag:s23] =	ssyncadd.s32 s8;
	_ =	sdelay $0x1  }
0xa9: {  	s24 =	simm.s32 $0x1B8B  }
0xaa: {  	_ =	swait.ge [sflag:s24], $0x1  }
0xab: {  	[sflag:s24] =	ssyncset.done $0x0  }
0xac: {  	s25 =	simm.s32 $0x1B8E;
	[sflag:s24] =	ssyncadd.s32 $0xFFFFFFFF  }
0xad: {  	s26 =	simm.s32 $execute0_lowered;
	[smem:$0x3FD2] =	sst s25  }
0xae: {  	s8 =	sshll.u32 s26, $0x1;
	_ =	strace $0x80000046;
	[dreg:$0x1] =	wrdreg $0xFFFFFFFF  }
0xaf: {  	s28 =	simm.s32 $_size_execute0_lowered;
	s7 =	sadd.s32 s7, s8;
	[dreg:$0x0] =	wrdreg $0x0  }
0xb0: {  	s8 =	sshll.u32 s28, $0x1;
	[dreg:$0x2] =	wrdreg s7  }
0xb1: {  	[dreg:$0x3] =	wrdreg s8  }
0xb2: {  	[dreg:$0x4] =	wrdreg $0xC0  }
0xb3: {  	_ =	task [dreg:s11], $0x5FFFF  }
0xb4: {  	[dreg:$0x1] =	wrdreg $0xFFFFFFFF  }
0xb5: {  	[dreg:$0x0] =	wrdreg $0x60  }
0xb6: {  	[dreg:$0x2] =	wrdreg s16  }
0xb7: {  	[dreg:$0x3] =	wrdreg s4  }
0xb8: {  	[dreg:$0x4] =	wrdreg s5  }
0xb9: {  	[dreg:$0x5] =	wrdreg s17  }
0xba: {  	[dreg:$0x6] =	wrdreg s18  }
0xbb: {  	[dreg:$0x7] =	wrdreg $0x9  }
0xbc: {  	_ =	task.clear_ibuf [dreg:s11], $0x8FFFF;
	_ =	strace $0x90000046  }
0xbd: {  	s29 =	simm.s32 $0x9;
	_ =	strace $0x80000048  }
0xbe: {  	_ =	swait.ge [sflag:s29], $0x1  }
0xbf: {  	[sflag:s29] =	ssyncadd.s32 $0xFFFFFFFF  }
0xc0: {  	_ =	strace $0x90000048  }
0xc1: {  	_ =	sfence  }
0xc2: {  	s30 =	sld [smem:$0x0];
	_ =	sdelay $0x2  }
0xc3: {  	s31 =	sshll.u32 s1, $0xD;
	s1 =	sshrl.u32 s1, $0x2  }
0xc4: {  	s3 =	sand.u32 $0x4000, s31;
	s1 =	sadd.s32 s1, s30  }
0xc5: {  	s0 =	sor.u32 s3, s0;
	s1 =	sshll.u32 s1, $0x11  }
0xc6: {  	s0 =	sor.u32 s1, s0  }
0xc7: {  	s0 =	sadd.s32 $0x8F2B, s0  }
0xc8: {  	[sflag:s0] =	ssyncadd.remote.s32 $0x1  }
0xc9: {  	_ =	sfence.sel $0xFFFF  }
0xca: {  	[dreg:$0x0] =	wrdreg $0xFFFFFFFF;
	(pc) =	sbr.abs _section_cstart, $3  }
0xcb: {  	[dreg:$0x1] =	wrdreg $0xFFFFFFFF  }
0xcc: {  	_ =	task.clear_ibuf [dreg:s11], $0x2FFFF;
	_ =	strace $0x9FFFFFFF  }
0xcd: {  	(tm) =	ssettm $0x7FFFFFFF  }
tec
execute0_lowered:
.L_overlay_start_1:
0x0: {  	(tag) =	ssettag $0x1  }
0x1: {  	s0 =	rddreg [dreg:$0x0]  }
0x2: {  	s1 =	rddreg [dreg:$0x1]  }
0x3: {  	s3 =	rddreg [dreg:$0x2]  }
0x4: {  	s4 =	rddreg [dreg:$0x3];
	s2 =	srdreg.scid  }
0x5: {  	s5 =	rddreg [dreg:$0x4];
	s9 =	stileid.u32  }
0x6: {  	s28 =	simm.s32 $0x10000;
	s29 =	simm.s32 $0x2;
	s31 =	simm.s32 $0x3  }
0x7: {  	s6 =	sand.u32 $0x1, s2;
	s2 =	simm.s32 $0x0;
	s24 =	sshll.u32 s9, $0xD  }
0x8: {  	p0 =	slt.u32 s9, $0x8;
	s13 =	sadd.s32 $0x10, s0;
	s22 =	sadd.s32 $0x20, s0  }
0x9: {  	s7 =	ssub.s32 $0x2, s6;
	[smem:$0x7FF] =	sst s2;
	s25 =	sand.u32 $0xE000, s24  }
0xa: {  	s10 =	sshll.u32 s6, $0x5;
	s1 =	sadd.s32 s1, s24;
	s30 =	sshll.u32 s6, $0xC  }
0xb: {  	s6 =	sshll.u32 s6, $0xB;
	s8 =	sshrl.u32 s7, $0x1;
	s16 =	sadd.s32 s3, s25  }
0xc: {  	s26 =	sor.u32 $0x10, s10;
	s12 =	sadd.s32 s0, s6;
	s18 =	sadd.s32 s5, s30  }
0xd: {  	s19 =	sadd.s32 s4, s30;
	s14 =	sadd.s32 s6, s13;
	s9 =	sadd.s32 s5, s25  }
0xe: {  	s4 =	sadd.s32 s4, s24;
	s20 =	sor.u32 s30, s24;
	s7 =	ssub.s32 s7, s8  }
0xf: {  	s11 =	sshll.u32 s26, $0x6;
	[dreg:$0x7] =	wrdreg s12;
	s12 =	sadd.s32 s24, s19  }
0x10: {  	[dreg:$0xa] =	wrdreg s14;
	s3 =	sshll.u32 s26, $0x7;
	s21 =	sor.u32 $0x10000, s20  }
0x11: {  	s19 =	sadd.s32 s6, s22;
	s23 =	sor.u32 $0x30000, s20;
	s16 =	smov.u32 @p0 s1  }
0x12: {  	s17 =	sadd.s32 s0, s11;
	s13 =	sadd.s32 s11, s13;
	s8 =	sor.u32 s24, s3  }
0x13: {  	[dreg:$0xd] =	wrdreg s19;
	s0 =	sadd.s32 $0x30, s0;
	s24 =	sadd.s32 $0x30000, s4  }
0x14: {  	s7 =	smax.u32 s7, $0x1;
	[dreg:$0x8] =	wrdreg s17;
	s17 =	sadd.s32 s25, s18  }
0x15: {  	[dreg:$0xb] =	wrdreg s13;
	s18 =	sadd.s32 s5, s21;
	s15 =	sor.u32 $0x10000, s8  }
0x16: {  	s13 =	sadd.s32 s11, s22;
	s6 =	sadd.s32 s6, s0;
	s0 =	sadd.s32 s11, s0  }
0x17: {  	s8 =	sor.u32 $0x30000, s8;
	s11 =	sadd.s32 s5, s23;
	[dreg:$0xf] =	wrdreg s13  }
0x18: {  	s25 =	sadd.s32 $0x10000, s4;
	s22 =	simm.s32 $0x80;
	[dreg:$0x10] =	wrdreg s6  }
0x19: {  	s23 =	simm.s32 $0x200;
	s15 =	sadd.s32 s5, s15;
	[dreg:$0x11] =	wrdreg s0  }
0x1a: {  	s17 =	smov.u32 @p0 s12;
	_ =	strace $0x80000047;
	[dreg:$0x6] =	wrdreg s16  }
0x1b: {  	s5 =	sadd.s32 s5, s8;
	s0 =	sadd.s32 s3, s24;
	[dreg:$0x9] =	wrdreg s17  }
0x1c: {  	s1 =	sadd.s32 s30, s25;
	s5 =	smov.u32 @p0 s0;
	[dreg:$0x15] =	wrdreg s7  }
0x1d: {  	s0 =	sadd.s32 s3, s25;
	s18 =	smov.u32 @p0 s1;
	[dreg:$0x13] =	wrdreg s5  }
0x1e: {  	s1 =	sadd.s32 $0x20000, s4;
	s5 =	sadd.s32 $0x20000, s9;
	[dreg:$0xc] =	wrdreg s18  }
0x1f: {  	s9 =	smov.u32 @p0 s4;
	s4 =	sadd.s32 s30, s24;
	s15 =	smov.u32 @p0 s0  }
0x20: {  	s6 =	sadd.s32 s30, s1;
	s26 =	sadd.s32 s3, s9;
	[dreg:$0xe] =	wrdreg s15  }
0x21: {  	s8 =	sadd.s32 s30, s5;
	s11 =	smov.u32 @p0 s4;
	[dreg:$0x16] =	wrdreg s26  }
0x22: {  	s5 =	smov.u32 @p0 s1;
	s8 =	smov.u32 @p0 s6;
	[dreg:$0x12] =	wrdreg s11  }
0x23: {  	s25 =	simm.s32 $0x1;
	s30 =	sadd.s32 s3, s5;
	[dreg:$0x14] =	wrdreg s8  }
0x24: {  	s0 =	simm.s32 $0x4;
	s1 =	simm.s32 $0x0;
	[dreg:$0x17] =	wrdreg s30  }
.LBB2_1:
0x25: {  	s3 =	rddreg [dreg:$0x6];
	s6 =	simm.s32 $0x5  }
0x26: {  	[tilespmem:s2], [sflag:$0x5] =	stream.linear.gather [hbm4b:s3+s2], $0x10000, $0x38;
	[tilespmem:$0x19000] =	vst v63  }
0x27: {  	_ =	swait.ge [sflag:s6], $0x10000  }
0x28: {  	[sflag:s6] =	ssyncset.done $0x0  }
0x29: {  	s7 =	rddreg [dreg:$0x7];
	[sflag:s6] =	ssyncadd.s32 $0xFFFF0000  }
0x2a: {  	[tilespmem:s28], [sflag:$0x1] =	stream.strided.gather [hbm4b:s7+s22], $0x800, s23, s22, $0x38;
	[tilespmem:$0x19000] =	vst v63  }
0x2b: {  	s4 =	simm.s32 $0x10800;
	s9 =	simm.s32 $0x0;
	s8 =	rddreg [dreg:$0x8]  }
0x2c: {  	[tilespmem:s4], [sflag:$0x2] =	stream.strided.gather [hbm4b:s8+s22], $0x800, s23, s22, $0x38;
	[tilespmem:$0x19000] =	vst v63  }
0x2d: {  	s10 =	sand.u32 $0x40, s9;
	s3 =	sand.u32 $0x780, s9;
	_ =	swait.ge [sflag:s25], $0x800  }
0x2e: {  	s3 =	sor.u32 $0x10000, s3;
	s5 =	sor.u32 $0x30, s10;
	[sflag:s25] =	ssyncset.done $0x0  }
0x2f: {  	s6 =	sor.u32 s5, s3;
	[sflag:s25] =	ssyncadd.s32 $0xFFFFF800  }
0x30: {  	v0 =	vld [tilespmem:s6+$0x0]  }
0x31: {  	s7 =	sor.u32 $0x10, s10;
	v1 =	vld [tilespmem:s28+$0x0]  }
0x32: {  	s12 =	sor.u32 s7, s3;
	s8 =	sor.u32 $0x20, s10  }
0x33: {  	s3 =	sor.u32 s8, s3;
	v2 =	vld [tilespmem:s12+$0x0]  }
0x34: {  	v3 =	vld [tilespmem:s3+$0x0]  }
0x35: {  	v4 =	vshll.u32 v0, $0x3  }
0x36: {  	v5 =	vshll.u32 v1, $0x3;
	v0 =	vand.u32 $0x7F, v0;
	v4 =	vand.u32 $0xFFFFFC00, v4  }
0x37: {  	v1 =	vand.u32 $0x7F, v1;
	v6 =	vand.u32 $0xFFFFFC00, v5;
	v5 =	vor.u32 v0, v4  }
0x38: {  	v0 =	vor.u32 v1, v6;
	v1 =	vshll.u32 v2, $0x3  }
0x39: {  	v4 =	vshll.u32 v3, $0x3;
	v2 =	vand.u32 $0x7F, v2;
	v1 =	vand.u32 $0xFFFFFC00, v1  }
0x3a: {  	v6 =	vand.u32 $0xFFFFFC00, v4;
	v4 =	vor.u32 v2, v1;
	v1 =	vand.u32 $0x7F, v3  }
0x3b: {  	v3 =	vor.u32 v1, v6  }
0x3c: {  	v1 =	vld.idx.msk [tilespmem:v5+s2+$0x0], $0xffff  }
0x3d: {  	v6 =	vor.u32 $0x80, v5;
	v2 =	vld.idx.msk [tilespmem:v0+s2+$0x0], $0xffff  }
0x3e: {  	s13 =	sand.u32 $0x3C00, s2;
	v7 =	vor.u32 $0x80, v0  }
0x3f: {  	s3 =	sadd.s32 $0x11000, s13;
	v8 =	vld.idx.msk [tilespmem:v4+s2+$0x0], $0xffff  }
0x40: {  	s11 =	sor.u32 s5, s3;
	v9 =	vor.u32 $0x80, v4;
	v10 =	vld.idx.msk [tilespmem:v3+s2+$0x0], $0xffff  }
0x41: {  	s14 =	sor.u32 s10, s3;
	v11 =	vor.u32 $0x80, v3;
	[tilespmem:s11+$0x0] =	vst v1  }
0x42: {  	[tilespmem:s14+$0x0] =	vst v2;
	v1 =	vld.idx.msk [tilespmem:v6+s2+$0x0], $0xffff  }
0x43: {  	s7 =	sor.u32 s7, s3;
	v2 =	vld.idx.msk [tilespmem:v7+s2+$0x0], $0xffff;
	v6 =	vor.u32 $0x100, v5  }
0x44: {  	s15 =	sor.u32 s8, s3;
	v7 =	vor.u32 $0x100, v0;
	[tilespmem:s7+$0x0] =	vst v8  }
0x45: {  	v8 =	vld.idx.msk [tilespmem:v9+s2+$0x0], $0xffff;
	[tilespmem:s15+$0x0] =	vst v10  }
0x46: {  	v9 =	vor.u32 $0x100, v4;
	v10 =	vld.idx.msk [tilespmem:v11+s2+$0x0], $0xffff  }
0x47: {  	v11 =	vor.u32 $0x100, v3;
	[tilespmem:s11+$0x80] =	vst v1  }
0x48: {  	[tilespmem:s14+$0x80] =	vst v2;
	v1 =	vld.idx.msk [tilespmem:v6+s2+$0x0], $0xffff  }
0x49: {  	v2 =	vld.idx.msk [tilespmem:v7+s2+$0x0], $0xffff;
	v6 =	vor.u32 $0x180, v5  }
0x4a: {  	v7 =	vor.u32 $0x180, v0;
	[tilespmem:s7+$0x80] =	vst v8  }
0x4b: {  	v8 =	vld.idx.msk [tilespmem:v9+s2+$0x0], $0xffff;
	[tilespmem:s15+$0x80] =	vst v10  }
0x4c: {  	s19 =	simm.s32 $0x10040;
	s4 =	simm.s32 $0x40;
	v9 =	vor.u32 $0x180, v4;
	v10 =	vld.idx.msk [tilespmem:v11+s2+$0x0], $0xffff  }
0x4d: {  	s20 =	sand.u32 $0x40, s4;
	s16 =	sand.u32 $0x780, s4;
	v11 =	vld [tilespmem:s19+$0x0];
	[tilespmem:s11+$0x100] =	vst v1  }
0x4e: {  	s17 =	sor.u32 $0x30, s20;
	s12 =	sor.u32 $0x10000, s16;
	[tilespmem:s14+$0x100] =	vst v2;
	v1 =	vld.idx.msk [tilespmem:v6+s2+$0x0], $0xffff  }
0x4f: {  	s10 =	sor.u32 s17, s12;
	v2 =	vor.u32 $0x180, v3;
	v6 =	vld.idx.msk [tilespmem:v7+s2+$0x0], $0xffff  }
0x50: {  	s9 =	sor.u32 $0x10, s20;
	v7 =	vor.u32 $0x200, v5;
	[tilespmem:s7+$0x100] =	vst v8;
	v8 =	vld [tilespmem:s10+$0x0]  }
0x51: {  	s18 =	sor.u32 $0x20, s20;
	s13 =	sor.u32 s9, s12;
	v9 =	vld.idx.msk [tilespmem:v9+s2+$0x0], $0xffff  }
0x52: {  	s12 =	sor.u32 s18, s12;
	v13 =	vld [tilespmem:s13+$0x0];
	v12 =	vor.u32 $0x200, v4;
	v14 =	vshll.u32 v11, $0x3  }
0x53: {  	v15 =	vld [tilespmem:s12+$0x0];
	[tilespmem:s15+$0x100] =	vst v10;
	v10 =	vor.u32 $0x200, v0;
	v11 =	vand.u32 $0x7F, v11;
	v14 =	vand.u32 $0xFFFFFC00, v14  }
0x54: {  	p0 =	por $0x0, $0x0;
	v16 =	vld.idx.msk [tilespmem:v2+s2+$0x0], $0xffff;
	[tilespmem:s11+$0x180] =	vst v1;
	v1 =	vor.u32 v11, v14;
	s11 =	simm.s32 $0x1  }
0x55: {  	v11 =	vor.u32 $0x200, v3;
	v7 =	vld.idx.msk [tilespmem:v7+s2+$0x0], $0xffff;
	v2 =	vshll.u32 v8, $0x3;
	s11 =	simm.s32 @!p0 $0x0  }
0x56: {  	v8 =	vand.u32 $0x7F, v8;
	[tilespmem:s7+$0x180] =	vst v9;
	v2 =	vand.u32 $0xFFFFFC00, v2;
	s21 =	sshll.u32 s11, $0x6;
	v9 =	vor.u32 $0x280, v5  }
0x57: {  	v14 =	vor.u32 $0x280, v4;
	[tilespmem:s14+$0x180] =	vst v6;
	v6 =	vld.idx.msk [tilespmem:v12+s2+$0x0], $0xffff;
	v12 =	vshll.u32 v13, $0x3;
	v2 =	vor.u32 v8, v2;
	s6 =	sadd.s32 $0x0, s21  }
0x58: {  	v8 =	vld.idx.msk [tilespmem:v10+s2+$0x0], $0xffff;
	v10 =	vshll.u32 v15, $0x3;
	v13 =	vand.u32 $0x7F, v13;
	v12 =	vand.u32 $0xFFFFFC00, v12;
	s7 =	sadd.s32 $0x30, s6  }
0x59: {  	v10 =	vand.u32 $0xFFFFFC00, v10;
	[tilespmem:s15+$0x180] =	vst v16;
	v17 =	vld.idx.msk [tilespmem:v1+s2+$0x0], $0xffff;
	v21 =	vor.u32 v13, v12;
	v12 =	vand.u32 $0x7F, v15;
	s24 =	sor.u32 $0x200, s7  }
0x5a: {  	s11 =	sadd.s32 $0x10, s6;
	v11 =	vld.idx.msk [tilespmem:v11+s2+$0x0], $0xffff;
	v10 =	vor.u32 v12, v10;
	[tilespmem:s24+$0x11000] =	vst v7  }
0x5b: {  	s26 =	sor.u32 $0x200, s11;
	v7 =	vor.u32 $0x280, v0;
	v9 =	vld.idx.msk [tilespmem:v9+s2+$0x0], $0xffff  }
0x5c: {  	s5 =	simm.s32 $0x200;
	s30 =	sor.u32 $0x200, s6;
	v12 =	vor.u32 $0x280, v3;
	v13 =	vld.idx.msk [tilespmem:v2+s2+$0x0], $0xffff;
	[tilespmem:s26+$0x11000] =	vst v6  }
0x5d: {  	s12 =	sadd.s32 $0x20, s6;
	s15 =	sand.u32 $0x3C00, s5;
	[tilespmem:s30+$0x11000] =	vst v8;
	v8 =	vor.u32 $0x80, v1;
	v6 =	vld.idx.msk [tilespmem:v14+s2+$0x0], $0xffff  }
0x5e: {  	s14 =	sor.u32 $0x200, s12;
	s13 =	sadd.s32 $0x11000, s15;
	v14 =	vor.u32 $0x300, v5;
	v15 =	vld.idx.msk [tilespmem:v21+s2+$0x0], $0xffff  }
0x5f: {  	v16 =	vor.u32 $0x80, v2;
	s20 =	sor.u32 s20, s13;
	[tilespmem:s14+$0x11000] =	vst v11;
	v18 =	vld.idx.msk [tilespmem:v10+s2+$0x0], $0xffff  }
0x60: {  	s16 =	sor.u32 $0x280, s7;
	v19 =	vor.u32 $0x80, v21;
	[tilespmem:s20+$0x0] =	vst v17;
	v7 =	vld.idx.msk [tilespmem:v7+s2+$0x0], $0xffff  }
0x61: {  	s3 =	sor.u32 s17, s13;
	v11 =	vor.u32 $0x80, v10;
	v12 =	vld.idx.msk [tilespmem:v12+s2+$0x0], $0xffff;
	[tilespmem:s16+$0x11000] =	vst v9  }
0x62: {  	s17 =	sor.u32 $0x280, s11;
	v9 =	vor.u32 $0x300, v4;
	[tilespmem:s3+$0x0] =	vst v13;
	v8 =	vld.idx.msk [tilespmem:v8+s2+$0x0], $0xffff  }
0x63: {  	s19 =	sor.u32 s9, s13;
	v13 =	vld.idx.msk [tilespmem:v14+s2+$0x0], $0xffff;
	v14 =	vor.u32 $0x300, v3;
	[tilespmem:s17+$0x11000] =	vst v6  }
0x64: {  	s10 =	sor.u32 s18, s13;
	v5 =	vor.u32 $0x380, v5;
	v16 =	vld.idx.msk [tilespmem:v16+s2+$0x0], $0xffff;
	[tilespmem:s19+$0x0] =	vst v15  }
0x65: {  	s18 =	sor.u32 $0x280, s12;
	v17 =	vor.u32 $0x100, v2;
	v15 =	vld.idx.msk [tilespmem:v19+s2+$0x0], $0xffff;
	[tilespmem:s10+$0x0] =	vst v18  }
0x66: {  	v18 =	vor.u32 $0x100, v1;
	[tilespmem:s18+$0x11000] =	vst v12;
	v20 =	vld.idx.msk [tilespmem:v11+s2+$0x0], $0xffff  }
0x67: {  	s21 =	sor.u32 $0x300, s7;
	v6 =	vor.u32 $0x100, v21;
	v22 =	vld.idx.msk [tilespmem:v9+s2+$0x0], $0xffff;
	[tilespmem:s20+$0x80] =	vst v8  }
0x68: {  	v23 =	vor.u32 $0x100, v10;
	v14 =	vld.idx.msk [tilespmem:v14+s2+$0x0], $0xffff;
	[tilespmem:s21+$0x11000] =	vst v13  }
0x69: {  	[tilespmem:s3+$0x80] =	vst v16;
	v16 =	vor.u32 $0x300, v0;
	v24 =	vld.idx.msk [tilespmem:v5+s2+$0x0], $0xffff  }
0x6a: {  	v25 =	vor.u32 $0x380, v4;
	v19 =	vld.idx.msk [tilespmem:v17+s2+$0x0], $0xffff;
	[tilespmem:s19+$0x80] =	vst v15  }
0x6b: {  	s26 =	sor.u32 $0x300, s11;
	v4 =	vor.u32 $0x380, v21;
	v17 =	vld.idx.msk [tilespmem:v18+s2+$0x0], $0xffff;
	[tilespmem:s10+$0x80] =	vst v20  }
0x6c: {  	s24 =	sor.u32 $0x280, s6;
	v11 =	vor.u32 $0x200, v21;
	v8 =	vor.u32 $0x280, v21;
	v18 =	vld.idx.msk [tilespmem:v6+s2+$0x0], $0xffff;
	[tilespmem:s26+$0x11000] =	vst v22;
	v22 =	vor.u32 $0x180, v2  }
0x6d: {  	s8 =	sor.u32 $0x380, s12;
	[tilespmem:s24+$0x11000] =	vst v7;
	v13 =	vor.u32 $0x180, v21;
	v6 =	vor.u32 $0x300, v21;
	v21 =	vor.u32 $0x180, v1;
	v20 =	vld.idx.msk [tilespmem:v23+s2+$0x0], $0xffff  }
0x6e: {  	s13 =	sor.u32 $0x380, s11;
	s30 =	sor.u32 $0x380, s7;
	s7 =	sor.u32 $0x380, s6;
	v3 =	vor.u32 $0x380, v3;
	v12 =	vor.u32 $0x180, v10;
	v7 =	vor.u32 $0x280, v10;
	v15 =	vld.idx.msk [tilespmem:v16+s2+$0x0], $0xffff  }
0x6f: {  	s14 =	sor.u32 $0x300, s6;
	s18 =	sor.u32 $0x300, s12;
	s12 =	simm.s32 $0x10080;
	v9 =	vor.u32 $0x200, v10;
	v5 =	vor.u32 $0x300, v10;
	v10 =	vor.u32 $0x380, v10;
	v16 =	vld.idx.msk [tilespmem:v25+s2+$0x0], $0xffff;
	[tilespmem:s30+$0x11000] =	vst v24  }
.LBB2_2:
0x70: {  	s4 =	sadd.s32 $0x40, s4;
	v23 =	vld [tilespmem:s12+$0x0];
	[tilespmem:s3+$0x100] =	vst v19  }
0x71: {  	s6 =	sand.u32 $0x40, s4;
	s11 =	sand.u32 $0x780, s4;
	p1 =	slt.u32 s4, $0x7C0;
	[tilespmem:s20+$0x100] =	vst v17;
	v17 =	vld.idx.msk [tilespmem:v22+s2+$0x0], $0xffff  }
0x72: {  	s9 =	sor.u32 $0x10, s6;
	s15 =	sor.u32 $0x10000, s11;
	s11 =	sor.u32 $0x30, s6;
	v19 =	vld.idx.msk [tilespmem:v21+s2+$0x0], $0xffff;
	[tilespmem:s19+$0x100] =	vst v18  }
0x73: {  	s16 =	sor.u32 $0x20, s6;
	v18 =	vor.u32 $0x200, v2;
	s17 =	sor.u32 s9, s15;
	s21 =	sor.u32 s11, s15;
	v13 =	vld.idx.msk [tilespmem:v13+s2+$0x0], $0xffff;
	[tilespmem:s10+$0x100] =	vst v20  }
0x74: {  	v21 =	vor.u32 $0x200, v1;
	s15 =	sor.u32 s16, s15;
	v20 =	vld [tilespmem:s21+$0x0];
	[tilespmem:s18+$0x11000] =	vst v14  }
0x75: {  	v14 =	vld [tilespmem:s17+$0x0];
	[tilespmem:s14+$0x11000] =	vst v15  }
0x76: {  	v15 =	vshll.u32 v23, $0x3;
	v22 =	vld [tilespmem:s15+$0x0];
	[tilespmem:s13+$0x11000] =	vst v16  }
0x77: {  	v16 =	vand.u32 $0x7F, v23;
	v15 =	vand.u32 $0xFFFFFC00, v15;
	v12 =	vld.idx.msk [tilespmem:v12+s2+$0x0], $0xffff;
	[tilespmem:s3+$0x180] =	vst v17;
	v17 =	vor.u32 $0x380, v0;
	v0 =	vmovc v1  }
0x78: {  	p0 =	por !p0, !p0;
	v1 =	vor.u32 v16, v15;
	s3 =	simm.s32 $0x1;
	[tilespmem:s20+$0x180] =	vst v19;
	v15 =	vld.idx.msk [tilespmem:v18+s2+$0x0], $0xffff  }
0x79: {  	s3 =	simm.s32 @!p0 $0x0;
	v16 =	vshll.u32 v20, $0x3;
	v18 =	vld.idx.msk [tilespmem:v21+s2+$0x0], $0xffff;
	[tilespmem:s19+$0x180] =	vst v13  }
0x7a: {  	v13 =	vand.u32 $0x7F, v20;
	s3 =	sshll.u32 s3, $0x6;
	v16 =	vand.u32 $0xFFFFFC00, v16;
	v19 =	vld.idx.msk [tilespmem:v11+s2+$0x0], $0xffff;
	v11 =	vor.u32 $0x280, v2  }
0x7b: {  	v20 =	vshll.u32 v14, $0x3;
	s3 =	sadd.s32 s3, s5;
	v21 =	vshll.u32 v22, $0x3;
	v16 =	vor.u32 v13, v16;
	v23 =	vld.idx.msk [tilespmem:v3+s2+$0x0], $0xffff;
	v3 =	vmovc v10  }
0x7c: {  	v10 =	vand.u32 $0x7F, v14;
	v13 =	vand.u32 $0xFFFFFC00, v20;
	s13 =	sadd.s32 $0x10, s3;
	s19 =	sadd.s32 $0x20, s3;
	s15 =	sadd.s32 $0x30, s3;
	v14 =	vand.u32 $0xFFFFFC00, v21;
	v17 =	vld.idx.msk [tilespmem:v17+s2+$0x0], $0xffff  }
0x7d: {  	v10 =	vor.u32 v10, v13;
	v13 =	vand.u32 $0x7F, v22;
	v21 =	vor.u32 $0x280, v0;
	s20 =	sor.u32 $0x200, s13;
	s14 =	sor.u32 $0x200, s15;
	v20 =	vld.idx.msk [tilespmem:v1+s2+$0x0], $0xffff;
	[tilespmem:s10+$0x180] =	vst v12;
	s10 =	sor.u32 $0x200, s19  }
0x7e: {  	s17 =	sor.u32 $0x200, s3;
	s26 =	sor.u32 $0x280, s13;
	s24 =	sor.u32 $0x280, s19;
	v22 =	vor.u32 $0x80, v10;
	v24 =	vor.u32 $0x100, v10;
	v14 =	vor.u32 v13, v14;
	v25 =	vld.idx.msk [tilespmem:v9+s2+$0x0], $0xffff;
	[tilespmem:s14+$0x11000] =	vst v15  }
0x7f: {  	s21 =	sor.u32 $0x280, s3;
	s18 =	sor.u32 $0x300, s19;
	v13 =	vor.u32 $0x180, v10;
	v15 =	vor.u32 $0x80, v14;
	v26 =	vor.u32 $0x100, v14;
	[tilespmem:s17+$0x11000] =	vst v18;
	s17 =	sor.u32 $0x300, s13;
	v18 =	vld.idx.msk [tilespmem:v11+s2+$0x0], $0xffff  }
0x80: {  	s19 =	sor.u32 $0x380, s19;
	v12 =	vor.u32 $0x180, v14;
	v9 =	vor.u32 $0x200, v14;
	s14 =	sor.u32 $0x300, s3;
	v11 =	vor.u32 $0x200, v10;
	s13 =	sor.u32 $0x380, s13;
	v27 =	vld.idx.msk [tilespmem:v16+s2+$0x0], $0xffff;
	[tilespmem:s20+$0x11000] =	vst v19  }
0x81: {  	v29 =	vor.u32 $0x300, v2;
	s3 =	sor.u32 $0x380, s3;
	v19 =	vor.u32 $0x280, v14;
	v28 =	vld.idx.msk [tilespmem:v8+s2+$0x0], $0xffff;
	v8 =	vor.u32 $0x280, v10;
	[tilespmem:s8+$0x11000] =	vst v23;
	s8 =	smov.u32 s19  }
0x82: {  	s5 =	sadd.s32 $0x200, s5;
	v32 =	vor.u32 $0x80, v16;
	v30 =	vor.u32 $0x300, v10;
	v31 =	vor.u32 $0x300, v14;
	v23 =	vld.idx.msk [tilespmem:v10+s2+$0x0], $0xffff;
	[tilespmem:s7+$0x11000] =	vst v17;
	s7 =	smov.u32 s3  }
0x83: {  	v33 =	vor.u32 $0x380, v10;
	s3 =	sand.u32 $0x3C00, s5;
	v17 =	vor.u32 $0x80, v1;
	v10 =	vor.u32 $0x380, v14;
	v34 =	vld.idx.msk [tilespmem:v14+s2+$0x0], $0xffff  }
0x84: {  	s30 =	sor.u32 $0x280, s15;
	s20 =	sadd.s32 $0x11000, s3;
	v35 =	vld.idx.msk [tilespmem:v21+s2+$0x0], $0xffff;
	[tilespmem:s10+$0x11000] =	vst v25  }
0x85: {  	s19 =	sor.u32 s9, s20;
	s10 =	sor.u32 s16, s20;
	s3 =	sor.u32 s11, s20;
	v14 =	vld.idx.msk [tilespmem:v7+s2+$0x0], $0xffff;
	[tilespmem:s30+$0x11000] =	vst v18;
	v7 =	vmov v19  }
0x86: {  	s20 =	sor.u32 s6, s20;
	[tilespmem:s3+$0x0] =	vst v27;
	v18 =	vld.idx.msk [tilespmem:v29+s2+$0x0], $0xffff  }
0x87: {  	[tilespmem:s20+$0x0] =	vst v20;
	v19 =	vld.idx.msk [tilespmem:v32+s2+$0x0], $0xffff  }
0x88: {  	v20 =	vor.u32 $0x380, v2;
	v2 =	vmov v16;
	v17 =	vld.idx.msk [tilespmem:v17+s2+$0x0], $0xffff;
	[tilespmem:s19+$0x0] =	vst v23  }
0x89: {  	v21 =	vor.u32 $0x100, v2;
	v16 =	vld.idx.msk [tilespmem:v22+s2+$0x0], $0xffff;
	[tilespmem:s10+$0x0] =	vst v34  }
0x8a: {  	v22 =	vor.u32 $0x100, v1;
	v15 =	vld.idx.msk [tilespmem:v15+s2+$0x0], $0xffff;
	[tilespmem:s26+$0x11000] =	vst v28  }
0x8b: {  	s6 =	sor.u32 $0x300, s15;
	v23 =	vld.idx.msk [tilespmem:v6+s2+$0x0], $0xffff;
	[tilespmem:s24+$0x11000] =	vst v14;
	v6 =	vmov v30  }
0x8c: {  	v14 =	vld.idx.msk [tilespmem:v5+s2+$0x0], $0xffff;
	[tilespmem:s6+$0x11000] =	vst v18;
	v5 =	vmov v31  }
0x8d: {  	v25 =	vor.u32 $0x300, v0;
	[tilespmem:s3+$0x80] =	vst v19;
	v27 =	vld.idx.msk [tilespmem:v20+s2+$0x0], $0xffff  }
0x8e: {  	[tilespmem:s20+$0x80] =	vst v17;
	v19 =	vld.idx.msk [tilespmem:v21+s2+$0x0], $0xffff  }
.Ltmp0:
0x8f: {  	v17 =	vld.idx.msk [tilespmem:v22+s2+$0x0], $0xffff;
	[tilespmem:s19+$0x80] =	vst v16;
	(pc) =	sbr.rel @p1 .LBB2_2-.Ltmp0, $4  }
0x90: {  	v22 =	vor.u32 $0x180, v2;
	v18 =	vld.idx.msk [tilespmem:v24+s2+$0x0], $0xffff;
	[tilespmem:s10+$0x80] =	vst v15  }
0x91: {  	v21 =	vor.u32 $0x180, v1;
	v20 =	vld.idx.msk [tilespmem:v26+s2+$0x0], $0xffff;
	[tilespmem:s21+$0x11000] =	vst v35  }
0x92: {  	s6 =	sor.u32 $0x380, s15;
	v15 =	vld.idx.msk [tilespmem:v25+s2+$0x0], $0xffff;
	[tilespmem:s17+$0x11000] =	vst v23  }
0x93: {  	s12 =	sadd.s32 $0x40, s12;
	v16 =	vld.idx.msk [tilespmem:v4+s2+$0x0], $0xffff;
	[tilespmem:s6+$0x11000] =	vst v27;
	v4 =	vmov v33  }
0x94: {  	_ =	sdelay $0x2  }
0x95: {  	[tilespmem:s3+$0x100] =	vst v19  }
0x96: {  	v19 =	vld.idx.msk [tilespmem:v22+s2+$0x0], $0xffff;
	[tilespmem:s19+$0x100] =	vst v18  }
0x97: {  	[tilespmem:s20+$0x100] =	vst v17;
	v18 =	vor.u32 $0x200, v2;
	v13 =	vld.idx.msk [tilespmem:v13+s2+$0x0], $0xffff  }
0x98: {  	v17 =	vld.idx.msk [tilespmem:v21+s2+$0x0], $0xffff;
	[tilespmem:s10+$0x100] =	vst v20  }
0x99: {  	v20 =	vor.u32 $0x200, v1;
	v12 =	vld.idx.msk [tilespmem:v12+s2+$0x0], $0xffff;
	_ =	sdelay $0x1  }
0x9a: {  	p0 =	por !p0, !p0;
	[tilespmem:s3+$0x180] =	vst v19;
	s3 =	simm.s32 $0x1  }
0x9b: {  	v18 =	vld.idx.msk [tilespmem:v18+s2+$0x0], $0xffff;
	s3 =	simm.s32 @!p0 $0x0;
	[tilespmem:s19+$0x180] =	vst v13  }
0x9c: {  	[tilespmem:s20+$0x180] =	vst v17;
	v13 =	vor.u32 $0x280, v2;
	s3 =	sshll.u32 s3, $0x6;
	v11 =	vld.idx.msk [tilespmem:v11+s2+$0x0], $0xffff  }
0x9d: {  	[tilespmem:s10+$0x180] =	vst v12;
	v12 =	vld.idx.msk [tilespmem:v20+s2+$0x0], $0xffff;
	s3 =	sadd.s32 s3, s5  }
0x9e: {  	v17 =	vor.u32 $0x280, v1;
	v9 =	vld.idx.msk [tilespmem:v9+s2+$0x0], $0xffff;
	s4 =	sadd.s32 $0x30, s3  }
0x9f: {  	s5 =	sadd.s32 $0x10, s3;
	s6 =	sor.u32 $0x200, s4  }
0xa0: {  	s12 =	sor.u32 $0x200, s5;
	[tilespmem:s6+$0x11000] =	vst v18  }
0xa1: {  	s9 =	sadd.s32 $0x20, s3;
	s16 =	sor.u32 $0x200, s3;
	v13 =	vld.idx.msk [tilespmem:v13+s2+$0x0], $0xffff;
	[tilespmem:s12+$0x11000] =	vst v11  }
0xa2: {  	s15 =	sor.u32 $0x200, s9;
	v11 =	vor.u32 $0x300, v2;
	[tilespmem:s16+$0x11000] =	vst v12;
	v8 =	vld.idx.msk [tilespmem:v8+s2+$0x0], $0xffff  }
0xa3: {  	[tilespmem:s15+$0x11000] =	vst v9;
	v9 =	vld.idx.msk [tilespmem:v17+s2+$0x0], $0xffff  }
0xa4: {  	v12 =	vor.u32 $0x300, v1;
	v7 =	vld.idx.msk [tilespmem:v7+s2+$0x0], $0xffff  }
0xa5: {  	[tilespmem:s18+$0x11000] =	vst v14;
	s17 =	sor.u32 $0x280, s4  }
0xa6: {  	s18 =	sor.u32 $0x280, s5;
	[tilespmem:s17+$0x11000] =	vst v13  }
0xa7: {  	v0 =	vor.u32 $0x380, v0;
	s20 =	sor.u32 $0x280, s3;
	v11 =	vld.idx.msk [tilespmem:v11+s2+$0x0], $0xffff;
	[tilespmem:s18+$0x11000] =	vst v8  }
0xa8: {  	s19 =	sor.u32 $0x280, s9;
	v2 =	vor.u32 $0x380, v2;
	[tilespmem:s20+$0x11000] =	vst v9;
	v6 =	vld.idx.msk [tilespmem:v6+s2+$0x0], $0xffff  }
0xa9: {  	[tilespmem:s19+$0x11000] =	vst v7;
	v7 =	vld.idx.msk [tilespmem:v12+s2+$0x0], $0xffff  }
0xaa: {  	[tilespmem:s14+$0x11000] =	vst v15;
	v1 =	vor.u32 $0x380, v1;
	v5 =	vld.idx.msk [tilespmem:v5+s2+$0x0], $0xffff  }
0xab: {  	v3 =	vld.idx.msk [tilespmem:v3+s2+$0x0], $0xffff;
	[tilespmem:s13+$0x11000] =	vst v16;
	s21 =	sor.u32 $0x300, s4  }
0xac: {  	v0 =	vld.idx.msk [tilespmem:v0+s2+$0x0], $0xffff;
	s24 =	sor.u32 $0x300, s5;
	[tilespmem:s21+$0x11000] =	vst v11  }
0xad: {  	s30 =	sor.u32 $0x300, s3;
	v2 =	vld.idx.msk [tilespmem:v2+s2+$0x0], $0xffff;
	[tilespmem:s24+$0x11000] =	vst v6  }
0xae: {  	s26 =	sor.u32 $0x300, s9;
	[tilespmem:s30+$0x11000] =	vst v7;
	v4 =	vld.idx.msk [tilespmem:v4+s2+$0x0], $0xffff  }
0xaf: {  	[tilespmem:s26+$0x11000] =	vst v5;
	v1 =	vld.idx.msk [tilespmem:v1+s2+$0x0], $0xffff  }
0xb0: {  	[tilespmem:s8+$0x11000] =	vst v3;
	v5 =	vld.idx.msk [tilespmem:v10+s2+$0x0], $0xffff  }
0xb1: {  	[tilespmem:s7+$0x11000] =	vst v0;
	s4 =	sor.u32 $0x380, s4  }
0xb2: {  	s5 =	sor.u32 $0x380, s5;
	[tilespmem:s4+$0x11000] =	vst v2  }
0xb3: {  	s3 =	sor.u32 $0x380, s3;
	[tilespmem:s5+$0x11000] =	vst v4  }
0xb4: {  	s9 =	sor.u32 $0x380, s9;
	[tilespmem:s3+$0x11000] =	vst v1  }
0xb5: {  	[tilespmem:s9+$0x11000] =	vst v5  }
0xb6: {  	s11 =	simm.s32 $0x11000;
	s10 =	simm.s32 $0x0;
	s4 =	rddreg [dreg:$0x9]  }
0xb7: {  	[hbm4b:s4+s10] =	stream.linear.scatter [tilespmem:s11], [sflag:$0x3], $0x4000, $0x38;
	[tilespmem:$0x19000] =	vst v63  }
0xb8: {  	s13 =	simm.s32 $0x0;
	s12 =	rddreg [dreg:$0xa]  }
0xb9: {  	[tilespmem:s28], [sflag:$0x1] =	stream.strided.gather [hbm4b:s12+s22], $0x800, s23, s22, $0x38;
	[tilespmem:$0x19000] =	vst v63  }
0xba: {  	s14 =	sand.u32 $0x40, s13;
	s4 =	sand.u32 $0x780, s13;
	_ =	swait.ge [sflag:s29], $0x800  }
0xbb: {  	s15 =	sor.u32 $0x30, s14;
	s4 =	sor.u32 $0x10800, s4;
	[sflag:s29] =	ssyncset.done $0x0  }
0xbc: {  	s16 =	sor.u32 s15, s4;
	[sflag:s29] =	ssyncadd.s32 $0xFFFFF800  }
0xbd: {  	s17 =	simm.s32 $0x10800;
	v0 =	vld [tilespmem:s16+$0x0]  }
0xbe: {  	s18 =	sor.u32 $0x10, s14;
	v1 =	vld [tilespmem:s17+$0x0]  }
0xbf: {  	s20 =	sor.u32 $0x20, s14;
	s19 =	sor.u32 s18, s4  }
0xc0: {  	s4 =	sor.u32 s20, s4;
	v2 =	vld [tilespmem:s19+$0x0]  }
0xc1: {  	v3 =	vld [tilespmem:s4+$0x0]  }
0xc2: {  	v4 =	vshll.u32 v0, $0x3  }
0xc3: {  	v5 =	vshll.u32 v1, $0x3;
	v0 =	vand.u32 $0x7F, v0;
	v4 =	vand.u32 $0xFFFFFC00, v4  }
0xc4: {  	v1 =	vand.u32 $0x7F, v1;
	v6 =	vand.u32 $0xFFFFFC00, v5;
	v5 =	vor.u32 v0, v4  }
0xc5: {  	v0 =	vor.u32 v1, v6;
	v1 =	vshll.u32 v2, $0x3  }
0xc6: {  	v4 =	vshll.u32 v3, $0x3;
	v2 =	vand.u32 $0x7F, v2;
	v1 =	vand.u32 $0xFFFFFC00, v1  }
0xc7: {  	v6 =	vand.u32 $0xFFFFFC00, v4;
	v4 =	vor.u32 v2, v1;
	v1 =	vand.u32 $0x7F, v3  }
0xc8: {  	v3 =	vor.u32 v1, v6  }
0xc9: {  	v1 =	vld.idx.msk [tilespmem:v5+s2+$0x0], $0xffff  }
0xca: {  	v6 =	vor.u32 $0x80, v5;
	v2 =	vld.idx.msk [tilespmem:v0+s2+$0x0], $0xffff  }
0xcb: {  	s3 =	sand.u32 $0x3C00, s10;
	v7 =	vor.u32 $0x80, v0  }
0xcc: {  	s3 =	sadd.s32 $0x15000, s3;
	v8 =	vld.idx.msk [tilespmem:v4+s2+$0x0], $0xffff  }
0xcd: {  	s11 =	sor.u32 s15, s3;
	v9 =	vor.u32 $0x80, v4;
	v10 =	vld.idx.msk [tilespmem:v3+s2+$0x0], $0xffff  }
0xce: {  	s21 =	sor.u32 s14, s3;
	v11 =	vor.u32 $0x80, v3;
	[tilespmem:s11+$0x0] =	vst v1  }
0xcf: {  	[tilespmem:s21+$0x0] =	vst v2;
	v1 =	vld.idx.msk [tilespmem:v6+s2+$0x0], $0xffff  }
0xd0: {  	s7 =	sor.u32 s18, s3;
	v2 =	vld.idx.msk [tilespmem:v7+s2+$0x0], $0xffff;
	v6 =	vor.u32 $0x100, v5  }
0xd1: {  	s24 =	sor.u32 s20, s3;
	v7 =	vor.u32 $0x100, v0;
	[tilespmem:s7+$0x0] =	vst v8  }
0xd2: {  	v8 =	vld.idx.msk [tilespmem:v9+s2+$0x0], $0xffff;
	[tilespmem:s24+$0x0] =	vst v10  }
0xd3: {  	v9 =	vor.u32 $0x100, v4;
	v10 =	vld.idx.msk [tilespmem:v11+s2+$0x0], $0xffff  }
0xd4: {  	v11 =	vor.u32 $0x100, v3;
	[tilespmem:s11+$0x80] =	vst v1  }
0xd5: {  	[tilespmem:s21+$0x80] =	vst v2;
	v1 =	vld.idx.msk [tilespmem:v6+s2+$0x0], $0xffff  }
0xd6: {  	v2 =	vld.idx.msk [tilespmem:v7+s2+$0x0], $0xffff;
	v6 =	vor.u32 $0x180, v5  }
0xd7: {  	v7 =	vor.u32 $0x180, v0;
	[tilespmem:s7+$0x80] =	vst v8  }
0xd8: {  	v8 =	vld.idx.msk [tilespmem:v9+s2+$0x0], $0xffff;
	[tilespmem:s24+$0x80] =	vst v10  }
0xd9: {  	s26 =	simm.s32 $0x10840;
	s4 =	simm.s32 $0x40;
	v9 =	vor.u32 $0x180, v4;
	v10 =	vld.idx.msk [tilespmem:v11+s2+$0x0], $0xffff  }
0xda: {  	s8 =	sand.u32 $0x40, s4;
	s30 =	sand.u32 $0x780, s4;
	v11 =	vld [tilespmem:s26+$0x0];
	[tilespmem:s11+$0x100] =	vst v1  }
0xdb: {  	s12 =	sor.u32 $0x10800, s30;
	s9 =	sor.u32 $0x30, s8;
	[tilespmem:s21+$0x100] =	vst v2;
	v1 =	vld.idx.msk [tilespmem:v6+s2+$0x0], $0xffff  }
0xdc: {  	s18 =	sor.u32 s9, s12;
	v2 =	vor.u32 $0x180, v3;
	v6 =	vld.idx.msk [tilespmem:v7+s2+$0x0], $0xffff  }
0xdd: {  	s19 =	sor.u32 $0x10, s8;
	v7 =	vor.u32 $0x200, v5;
	[tilespmem:s7+$0x100] =	vst v8;
	v8 =	vld [tilespmem:s18+$0x0]  }
0xde: {  	s17 =	sor.u32 s19, s12;
	s18 =	sor.u32 $0x20, s8;
	v9 =	vld.idx.msk [tilespmem:v9+s2+$0x0], $0xffff  }
0xdf: {  	v13 =	vld [tilespmem:s17+$0x0];
	v12 =	vor.u32 $0x200, v4;
	s12 =	sor.u32 s18, s12;
	v14 =	vshll.u32 v11, $0x3  }
0xe0: {  	[tilespmem:s24+$0x100] =	vst v10;
	v10 =	vor.u32 $0x200, v0;
	v11 =	vand.u32 $0x7F, v11;
	v15 =	vld [tilespmem:s12+$0x0];
	v14 =	vand.u32 $0xFFFFFC00, v14  }
0xe1: {  	p0 =	por $0x0, $0x0;
	v16 =	vld.idx.msk [tilespmem:v2+s2+$0x0], $0xffff;
	[tilespmem:s11+$0x180] =	vst v1;
	v1 =	vor.u32 v11, v14;
	s11 =	simm.s32 $0x1  }
0xe2: {  	v11 =	vor.u32 $0x200, v3;
	v7 =	vld.idx.msk [tilespmem:v7+s2+$0x0], $0xffff;
	v2 =	vshll.u32 v8, $0x3;
	s11 =	simm.s32 @!p0 $0x0  }
0xe3: {  	v8 =	vand.u32 $0x7F, v8;
	[tilespmem:s7+$0x180] =	vst v9;
	v2 =	vand.u32 $0xFFFFFC00, v2;
	s20 =	sshll.u32 s11, $0x6;
	v9 =	vor.u32 $0x280, v5  }
0xe4: {  	v14 =	vor.u32 $0x280, v4;
	[tilespmem:s21+$0x180] =	vst v6;
	v6 =	vld.idx.msk [tilespmem:v12+s2+$0x0], $0xffff;
	v12 =	vshll.u32 v13, $0x3;
	v2 =	vor.u32 v8, v2;
	s6 =	sadd.s32 $0x0, s20  }
0xe5: {  	v8 =	vld.idx.msk [tilespmem:v10+s2+$0x0], $0xffff;
	v10 =	vshll.u32 v15, $0x3;
	v13 =	vand.u32 $0x7F, v13;
	v12 =	vand.u32 $0xFFFFFC00, v12;
	s7 =	sadd.s32 $0x30, s6  }
0xe6: {  	v10 =	vand.u32 $0xFFFFFC00, v10;
	[tilespmem:s24+$0x180] =	vst v16;
	v17 =	vld.idx.msk [tilespmem:v1+s2+$0x0], $0xffff;
	v21 =	vor.u32 v13, v12;
	v12 =	vand.u32 $0x7F, v15;
	s21 =	sor.u32 $0x200, s7  }
0xe7: {  	s11 =	sadd.s32 $0x10, s6;
	v11 =	vld.idx.msk [tilespmem:v11+s2+$0x0], $0xffff;
	v10 =	vor.u32 v12, v10;
	[tilespmem:s21+$0x15000] =	vst v7  }
0xe8: {  	s24 =	sor.u32 $0x200, s11;
	v7 =	vor.u32 $0x280, v0;
	v9 =	vld.idx.msk [tilespmem:v9+s2+$0x0], $0xffff  }
0xe9: {  	s5 =	simm.s32 $0x200;
	s26 =	sor.u32 $0x200, s6;
	v12 =	vor.u32 $0x280, v3;
	v13 =	vld.idx.msk [tilespmem:v2+s2+$0x0], $0xffff;
	[tilespmem:s24+$0x15000] =	vst v6  }
0xea: {  	s15 =	sand.u32 $0x3C00, s5;
	s12 =	sadd.s32 $0x20, s6;
	[tilespmem:s26+$0x15000] =	vst v8;
	v8 =	vor.u32 $0x80, v1;
	v6 =	vld.idx.msk [tilespmem:v14+s2+$0x0], $0xffff  }
0xeb: {  	s13 =	sadd.s32 $0x15000, s15;
	s30 =	sor.u32 $0x200, s12;
	v14 =	vor.u32 $0x300, v5;
	v15 =	vld.idx.msk [tilespmem:v21+s2+$0x0], $0xffff  }
0xec: {  	s20 =	sor.u32 s8, s13;
	v16 =	vor.u32 $0x80, v2;
	[tilespmem:s30+$0x15000] =	vst v11;
	v18 =	vld.idx.msk [tilespmem:v10+s2+$0x0], $0xffff  }
0xed: {  	s16 =	sor.u32 $0x280, s7;
	v19 =	vor.u32 $0x80, v21;
	[tilespmem:s20+$0x0] =	vst v17;
	v22 =	vld.idx.msk [tilespmem:v7+s2+$0x0], $0xffff  }
0xee: {  	s3 =	sor.u32 s9, s13;
	v7 =	vor.u32 $0x80, v10;
	v11 =	vld.idx.msk [tilespmem:v12+s2+$0x0], $0xffff;
	[tilespmem:s16+$0x15000] =	vst v9  }
0xef: {  	s17 =	sor.u32 $0x280, s11;
	v9 =	vor.u32 $0x300, v4;
	[tilespmem:s3+$0x0] =	vst v13;
	v8 =	vld.idx.msk [tilespmem:v8+s2+$0x0], $0xffff  }
0xf0: {  	s19 =	sor.u32 s19, s13;
	v13 =	vor.u32 $0x300, v3;
	v12 =	vld.idx.msk [tilespmem:v14+s2+$0x0], $0xffff;
	[tilespmem:s17+$0x15000] =	vst v6  }
0xf1: {  	s10 =	sor.u32 s18, s13;
	v5 =	vor.u32 $0x380, v5;
	v16 =	vld.idx.msk [tilespmem:v16+s2+$0x0], $0xffff;
	[tilespmem:s19+$0x0] =	vst v15  }
0xf2: {  	s18 =	sor.u32 $0x280, s12;
	v17 =	vor.u32 $0x100, v2;
	v15 =	vld.idx.msk [tilespmem:v19+s2+$0x0], $0xffff;
	[tilespmem:s10+$0x0] =	vst v18  }
0xf3: {  	s24 =	sor.u32 $0x280, s6;
	v18 =	vor.u32 $0x100, v1;
	[tilespmem:s18+$0x15000] =	vst v11;
	v7 =	vld.idx.msk [tilespmem:v7+s2+$0x0], $0xffff  }
0xf4: {  	s21 =	sor.u32 $0x300, s7;
	v6 =	vor.u32 $0x100, v21;
	[tilespmem:s24+$0x15000] =	vst v22;
	v23 =	vld.idx.msk [tilespmem:v9+s2+$0x0], $0xffff  }
0xf5: {  	v20 =	vor.u32 $0x100, v10;
	v14 =	vld.idx.msk [tilespmem:v13+s2+$0x0], $0xffff;
	[tilespmem:s21+$0x15000] =	vst v12  }
0xf6: {  	[tilespmem:s3+$0x80] =	vst v16;
	v16 =	vor.u32 $0x300, v0;
	v24 =	vld.idx.msk [tilespmem:v5+s2+$0x0], $0xffff  }
0xf7: {  	v25 =	vor.u32 $0x380, v4;
	[tilespmem:s20+$0x80] =	vst v8;
	v19 =	vld.idx.msk [tilespmem:v17+s2+$0x0], $0xffff  }
0xf8: {  	v4 =	vor.u32 $0x380, v21;
	v17 =	vld.idx.msk [tilespmem:v18+s2+$0x0], $0xffff;
	[tilespmem:s19+$0x80] =	vst v15  }
0xf9: {  	v11 =	vor.u32 $0x200, v21;
	v22 =	vor.u32 $0x180, v2;
	v13 =	vor.u32 $0x180, v21;
	v18 =	vld.idx.msk [tilespmem:v6+s2+$0x0], $0xffff;
	[tilespmem:s10+$0x80] =	vst v7  }
0xfa: {  	s14 =	sor.u32 $0x300, s6;
	s26 =	sor.u32 $0x300, s11;
	v8 =	vor.u32 $0x280, v21;
	v6 =	vor.u32 $0x300, v21;
	v21 =	vor.u32 $0x180, v1;
	v20 =	vld.idx.msk [tilespmem:v20+s2+$0x0], $0xffff  }
0xfb: {  	s13 =	sor.u32 $0x380, s11;
	s8 =	sor.u32 $0x380, s12;
	s30 =	sor.u32 $0x380, s7;
	v3 =	vor.u32 $0x380, v3;
	v9 =	vor.u32 $0x200, v10;
	v12 =	vor.u32 $0x180, v10;
	[tilespmem:s26+$0x15000] =	vst v23;
	v15 =	vld.idx.msk [tilespmem:v16+s2+$0x0], $0xffff  }
0xfc: {  	s7 =	sor.u32 $0x380, s6;
	s18 =	sor.u32 $0x300, s12;
	s12 =	simm.s32 $0x10880;
	v5 =	vor.u32 $0x300, v10;
	v7 =	vor.u32 $0x280, v10;
	v10 =	vor.u32 $0x380, v10;
	v16 =	vld.idx.msk [tilespmem:v25+s2+$0x0], $0xffff;
	[tilespmem:s30+$0x15000] =	vst v24  }
.LBB2_4:
0xfd: {  	s4 =	sadd.s32 $0x40, s4;
	v23 =	vld [tilespmem:s12+$0x0];
	[tilespmem:s3+$0x100] =	vst v19  }
0xfe: {  	s6 =	sand.u32 $0x40, s4;
	s11 =	sand.u32 $0x780, s4;
	p1 =	slt.u32 s4, $0x7C0;
	[tilespmem:s20+$0x100] =	vst v17;
	v17 =	vld.idx.msk [tilespmem:v22+s2+$0x0], $0xffff  }
0xff: {  	s9 =	sor.u32 $0x10, s6;
	s15 =	sor.u32 $0x10800, s11;
	s11 =	sor.u32 $0x30, s6;
	v19 =	vld.idx.msk [tilespmem:v21+s2+$0x0], $0xffff;
	[tilespmem:s19+$0x100] =	vst v18  }
0x100: {  	s16 =	sor.u32 $0x20, s6;
	v18 =	vor.u32 $0x200, v2;
	s17 =	sor.u32 s9, s15;
	s21 =	sor.u32 s11, s15;
	v13 =	vld.idx.msk [tilespmem:v13+s2+$0x0], $0xffff;
	[tilespmem:s10+$0x100] =	vst v20  }
0x101: {  	v21 =	vor.u32 $0x200, v1;
	s15 =	sor.u32 s16, s15;
	v20 =	vld [tilespmem:s21+$0x0];
	[tilespmem:s18+$0x15000] =	vst v14  }
0x102: {  	v14 =	vld [tilespmem:s17+$0x0];
	[tilespmem:s14+$0x15000] =	vst v15  }
0x103: {  	v15 =	vshll.u32 v23, $0x3;
	v22 =	vld [tilespmem:s15+$0x0];
	[tilespmem:s13+$0x15000] =	vst v16  }
0x104: {  	v16 =	vand.u32 $0x7F, v23;
	v15 =	vand.u32 $0xFFFFFC00, v15;
	v12 =	vld.idx.msk [tilespmem:v12+s2+$0x0], $0xffff;
	[tilespmem:s3+$0x180] =	vst v17;
	v17 =	vor.u32 $0x380, v0;
	v0 =	vmovc v1  }
0x105: {  	p0 =	por !p0, !p0;
	v1 =	vor.u32 v16, v15;
	s3 =	simm.s32 $0x1;
	[tilespmem:s20+$0x180] =	vst v19;
	v15 =	vld.idx.msk [tilespmem:v18+s2+$0x0], $0xffff  }
0x106: {  	s3 =	simm.s32 @!p0 $0x0;
	v16 =	vshll.u32 v20, $0x3;
	v18 =	vld.idx.msk [tilespmem:v21+s2+$0x0], $0xffff;
	[tilespmem:s19+$0x180] =	vst v13  }
0x107: {  	v13 =	vand.u32 $0x7F, v20;
	s3 =	sshll.u32 s3, $0x6;
	v16 =	vand.u32 $0xFFFFFC00, v16;
	v19 =	vld.idx.msk [tilespmem:v11+s2+$0x0], $0xffff;
	v11 =	vor.u32 $0x280, v2  }
0x108: {  	v20 =	vshll.u32 v14, $0x3;
	s3 =	sadd.s32 s3, s5;
	v21 =	vshll.u32 v22, $0x3;
	v16 =	vor.u32 v13, v16;
	v23 =	vld.idx.msk [tilespmem:v3+s2+$0x0], $0xffff;
	v3 =	vmovc v10  }
0x109: {  	v10 =	vand.u32 $0x7F, v14;
	v13 =	vand.u32 $0xFFFFFC00, v20;
	s13 =	sadd.s32 $0x10, s3;
	s19 =	sadd.s32 $0x20, s3;
	s15 =	sadd.s32 $0x30, s3;
	v14 =	vand.u32 $0xFFFFFC00, v21;
	v17 =	vld.idx.msk [tilespmem:v17+s2+$0x0], $0xffff  }
0x10a: {  	v10 =	vor.u32 v10, v13;
	v13 =	vand.u32 $0x7F, v22;
	v21 =	vor.u32 $0x280, v0;
	s20 =	sor.u32 $0x200, s13;
	s14 =	sor.u32 $0x200, s15;
	v20 =	vld.idx.msk [tilespmem:v1+s2+$0x0], $0xffff;
	[tilespmem:s10+$0x180] =	vst v12;
	s10 =	sor.u32 $0x200, s19  }
0x10b: {  	s17 =	sor.u32 $0x200, s3;
	s26 =	sor.u32 $0x280, s13;
	s24 =	sor.u32 $0x280, s19;
	v22 =	vor.u32 $0x80, v10;
	v24 =	vor.u32 $0x100, v10;
	v14 =	vor.u32 v13, v14;
	v25 =	vld.idx.msk [tilespmem:v9+s2+$0x0], $0xffff;
	[tilespmem:s14+$0x15000] =	vst v15  }
0x10c: {  	s21 =	sor.u32 $0x280, s3;
	s18 =	sor.u32 $0x300, s19;
	v13 =	vor.u32 $0x180, v10;
	v15 =	vor.u32 $0x80, v14;
	v26 =	vor.u32 $0x100, v14;
	[tilespmem:s17+$0x15000] =	vst v18;
	s17 =	sor.u32 $0x300, s13;
	v18 =	vld.idx.msk [tilespmem:v11+s2+$0x0], $0xffff  }
0x10d: {  	s19 =	sor.u32 $0x380, s19;
	v12 =	vor.u32 $0x180, v14;
	v9 =	vor.u32 $0x200, v14;
	s14 =	sor.u32 $0x300, s3;
	v11 =	vor.u32 $0x200, v10;
	s13 =	sor.u32 $0x380, s13;
	v27 =	vld.idx.msk [tilespmem:v16+s2+$0x0], $0xffff;
	[tilespmem:s20+$0x15000] =	vst v19  }
0x10e: {  	v29 =	vor.u32 $0x300, v2;
	s3 =	sor.u32 $0x380, s3;
	v19 =	vor.u32 $0x280, v14;
	v28 =	vld.idx.msk [tilespmem:v8+s2+$0x0], $0xffff;
	v8 =	vor.u32 $0x280, v10;
	[tilespmem:s8+$0x15000] =	vst v23;
	s8 =	smov.u32 s19  }
0x10f: {  	s5 =	sadd.s32 $0x200, s5;
	v32 =	vor.u32 $0x80, v16;
	v30 =	vor.u32 $0x300, v10;
	v31 =	vor.u32 $0x300, v14;
	v23 =	vld.idx.msk [tilespmem:v10+s2+$0x0], $0xffff;
	[tilespmem:s7+$0x15000] =	vst v17;
	s7 =	smov.u32 s3  }
0x110: {  	v33 =	vor.u32 $0x380, v10;
	s3 =	sand.u32 $0x3C00, s5;
	v17 =	vor.u32 $0x80, v1;
	v10 =	vor.u32 $0x380, v14;
	v34 =	vld.idx.msk [tilespmem:v14+s2+$0x0], $0xffff  }
0x111: {  	s30 =	sor.u32 $0x280, s15;
	s20 =	sadd.s32 $0x15000, s3;
	v35 =	vld.idx.msk [tilespmem:v21+s2+$0x0], $0xffff;
	[tilespmem:s10+$0x15000] =	vst v25  }
0x112: {  	s19 =	sor.u32 s9, s20;
	s10 =	sor.u32 s16, s20;
	s3 =	sor.u32 s11, s20;
	v14 =	vld.idx.msk [tilespmem:v7+s2+$0x0], $0xffff;
	[tilespmem:s30+$0x15000] =	vst v18;
	v7 =	vmov v19  }
0x113: {  	s20 =	sor.u32 s6, s20;
	[tilespmem:s3+$0x0] =	vst v27;
	v18 =	vld.idx.msk [tilespmem:v29+s2+$0x0], $0xffff  }
0x114: {  	[tilespmem:s20+$0x0] =	vst v20;
	v19 =	vld.idx.msk [tilespmem:v32+s2+$0x0], $0xffff  }
0x115: {  	v20 =	vor.u32 $0x380, v2;
	v2 =	vmov v16;
	v17 =	vld.idx.msk [tilespmem:v17+s2+$0x0], $0xffff;
	[tilespmem:s19+$0x0] =	vst v23  }
0x116: {  	v21 =	vor.u32 $0x100, v2;
	v16 =	vld.idx.msk [tilespmem:v22+s2+$0x0], $0xffff;
	[tilespmem:s10+$0x0] =	vst v34  }
0x117: {  	v22 =	vor.u32 $0x100, v1;
	v15 =	vld.idx.msk [tilespmem:v15+s2+$0x0], $0xffff;
	[tilespmem:s26+$0x15000] =	vst v28  }
0x118: {  	s6 =	sor.u32 $0x300, s15;
	v23 =	vld.idx.msk [tilespmem:v6+s2+$0x0], $0xffff;
	[tilespmem:s24+$0x15000] =	vst v14;
	v6 =	vmov v30  }
0x119: {  	v14 =	vld.idx.msk [tilespmem:v5+s2+$0x0], $0xffff;
	[tilespmem:s6+$0x15000] =	vst v18;
	v5 =	vmov v31  }
0x11a: {  	v25 =	vor.u32 $0x300, v0;
	[tilespmem:s3+$0x80] =	vst v19;
	v27 =	vld.idx.msk [tilespmem:v20+s2+$0x0], $0xffff  }
0x11b: {  	[tilespmem:s20+$0x80] =	vst v17;
	v19 =	vld.idx.msk [tilespmem:v21+s2+$0x0], $0xffff  }
.Ltmp1:
0x11c: {  	v17 =	vld.idx.msk [tilespmem:v22+s2+$0x0], $0xffff;
	[tilespmem:s19+$0x80] =	vst v16;
	(pc) =	sbr.rel @p1 .LBB2_4-.Ltmp1, $4  }
0x11d: {  	v22 =	vor.u32 $0x180, v2;
	v18 =	vld.idx.msk [tilespmem:v24+s2+$0x0], $0xffff;
	[tilespmem:s10+$0x80] =	vst v15  }
0x11e: {  	v21 =	vor.u32 $0x180, v1;
	v20 =	vld.idx.msk [tilespmem:v26+s2+$0x0], $0xffff;
	[tilespmem:s21+$0x15000] =	vst v35  }
0x11f: {  	s6 =	sor.u32 $0x380, s15;
	v15 =	vld.idx.msk [tilespmem:v25+s2+$0x0], $0xffff;
	[tilespmem:s17+$0x15000] =	vst v23  }
0x120: {  	s12 =	sadd.s32 $0x40, s12;
	v16 =	vld.idx.msk [tilespmem:v4+s2+$0x0], $0xffff;
	[tilespmem:s6+$0x15000] =	vst v27;
	v4 =	vmov v33  }
0x121: {  	_ =	sdelay $0x2  }
0x122: {  	[tilespmem:s3+$0x100] =	vst v19  }
0x123: {  	v19 =	vld.idx.msk [tilespmem:v22+s2+$0x0], $0xffff;
	[tilespmem:s19+$0x100] =	vst v18  }
0x124: {  	[tilespmem:s20+$0x100] =	vst v17;
	v18 =	vor.u32 $0x200, v2;
	v13 =	vld.idx.msk [tilespmem:v13+s2+$0x0], $0xffff  }
0x125: {  	v17 =	vld.idx.msk [tilespmem:v21+s2+$0x0], $0xffff;
	[tilespmem:s10+$0x100] =	vst v20  }
0x126: {  	v20 =	vor.u32 $0x200, v1;
	v12 =	vld.idx.msk [tilespmem:v12+s2+$0x0], $0xffff;
	_ =	sdelay $0x1  }
0x127: {  	p0 =	por !p0, !p0;
	[tilespmem:s3+$0x180] =	vst v19;
	s3 =	simm.s32 $0x1  }
0x128: {  	v18 =	vld.idx.msk [tilespmem:v18+s2+$0x0], $0xffff;
	s3 =	simm.s32 @!p0 $0x0;
	[tilespmem:s19+$0x180] =	vst v13  }
0x129: {  	[tilespmem:s20+$0x180] =	vst v17;
	v13 =	vor.u32 $0x280, v2;
	s3 =	sshll.u32 s3, $0x6;
	v11 =	vld.idx.msk [tilespmem:v11+s2+$0x0], $0xffff  }
0x12a: {  	[tilespmem:s10+$0x180] =	vst v12;
	v12 =	vld.idx.msk [tilespmem:v20+s2+$0x0], $0xffff;
	s3 =	sadd.s32 s3, s5  }
0x12b: {  	v17 =	vor.u32 $0x280, v1;
	v9 =	vld.idx.msk [tilespmem:v9+s2+$0x0], $0xffff;
	s4 =	sadd.s32 $0x30, s3  }
0x12c: {  	s5 =	sadd.s32 $0x10, s3;
	s6 =	sor.u32 $0x200, s4  }
0x12d: {  	s12 =	sor.u32 $0x200, s5;
	[tilespmem:s6+$0x15000] =	vst v18  }
0x12e: {  	s9 =	sadd.s32 $0x20, s3;
	s16 =	sor.u32 $0x200, s3;
	v13 =	vld.idx.msk [tilespmem:v13+s2+$0x0], $0xffff;
	[tilespmem:s12+$0x15000] =	vst v11  }
0x12f: {  	s15 =	sor.u32 $0x200, s9;
	v11 =	vor.u32 $0x300, v2;
	[tilespmem:s16+$0x15000] =	vst v12;
	v8 =	vld.idx.msk [tilespmem:v8+s2+$0x0], $0xffff  }
0x130: {  	[tilespmem:s15+$0x15000] =	vst v9;
	v9 =	vld.idx.msk [tilespmem:v17+s2+$0x0], $0xffff  }
0x131: {  	v12 =	vor.u32 $0x300, v1;
	v7 =	vld.idx.msk [tilespmem:v7+s2+$0x0], $0xffff  }
0x132: {  	[tilespmem:s18+$0x15000] =	vst v14;
	s17 =	sor.u32 $0x280, s4  }
0x133: {  	s18 =	sor.u32 $0x280, s5;
	[tilespmem:s17+$0x15000] =	vst v13  }
0x134: {  	v0 =	vor.u32 $0x380, v0;
	s20 =	sor.u32 $0x280, s3;
	v11 =	vld.idx.msk [tilespmem:v11+s2+$0x0], $0xffff;
	[tilespmem:s18+$0x15000] =	vst v8  }
0x135: {  	s19 =	sor.u32 $0x280, s9;
	v2 =	vor.u32 $0x380, v2;
	[tilespmem:s20+$0x15000] =	vst v9;
	v6 =	vld.idx.msk [tilespmem:v6+s2+$0x0], $0xffff  }
0x136: {  	[tilespmem:s19+$0x15000] =	vst v7;
	v7 =	vld.idx.msk [tilespmem:v12+s2+$0x0], $0xffff  }
0x137: {  	[tilespmem:s14+$0x15000] =	vst v15;
	v1 =	vor.u32 $0x380, v1;
	v5 =	vld.idx.msk [tilespmem:v5+s2+$0x0], $0xffff  }
0x138: {  	v3 =	vld.idx.msk [tilespmem:v3+s2+$0x0], $0xffff;
	[tilespmem:s13+$0x15000] =	vst v16;
	s21 =	sor.u32 $0x300, s4  }
0x139: {  	v0 =	vld.idx.msk [tilespmem:v0+s2+$0x0], $0xffff;
	s24 =	sor.u32 $0x300, s5;
	[tilespmem:s21+$0x15000] =	vst v11  }
0x13a: {  	s30 =	sor.u32 $0x300, s3;
	v2 =	vld.idx.msk [tilespmem:v2+s2+$0x0], $0xffff;
	[tilespmem:s24+$0x15000] =	vst v6  }
0x13b: {  	s26 =	sor.u32 $0x300, s9;
	[tilespmem:s30+$0x15000] =	vst v7;
	v4 =	vld.idx.msk [tilespmem:v4+s2+$0x0], $0xffff  }
0x13c: {  	[tilespmem:s26+$0x15000] =	vst v5;
	v1 =	vld.idx.msk [tilespmem:v1+s2+$0x0], $0xffff  }
0x13d: {  	[tilespmem:s8+$0x15000] =	vst v3;
	v5 =	vld.idx.msk [tilespmem:v10+s2+$0x0], $0xffff  }
0x13e: {  	[tilespmem:s7+$0x15000] =	vst v0;
	s4 =	sor.u32 $0x380, s4  }
0x13f: {  	s5 =	sor.u32 $0x380, s5;
	[tilespmem:s4+$0x15000] =	vst v2  }
0x140: {  	s3 =	sor.u32 $0x380, s3;
	[tilespmem:s5+$0x15000] =	vst v4  }
0x141: {  	s8 =	sor.u32 $0x380, s9;
	[tilespmem:s3+$0x15000] =	vst v1  }
0x142: {  	[tilespmem:s8+$0x15000] =	vst v5  }
0x143: {  	s10 =	simm.s32 $0x15000;
	s9 =	simm.s32 $0x0;
	s4 =	rddreg [dreg:$0x16]  }
0x144: {  	[hbm4b:s4+s9] =	stream.linear.scatter [tilespmem:s10], [sflag:$0x4], $0x4000, $0x38;
	[tilespmem:$0x19000] =	vst v63  }
0x145: {  	s12 =	simm.s32 $0x10800;
	s11 =	rddreg [dreg:$0xb]  }
0x146: {  	[tilespmem:s12], [sflag:$0x2] =	stream.strided.gather [hbm4b:s11+s22], $0x800, s23, s22, $0x38;
	[tilespmem:$0x19000] =	vst v63  }
0x147: {  	_ =	swait.ge [sflag:s25], $0x800  }
0x148: {  	[sflag:s25] =	ssyncset.done $0x0  }
0x149: {  	s13 =	simm.s32 $0x0;
	[sflag:s25] =	ssyncadd.s32 $0xFFFFF800  }
0x14a: {  	s14 =	sand.u32 $0x40, s13;
	s4 =	sand.u32 $0x780, s13;
	_ =	swait.ge [sflag:s31], $0x4000  }
0x14b: {  	s15 =	sor.u32 $0x30, s14;
	s4 =	sor.u32 $0x10000, s4;
	[sflag:s31] =	ssyncset.done $0x0  }
0x14c: {  	s16 =	sor.u32 s15, s4;
	[sflag:s31] =	ssyncadd.s32 $0xFFFFC000  }
0x14d: {  	s17 =	simm.s32 $0x10000;
	v0 =	vld [tilespmem:s16+$0x0]  }
0x14e: {  	s18 =	sor.u32 $0x10, s14;
	v1 =	vld [tilespmem:s17+$0x0]  }
0x14f: {  	s20 =	sor.u32 $0x20, s14;
	s19 =	sor.u32 s18, s4  }
0x150: {  	s4 =	sor.u32 s20, s4;
	v2 =	vld [tilespmem:s19+$0x0]  }
0x151: {  	v3 =	vld [tilespmem:s4+$0x0]  }
0x152: {  	v4 =	vshll.u32 v0, $0x3  }
0x153: {  	v5 =	vshll.u32 v1, $0x3;
	v0 =	vand.u32 $0x7F, v0;
	v4 =	vand.u32 $0xFFFFFC00, v4  }
0x154: {  	v1 =	vand.u32 $0x7F, v1;
	v6 =	vand.u32 $0xFFFFFC00, v5;
	v5 =	vor.u32 v0, v4  }
0x155: {  	v0 =	vor.u32 v1, v6;
	v1 =	vshll.u32 v2, $0x3  }
0x156: {  	v4 =	vshll.u32 v3, $0x3;
	v2 =	vand.u32 $0x7F, v2;
	v1 =	vand.u32 $0xFFFFFC00, v1  }
0x157: {  	v6 =	vand.u32 $0xFFFFFC00, v4;
	v4 =	vor.u32 v2, v1;
	v1 =	vand.u32 $0x7F, v3  }
0x158: {  	v3 =	vor.u32 v1, v6  }
0x159: {  	v1 =	vld.idx.msk [tilespmem:v5+s2+$0x0], $0xffff  }
0x15a: {  	v6 =	vor.u32 $0x80, v5;
	v2 =	vld.idx.msk [tilespmem:v0+s2+$0x0], $0xffff  }
0x15b: {  	s3 =	sand.u32 $0x3C00, s9;
	v7 =	vor.u32 $0x80, v0  }
0x15c: {  	s3 =	sadd.s32 $0x11000, s3;
	v8 =	vld.idx.msk [tilespmem:v4+s2+$0x0], $0xffff  }
0x15d: {  	s11 =	sor.u32 s15, s3;
	v9 =	vor.u32 $0x80, v4;
	v10 =	vld.idx.msk [tilespmem:v3+s2+$0x0], $0xffff  }
0x15e: {  	s21 =	sor.u32 s14, s3;
	v11 =	vor.u32 $0x80, v3;
	[tilespmem:s11+$0x0] =	vst v1  }
0x15f: {  	[tilespmem:s21+$0x0] =	vst v2;
	v1 =	vld.idx.msk [tilespmem:v6+s2+$0x0], $0xffff  }
0x160: {  	s7 =	sor.u32 s18, s3;
	v2 =	vld.idx.msk [tilespmem:v7+s2+$0x0], $0xffff;
	v6 =	vor.u32 $0x100, v5  }
0x161: {  	s24 =	sor.u32 s20, s3;
	v7 =	vor.u32 $0x100, v0;
	[tilespmem:s7+$0x0] =	vst v8  }
0x162: {  	v8 =	vld.idx.msk [tilespmem:v9+s2+$0x0], $0xffff;
	[tilespmem:s24+$0x0] =	vst v10  }
0x163: {  	v9 =	vor.u32 $0x100, v4;
	v10 =	vld.idx.msk [tilespmem:v11+s2+$0x0], $0xffff  }
0x164: {  	v11 =	vor.u32 $0x100, v3;
	[tilespmem:s11+$0x80] =	vst v1  }
0x165: {  	[tilespmem:s21+$0x80] =	vst v2;
	v1 =	vld.idx.msk [tilespmem:v6+s2+$0x0], $0xffff  }
0x166: {  	v2 =	vld.idx.msk [tilespmem:v7+s2+$0x0], $0xffff;
	v6 =	vor.u32 $0x180, v5  }
0x167: {  	v7 =	vor.u32 $0x180, v0;
	[tilespmem:s7+$0x80] =	vst v8  }
0x168: {  	v8 =	vld.idx.msk [tilespmem:v9+s2+$0x0], $0xffff;
	[tilespmem:s24+$0x80] =	vst v10  }
0x169: {  	s26 =	simm.s32 $0x10040;
	s4 =	simm.s32 $0x40;
	v9 =	vor.u32 $0x180, v4;
	v10 =	vld.idx.msk [tilespmem:v11+s2+$0x0], $0xffff  }
0x16a: {  	s8 =	sand.u32 $0x40, s4;
	s30 =	sand.u32 $0x780, s4;
	v11 =	vld [tilespmem:s26+$0x0];
	[tilespmem:s11+$0x100] =	vst v1  }
0x16b: {  	s12 =	sor.u32 $0x10000, s30;
	s9 =	sor.u32 $0x30, s8;
	[tilespmem:s21+$0x100] =	vst v2;
	v1 =	vld.idx.msk [tilespmem:v6+s2+$0x0], $0xffff  }
0x16c: {  	s18 =	sor.u32 s9, s12;
	v2 =	vor.u32 $0x180, v3;
	v6 =	vld.idx.msk [tilespmem:v7+s2+$0x0], $0xffff  }
0x16d: {  	s19 =	sor.u32 $0x10, s8;
	v7 =	vor.u32 $0x200, v5;
	[tilespmem:s7+$0x100] =	vst v8;
	v8 =	vld [tilespmem:s18+$0x0]  }
0x16e: {  	s17 =	sor.u32 s19, s12;
	s18 =	sor.u32 $0x20, s8;
	v9 =	vld.idx.msk [tilespmem:v9+s2+$0x0], $0xffff  }
0x16f: {  	v13 =	vld [tilespmem:s17+$0x0];
	v12 =	vor.u32 $0x200, v4;
	s12 =	sor.u32 s18, s12;
	v14 =	vshll.u32 v11, $0x3  }
0x170: {  	[tilespmem:s24+$0x100] =	vst v10;
	v10 =	vor.u32 $0x200, v0;
	v11 =	vand.u32 $0x7F, v11;
	v15 =	vld [tilespmem:s12+$0x0];
	v14 =	vand.u32 $0xFFFFFC00, v14  }
0x171: {  	p0 =	por $0x0, $0x0;
	v16 =	vld.idx.msk [tilespmem:v2+s2+$0x0], $0xffff;
	[tilespmem:s11+$0x180] =	vst v1;
	v1 =	vor.u32 v11, v14;
	s11 =	simm.s32 $0x1  }
0x172: {  	v11 =	vor.u32 $0x200, v3;
	v7 =	vld.idx.msk [tilespmem:v7+s2+$0x0], $0xffff;
	v2 =	vshll.u32 v8, $0x3;
	s11 =	simm.s32 @!p0 $0x0  }
0x173: {  	v8 =	vand.u32 $0x7F, v8;
	[tilespmem:s7+$0x180] =	vst v9;
	v2 =	vand.u32 $0xFFFFFC00, v2;
	s20 =	sshll.u32 s11, $0x6;
	v9 =	vor.u32 $0x280, v5  }
0x174: {  	v14 =	vor.u32 $0x280, v4;
	[tilespmem:s21+$0x180] =	vst v6;
	v6 =	vld.idx.msk [tilespmem:v12+s2+$0x0], $0xffff;
	v12 =	vshll.u32 v13, $0x3;
	v2 =	vor.u32 v8, v2;
	s6 =	sadd.s32 $0x0, s20  }
0x175: {  	v8 =	vld.idx.msk [tilespmem:v10+s2+$0x0], $0xffff;
	v10 =	vshll.u32 v15, $0x3;
	v13 =	vand.u32 $0x7F, v13;
	v12 =	vand.u32 $0xFFFFFC00, v12;
	s7 =	sadd.s32 $0x30, s6  }
0x176: {  	v10 =	vand.u32 $0xFFFFFC00, v10;
	[tilespmem:s24+$0x180] =	vst v16;
	v17 =	vld.idx.msk [tilespmem:v1+s2+$0x0], $0xffff;
	v21 =	vor.u32 v13, v12;
	v12 =	vand.u32 $0x7F, v15;
	s21 =	sor.u32 $0x200, s7  }
0x177: {  	s11 =	sadd.s32 $0x10, s6;
	v11 =	vld.idx.msk [tilespmem:v11+s2+$0x0], $0xffff;
	v10 =	vor.u32 v12, v10;
	[tilespmem:s21+$0x11000] =	vst v7  }
0x178: {  	s24 =	sor.u32 $0x200, s11;
	v7 =	vor.u32 $0x280, v0;
	v9 =	vld.idx.msk [tilespmem:v9+s2+$0x0], $0xffff  }
0x179: {  	s5 =	simm.s32 $0x200;
	s26 =	sor.u32 $0x200, s6;
	v12 =	vor.u32 $0x280, v3;
	v13 =	vld.idx.msk [tilespmem:v2+s2+$0x0], $0xffff;
	[tilespmem:s24+$0x11000] =	vst v6  }
0x17a: {  	s15 =	sand.u32 $0x3C00, s5;
	s12 =	sadd.s32 $0x20, s6;
	[tilespmem:s26+$0x11000] =	vst v8;
	v8 =	vor.u32 $0x80, v1;
	v6 =	vld.idx.msk [tilespmem:v14+s2+$0x0], $0xffff  }
0x17b: {  	s13 =	sadd.s32 $0x11000, s15;
	s30 =	sor.u32 $0x200, s12;
	v14 =	vor.u32 $0x300, v5;
	v15 =	vld.idx.msk [tilespmem:v21+s2+$0x0], $0xffff  }
0x17c: {  	s20 =	sor.u32 s8, s13;
	v16 =	vor.u32 $0x80, v2;
	[tilespmem:s30+$0x11000] =	vst v11;
	v18 =	vld.idx.msk [tilespmem:v10+s2+$0x0], $0xffff  }
0x17d: {  	s16 =	sor.u32 $0x280, s7;
	v19 =	vor.u32 $0x80, v21;
	[tilespmem:s20+$0x0] =	vst v17;
	v7 =	vld.idx.msk [tilespmem:v7+s2+$0x0], $0xffff  }
0x17e: {  	s3 =	sor.u32 s9, s13;
	v11 =	vor.u32 $0x80, v10;
	v12 =	vld.idx.msk [tilespmem:v12+s2+$0x0], $0xffff;
	[tilespmem:s16+$0x11000] =	vst v9  }
0x17f: {  	s17 =	sor.u32 $0x280, s11;
	v9 =	vor.u32 $0x300, v4;
	[tilespmem:s3+$0x0] =	vst v13;
	v8 =	vld.idx.msk [tilespmem:v8+s2+$0x0], $0xffff  }
0x180: {  	s19 =	sor.u32 s19, s13;
	v13 =	vld.idx.msk [tilespmem:v14+s2+$0x0], $0xffff;
	v14 =	vor.u32 $0x300, v3;
	[tilespmem:s17+$0x11000] =	vst v6  }
0x181: {  	s10 =	sor.u32 s18, s13;
	v5 =	vor.u32 $0x380, v5;
	v16 =	vld.idx.msk [tilespmem:v16+s2+$0x0], $0xffff;
	[tilespmem:s19+$0x0] =	vst v15  }
0x182: {  	s18 =	sor.u32 $0x280, s12;
	v17 =	vor.u32 $0x100, v2;
	v15 =	vld.idx.msk [tilespmem:v19+s2+$0x0], $0xffff;
	[tilespmem:s10+$0x0] =	vst v18  }
0x183: {  	v18 =	vor.u32 $0x100, v1;
	[tilespmem:s18+$0x11000] =	vst v12;
	v20 =	vld.idx.msk [tilespmem:v11+s2+$0x0], $0xffff  }
0x184: {  	s21 =	sor.u32 $0x300, s7;
	v6 =	vor.u32 $0x100, v21;
	v22 =	vld.idx.msk [tilespmem:v9+s2+$0x0], $0xffff;
	[tilespmem:s20+$0x80] =	vst v8  }
0x185: {  	v23 =	vor.u32 $0x100, v10;
	v14 =	vld.idx.msk [tilespmem:v14+s2+$0x0], $0xffff;
	[tilespmem:s21+$0x11000] =	vst v13  }
0x186: {  	[tilespmem:s3+$0x80] =	vst v16;
	v16 =	vor.u32 $0x300, v0;
	v24 =	vld.idx.msk [tilespmem:v5+s2+$0x0], $0xffff  }
0x187: {  	v25 =	vor.u32 $0x380, v4;
	v19 =	vld.idx.msk [tilespmem:v17+s2+$0x0], $0xffff;
	[tilespmem:s19+$0x80] =	vst v15  }
0x188: {  	s26 =	sor.u32 $0x300, s11;
	v4 =	vor.u32 $0x380, v21;
	v17 =	vld.idx.msk [tilespmem:v18+s2+$0x0], $0xffff;
	[tilespmem:s10+$0x80] =	vst v20  }
0x189: {  	s24 =	sor.u32 $0x280, s6;
	v11 =	vor.u32 $0x200, v21;
	v8 =	vor.u32 $0x280, v21;
	v18 =	vld.idx.msk [tilespmem:v6+s2+$0x0], $0xffff;
	[tilespmem:s26+$0x11000] =	vst v22;
	v22 =	vor.u32 $0x180, v2  }
0x18a: {  	s14 =	sor.u32 $0x300, s6;
	[tilespmem:s24+$0x11000] =	vst v7;
	v13 =	vor.u32 $0x180, v21;
	v6 =	vor.u32 $0x300, v21;
	v21 =	vor.u32 $0x180, v1;
	v20 =	vld.idx.msk [tilespmem:v23+s2+$0x0], $0xffff  }
0x18b: {  	s13 =	sor.u32 $0x380, s11;
	s8 =	sor.u32 $0x380, s12;
	s30 =	sor.u32 $0x380, s7;
	v3 =	vor.u32 $0x380, v3;
	v12 =	vor.u32 $0x180, v10;
	v7 =	vor.u32 $0x280, v10;
	v15 =	vld.idx.msk [tilespmem:v16+s2+$0x0], $0xffff  }
0x18c: {  	s7 =	sor.u32 $0x380, s6;
	s18 =	sor.u32 $0x300, s12;
	s12 =	simm.s32 $0x10080;
	v9 =	vor.u32 $0x200, v10;
	v5 =	vor.u32 $0x300, v10;
	v10 =	vor.u32 $0x380, v10;
	v16 =	vld.idx.msk [tilespmem:v25+s2+$0x0], $0xffff;
	[tilespmem:s30+$0x11000] =	vst v24  }
.LBB2_6:
0x18d: {  	s4 =	sadd.s32 $0x40, s4;
	v23 =	vld [tilespmem:s12+$0x0];
	[tilespmem:s3+$0x100] =	vst v19  }
0x18e: {  	s6 =	sand.u32 $0x40, s4;
	s11 =	sand.u32 $0x780, s4;
	p1 =	slt.u32 s4, $0x7C0;
	[tilespmem:s20+$0x100] =	vst v17;
	v17 =	vld.idx.msk [tilespmem:v22+s2+$0x0], $0xffff  }
0x18f: {  	s9 =	sor.u32 $0x10, s6;
	s15 =	sor.u32 $0x10000, s11;
	s11 =	sor.u32 $0x30, s6;
	v19 =	vld.idx.msk [tilespmem:v21+s2+$0x0], $0xffff;
	[tilespmem:s19+$0x100] =	vst v18  }
0x190: {  	s16 =	sor.u32 $0x20, s6;
	v18 =	vor.u32 $0x200, v2;
	s17 =	sor.u32 s9, s15;
	s21 =	sor.u32 s11, s15;
	v13 =	vld.idx.msk [tilespmem:v13+s2+$0x0], $0xffff;
	[tilespmem:s10+$0x100] =	vst v20  }
0x191: {  	v21 =	vor.u32 $0x200, v1;
	s15 =	sor.u32 s16, s15;
	v20 =	vld [tilespmem:s21+$0x0];
	[tilespmem:s18+$0x11000] =	vst v14  }
0x192: {  	v14 =	vld [tilespmem:s17+$0x0];
	[tilespmem:s14+$0x11000] =	vst v15  }
0x193: {  	v15 =	vshll.u32 v23, $0x3;
	v22 =	vld [tilespmem:s15+$0x0];
	[tilespmem:s13+$0x11000] =	vst v16  }
0x194: {  	v16 =	vand.u32 $0x7F, v23;
	v15 =	vand.u32 $0xFFFFFC00, v15;
	v12 =	vld.idx.msk [tilespmem:v12+s2+$0x0], $0xffff;
	[tilespmem:s3+$0x180] =	vst v17;
	v17 =	vor.u32 $0x380, v0;
	v0 =	vmovc v1  }
0x195: {  	p0 =	por !p0, !p0;
	v1 =	vor.u32 v16, v15;
	s3 =	simm.s32 $0x1;
	[tilespmem:s20+$0x180] =	vst v19;
	v15 =	vld.idx.msk [tilespmem:v18+s2+$0x0], $0xffff  }
0x196: {  	s3 =	simm.s32 @!p0 $0x0;
	v16 =	vshll.u32 v20, $0x3;
	v18 =	vld.idx.msk [tilespmem:v21+s2+$0x0], $0xffff;
	[tilespmem:s19+$0x180] =	vst v13  }
0x197: {  	v13 =	vand.u32 $0x7F, v20;
	s3 =	sshll.u32 s3, $0x6;
	v16 =	vand.u32 $0xFFFFFC00, v16;
	v19 =	vld.idx.msk [tilespmem:v11+s2+$0x0], $0xffff;
	v11 =	vor.u32 $0x280, v2  }
0x198: {  	v20 =	vshll.u32 v14, $0x3;
	s3 =	sadd.s32 s3, s5;
	v21 =	vshll.u32 v22, $0x3;
	v16 =	vor.u32 v13, v16;
	v23 =	vld.idx.msk [tilespmem:v3+s2+$0x0], $0xffff;
	v3 =	vmovc v10  }
0x199: {  	v10 =	vand.u32 $0x7F, v14;
	v13 =	vand.u32 $0xFFFFFC00, v20;
	s13 =	sadd.s32 $0x10, s3;
	s19 =	sadd.s32 $0x20, s3;
	s15 =	sadd.s32 $0x30, s3;
	v14 =	vand.u32 $0xFFFFFC00, v21;
	v17 =	vld.idx.msk [tilespmem:v17+s2+$0x0], $0xffff  }
0x19a: {  	v10 =	vor.u32 v10, v13;
	v13 =	vand.u32 $0x7F, v22;
	v21 =	vor.u32 $0x280, v0;
	s20 =	sor.u32 $0x200, s13;
	s14 =	sor.u32 $0x200, s15;
	v20 =	vld.idx.msk [tilespmem:v1+s2+$0x0], $0xffff;
	[tilespmem:s10+$0x180] =	vst v12;
	s10 =	sor.u32 $0x200, s19  }
0x19b: {  	s17 =	sor.u32 $0x200, s3;
	s26 =	sor.u32 $0x280, s13;
	s24 =	sor.u32 $0x280, s19;
	v22 =	vor.u32 $0x80, v10;
	v24 =	vor.u32 $0x100, v10;
	v14 =	vor.u32 v13, v14;
	v25 =	vld.idx.msk [tilespmem:v9+s2+$0x0], $0xffff;
	[tilespmem:s14+$0x11000] =	vst v15  }
0x19c: {  	s21 =	sor.u32 $0x280, s3;
	s18 =	sor.u32 $0x300, s19;
	v13 =	vor.u32 $0x180, v10;
	v15 =	vor.u32 $0x80, v14;
	v26 =	vor.u32 $0x100, v14;
	[tilespmem:s17+$0x11000] =	vst v18;
	s17 =	sor.u32 $0x300, s13;
	v18 =	vld.idx.msk [tilespmem:v11+s2+$0x0], $0xffff  }
0x19d: {  	s19 =	sor.u32 $0x380, s19;
	v12 =	vor.u32 $0x180, v14;
	v9 =	vor.u32 $0x200, v14;
	s14 =	sor.u32 $0x300, s3;
	v11 =	vor.u32 $0x200, v10;
	s13 =	sor.u32 $0x380, s13;
	v27 =	vld.idx.msk [tilespmem:v16+s2+$0x0], $0xffff;
	[tilespmem:s20+$0x11000] =	vst v19  }
0x19e: {  	v29 =	vor.u32 $0x300, v2;
	s3 =	sor.u32 $0x380, s3;
	v19 =	vor.u32 $0x280, v14;
	v28 =	vld.idx.msk [tilespmem:v8+s2+$0x0], $0xffff;
	v8 =	vor.u32 $0x280, v10;
	[tilespmem:s8+$0x11000] =	vst v23;
	s8 =	smov.u32 s19  }
0x19f: {  	s5 =	sadd.s32 $0x200, s5;
	v32 =	vor.u32 $0x80, v16;
	v30 =	vor.u32 $0x300, v10;
	v31 =	vor.u32 $0x300, v14;
	v23 =	vld.idx.msk [tilespmem:v10+s2+$0x0], $0xffff;
	[tilespmem:s7+$0x11000] =	vst v17;
	s7 =	smov.u32 s3  }
0x1a0: {  	v33 =	vor.u32 $0x380, v10;
	s3 =	sand.u32 $0x3C00, s5;
	v17 =	vor.u32 $0x80, v1;
	v10 =	vor.u32 $0x380, v14;
	v34 =	vld.idx.msk [tilespmem:v14+s2+$0x0], $0xffff  }
0x1a1: {  	s30 =	sor.u32 $0x280, s15;
	s20 =	sadd.s32 $0x11000, s3;
	v35 =	vld.idx.msk [tilespmem:v21+s2+$0x0], $0xffff;
	[tilespmem:s10+$0x11000] =	vst v25  }
0x1a2: {  	s19 =	sor.u32 s9, s20;
	s10 =	sor.u32 s16, s20;
	s3 =	sor.u32 s11, s20;
	v14 =	vld.idx.msk [tilespmem:v7+s2+$0x0], $0xffff;
	[tilespmem:s30+$0x11000] =	vst v18;
	v7 =	vmov v19  }
0x1a3: {  	s20 =	sor.u32 s6, s20;
	[tilespmem:s3+$0x0] =	vst v27;
	v18 =	vld.idx.msk [tilespmem:v29+s2+$0x0], $0xffff  }
0x1a4: {  	[tilespmem:s20+$0x0] =	vst v20;
	v19 =	vld.idx.msk [tilespmem:v32+s2+$0x0], $0xffff  }
0x1a5: {  	v20 =	vor.u32 $0x380, v2;
	v2 =	vmov v16;
	v17 =	vld.idx.msk [tilespmem:v17+s2+$0x0], $0xffff;
	[tilespmem:s19+$0x0] =	vst v23  }
0x1a6: {  	v21 =	vor.u32 $0x100, v2;
	v16 =	vld.idx.msk [tilespmem:v22+s2+$0x0], $0xffff;
	[tilespmem:s10+$0x0] =	vst v34  }
0x1a7: {  	v22 =	vor.u32 $0x100, v1;
	v15 =	vld.idx.msk [tilespmem:v15+s2+$0x0], $0xffff;
	[tilespmem:s26+$0x11000] =	vst v28  }
0x1a8: {  	s6 =	sor.u32 $0x300, s15;
	v23 =	vld.idx.msk [tilespmem:v6+s2+$0x0], $0xffff;
	[tilespmem:s24+$0x11000] =	vst v14;
	v6 =	vmov v30  }
0x1a9: {  	v14 =	vld.idx.msk [tilespmem:v5+s2+$0x0], $0xffff;
	[tilespmem:s6+$0x11000] =	vst v18;
	v5 =	vmov v31  }
0x1aa: {  	v25 =	vor.u32 $0x300, v0;
	[tilespmem:s3+$0x80] =	vst v19;
	v27 =	vld.idx.msk [tilespmem:v20+s2+$0x0], $0xffff  }
0x1ab: {  	[tilespmem:s20+$0x80] =	vst v17;
	v19 =	vld.idx.msk [tilespmem:v21+s2+$0x0], $0xffff  }
.Ltmp2:
0x1ac: {  	v17 =	vld.idx.msk [tilespmem:v22+s2+$0x0], $0xffff;
	[tilespmem:s19+$0x80] =	vst v16;
	(pc) =	sbr.rel @p1 .LBB2_6-.Ltmp2, $4  }
0x1ad: {  	v22 =	vor.u32 $0x180, v2;
	v18 =	vld.idx.msk [tilespmem:v24+s2+$0x0], $0xffff;
	[tilespmem:s10+$0x80] =	vst v15  }
0x1ae: {  	v21 =	vor.u32 $0x180, v1;
	v20 =	vld.idx.msk [tilespmem:v26+s2+$0x0], $0xffff;
	[tilespmem:s21+$0x11000] =	vst v35  }
0x1af: {  	s6 =	sor.u32 $0x380, s15;
	v15 =	vld.idx.msk [tilespmem:v25+s2+$0x0], $0xffff;
	[tilespmem:s17+$0x11000] =	vst v23  }
0x1b0: {  	s12 =	sadd.s32 $0x40, s12;
	v16 =	vld.idx.msk [tilespmem:v4+s2+$0x0], $0xffff;
	[tilespmem:s6+$0x11000] =	vst v27;
	v4 =	vmov v33  }
0x1b1: {  	_ =	sdelay $0x2  }
0x1b2: {  	[tilespmem:s3+$0x100] =	vst v19  }
0x1b3: {  	v19 =	vld.idx.msk [tilespmem:v22+s2+$0x0], $0xffff;
	[tilespmem:s19+$0x100] =	vst v18  }
0x1b4: {  	[tilespmem:s20+$0x100] =	vst v17;
	v18 =	vor.u32 $0x200, v2;
	v13 =	vld.idx.msk [tilespmem:v13+s2+$0x0], $0xffff  }
0x1b5: {  	v17 =	vld.idx.msk [tilespmem:v21+s2+$0x0], $0xffff;
	[tilespmem:s10+$0x100] =	vst v20  }
0x1b6: {  	v20 =	vor.u32 $0x200, v1;
	v12 =	vld.idx.msk [tilespmem:v12+s2+$0x0], $0xffff;
	_ =	sdelay $0x1  }
0x1b7: {  	p0 =	por !p0, !p0;
	[tilespmem:s3+$0x180] =	vst v19;
	s3 =	simm.s32 $0x1  }
0x1b8: {  	v18 =	vld.idx.msk [tilespmem:v18+s2+$0x0], $0xffff;
	s3 =	simm.s32 @!p0 $0x0;
	[tilespmem:s19+$0x180] =	vst v13  }
0x1b9: {  	[tilespmem:s20+$0x180] =	vst v17;
	v13 =	vor.u32 $0x280, v2;
	s3 =	sshll.u32 s3, $0x6;
	v11 =	vld.idx.msk [tilespmem:v11+s2+$0x0], $0xffff  }
0x1ba: {  	[tilespmem:s10+$0x180] =	vst v12;
	v12 =	vld.idx.msk [tilespmem:v20+s2+$0x0], $0xffff;
	s3 =	sadd.s32 s3, s5  }
0x1bb: {  	v17 =	vor.u32 $0x280, v1;
	v9 =	vld.idx.msk [tilespmem:v9+s2+$0x0], $0xffff;
	s4 =	sadd.s32 $0x30, s3  }
0x1bc: {  	s5 =	sadd.s32 $0x10, s3;
	s6 =	sor.u32 $0x200, s4  }
0x1bd: {  	s12 =	sor.u32 $0x200, s5;
	[tilespmem:s6+$0x11000] =	vst v18  }
0x1be: {  	s9 =	sadd.s32 $0x20, s3;
	s16 =	sor.u32 $0x200, s3;
	v13 =	vld.idx.msk [tilespmem:v13+s2+$0x0], $0xffff;
	[tilespmem:s12+$0x11000] =	vst v11  }
0x1bf: {  	s15 =	sor.u32 $0x200, s9;
	v11 =	vor.u32 $0x300, v2;
	[tilespmem:s16+$0x11000] =	vst v12;
	v8 =	vld.idx.msk [tilespmem:v8+s2+$0x0], $0xffff  }
0x1c0: {  	[tilespmem:s15+$0x11000] =	vst v9;
	v9 =	vld.idx.msk [tilespmem:v17+s2+$0x0], $0xffff  }
0x1c1: {  	v12 =	vor.u32 $0x300, v1;
	v7 =	vld.idx.msk [tilespmem:v7+s2+$0x0], $0xffff  }
0x1c2: {  	[tilespmem:s18+$0x11000] =	vst v14;
	s17 =	sor.u32 $0x280, s4  }
0x1c3: {  	s18 =	sor.u32 $0x280, s5;
	[tilespmem:s17+$0x11000] =	vst v13  }
0x1c4: {  	v0 =	vor.u32 $0x380, v0;
	s20 =	sor.u32 $0x280, s3;
	v11 =	vld.idx.msk [tilespmem:v11+s2+$0x0], $0xffff;
	[tilespmem:s18+$0x11000] =	vst v8  }
0x1c5: {  	s19 =	sor.u32 $0x280, s9;
	v2 =	vor.u32 $0x380, v2;
	[tilespmem:s20+$0x11000] =	vst v9;
	v6 =	vld.idx.msk [tilespmem:v6+s2+$0x0], $0xffff  }
0x1c6: {  	[tilespmem:s19+$0x11000] =	vst v7;
	v7 =	vld.idx.msk [tilespmem:v12+s2+$0x0], $0xffff  }
0x1c7: {  	[tilespmem:s14+$0x11000] =	vst v15;
	v1 =	vor.u32 $0x380, v1;
	v5 =	vld.idx.msk [tilespmem:v5+s2+$0x0], $0xffff  }
0x1c8: {  	v3 =	vld.idx.msk [tilespmem:v3+s2+$0x0], $0xffff;
	[tilespmem:s13+$0x11000] =	vst v16;
	s21 =	sor.u32 $0x300, s4  }
0x1c9: {  	v0 =	vld.idx.msk [tilespmem:v0+s2+$0x0], $0xffff;
	s24 =	sor.u32 $0x300, s5;
	[tilespmem:s21+$0x11000] =	vst v11  }
0x1ca: {  	s30 =	sor.u32 $0x300, s3;
	v2 =	vld.idx.msk [tilespmem:v2+s2+$0x0], $0xffff;
	[tilespmem:s24+$0x11000] =	vst v6  }
0x1cb: {  	s26 =	sor.u32 $0x300, s9;
	[tilespmem:s30+$0x11000] =	vst v7;
	v4 =	vld.idx.msk [tilespmem:v4+s2+$0x0], $0xffff  }
0x1cc: {  	[tilespmem:s26+$0x11000] =	vst v5;
	v1 =	vld.idx.msk [tilespmem:v1+s2+$0x0], $0xffff  }
0x1cd: {  	[tilespmem:s8+$0x11000] =	vst v3;
	v5 =	vld.idx.msk [tilespmem:v10+s2+$0x0], $0xffff  }
0x1ce: {  	[tilespmem:s7+$0x11000] =	vst v0;
	s4 =	sor.u32 $0x380, s4  }
0x1cf: {  	s5 =	sor.u32 $0x380, s5;
	[tilespmem:s4+$0x11000] =	vst v2  }
0x1d0: {  	s3 =	sor.u32 $0x380, s3;
	[tilespmem:s5+$0x11000] =	vst v4  }
0x1d1: {  	s9 =	sor.u32 $0x380, s9;
	[tilespmem:s3+$0x11000] =	vst v1  }
0x1d2: {  	[tilespmem:s9+$0x11000] =	vst v5  }
0x1d3: {  	s11 =	simm.s32 $0x11000;
	s10 =	simm.s32 $0x0;
	s4 =	rddreg [dreg:$0xc]  }
0x1d4: {  	[hbm4b:s4+s10] =	stream.linear.scatter [tilespmem:s11], [sflag:$0x3], $0x4000, $0x38;
	[tilespmem:$0x19000] =	vst v63  }
0x1d5: {  	s12 =	rddreg [dreg:$0xd]  }
0x1d6: {  	[tilespmem:s28], [sflag:$0x1] =	stream.strided.gather [hbm4b:s12+s22], $0x800, s23, s22, $0x38;
	[tilespmem:$0x19000] =	vst v63  }
0x1d7: {  	_ =	swait.ge [sflag:s29], $0x800  }
0x1d8: {  	[sflag:s29] =	ssyncset.done $0x0  }
0x1d9: {  	s13 =	simm.s32 $0x0;
	[sflag:s29] =	ssyncadd.s32 $0xFFFFF800  }
0x1da: {  	s14 =	sand.u32 $0x40, s13;
	s4 =	sand.u32 $0x780, s13;
	_ =	swait.ge [sflag:s0], $0x4000  }
0x1db: {  	s15 =	sor.u32 $0x30, s14;
	s4 =	sor.u32 $0x10800, s4;
	[sflag:s0] =	ssyncset.done $0x0  }
0x1dc: {  	s16 =	sor.u32 s15, s4;
	[sflag:s0] =	ssyncadd.s32 $0xFFFFC000  }
0x1dd: {  	s17 =	simm.s32 $0x10800;
	v0 =	vld [tilespmem:s16+$0x0]  }
0x1de: {  	s18 =	sor.u32 $0x10, s14;
	v1 =	vld [tilespmem:s17+$0x0]  }
0x1df: {  	s20 =	sor.u32 $0x20, s14;
	s19 =	sor.u32 s18, s4  }
0x1e0: {  	s4 =	sor.u32 s20, s4;
	v2 =	vld [tilespmem:s19+$0x0]  }
0x1e1: {  	v3 =	vld [tilespmem:s4+$0x0]  }
0x1e2: {  	v4 =	vshll.u32 v0, $0x3  }
0x1e3: {  	v5 =	vshll.u32 v1, $0x3;
	v0 =	vand.u32 $0x7F, v0;
	v4 =	vand.u32 $0xFFFFFC00, v4  }
0x1e4: {  	v1 =	vand.u32 $0x7F, v1;
	v6 =	vand.u32 $0xFFFFFC00, v5;
	v5 =	vor.u32 v0, v4  }
0x1e5: {  	v0 =	vor.u32 v1, v6;
	v1 =	vshll.u32 v2, $0x3  }
0x1e6: {  	v4 =	vshll.u32 v3, $0x3;
	v2 =	vand.u32 $0x7F, v2;
	v1 =	vand.u32 $0xFFFFFC00, v1  }
0x1e7: {  	v6 =	vand.u32 $0xFFFFFC00, v4;
	v4 =	vor.u32 v2, v1;
	v1 =	vand.u32 $0x7F, v3  }
0x1e8: {  	v3 =	vor.u32 v1, v6  }
0x1e9: {  	v1 =	vld.idx.msk [tilespmem:v5+s2+$0x0], $0xffff  }
0x1ea: {  	v6 =	vor.u32 $0x80, v5;
	v2 =	vld.idx.msk [tilespmem:v0+s2+$0x0], $0xffff  }
0x1eb: {  	s3 =	sand.u32 $0x3C00, s10;
	v7 =	vor.u32 $0x80, v0  }
0x1ec: {  	s3 =	sadd.s32 $0x15000, s3;
	v8 =	vld.idx.msk [tilespmem:v4+s2+$0x0], $0xffff  }
0x1ed: {  	s11 =	sor.u32 s15, s3;
	v9 =	vor.u32 $0x80, v4;
	v10 =	vld.idx.msk [tilespmem:v3+s2+$0x0], $0xffff  }
0x1ee: {  	s21 =	sor.u32 s14, s3;
	v11 =	vor.u32 $0x80, v3;
	[tilespmem:s11+$0x0] =	vst v1  }
0x1ef: {  	[tilespmem:s21+$0x0] =	vst v2;
	v1 =	vld.idx.msk [tilespmem:v6+s2+$0x0], $0xffff  }
0x1f0: {  	s7 =	sor.u32 s18, s3;
	v2 =	vld.idx.msk [tilespmem:v7+s2+$0x0], $0xffff;
	v6 =	vor.u32 $0x100, v5  }
0x1f1: {  	s24 =	sor.u32 s20, s3;
	v7 =	vor.u32 $0x100, v0;
	[tilespmem:s7+$0x0] =	vst v8  }
0x1f2: {  	v8 =	vld.idx.msk [tilespmem:v9+s2+$0x0], $0xffff;
	[tilespmem:s24+$0x0] =	vst v10  }
0x1f3: {  	v9 =	vor.u32 $0x100, v4;
	v10 =	vld.idx.msk [tilespmem:v11+s2+$0x0], $0xffff  }
0x1f4: {  	v11 =	vor.u32 $0x100, v3;
	[tilespmem:s11+$0x80] =	vst v1  }
0x1f5: {  	[tilespmem:s21+$0x80] =	vst v2;
	v1 =	vld.idx.msk [tilespmem:v6+s2+$0x0], $0xffff  }
0x1f6: {  	v2 =	vld.idx.msk [tilespmem:v7+s2+$0x0], $0xffff;
	v6 =	vor.u32 $0x180, v5  }
0x1f7: {  	v7 =	vor.u32 $0x180, v0;
	[tilespmem:s7+$0x80] =	vst v8  }
0x1f8: {  	v8 =	vld.idx.msk [tilespmem:v9+s2+$0x0], $0xffff;
	[tilespmem:s24+$0x80] =	vst v10  }
0x1f9: {  	s26 =	simm.s32 $0x10840;
	s4 =	simm.s32 $0x40;
	v9 =	vor.u32 $0x180, v4;
	v10 =	vld.idx.msk [tilespmem:v11+s2+$0x0], $0xffff  }
0x1fa: {  	s8 =	sand.u32 $0x40, s4;
	s30 =	sand.u32 $0x780, s4;
	v11 =	vld [tilespmem:s26+$0x0];
	[tilespmem:s11+$0x100] =	vst v1  }
0x1fb: {  	s12 =	sor.u32 $0x10800, s30;
	s9 =	sor.u32 $0x30, s8;
	[tilespmem:s21+$0x100] =	vst v2;
	v1 =	vld.idx.msk [tilespmem:v6+s2+$0x0], $0xffff  }
0x1fc: {  	s18 =	sor.u32 s9, s12;
	v2 =	vor.u32 $0x180, v3;
	v6 =	vld.idx.msk [tilespmem:v7+s2+$0x0], $0xffff  }
0x1fd: {  	s19 =	sor.u32 $0x10, s8;
	v7 =	vor.u32 $0x200, v5;
	[tilespmem:s7+$0x100] =	vst v8;
	v8 =	vld [tilespmem:s18+$0x0]  }
0x1fe: {  	s17 =	sor.u32 s19, s12;
	s18 =	sor.u32 $0x20, s8;
	v9 =	vld.idx.msk [tilespmem:v9+s2+$0x0], $0xffff  }
0x1ff: {  	v13 =	vld [tilespmem:s17+$0x0];
	v12 =	vor.u32 $0x200, v4;
	s12 =	sor.u32 s18, s12;
	v14 =	vshll.u32 v11, $0x3  }
0x200: {  	[tilespmem:s24+$0x100] =	vst v10;
	v10 =	vor.u32 $0x200, v0;
	v11 =	vand.u32 $0x7F, v11;
	v15 =	vld [tilespmem:s12+$0x0];
	v14 =	vand.u32 $0xFFFFFC00, v14  }
0x201: {  	p0 =	por $0x0, $0x0;
	v16 =	vld.idx.msk [tilespmem:v2+s2+$0x0], $0xffff;
	[tilespmem:s11+$0x180] =	vst v1;
	v1 =	vor.u32 v11, v14;
	s11 =	simm.s32 $0x1  }
0x202: {  	v11 =	vor.u32 $0x200, v3;
	v7 =	vld.idx.msk [tilespmem:v7+s2+$0x0], $0xffff;
	v2 =	vshll.u32 v8, $0x3;
	s11 =	simm.s32 @!p0 $0x0  }
0x203: {  	v8 =	vand.u32 $0x7F, v8;
	[tilespmem:s7+$0x180] =	vst v9;
	v2 =	vand.u32 $0xFFFFFC00, v2;
	s20 =	sshll.u32 s11, $0x6;
	v9 =	vor.u32 $0x280, v5  }
0x204: {  	v14 =	vor.u32 $0x280, v4;
	[tilespmem:s21+$0x180] =	vst v6;
	v6 =	vld.idx.msk [tilespmem:v12+s2+$0x0], $0xffff;
	v12 =	vshll.u32 v13, $0x3;
	v2 =	vor.u32 v8, v2;
	s6 =	sadd.s32 $0x0, s20  }
0x205: {  	v8 =	vld.idx.msk [tilespmem:v10+s2+$0x0], $0xffff;
	v10 =	vshll.u32 v15, $0x3;
	v13 =	vand.u32 $0x7F, v13;
	v12 =	vand.u32 $0xFFFFFC00, v12;
	s7 =	sadd.s32 $0x30, s6  }
0x206: {  	v10 =	vand.u32 $0xFFFFFC00, v10;
	[tilespmem:s24+$0x180] =	vst v16;
	v17 =	vld.idx.msk [tilespmem:v1+s2+$0x0], $0xffff;
	v21 =	vor.u32 v13, v12;
	v12 =	vand.u32 $0x7F, v15;
	s21 =	sor.u32 $0x200, s7  }
0x207: {  	s11 =	sadd.s32 $0x10, s6;
	v11 =	vld.idx.msk [tilespmem:v11+s2+$0x0], $0xffff;
	v10 =	vor.u32 v12, v10;
	[tilespmem:s21+$0x15000] =	vst v7  }
0x208: {  	s24 =	sor.u32 $0x200, s11;
	v7 =	vor.u32 $0x280, v0;
	v9 =	vld.idx.msk [tilespmem:v9+s2+$0x0], $0xffff  }
0x209: {  	s5 =	simm.s32 $0x200;
	s26 =	sor.u32 $0x200, s6;
	v12 =	vor.u32 $0x280, v3;
	v13 =	vld.idx.msk [tilespmem:v2+s2+$0x0], $0xffff;
	[tilespmem:s24+$0x15000] =	vst v6  }
0x20a: {  	s15 =	sand.u32 $0x3C00, s5;
	s12 =	sadd.s32 $0x20, s6;
	[tilespmem:s26+$0x15000] =	vst v8;
	v8 =	vor.u32 $0x80, v1;
	v6 =	vld.idx.msk [tilespmem:v14+s2+$0x0], $0xffff  }
0x20b: {  	s13 =	sadd.s32 $0x15000, s15;
	s30 =	sor.u32 $0x200, s12;
	v14 =	vor.u32 $0x300, v5;
	v15 =	vld.idx.msk [tilespmem:v21+s2+$0x0], $0xffff  }
0x20c: {  	s20 =	sor.u32 s8, s13;
	v16 =	vor.u32 $0x80, v2;
	[tilespmem:s30+$0x15000] =	vst v11;
	v18 =	vld.idx.msk [tilespmem:v10+s2+$0x0], $0xffff  }
0x20d: {  	s16 =	sor.u32 $0x280, s7;
	v19 =	vor.u32 $0x80, v21;
	[tilespmem:s20+$0x0] =	vst v17;
	v7 =	vld.idx.msk [tilespmem:v7+s2+$0x0], $0xffff  }
0x20e: {  	s3 =	sor.u32 s9, s13;
	v11 =	vor.u32 $0x80, v10;
	v12 =	vld.idx.msk [tilespmem:v12+s2+$0x0], $0xffff;
	[tilespmem:s16+$0x15000] =	vst v9  }
0x20f: {  	s17 =	sor.u32 $0x280, s11;
	v9 =	vor.u32 $0x300, v4;
	[tilespmem:s3+$0x0] =	vst v13;
	v8 =	vld.idx.msk [tilespmem:v8+s2+$0x0], $0xffff  }
0x210: {  	s19 =	sor.u32 s19, s13;
	v13 =	vld.idx.msk [tilespmem:v14+s2+$0x0], $0xffff;
	v14 =	vor.u32 $0x300, v3;
	[tilespmem:s17+$0x15000] =	vst v6  }
0x211: {  	s10 =	sor.u32 s18, s13;
	v5 =	vor.u32 $0x380, v5;
	v16 =	vld.idx.msk [tilespmem:v16+s2+$0x0], $0xffff;
	[tilespmem:s19+$0x0] =	vst v15  }
0x212: {  	s18 =	sor.u32 $0x280, s12;
	v17 =	vor.u32 $0x100, v2;
	v15 =	vld.idx.msk [tilespmem:v19+s2+$0x0], $0xffff;
	[tilespmem:s10+$0x0] =	vst v18  }
0x213: {  	v18 =	vor.u32 $0x100, v1;
	[tilespmem:s18+$0x15000] =	vst v12;
	v20 =	vld.idx.msk [tilespmem:v11+s2+$0x0], $0xffff  }
0x214: {  	s21 =	sor.u32 $0x300, s7;
	v6 =	vor.u32 $0x100, v21;
	v22 =	vld.idx.msk [tilespmem:v9+s2+$0x0], $0xffff;
	[tilespmem:s20+$0x80] =	vst v8  }
0x215: {  	v23 =	vor.u32 $0x100, v10;
	v14 =	vld.idx.msk [tilespmem:v14+s2+$0x0], $0xffff;
	[tilespmem:s21+$0x15000] =	vst v13  }
0x216: {  	[tilespmem:s3+$0x80] =	vst v16;
	v16 =	vor.u32 $0x300, v0;
	v24 =	vld.idx.msk [tilespmem:v5+s2+$0x0], $0xffff  }
0x217: {  	v25 =	vor.u32 $0x380, v4;
	v19 =	vld.idx.msk [tilespmem:v17+s2+$0x0], $0xffff;
	[tilespmem:s19+$0x80] =	vst v15  }
0x218: {  	s26 =	sor.u32 $0x300, s11;
	v4 =	vor.u32 $0x380, v21;
	v17 =	vld.idx.msk [tilespmem:v18+s2+$0x0], $0xffff;
	[tilespmem:s10+$0x80] =	vst v20  }
0x219: {  	s24 =	sor.u32 $0x280, s6;
	v11 =	vor.u32 $0x200, v21;
	v8 =	vor.u32 $0x280, v21;
	v18 =	vld.idx.msk [tilespmem:v6+s2+$0x0], $0xffff;
	[tilespmem:s26+$0x15000] =	vst v22;
	v22 =	vor.u32 $0x180, v2  }
0x21a: {  	s14 =	sor.u32 $0x300, s6;
	[tilespmem:s24+$0x15000] =	vst v7;
	v13 =	vor.u32 $0x180, v21;
	v6 =	vor.u32 $0x300, v21;
	v21 =	vor.u32 $0x180, v1;
	v20 =	vld.idx.msk [tilespmem:v23+s2+$0x0], $0xffff  }
0x21b: {  	s13 =	sor.u32 $0x380, s11;
	s8 =	sor.u32 $0x380, s12;
	s30 =	sor.u32 $0x380, s7;
	v3 =	vor.u32 $0x380, v3;
	v12 =	vor.u32 $0x180, v10;
	v7 =	vor.u32 $0x280, v10;
	v15 =	vld.idx.msk [tilespmem:v16+s2+$0x0], $0xffff  }
0x21c: {  	s7 =	sor.u32 $0x380, s6;
	s18 =	sor.u32 $0x300, s12;
	s12 =	simm.s32 $0x10880;
	v9 =	vor.u32 $0x200, v10;
	v5 =	vor.u32 $0x300, v10;
	v10 =	vor.u32 $0x380, v10;
	v16 =	vld.idx.msk [tilespmem:v25+s2+$0x0], $0xffff;
	[tilespmem:s30+$0x15000] =	vst v24  }
.LBB2_8:
0x21d: {  	s4 =	sadd.s32 $0x40, s4;
	v23 =	vld [tilespmem:s12+$0x0];
	[tilespmem:s3+$0x100] =	vst v19  }
0x21e: {  	s6 =	sand.u32 $0x40, s4;
	s11 =	sand.u32 $0x780, s4;
	p1 =	slt.u32 s4, $0x7C0;
	[tilespmem:s20+$0x100] =	vst v17;
	v17 =	vld.idx.msk [tilespmem:v22+s2+$0x0], $0xffff  }
0x21f: {  	s9 =	sor.u32 $0x10, s6;
	s15 =	sor.u32 $0x10800, s11;
	s11 =	sor.u32 $0x30, s6;
	v19 =	vld.idx.msk [tilespmem:v21+s2+$0x0], $0xffff;
	[tilespmem:s19+$0x100] =	vst v18  }
0x220: {  	s16 =	sor.u32 $0x20, s6;
	v18 =	vor.u32 $0x200, v2;
	s17 =	sor.u32 s9, s15;
	s21 =	sor.u32 s11, s15;
	v13 =	vld.idx.msk [tilespmem:v13+s2+$0x0], $0xffff;
	[tilespmem:s10+$0x100] =	vst v20  }
0x221: {  	v21 =	vor.u32 $0x200, v1;
	s15 =	sor.u32 s16, s15;
	v20 =	vld [tilespmem:s21+$0x0];
	[tilespmem:s18+$0x15000] =	vst v14  }
0x222: {  	v14 =	vld [tilespmem:s17+$0x0];
	[tilespmem:s14+$0x15000] =	vst v15  }
0x223: {  	v15 =	vshll.u32 v23, $0x3;
	v22 =	vld [tilespmem:s15+$0x0];
	[tilespmem:s13+$0x15000] =	vst v16  }
0x224: {  	v16 =	vand.u32 $0x7F, v23;
	v15 =	vand.u32 $0xFFFFFC00, v15;
	v12 =	vld.idx.msk [tilespmem:v12+s2+$0x0], $0xffff;
	[tilespmem:s3+$0x180] =	vst v17;
	v17 =	vor.u32 $0x380, v0;
	v0 =	vmovc v1  }
0x225: {  	p0 =	por !p0, !p0;
	v1 =	vor.u32 v16, v15;
	s3 =	simm.s32 $0x1;
	[tilespmem:s20+$0x180] =	vst v19;
	v15 =	vld.idx.msk [tilespmem:v18+s2+$0x0], $0xffff  }
0x226: {  	s3 =	simm.s32 @!p0 $0x0;
	v16 =	vshll.u32 v20, $0x3;
	v18 =	vld.idx.msk [tilespmem:v21+s2+$0x0], $0xffff;
	[tilespmem:s19+$0x180] =	vst v13  }
0x227: {  	v13 =	vand.u32 $0x7F, v20;
	s3 =	sshll.u32 s3, $0x6;
	v16 =	vand.u32 $0xFFFFFC00, v16;
	v19 =	vld.idx.msk [tilespmem:v11+s2+$0x0], $0xffff;
	v11 =	vor.u32 $0x280, v2  }
0x228: {  	v20 =	vshll.u32 v14, $0x3;
	s3 =	sadd.s32 s3, s5;
	v21 =	vshll.u32 v22, $0x3;
	v16 =	vor.u32 v13, v16;
	v23 =	vld.idx.msk [tilespmem:v3+s2+$0x0], $0xffff;
	v3 =	vmovc v10  }
0x229: {  	v10 =	vand.u32 $0x7F, v14;
	v13 =	vand.u32 $0xFFFFFC00, v20;
	s13 =	sadd.s32 $0x10, s3;
	s19 =	sadd.s32 $0x20, s3;
	s15 =	sadd.s32 $0x30, s3;
	v14 =	vand.u32 $0xFFFFFC00, v21;
	v17 =	vld.idx.msk [tilespmem:v17+s2+$0x0], $0xffff  }
0x22a: {  	v10 =	vor.u32 v10, v13;
	v13 =	vand.u32 $0x7F, v22;
	v21 =	vor.u32 $0x280, v0;
	s20 =	sor.u32 $0x200, s13;
	s14 =	sor.u32 $0x200, s15;
	v20 =	vld.idx.msk [tilespmem:v1+s2+$0x0], $0xffff;
	[tilespmem:s10+$0x180] =	vst v12;
	s10 =	sor.u32 $0x200, s19  }
0x22b: {  	s17 =	sor.u32 $0x200, s3;
	s26 =	sor.u32 $0x280, s13;
	s24 =	sor.u32 $0x280, s19;
	v22 =	vor.u32 $0x80, v10;
	v24 =	vor.u32 $0x100, v10;
	v14 =	vor.u32 v13, v14;
	v25 =	vld.idx.msk [tilespmem:v9+s2+$0x0], $0xffff;
	[tilespmem:s14+$0x15000] =	vst v15  }
0x22c: {  	s21 =	sor.u32 $0x280, s3;
	s18 =	sor.u32 $0x300, s19;
	v13 =	vor.u32 $0x180, v10;
	v15 =	vor.u32 $0x80, v14;
	v26 =	vor.u32 $0x100, v14;
	[tilespmem:s17+$0x15000] =	vst v18;
	s17 =	sor.u32 $0x300, s13;
	v18 =	vld.idx.msk [tilespmem:v11+s2+$0x0], $0xffff  }
0x22d: {  	s19 =	sor.u32 $0x380, s19;
	v12 =	vor.u32 $0x180, v14;
	v9 =	vor.u32 $0x200, v14;
	s14 =	sor.u32 $0x300, s3;
	v11 =	vor.u32 $0x200, v10;
	s13 =	sor.u32 $0x380, s13;
	v27 =	vld.idx.msk [tilespmem:v16+s2+$0x0], $0xffff;
	[tilespmem:s20+$0x15000] =	vst v19  }
0x22e: {  	v29 =	vor.u32 $0x300, v2;
	s3 =	sor.u32 $0x380, s3;
	v19 =	vor.u32 $0x280, v14;
	v28 =	vld.idx.msk [tilespmem:v8+s2+$0x0], $0xffff;
	v8 =	vor.u32 $0x280, v10;
	[tilespmem:s8+$0x15000] =	vst v23;
	s8 =	smov.u32 s19  }
0x22f: {  	s5 =	sadd.s32 $0x200, s5;
	v32 =	vor.u32 $0x80, v16;
	v30 =	vor.u32 $0x300, v10;
	v31 =	vor.u32 $0x300, v14;
	v23 =	vld.idx.msk [tilespmem:v10+s2+$0x0], $0xffff;
	[tilespmem:s7+$0x15000] =	vst v17;
	s7 =	smov.u32 s3  }
0x230: {  	v33 =	vor.u32 $0x380, v10;
	s3 =	sand.u32 $0x3C00, s5;
	v17 =	vor.u32 $0x80, v1;
	v10 =	vor.u32 $0x380, v14;
	v34 =	vld.idx.msk [tilespmem:v14+s2+$0x0], $0xffff  }
0x231: {  	s30 =	sor.u32 $0x280, s15;
	s20 =	sadd.s32 $0x15000, s3;
	v35 =	vld.idx.msk [tilespmem:v21+s2+$0x0], $0xffff;
	[tilespmem:s10+$0x15000] =	vst v25  }
0x232: {  	s19 =	sor.u32 s9, s20;
	s10 =	sor.u32 s16, s20;
	s3 =	sor.u32 s11, s20;
	v14 =	vld.idx.msk [tilespmem:v7+s2+$0x0], $0xffff;
	[tilespmem:s30+$0x15000] =	vst v18;
	v7 =	vmov v19  }
0x233: {  	s20 =	sor.u32 s6, s20;
	[tilespmem:s3+$0x0] =	vst v27;
	v18 =	vld.idx.msk [tilespmem:v29+s2+$0x0], $0xffff  }
0x234: {  	[tilespmem:s20+$0x0] =	vst v20;
	v19 =	vld.idx.msk [tilespmem:v32+s2+$0x0], $0xffff  }
0x235: {  	v20 =	vor.u32 $0x380, v2;
	v2 =	vmov v16;
	v17 =	vld.idx.msk [tilespmem:v17+s2+$0x0], $0xffff;
	[tilespmem:s19+$0x0] =	vst v23  }
0x236: {  	v21 =	vor.u32 $0x100, v2;
	v16 =	vld.idx.msk [tilespmem:v22+s2+$0x0], $0xffff;
	[tilespmem:s10+$0x0] =	vst v34  }
0x237: {  	v22 =	vor.u32 $0x100, v1;
	v15 =	vld.idx.msk [tilespmem:v15+s2+$0x0], $0xffff;
	[tilespmem:s26+$0x15000] =	vst v28  }
0x238: {  	s6 =	sor.u32 $0x300, s15;
	v23 =	vld.idx.msk [tilespmem:v6+s2+$0x0], $0xffff;
	[tilespmem:s24+$0x15000] =	vst v14;
	v6 =	vmov v30  }
0x239: {  	v14 =	vld.idx.msk [tilespmem:v5+s2+$0x0], $0xffff;
	[tilespmem:s6+$0x15000] =	vst v18;
	v5 =	vmov v31  }
0x23a: {  	v25 =	vor.u32 $0x300, v0;
	[tilespmem:s3+$0x80] =	vst v19;
	v27 =	vld.idx.msk [tilespmem:v20+s2+$0x0], $0xffff  }
0x23b: {  	[tilespmem:s20+$0x80] =	vst v17;
	v19 =	vld.idx.msk [tilespmem:v21+s2+$0x0], $0xffff  }
.Ltmp3:
0x23c: {  	v17 =	vld.idx.msk [tilespmem:v22+s2+$0x0], $0xffff;
	[tilespmem:s19+$0x80] =	vst v16;
	(pc) =	sbr.rel @p1 .LBB2_8-.Ltmp3, $4  }
0x23d: {  	v22 =	vor.u32 $0x180, v2;
	v18 =	vld.idx.msk [tilespmem:v24+s2+$0x0], $0xffff;
	[tilespmem:s10+$0x80] =	vst v15  }
0x23e: {  	v21 =	vor.u32 $0x180, v1;
	v20 =	vld.idx.msk [tilespmem:v26+s2+$0x0], $0xffff;
	[tilespmem:s21+$0x15000] =	vst v35  }
0x23f: {  	s6 =	sor.u32 $0x380, s15;
	v15 =	vld.idx.msk [tilespmem:v25+s2+$0x0], $0xffff;
	[tilespmem:s17+$0x15000] =	vst v23  }
0x240: {  	s12 =	sadd.s32 $0x40, s12;
	v16 =	vld.idx.msk [tilespmem:v4+s2+$0x0], $0xffff;
	[tilespmem:s6+$0x15000] =	vst v27;
	v4 =	vmov v33  }
0x241: {  	_ =	sdelay $0x2  }
0x242: {  	[tilespmem:s3+$0x100] =	vst v19  }
0x243: {  	v19 =	vld.idx.msk [tilespmem:v22+s2+$0x0], $0xffff;
	[tilespmem:s19+$0x100] =	vst v18  }
0x244: {  	[tilespmem:s20+$0x100] =	vst v17;
	v18 =	vor.u32 $0x200, v2;
	v13 =	vld.idx.msk [tilespmem:v13+s2+$0x0], $0xffff  }
0x245: {  	v17 =	vld.idx.msk [tilespmem:v21+s2+$0x0], $0xffff;
	[tilespmem:s10+$0x100] =	vst v20  }
0x246: {  	v20 =	vor.u32 $0x200, v1;
	v12 =	vld.idx.msk [tilespmem:v12+s2+$0x0], $0xffff;
	_ =	sdelay $0x1  }
0x247: {  	p0 =	por !p0, !p0;
	[tilespmem:s3+$0x180] =	vst v19;
	s3 =	simm.s32 $0x1  }
0x248: {  	v18 =	vld.idx.msk [tilespmem:v18+s2+$0x0], $0xffff;
	s3 =	simm.s32 @!p0 $0x0;
	[tilespmem:s19+$0x180] =	vst v13  }
0x249: {  	[tilespmem:s20+$0x180] =	vst v17;
	v13 =	vor.u32 $0x280, v2;
	s3 =	sshll.u32 s3, $0x6;
	v11 =	vld.idx.msk [tilespmem:v11+s2+$0x0], $0xffff  }
0x24a: {  	[tilespmem:s10+$0x180] =	vst v12;
	v12 =	vld.idx.msk [tilespmem:v20+s2+$0x0], $0xffff;
	s3 =	sadd.s32 s3, s5  }
0x24b: {  	v17 =	vor.u32 $0x280, v1;
	v9 =	vld.idx.msk [tilespmem:v9+s2+$0x0], $0xffff;
	s4 =	sadd.s32 $0x30, s3  }
0x24c: {  	s5 =	sadd.s32 $0x10, s3;
	s6 =	sor.u32 $0x200, s4  }
0x24d: {  	s12 =	sor.u32 $0x200, s5;
	[tilespmem:s6+$0x15000] =	vst v18  }
0x24e: {  	s9 =	sadd.s32 $0x20, s3;
	s16 =	sor.u32 $0x200, s3;
	v13 =	vld.idx.msk [tilespmem:v13+s2+$0x0], $0xffff;
	[tilespmem:s12+$0x15000] =	vst v11  }
0x24f: {  	s15 =	sor.u32 $0x200, s9;
	v11 =	vor.u32 $0x300, v2;
	[tilespmem:s16+$0x15000] =	vst v12;
	v8 =	vld.idx.msk [tilespmem:v8+s2+$0x0], $0xffff  }
0x250: {  	[tilespmem:s15+$0x15000] =	vst v9;
	v9 =	vld.idx.msk [tilespmem:v17+s2+$0x0], $0xffff  }
0x251: {  	v12 =	vor.u32 $0x300, v1;
	v7 =	vld.idx.msk [tilespmem:v7+s2+$0x0], $0xffff  }
0x252: {  	[tilespmem:s18+$0x15000] =	vst v14;
	s17 =	sor.u32 $0x280, s4  }
0x253: {  	s18 =	sor.u32 $0x280, s5;
	[tilespmem:s17+$0x15000] =	vst v13  }
0x254: {  	v0 =	vor.u32 $0x380, v0;
	s20 =	sor.u32 $0x280, s3;
	v11 =	vld.idx.msk [tilespmem:v11+s2+$0x0], $0xffff;
	[tilespmem:s18+$0x15000] =	vst v8  }
0x255: {  	s19 =	sor.u32 $0x280, s9;
	v2 =	vor.u32 $0x380, v2;
	[tilespmem:s20+$0x15000] =	vst v9;
	v6 =	vld.idx.msk [tilespmem:v6+s2+$0x0], $0xffff  }
0x256: {  	[tilespmem:s19+$0x15000] =	vst v7;
	v7 =	vld.idx.msk [tilespmem:v12+s2+$0x0], $0xffff  }
0x257: {  	[tilespmem:s14+$0x15000] =	vst v15;
	v1 =	vor.u32 $0x380, v1;
	v5 =	vld.idx.msk [tilespmem:v5+s2+$0x0], $0xffff  }
0x258: {  	v3 =	vld.idx.msk [tilespmem:v3+s2+$0x0], $0xffff;
	[tilespmem:s13+$0x15000] =	vst v16;
	s21 =	sor.u32 $0x300, s4  }
0x259: {  	v0 =	vld.idx.msk [tilespmem:v0+s2+$0x0], $0xffff;
	s24 =	sor.u32 $0x300, s5;
	[tilespmem:s21+$0x15000] =	vst v11  }
0x25a: {  	s30 =	sor.u32 $0x300, s3;
	v2 =	vld.idx.msk [tilespmem:v2+s2+$0x0], $0xffff;
	[tilespmem:s24+$0x15000] =	vst v6  }
0x25b: {  	s26 =	sor.u32 $0x300, s9;
	[tilespmem:s30+$0x15000] =	vst v7;
	v4 =	vld.idx.msk [tilespmem:v4+s2+$0x0], $0xffff  }
0x25c: {  	[tilespmem:s26+$0x15000] =	vst v5;
	v1 =	vld.idx.msk [tilespmem:v1+s2+$0x0], $0xffff  }
0x25d: {  	[tilespmem:s8+$0x15000] =	vst v3;
	v5 =	vld.idx.msk [tilespmem:v10+s2+$0x0], $0xffff  }
0x25e: {  	[tilespmem:s7+$0x15000] =	vst v0;
	s4 =	sor.u32 $0x380, s4  }
0x25f: {  	s5 =	sor.u32 $0x380, s5;
	[tilespmem:s4+$0x15000] =	vst v2  }
0x260: {  	s3 =	sor.u32 $0x380, s3;
	[tilespmem:s5+$0x15000] =	vst v4  }
0x261: {  	s8 =	sor.u32 $0x380, s9;
	[tilespmem:s3+$0x15000] =	vst v1  }
0x262: {  	[tilespmem:s8+$0x15000] =	vst v5  }
0x263: {  	s10 =	simm.s32 $0x15000;
	s9 =	simm.s32 $0x0;
	s4 =	rddreg [dreg:$0xe]  }
0x264: {  	[hbm4b:s4+s9] =	stream.linear.scatter [tilespmem:s10], [sflag:$0x4], $0x4000, $0x38;
	[tilespmem:$0x19000] =	vst v63  }
0x265: {  	s12 =	simm.s32 $0x10800;
	s11 =	rddreg [dreg:$0xf]  }
0x266: {  	[tilespmem:s12], [sflag:$0x2] =	stream.strided.gather [hbm4b:s11+s22], $0x800, s23, s22, $0x38;
	[tilespmem:$0x19000] =	vst v63  }
0x267: {  	_ =	swait.ge [sflag:s25], $0x800  }
0x268: {  	[sflag:s25] =	ssyncset.done $0x0  }
0x269: {  	s13 =	simm.s32 $0x0;
	[sflag:s25] =	ssyncadd.s32 $0xFFFFF800  }
0x26a: {  	s14 =	sand.u32 $0x40, s13;
	s4 =	sand.u32 $0x780, s13;
	_ =	swait.ge [sflag:s31], $0x4000  }
0x26b: {  	s15 =	sor.u32 $0x30, s14;
	s4 =	sor.u32 $0x10000, s4;
	[sflag:s31] =	ssyncset.done $0x0  }
0x26c: {  	s16 =	sor.u32 s15, s4;
	[sflag:s31] =	ssyncadd.s32 $0xFFFFC000  }
0x26d: {  	s17 =	simm.s32 $0x10000;
	v0 =	vld [tilespmem:s16+$0x0]  }
0x26e: {  	s18 =	sor.u32 $0x10, s14;
	v1 =	vld [tilespmem:s17+$0x0]  }
0x26f: {  	s20 =	sor.u32 $0x20, s14;
	s19 =	sor.u32 s18, s4  }
0x270: {  	s4 =	sor.u32 s20, s4;
	v2 =	vld [tilespmem:s19+$0x0]  }
0x271: {  	v3 =	vld [tilespmem:s4+$0x0]  }
0x272: {  	v4 =	vshll.u32 v0, $0x3  }
0x273: {  	v5 =	vshll.u32 v1, $0x3;
	v0 =	vand.u32 $0x7F, v0;
	v4 =	vand.u32 $0xFFFFFC00, v4  }
0x274: {  	v1 =	vand.u32 $0x7F, v1;
	v6 =	vand.u32 $0xFFFFFC00, v5;
	v5 =	vor.u32 v0, v4  }
0x275: {  	v0 =	vor.u32 v1, v6;
	v1 =	vshll.u32 v2, $0x3  }
0x276: {  	v4 =	vshll.u32 v3, $0x3;
	v2 =	vand.u32 $0x7F, v2;
	v1 =	vand.u32 $0xFFFFFC00, v1  }
0x277: {  	v6 =	vand.u32 $0xFFFFFC00, v4;
	v4 =	vor.u32 v2, v1;
	v1 =	vand.u32 $0x7F, v3  }
0x278: {  	v3 =	vor.u32 v1, v6  }
0x279: {  	v1 =	vld.idx.msk [tilespmem:v5+s2+$0x0], $0xffff  }
0x27a: {  	v6 =	vor.u32 $0x80, v5;
	v2 =	vld.idx.msk [tilespmem:v0+s2+$0x0], $0xffff  }
0x27b: {  	s3 =	sand.u32 $0x3C00, s9;
	v7 =	vor.u32 $0x80, v0  }
0x27c: {  	s3 =	sadd.s32 $0x11000, s3;
	v8 =	vld.idx.msk [tilespmem:v4+s2+$0x0], $0xffff  }
0x27d: {  	s11 =	sor.u32 s15, s3;
	v9 =	vor.u32 $0x80, v4;
	v10 =	vld.idx.msk [tilespmem:v3+s2+$0x0], $0xffff  }
0x27e: {  	s21 =	sor.u32 s14, s3;
	v11 =	vor.u32 $0x80, v3;
	[tilespmem:s11+$0x0] =	vst v1  }
0x27f: {  	[tilespmem:s21+$0x0] =	vst v2;
	v1 =	vld.idx.msk [tilespmem:v6+s2+$0x0], $0xffff  }
0x280: {  	s7 =	sor.u32 s18, s3;
	v2 =	vld.idx.msk [tilespmem:v7+s2+$0x0], $0xffff;
	v6 =	vor.u32 $0x100, v5  }
0x281: {  	s24 =	sor.u32 s20, s3;
	v7 =	vor.u32 $0x100, v0;
	[tilespmem:s7+$0x0] =	vst v8  }
0x282: {  	v8 =	vld.idx.msk [tilespmem:v9+s2+$0x0], $0xffff;
	[tilespmem:s24+$0x0] =	vst v10  }
0x283: {  	v9 =	vor.u32 $0x100, v4;
	v10 =	vld.idx.msk [tilespmem:v11+s2+$0x0], $0xffff  }
0x284: {  	v11 =	vor.u32 $0x100, v3;
	[tilespmem:s11+$0x80] =	vst v1  }
0x285: {  	[tilespmem:s21+$0x80] =	vst v2;
	v1 =	vld.idx.msk [tilespmem:v6+s2+$0x0], $0xffff  }
0x286: {  	v2 =	vld.idx.msk [tilespmem:v7+s2+$0x0], $0xffff;
	v6 =	vor.u32 $0x180, v5  }
0x287: {  	v7 =	vor.u32 $0x180, v0;
	[tilespmem:s7+$0x80] =	vst v8  }
0x288: {  	v8 =	vld.idx.msk [tilespmem:v9+s2+$0x0], $0xffff;
	[tilespmem:s24+$0x80] =	vst v10  }
0x289: {  	s26 =	simm.s32 $0x10040;
	s4 =	simm.s32 $0x40;
	v9 =	vor.u32 $0x180, v4;
	v10 =	vld.idx.msk [tilespmem:v11+s2+$0x0], $0xffff  }
0x28a: {  	s8 =	sand.u32 $0x40, s4;
	s30 =	sand.u32 $0x780, s4;
	v11 =	vld [tilespmem:s26+$0x0];
	[tilespmem:s11+$0x100] =	vst v1  }
0x28b: {  	s12 =	sor.u32 $0x10000, s30;
	s9 =	sor.u32 $0x30, s8;
	[tilespmem:s21+$0x100] =	vst v2;
	v1 =	vld.idx.msk [tilespmem:v6+s2+$0x0], $0xffff  }
0x28c: {  	s18 =	sor.u32 s9, s12;
	v2 =	vor.u32 $0x180, v3;
	v6 =	vld.idx.msk [tilespmem:v7+s2+$0x0], $0xffff  }
0x28d: {  	s19 =	sor.u32 $0x10, s8;
	v7 =	vor.u32 $0x200, v5;
	[tilespmem:s7+$0x100] =	vst v8;
	v8 =	vld [tilespmem:s18+$0x0]  }
0x28e: {  	s17 =	sor.u32 s19, s12;
	s18 =	sor.u32 $0x20, s8;
	v9 =	vld.idx.msk [tilespmem:v9+s2+$0x0], $0xffff  }
0x28f: {  	v13 =	vld [tilespmem:s17+$0x0];
	v12 =	vor.u32 $0x200, v4;
	s12 =	sor.u32 s18, s12;
	v14 =	vshll.u32 v11, $0x3  }
0x290: {  	[tilespmem:s24+$0x100] =	vst v10;
	v10 =	vor.u32 $0x200, v0;
	v11 =	vand.u32 $0x7F, v11;
	v15 =	vld [tilespmem:s12+$0x0];
	v14 =	vand.u32 $0xFFFFFC00, v14  }
0x291: {  	p0 =	por $0x0, $0x0;
	v16 =	vld.idx.msk [tilespmem:v2+s2+$0x0], $0xffff;
	[tilespmem:s11+$0x180] =	vst v1;
	v1 =	vor.u32 v11, v14;
	s11 =	simm.s32 $0x1  }
0x292: {  	v11 =	vor.u32 $0x200, v3;
	v7 =	vld.idx.msk [tilespmem:v7+s2+$0x0], $0xffff;
	v2 =	vshll.u32 v8, $0x3;
	s11 =	simm.s32 @!p0 $0x0  }
0x293: {  	v8 =	vand.u32 $0x7F, v8;
	[tilespmem:s7+$0x180] =	vst v9;
	v2 =	vand.u32 $0xFFFFFC00, v2;
	s20 =	sshll.u32 s11, $0x6;
	v9 =	vor.u32 $0x280, v5  }
0x294: {  	v14 =	vor.u32 $0x280, v4;
	[tilespmem:s21+$0x180] =	vst v6;
	v6 =	vld.idx.msk [tilespmem:v12+s2+$0x0], $0xffff;
	v12 =	vshll.u32 v13, $0x3;
	v2 =	vor.u32 v8, v2;
	s6 =	sadd.s32 $0x0, s20  }
0x295: {  	v8 =	vld.idx.msk [tilespmem:v10+s2+$0x0], $0xffff;
	v10 =	vshll.u32 v15, $0x3;
	v13 =	vand.u32 $0x7F, v13;
	v12 =	vand.u32 $0xFFFFFC00, v12;
	s7 =	sadd.s32 $0x30, s6  }
0x296: {  	v10 =	vand.u32 $0xFFFFFC00, v10;
	[tilespmem:s24+$0x180] =	vst v16;
	v17 =	vld.idx.msk [tilespmem:v1+s2+$0x0], $0xffff;
	v21 =	vor.u32 v13, v12;
	v12 =	vand.u32 $0x7F, v15;
	s21 =	sor.u32 $0x200, s7  }
0x297: {  	s11 =	sadd.s32 $0x10, s6;
	v11 =	vld.idx.msk [tilespmem:v11+s2+$0x0], $0xffff;
	v10 =	vor.u32 v12, v10;
	[tilespmem:s21+$0x11000] =	vst v7  }
0x298: {  	s24 =	sor.u32 $0x200, s11;
	v7 =	vor.u32 $0x280, v0;
	v9 =	vld.idx.msk [tilespmem:v9+s2+$0x0], $0xffff  }
0x299: {  	s5 =	simm.s32 $0x200;
	s26 =	sor.u32 $0x200, s6;
	v12 =	vor.u32 $0x280, v3;
	v13 =	vld.idx.msk [tilespmem:v2+s2+$0x0], $0xffff;
	[tilespmem:s24+$0x11000] =	vst v6  }
0x29a: {  	s15 =	sand.u32 $0x3C00, s5;
	s12 =	sadd.s32 $0x20, s6;
	[tilespmem:s26+$0x11000] =	vst v8;
	v8 =	vor.u32 $0x80, v1;
	v6 =	vld.idx.msk [tilespmem:v14+s2+$0x0], $0xffff  }
0x29b: {  	s13 =	sadd.s32 $0x11000, s15;
	s30 =	sor.u32 $0x200, s12;
	v14 =	vor.u32 $0x300, v5;
	v15 =	vld.idx.msk [tilespmem:v21+s2+$0x0], $0xffff  }
0x29c: {  	s20 =	sor.u32 s8, s13;
	v16 =	vor.u32 $0x80, v2;
	[tilespmem:s30+$0x11000] =	vst v11;
	v18 =	vld.idx.msk [tilespmem:v10+s2+$0x0], $0xffff  }
0x29d: {  	s16 =	sor.u32 $0x280, s7;
	v19 =	vor.u32 $0x80, v21;
	[tilespmem:s20+$0x0] =	vst v17;
	v7 =	vld.idx.msk [tilespmem:v7+s2+$0x0], $0xffff  }
0x29e: {  	s3 =	sor.u32 s9, s13;
	v11 =	vor.u32 $0x80, v10;
	v12 =	vld.idx.msk [tilespmem:v12+s2+$0x0], $0xffff;
	[tilespmem:s16+$0x11000] =	vst v9  }
0x29f: {  	s17 =	sor.u32 $0x280, s11;
	v9 =	vor.u32 $0x300, v4;
	[tilespmem:s3+$0x0] =	vst v13;
	v8 =	vld.idx.msk [tilespmem:v8+s2+$0x0], $0xffff  }
0x2a0: {  	s19 =	sor.u32 s19, s13;
	v13 =	vld.idx.msk [tilespmem:v14+s2+$0x0], $0xffff;
	v14 =	vor.u32 $0x300, v3;
	[tilespmem:s17+$0x11000] =	vst v6  }
0x2a1: {  	s10 =	sor.u32 s18, s13;
	v5 =	vor.u32 $0x380, v5;
	v16 =	vld.idx.msk [tilespmem:v16+s2+$0x0], $0xffff;
	[tilespmem:s19+$0x0] =	vst v15  }
0x2a2: {  	s18 =	sor.u32 $0x280, s12;
	v17 =	vor.u32 $0x100, v2;
	v15 =	vld.idx.msk [tilespmem:v19+s2+$0x0], $0xffff;
	[tilespmem:s10+$0x0] =	vst v18  }
0x2a3: {  	v18 =	vor.u32 $0x100, v1;
	[tilespmem:s18+$0x11000] =	vst v12;
	v20 =	vld.idx.msk [tilespmem:v11+s2+$0x0], $0xffff  }
0x2a4: {  	s21 =	sor.u32 $0x300, s7;
	v6 =	vor.u32 $0x100, v21;
	v22 =	vld.idx.msk [tilespmem:v9+s2+$0x0], $0xffff;
	[tilespmem:s20+$0x80] =	vst v8  }
0x2a5: {  	v23 =	vor.u32 $0x100, v10;
	v14 =	vld.idx.msk [tilespmem:v14+s2+$0x0], $0xffff;
	[tilespmem:s21+$0x11000] =	vst v13  }
0x2a6: {  	[tilespmem:s3+$0x80] =	vst v16;
	v16 =	vor.u32 $0x300, v0;
	v24 =	vld.idx.msk [tilespmem:v5+s2+$0x0], $0xffff  }
0x2a7: {  	v25 =	vor.u32 $0x380, v4;
	v19 =	vld.idx.msk [tilespmem:v17+s2+$0x0], $0xffff;
	[tilespmem:s19+$0x80] =	vst v15  }
0x2a8: {  	s26 =	sor.u32 $0x300, s11;
	v4 =	vor.u32 $0x380, v21;
	v17 =	vld.idx.msk [tilespmem:v18+s2+$0x0], $0xffff;
	[tilespmem:s10+$0x80] =	vst v20  }
0x2a9: {  	s24 =	sor.u32 $0x280, s6;
	v11 =	vor.u32 $0x200, v21;
	v8 =	vor.u32 $0x280, v21;
	v18 =	vld.idx.msk [tilespmem:v6+s2+$0x0], $0xffff;
	[tilespmem:s26+$0x11000] =	vst v22;
	v22 =	vor.u32 $0x180, v2  }
0x2aa: {  	s14 =	sor.u32 $0x300, s6;
	[tilespmem:s24+$0x11000] =	vst v7;
	v13 =	vor.u32 $0x180, v21;
	v6 =	vor.u32 $0x300, v21;
	v21 =	vor.u32 $0x180, v1;
	v20 =	vld.idx.msk [tilespmem:v23+s2+$0x0], $0xffff  }
0x2ab: {  	s13 =	sor.u32 $0x380, s11;
	s8 =	sor.u32 $0x380, s12;
	s30 =	sor.u32 $0x380, s7;
	v3 =	vor.u32 $0x380, v3;
	v12 =	vor.u32 $0x180, v10;
	v7 =	vor.u32 $0x280, v10;
	v15 =	vld.idx.msk [tilespmem:v16+s2+$0x0], $0xffff  }
0x2ac: {  	s7 =	sor.u32 $0x380, s6;
	s18 =	sor.u32 $0x300, s12;
	s12 =	simm.s32 $0x10080;
	v9 =	vor.u32 $0x200, v10;
	v5 =	vor.u32 $0x300, v10;
	v10 =	vor.u32 $0x380, v10;
	v16 =	vld.idx.msk [tilespmem:v25+s2+$0x0], $0xffff;
	[tilespmem:s30+$0x11000] =	vst v24  }
.LBB2_10:
0x2ad: {  	s4 =	sadd.s32 $0x40, s4;
	v23 =	vld [tilespmem:s12+$0x0];
	[tilespmem:s3+$0x100] =	vst v19  }
0x2ae: {  	s6 =	sand.u32 $0x40, s4;
	s11 =	sand.u32 $0x780, s4;
	p1 =	slt.u32 s4, $0x7C0;
	[tilespmem:s20+$0x100] =	vst v17;
	v17 =	vld.idx.msk [tilespmem:v22+s2+$0x0], $0xffff  }
0x2af: {  	s9 =	sor.u32 $0x10, s6;
	s15 =	sor.u32 $0x10000, s11;
	s11 =	sor.u32 $0x30, s6;
	v19 =	vld.idx.msk [tilespmem:v21+s2+$0x0], $0xffff;
	[tilespmem:s19+$0x100] =	vst v18  }
0x2b0: {  	s16 =	sor.u32 $0x20, s6;
	v18 =	vor.u32 $0x200, v2;
	s17 =	sor.u32 s9, s15;
	s21 =	sor.u32 s11, s15;
	v13 =	vld.idx.msk [tilespmem:v13+s2+$0x0], $0xffff;
	[tilespmem:s10+$0x100] =	vst v20  }
0x2b1: {  	v21 =	vor.u32 $0x200, v1;
	s15 =	sor.u32 s16, s15;
	v20 =	vld [tilespmem:s21+$0x0];
	[tilespmem:s18+$0x11000] =	vst v14  }
0x2b2: {  	v14 =	vld [tilespmem:s17+$0x0];
	[tilespmem:s14+$0x11000] =	vst v15  }
0x2b3: {  	v15 =	vshll.u32 v23, $0x3;
	v22 =	vld [tilespmem:s15+$0x0];
	[tilespmem:s13+$0x11000] =	vst v16  }
0x2b4: {  	v16 =	vand.u32 $0x7F, v23;
	v15 =	vand.u32 $0xFFFFFC00, v15;
	v12 =	vld.idx.msk [tilespmem:v12+s2+$0x0], $0xffff;
	[tilespmem:s3+$0x180] =	vst v17;
	v17 =	vor.u32 $0x380, v0;
	v0 =	vmovc v1  }
0x2b5: {  	p0 =	por !p0, !p0;
	v1 =	vor.u32 v16, v15;
	s3 =	simm.s32 $0x1;
	[tilespmem:s20+$0x180] =	vst v19;
	v15 =	vld.idx.msk [tilespmem:v18+s2+$0x0], $0xffff  }
0x2b6: {  	s3 =	simm.s32 @!p0 $0x0;
	v16 =	vshll.u32 v20, $0x3;
	v18 =	vld.idx.msk [tilespmem:v21+s2+$0x0], $0xffff;
	[tilespmem:s19+$0x180] =	vst v13  }
0x2b7: {  	v13 =	vand.u32 $0x7F, v20;
	s3 =	sshll.u32 s3, $0x6;
	v16 =	vand.u32 $0xFFFFFC00, v16;
	v19 =	vld.idx.msk [tilespmem:v11+s2+$0x0], $0xffff;
	v11 =	vor.u32 $0x280, v2  }
0x2b8: {  	v20 =	vshll.u32 v14, $0x3;
	s3 =	sadd.s32 s3, s5;
	v21 =	vshll.u32 v22, $0x3;
	v16 =	vor.u32 v13, v16;
	v23 =	vld.idx.msk [tilespmem:v3+s2+$0x0], $0xffff;
	v3 =	vmovc v10  }
0x2b9: {  	v10 =	vand.u32 $0x7F, v14;
	v13 =	vand.u32 $0xFFFFFC00, v20;
	s13 =	sadd.s32 $0x10, s3;
	s19 =	sadd.s32 $0x20, s3;
	s15 =	sadd.s32 $0x30, s3;
	v14 =	vand.u32 $0xFFFFFC00, v21;
	v17 =	vld.idx.msk [tilespmem:v17+s2+$0x0], $0xffff  }
0x2ba: {  	v10 =	vor.u32 v10, v13;
	v13 =	vand.u32 $0x7F, v22;
	v21 =	vor.u32 $0x280, v0;
	s20 =	sor.u32 $0x200, s13;
	s14 =	sor.u32 $0x200, s15;
	v20 =	vld.idx.msk [tilespmem:v1+s2+$0x0], $0xffff;
	[tilespmem:s10+$0x180] =	vst v12;
	s10 =	sor.u32 $0x200, s19  }
0x2bb: {  	s17 =	sor.u32 $0x200, s3;
	s26 =	sor.u32 $0x280, s13;
	s24 =	sor.u32 $0x280, s19;
	v22 =	vor.u32 $0x80, v10;
	v24 =	vor.u32 $0x100, v10;
	v14 =	vor.u32 v13, v14;
	v25 =	vld.idx.msk [tilespmem:v9+s2+$0x0], $0xffff;
	[tilespmem:s14+$0x11000] =	vst v15  }
0x2bc: {  	s21 =	sor.u32 $0x280, s3;
	s18 =	sor.u32 $0x300, s19;
	v13 =	vor.u32 $0x180, v10;
	v15 =	vor.u32 $0x80, v14;
	v26 =	vor.u32 $0x100, v14;
	[tilespmem:s17+$0x11000] =	vst v18;
	s17 =	sor.u32 $0x300, s13;
	v18 =	vld.idx.msk [tilespmem:v11+s2+$0x0], $0xffff  }
0x2bd: {  	s19 =	sor.u32 $0x380, s19;
	v12 =	vor.u32 $0x180, v14;
	v9 =	vor.u32 $0x200, v14;
	s14 =	sor.u32 $0x300, s3;
	v11 =	vor.u32 $0x200, v10;
	s13 =	sor.u32 $0x380, s13;
	v27 =	vld.idx.msk [tilespmem:v16+s2+$0x0], $0xffff;
	[tilespmem:s20+$0x11000] =	vst v19  }
0x2be: {  	v29 =	vor.u32 $0x300, v2;
	s3 =	sor.u32 $0x380, s3;
	v19 =	vor.u32 $0x280, v14;
	v28 =	vld.idx.msk [tilespmem:v8+s2+$0x0], $0xffff;
	v8 =	vor.u32 $0x280, v10;
	[tilespmem:s8+$0x11000] =	vst v23;
	s8 =	smov.u32 s19  }
0x2bf: {  	s5 =	sadd.s32 $0x200, s5;
	v32 =	vor.u32 $0x80, v16;
	v30 =	vor.u32 $0x300, v10;
	v31 =	vor.u32 $0x300, v14;
	v23 =	vld.idx.msk [tilespmem:v10+s2+$0x0], $0xffff;
	[tilespmem:s7+$0x11000] =	vst v17;
	s7 =	smov.u32 s3  }
0x2c0: {  	v33 =	vor.u32 $0x380, v10;
	s3 =	sand.u32 $0x3C00, s5;
	v17 =	vor.u32 $0x80, v1;
	v10 =	vor.u32 $0x380, v14;
	v34 =	vld.idx.msk [tilespmem:v14+s2+$0x0], $0xffff  }
0x2c1: {  	s30 =	sor.u32 $0x280, s15;
	s20 =	sadd.s32 $0x11000, s3;
	v35 =	vld.idx.msk [tilespmem:v21+s2+$0x0], $0xffff;
	[tilespmem:s10+$0x11000] =	vst v25  }
0x2c2: {  	s19 =	sor.u32 s9, s20;
	s10 =	sor.u32 s16, s20;
	s3 =	sor.u32 s11, s20;
	v14 =	vld.idx.msk [tilespmem:v7+s2+$0x0], $0xffff;
	[tilespmem:s30+$0x11000] =	vst v18;
	v7 =	vmov v19  }
0x2c3: {  	s20 =	sor.u32 s6, s20;
	[tilespmem:s3+$0x0] =	vst v27;
	v18 =	vld.idx.msk [tilespmem:v29+s2+$0x0], $0xffff  }
0x2c4: {  	[tilespmem:s20+$0x0] =	vst v20;
	v19 =	vld.idx.msk [tilespmem:v32+s2+$0x0], $0xffff  }
0x2c5: {  	v20 =	vor.u32 $0x380, v2;
	v2 =	vmov v16;
	v17 =	vld.idx.msk [tilespmem:v17+s2+$0x0], $0xffff;
	[tilespmem:s19+$0x0] =	vst v23  }
0x2c6: {  	v21 =	vor.u32 $0x100, v2;
	v16 =	vld.idx.msk [tilespmem:v22+s2+$0x0], $0xffff;
	[tilespmem:s10+$0x0] =	vst v34  }
0x2c7: {  	v22 =	vor.u32 $0x100, v1;
	v15 =	vld.idx.msk [tilespmem:v15+s2+$0x0], $0xffff;
	[tilespmem:s26+$0x11000] =	vst v28  }
0x2c8: {  	s6 =	sor.u32 $0x300, s15;
	v23 =	vld.idx.msk [tilespmem:v6+s2+$0x0], $0xffff;
	[tilespmem:s24+$0x11000] =	vst v14;
	v6 =	vmov v30  }
0x2c9: {  	v14 =	vld.idx.msk [tilespmem:v5+s2+$0x0], $0xffff;
	[tilespmem:s6+$0x11000] =	vst v18;
	v5 =	vmov v31  }
0x2ca: {  	v25 =	vor.u32 $0x300, v0;
	[tilespmem:s3+$0x80] =	vst v19;
	v27 =	vld.idx.msk [tilespmem:v20+s2+$0x0], $0xffff  }
0x2cb: {  	[tilespmem:s20+$0x80] =	vst v17;
	v19 =	vld.idx.msk [tilespmem:v21+s2+$0x0], $0xffff  }
.Ltmp4:
0x2cc: {  	v17 =	vld.idx.msk [tilespmem:v22+s2+$0x0], $0xffff;
	[tilespmem:s19+$0x80] =	vst v16;
	(pc) =	sbr.rel @p1 .LBB2_10-.Ltmp4, $4  }
0x2cd: {  	v22 =	vor.u32 $0x180, v2;
	v18 =	vld.idx.msk [tilespmem:v24+s2+$0x0], $0xffff;
	[tilespmem:s10+$0x80] =	vst v15  }
0x2ce: {  	v21 =	vor.u32 $0x180, v1;
	v20 =	vld.idx.msk [tilespmem:v26+s2+$0x0], $0xffff;
	[tilespmem:s21+$0x11000] =	vst v35  }
0x2cf: {  	s6 =	sor.u32 $0x380, s15;
	v15 =	vld.idx.msk [tilespmem:v25+s2+$0x0], $0xffff;
	[tilespmem:s17+$0x11000] =	vst v23  }
0x2d0: {  	s12 =	sadd.s32 $0x40, s12;
	v16 =	vld.idx.msk [tilespmem:v4+s2+$0x0], $0xffff;
	[tilespmem:s6+$0x11000] =	vst v27;
	v4 =	vmov v33  }
0x2d1: {  	_ =	sdelay $0x2  }
0x2d2: {  	[tilespmem:s3+$0x100] =	vst v19  }
0x2d3: {  	v19 =	vld.idx.msk [tilespmem:v22+s2+$0x0], $0xffff;
	[tilespmem:s19+$0x100] =	vst v18  }
0x2d4: {  	[tilespmem:s20+$0x100] =	vst v17;
	v18 =	vor.u32 $0x200, v2;
	v13 =	vld.idx.msk [tilespmem:v13+s2+$0x0], $0xffff  }
0x2d5: {  	v17 =	vld.idx.msk [tilespmem:v21+s2+$0x0], $0xffff;
	[tilespmem:s10+$0x100] =	vst v20  }
0x2d6: {  	v20 =	vor.u32 $0x200, v1;
	v12 =	vld.idx.msk [tilespmem:v12+s2+$0x0], $0xffff;
	_ =	sdelay $0x1  }
0x2d7: {  	p0 =	por !p0, !p0;
	[tilespmem:s3+$0x180] =	vst v19;
	s3 =	simm.s32 $0x1  }
0x2d8: {  	v18 =	vld.idx.msk [tilespmem:v18+s2+$0x0], $0xffff;
	s3 =	simm.s32 @!p0 $0x0;
	[tilespmem:s19+$0x180] =	vst v13  }
0x2d9: {  	[tilespmem:s20+$0x180] =	vst v17;
	v13 =	vor.u32 $0x280, v2;
	s3 =	sshll.u32 s3, $0x6;
	v11 =	vld.idx.msk [tilespmem:v11+s2+$0x0], $0xffff  }
0x2da: {  	[tilespmem:s10+$0x180] =	vst v12;
	v12 =	vld.idx.msk [tilespmem:v20+s2+$0x0], $0xffff;
	s3 =	sadd.s32 s3, s5  }
0x2db: {  	v17 =	vor.u32 $0x280, v1;
	v9 =	vld.idx.msk [tilespmem:v9+s2+$0x0], $0xffff;
	s4 =	sadd.s32 $0x30, s3  }
0x2dc: {  	s5 =	sadd.s32 $0x10, s3;
	s6 =	sor.u32 $0x200, s4  }
0x2dd: {  	s12 =	sor.u32 $0x200, s5;
	[tilespmem:s6+$0x11000] =	vst v18  }
0x2de: {  	s9 =	sadd.s32 $0x20, s3;
	s16 =	sor.u32 $0x200, s3;
	v13 =	vld.idx.msk [tilespmem:v13+s2+$0x0], $0xffff;
	[tilespmem:s12+$0x11000] =	vst v11  }
0x2df: {  	s15 =	sor.u32 $0x200, s9;
	v11 =	vor.u32 $0x300, v2;
	[tilespmem:s16+$0x11000] =	vst v12;
	v8 =	vld.idx.msk [tilespmem:v8+s2+$0x0], $0xffff  }
0x2e0: {  	[tilespmem:s15+$0x11000] =	vst v9;
	v9 =	vld.idx.msk [tilespmem:v17+s2+$0x0], $0xffff  }
0x2e1: {  	v12 =	vor.u32 $0x300, v1;
	v7 =	vld.idx.msk [tilespmem:v7+s2+$0x0], $0xffff  }
0x2e2: {  	[tilespmem:s18+$0x11000] =	vst v14;
	s17 =	sor.u32 $0x280, s4  }
0x2e3: {  	s18 =	sor.u32 $0x280, s5;
	[tilespmem:s17+$0x11000] =	vst v13  }
0x2e4: {  	v0 =	vor.u32 $0x380, v0;
	s20 =	sor.u32 $0x280, s3;
	v11 =	vld.idx.msk [tilespmem:v11+s2+$0x0], $0xffff;
	[tilespmem:s18+$0x11000] =	vst v8  }
0x2e5: {  	s19 =	sor.u32 $0x280, s9;
	v2 =	vor.u32 $0x380, v2;
	[tilespmem:s20+$0x11000] =	vst v9;
	v6 =	vld.idx.msk [tilespmem:v6+s2+$0x0], $0xffff  }
0x2e6: {  	[tilespmem:s19+$0x11000] =	vst v7;
	v7 =	vld.idx.msk [tilespmem:v12+s2+$0x0], $0xffff  }
0x2e7: {  	[tilespmem:s14+$0x11000] =	vst v15;
	v1 =	vor.u32 $0x380, v1;
	v5 =	vld.idx.msk [tilespmem:v5+s2+$0x0], $0xffff  }
0x2e8: {  	v3 =	vld.idx.msk [tilespmem:v3+s2+$0x0], $0xffff;
	[tilespmem:s13+$0x11000] =	vst v16;
	s21 =	sor.u32 $0x300, s4  }
0x2e9: {  	v0 =	vld.idx.msk [tilespmem:v0+s2+$0x0], $0xffff;
	s24 =	sor.u32 $0x300, s5;
	[tilespmem:s21+$0x11000] =	vst v11  }
0x2ea: {  	s30 =	sor.u32 $0x300, s3;
	v2 =	vld.idx.msk [tilespmem:v2+s2+$0x0], $0xffff;
	[tilespmem:s24+$0x11000] =	vst v6  }
0x2eb: {  	s26 =	sor.u32 $0x300, s9;
	[tilespmem:s30+$0x11000] =	vst v7;
	v4 =	vld.idx.msk [tilespmem:v4+s2+$0x0], $0xffff  }
0x2ec: {  	[tilespmem:s26+$0x11000] =	vst v5;
	v1 =	vld.idx.msk [tilespmem:v1+s2+$0x0], $0xffff  }
0x2ed: {  	[tilespmem:s8+$0x11000] =	vst v3;
	v5 =	vld.idx.msk [tilespmem:v10+s2+$0x0], $0xffff  }
0x2ee: {  	[tilespmem:s7+$0x11000] =	vst v0;
	s4 =	sor.u32 $0x380, s4  }
0x2ef: {  	s5 =	sor.u32 $0x380, s5;
	[tilespmem:s4+$0x11000] =	vst v2  }
0x2f0: {  	s3 =	sor.u32 $0x380, s3;
	[tilespmem:s5+$0x11000] =	vst v4  }
0x2f1: {  	s9 =	sor.u32 $0x380, s9;
	[tilespmem:s3+$0x11000] =	vst v1  }
0x2f2: {  	[tilespmem:s9+$0x11000] =	vst v5  }
0x2f3: {  	s11 =	simm.s32 $0x11000;
	s10 =	simm.s32 $0x0;
	s4 =	rddreg [dreg:$0x14]  }
0x2f4: {  	[hbm4b:s4+s10] =	stream.linear.scatter [tilespmem:s11], [sflag:$0x3], $0x4000, $0x38;
	[tilespmem:$0x19000] =	vst v63  }
0x2f5: {  	s12 =	rddreg [dreg:$0x10]  }
0x2f6: {  	[tilespmem:s28], [sflag:$0x1] =	stream.strided.gather [hbm4b:s12+s22], $0x800, s23, s22, $0x38;
	[tilespmem:$0x19000] =	vst v63  }
0x2f7: {  	_ =	swait.ge [sflag:s29], $0x800  }
0x2f8: {  	[sflag:s29] =	ssyncset.done $0x0  }
0x2f9: {  	s13 =	simm.s32 $0x0;
	[sflag:s29] =	ssyncadd.s32 $0xFFFFF800  }
0x2fa: {  	s14 =	sand.u32 $0x40, s13;
	s4 =	sand.u32 $0x780, s13;
	_ =	swait.ge [sflag:s0], $0x4000  }
0x2fb: {  	s15 =	sor.u32 $0x30, s14;
	s4 =	sor.u32 $0x10800, s4;
	[sflag:s0] =	ssyncset.done $0x0  }
0x2fc: {  	s16 =	sor.u32 s15, s4;
	[sflag:s0] =	ssyncadd.s32 $0xFFFFC000  }
0x2fd: {  	s17 =	simm.s32 $0x10800;
	v0 =	vld [tilespmem:s16+$0x0]  }
0x2fe: {  	s18 =	sor.u32 $0x10, s14;
	v1 =	vld [tilespmem:s17+$0x0]  }
0x2ff: {  	s20 =	sor.u32 $0x20, s14;
	s19 =	sor.u32 s18, s4  }
0x300: {  	s4 =	sor.u32 s20, s4;
	v2 =	vld [tilespmem:s19+$0x0]  }
0x301: {  	v3 =	vld [tilespmem:s4+$0x0]  }
0x302: {  	v4 =	vshll.u32 v0, $0x3  }
0x303: {  	v5 =	vshll.u32 v1, $0x3;
	v0 =	vand.u32 $0x7F, v0;
	v4 =	vand.u32 $0xFFFFFC00, v4  }
0x304: {  	v1 =	vand.u32 $0x7F, v1;
	v6 =	vand.u32 $0xFFFFFC00, v5;
	v5 =	vor.u32 v0, v4  }
0x305: {  	v0 =	vor.u32 v1, v6;
	v1 =	vshll.u32 v2, $0x3  }
0x306: {  	v4 =	vshll.u32 v3, $0x3;
	v2 =	vand.u32 $0x7F, v2;
	v1 =	vand.u32 $0xFFFFFC00, v1  }
0x307: {  	v6 =	vand.u32 $0xFFFFFC00, v4;
	v4 =	vor.u32 v2, v1;
	v1 =	vand.u32 $0x7F, v3  }
0x308: {  	v3 =	vor.u32 v1, v6  }
0x309: {  	v1 =	vld.idx.msk [tilespmem:v5+s2+$0x0], $0xffff  }
0x30a: {  	v6 =	vor.u32 $0x80, v5;
	v2 =	vld.idx.msk [tilespmem:v0+s2+$0x0], $0xffff  }
0x30b: {  	s3 =	sand.u32 $0x3C00, s10;
	v7 =	vor.u32 $0x80, v0  }
0x30c: {  	s3 =	sadd.s32 $0x15000, s3;
	v8 =	vld.idx.msk [tilespmem:v4+s2+$0x0], $0xffff  }
0x30d: {  	s11 =	sor.u32 s15, s3;
	v9 =	vor.u32 $0x80, v4;
	v10 =	vld.idx.msk [tilespmem:v3+s2+$0x0], $0xffff  }
0x30e: {  	s21 =	sor.u32 s14, s3;
	v11 =	vor.u32 $0x80, v3;
	[tilespmem:s11+$0x0] =	vst v1  }
0x30f: {  	[tilespmem:s21+$0x0] =	vst v2;
	v1 =	vld.idx.msk [tilespmem:v6+s2+$0x0], $0xffff  }
0x310: {  	s7 =	sor.u32 s18, s3;
	v2 =	vld.idx.msk [tilespmem:v7+s2+$0x0], $0xffff;
	v6 =	vor.u32 $0x100, v5  }
0x311: {  	s24 =	sor.u32 s20, s3;
	v7 =	vor.u32 $0x100, v0;
	[tilespmem:s7+$0x0] =	vst v8  }
0x312: {  	v8 =	vld.idx.msk [tilespmem:v9+s2+$0x0], $0xffff;
	[tilespmem:s24+$0x0] =	vst v10  }
0x313: {  	v9 =	vor.u32 $0x100, v4;
	v10 =	vld.idx.msk [tilespmem:v11+s2+$0x0], $0xffff  }
0x314: {  	v11 =	vor.u32 $0x100, v3;
	[tilespmem:s11+$0x80] =	vst v1  }
0x315: {  	[tilespmem:s21+$0x80] =	vst v2;
	v1 =	vld.idx.msk [tilespmem:v6+s2+$0x0], $0xffff  }
0x316: {  	v2 =	vld.idx.msk [tilespmem:v7+s2+$0x0], $0xffff;
	v6 =	vor.u32 $0x180, v5  }
0x317: {  	v7 =	vor.u32 $0x180, v0;
	[tilespmem:s7+$0x80] =	vst v8  }
0x318: {  	v8 =	vld.idx.msk [tilespmem:v9+s2+$0x0], $0xffff;
	[tilespmem:s24+$0x80] =	vst v10  }
0x319: {  	s26 =	simm.s32 $0x10840;
	s4 =	simm.s32 $0x40;
	v9 =	vor.u32 $0x180, v4;
	v10 =	vld.idx.msk [tilespmem:v11+s2+$0x0], $0xffff  }
0x31a: {  	s8 =	sand.u32 $0x40, s4;
	s30 =	sand.u32 $0x780, s4;
	v11 =	vld [tilespmem:s26+$0x0];
	[tilespmem:s11+$0x100] =	vst v1  }
0x31b: {  	s12 =	sor.u32 $0x10800, s30;
	s9 =	sor.u32 $0x30, s8;
	[tilespmem:s21+$0x100] =	vst v2;
	v1 =	vld.idx.msk [tilespmem:v6+s2+$0x0], $0xffff  }
0x31c: {  	s18 =	sor.u32 s9, s12;
	v2 =	vor.u32 $0x180, v3;
	v6 =	vld.idx.msk [tilespmem:v7+s2+$0x0], $0xffff  }
0x31d: {  	s19 =	sor.u32 $0x10, s8;
	v7 =	vor.u32 $0x200, v5;
	[tilespmem:s7+$0x100] =	vst v8;
	v8 =	vld [tilespmem:s18+$0x0]  }
0x31e: {  	s17 =	sor.u32 s19, s12;
	s18 =	sor.u32 $0x20, s8;
	v9 =	vld.idx.msk [tilespmem:v9+s2+$0x0], $0xffff  }
0x31f: {  	v13 =	vld [tilespmem:s17+$0x0];
	v12 =	vor.u32 $0x200, v4;
	s12 =	sor.u32 s18, s12;
	v14 =	vshll.u32 v11, $0x3  }
0x320: {  	[tilespmem:s24+$0x100] =	vst v10;
	v10 =	vor.u32 $0x200, v0;
	v11 =	vand.u32 $0x7F, v11;
	v15 =	vld [tilespmem:s12+$0x0];
	v14 =	vand.u32 $0xFFFFFC00, v14  }
0x321: {  	p0 =	por $0x0, $0x0;
	v16 =	vld.idx.msk [tilespmem:v2+s2+$0x0], $0xffff;
	[tilespmem:s11+$0x180] =	vst v1;
	v1 =	vor.u32 v11, v14;
	s11 =	simm.s32 $0x1  }
0x322: {  	v11 =	vor.u32 $0x200, v3;
	v7 =	vld.idx.msk [tilespmem:v7+s2+$0x0], $0xffff;
	v2 =	vshll.u32 v8, $0x3;
	s11 =	simm.s32 @!p0 $0x0  }
0x323: {  	v8 =	vand.u32 $0x7F, v8;
	[tilespmem:s7+$0x180] =	vst v9;
	v2 =	vand.u32 $0xFFFFFC00, v2;
	s20 =	sshll.u32 s11, $0x6;
	v9 =	vor.u32 $0x280, v5  }
0x324: {  	v14 =	vor.u32 $0x280, v4;
	[tilespmem:s21+$0x180] =	vst v6;
	v6 =	vld.idx.msk [tilespmem:v12+s2+$0x0], $0xffff;
	v12 =	vshll.u32 v13, $0x3;
	v2 =	vor.u32 v8, v2;
	s6 =	sadd.s32 $0x0, s20  }
0x325: {  	v8 =	vld.idx.msk [tilespmem:v10+s2+$0x0], $0xffff;
	v10 =	vshll.u32 v15, $0x3;
	v13 =	vand.u32 $0x7F, v13;
	v12 =	vand.u32 $0xFFFFFC00, v12;
	s7 =	sadd.s32 $0x30, s6  }
0x326: {  	v10 =	vand.u32 $0xFFFFFC00, v10;
	[tilespmem:s24+$0x180] =	vst v16;
	v17 =	vld.idx.msk [tilespmem:v1+s2+$0x0], $0xffff;
	v21 =	vor.u32 v13, v12;
	v12 =	vand.u32 $0x7F, v15;
	s21 =	sor.u32 $0x200, s7  }
0x327: {  	s11 =	sadd.s32 $0x10, s6;
	v11 =	vld.idx.msk [tilespmem:v11+s2+$0x0], $0xffff;
	v10 =	vor.u32 v12, v10;
	[tilespmem:s21+$0x15000] =	vst v7  }
0x328: {  	s24 =	sor.u32 $0x200, s11;
	v7 =	vor.u32 $0x280, v0;
	v9 =	vld.idx.msk [tilespmem:v9+s2+$0x0], $0xffff  }
0x329: {  	s5 =	simm.s32 $0x200;
	s26 =	sor.u32 $0x200, s6;
	v12 =	vor.u32 $0x280, v3;
	v13 =	vld.idx.msk [tilespmem:v2+s2+$0x0], $0xffff;
	[tilespmem:s24+$0x15000] =	vst v6  }
0x32a: {  	s15 =	sand.u32 $0x3C00, s5;
	s12 =	sadd.s32 $0x20, s6;
	[tilespmem:s26+$0x15000] =	vst v8;
	v8 =	vor.u32 $0x80, v1;
	v6 =	vld.idx.msk [tilespmem:v14+s2+$0x0], $0xffff  }
0x32b: {  	s13 =	sadd.s32 $0x15000, s15;
	s30 =	sor.u32 $0x200, s12;
	v14 =	vor.u32 $0x300, v5;
	v15 =	vld.idx.msk [tilespmem:v21+s2+$0x0], $0xffff  }
0x32c: {  	s20 =	sor.u32 s8, s13;
	v16 =	vor.u32 $0x80, v2;
	[tilespmem:s30+$0x15000] =	vst v11;
	v18 =	vld.idx.msk [tilespmem:v10+s2+$0x0], $0xffff  }
0x32d: {  	s16 =	sor.u32 $0x280, s7;
	v19 =	vor.u32 $0x80, v21;
	[tilespmem:s20+$0x0] =	vst v17;
	v7 =	vld.idx.msk [tilespmem:v7+s2+$0x0], $0xffff  }
0x32e: {  	s3 =	sor.u32 s9, s13;
	v11 =	vor.u32 $0x80, v10;
	v12 =	vld.idx.msk [tilespmem:v12+s2+$0x0], $0xffff;
	[tilespmem:s16+$0x15000] =	vst v9  }
0x32f: {  	s17 =	sor.u32 $0x280, s11;
	v9 =	vor.u32 $0x300, v4;
	[tilespmem:s3+$0x0] =	vst v13;
	v8 =	vld.idx.msk [tilespmem:v8+s2+$0x0], $0xffff  }
0x330: {  	s19 =	sor.u32 s19, s13;
	v13 =	vld.idx.msk [tilespmem:v14+s2+$0x0], $0xffff;
	v14 =	vor.u32 $0x300, v3;
	[tilespmem:s17+$0x15000] =	vst v6  }
0x331: {  	s10 =	sor.u32 s18, s13;
	v5 =	vor.u32 $0x380, v5;
	v16 =	vld.idx.msk [tilespmem:v16+s2+$0x0], $0xffff;
	[tilespmem:s19+$0x0] =	vst v15  }
0x332: {  	s18 =	sor.u32 $0x280, s12;
	v17 =	vor.u32 $0x100, v2;
	v15 =	vld.idx.msk [tilespmem:v19+s2+$0x0], $0xffff;
	[tilespmem:s10+$0x0] =	vst v18  }
0x333: {  	v18 =	vor.u32 $0x100, v1;
	[tilespmem:s18+$0x15000] =	vst v12;
	v20 =	vld.idx.msk [tilespmem:v11+s2+$0x0], $0xffff  }
0x334: {  	s21 =	sor.u32 $0x300, s7;
	v6 =	vor.u32 $0x100, v21;
	v22 =	vld.idx.msk [tilespmem:v9+s2+$0x0], $0xffff;
	[tilespmem:s20+$0x80] =	vst v8  }
0x335: {  	v23 =	vor.u32 $0x100, v10;
	v14 =	vld.idx.msk [tilespmem:v14+s2+$0x0], $0xffff;
	[tilespmem:s21+$0x15000] =	vst v13  }
0x336: {  	[tilespmem:s3+$0x80] =	vst v16;
	v16 =	vor.u32 $0x300, v0;
	v24 =	vld.idx.msk [tilespmem:v5+s2+$0x0], $0xffff  }
0x337: {  	v25 =	vor.u32 $0x380, v4;
	v19 =	vld.idx.msk [tilespmem:v17+s2+$0x0], $0xffff;
	[tilespmem:s19+$0x80] =	vst v15  }
0x338: {  	s26 =	sor.u32 $0x300, s11;
	v4 =	vor.u32 $0x380, v21;
	v17 =	vld.idx.msk [tilespmem:v18+s2+$0x0], $0xffff;
	[tilespmem:s10+$0x80] =	vst v20  }
0x339: {  	s24 =	sor.u32 $0x280, s6;
	v11 =	vor.u32 $0x200, v21;
	v8 =	vor.u32 $0x280, v21;
	v18 =	vld.idx.msk [tilespmem:v6+s2+$0x0], $0xffff;
	[tilespmem:s26+$0x15000] =	vst v22;
	v22 =	vor.u32 $0x180, v2  }
0x33a: {  	s14 =	sor.u32 $0x300, s6;
	[tilespmem:s24+$0x15000] =	vst v7;
	v13 =	vor.u32 $0x180, v21;
	v6 =	vor.u32 $0x300, v21;
	v21 =	vor.u32 $0x180, v1;
	v20 =	vld.idx.msk [tilespmem:v23+s2+$0x0], $0xffff  }
0x33b: {  	s13 =	sor.u32 $0x380, s11;
	s8 =	sor.u32 $0x380, s12;
	s30 =	sor.u32 $0x380, s7;
	v3 =	vor.u32 $0x380, v3;
	v12 =	vor.u32 $0x180, v10;
	v7 =	vor.u32 $0x280, v10;
	v15 =	vld.idx.msk [tilespmem:v16+s2+$0x0], $0xffff  }
0x33c: {  	s7 =	sor.u32 $0x380, s6;
	s18 =	sor.u32 $0x300, s12;
	s12 =	simm.s32 $0x10880;
	v9 =	vor.u32 $0x200, v10;
	v5 =	vor.u32 $0x300, v10;
	v10 =	vor.u32 $0x380, v10;
	v16 =	vld.idx.msk [tilespmem:v25+s2+$0x0], $0xffff;
	[tilespmem:s30+$0x15000] =	vst v24  }
.LBB2_12:
0x33d: {  	s4 =	sadd.s32 $0x40, s4;
	v23 =	vld [tilespmem:s12+$0x0];
	[tilespmem:s3+$0x100] =	vst v19  }
0x33e: {  	s6 =	sand.u32 $0x40, s4;
	s11 =	sand.u32 $0x780, s4;
	p1 =	slt.u32 s4, $0x7C0;
	[tilespmem:s20+$0x100] =	vst v17;
	v17 =	vld.idx.msk [tilespmem:v22+s2+$0x0], $0xffff  }
0x33f: {  	s9 =	sor.u32 $0x10, s6;
	s15 =	sor.u32 $0x10800, s11;
	s11 =	sor.u32 $0x30, s6;
	v19 =	vld.idx.msk [tilespmem:v21+s2+$0x0], $0xffff;
	[tilespmem:s19+$0x100] =	vst v18  }
0x340: {  	s16 =	sor.u32 $0x20, s6;
	v18 =	vor.u32 $0x200, v2;
	s17 =	sor.u32 s9, s15;
	s21 =	sor.u32 s11, s15;
	v13 =	vld.idx.msk [tilespmem:v13+s2+$0x0], $0xffff;
	[tilespmem:s10+$0x100] =	vst v20  }
0x341: {  	v21 =	vor.u32 $0x200, v1;
	s15 =	sor.u32 s16, s15;
	v20 =	vld [tilespmem:s21+$0x0];
	[tilespmem:s18+$0x15000] =	vst v14  }
0x342: {  	v14 =	vld [tilespmem:s17+$0x0];
	[tilespmem:s14+$0x15000] =	vst v15  }
0x343: {  	v15 =	vshll.u32 v23, $0x3;
	v22 =	vld [tilespmem:s15+$0x0];
	[tilespmem:s13+$0x15000] =	vst v16  }
0x344: {  	v16 =	vand.u32 $0x7F, v23;
	v15 =	vand.u32 $0xFFFFFC00, v15;
	v12 =	vld.idx.msk [tilespmem:v12+s2+$0x0], $0xffff;
	[tilespmem:s3+$0x180] =	vst v17;
	v17 =	vor.u32 $0x380, v0;
	v0 =	vmovc v1  }
0x345: {  	p0 =	por !p0, !p0;
	v1 =	vor.u32 v16, v15;
	s3 =	simm.s32 $0x1;
	[tilespmem:s20+$0x180] =	vst v19;
	v15 =	vld.idx.msk [tilespmem:v18+s2+$0x0], $0xffff  }
0x346: {  	s3 =	simm.s32 @!p0 $0x0;
	v16 =	vshll.u32 v20, $0x3;
	v18 =	vld.idx.msk [tilespmem:v21+s2+$0x0], $0xffff;
	[tilespmem:s19+$0x180] =	vst v13  }
0x347: {  	v13 =	vand.u32 $0x7F, v20;
	s3 =	sshll.u32 s3, $0x6;
	v16 =	vand.u32 $0xFFFFFC00, v16;
	v19 =	vld.idx.msk [tilespmem:v11+s2+$0x0], $0xffff;
	v11 =	vor.u32 $0x280, v2  }
0x348: {  	v20 =	vshll.u32 v14, $0x3;
	s3 =	sadd.s32 s3, s5;
	v21 =	vshll.u32 v22, $0x3;
	v16 =	vor.u32 v13, v16;
	v23 =	vld.idx.msk [tilespmem:v3+s2+$0x0], $0xffff;
	v3 =	vmovc v10  }
0x349: {  	v10 =	vand.u32 $0x7F, v14;
	v13 =	vand.u32 $0xFFFFFC00, v20;
	s13 =	sadd.s32 $0x10, s3;
	s19 =	sadd.s32 $0x20, s3;
	s15 =	sadd.s32 $0x30, s3;
	v14 =	vand.u32 $0xFFFFFC00, v21;
	v17 =	vld.idx.msk [tilespmem:v17+s2+$0x0], $0xffff  }
0x34a: {  	v10 =	vor.u32 v10, v13;
	v13 =	vand.u32 $0x7F, v22;
	v21 =	vor.u32 $0x280, v0;
	s20 =	sor.u32 $0x200, s13;
	s14 =	sor.u32 $0x200, s15;
	v20 =	vld.idx.msk [tilespmem:v1+s2+$0x0], $0xffff;
	[tilespmem:s10+$0x180] =	vst v12;
	s10 =	sor.u32 $0x200, s19  }
0x34b: {  	s17 =	sor.u32 $0x200, s3;
	s26 =	sor.u32 $0x280, s13;
	s24 =	sor.u32 $0x280, s19;
	v22 =	vor.u32 $0x80, v10;
	v24 =	vor.u32 $0x100, v10;
	v14 =	vor.u32 v13, v14;
	v25 =	vld.idx.msk [tilespmem:v9+s2+$0x0], $0xffff;
	[tilespmem:s14+$0x15000] =	vst v15  }
0x34c: {  	s21 =	sor.u32 $0x280, s3;
	s18 =	sor.u32 $0x300, s19;
	v13 =	vor.u32 $0x180, v10;
	v15 =	vor.u32 $0x80, v14;
	v26 =	vor.u32 $0x100, v14;
	[tilespmem:s17+$0x15000] =	vst v18;
	s17 =	sor.u32 $0x300, s13;
	v18 =	vld.idx.msk [tilespmem:v11+s2+$0x0], $0xffff  }
0x34d: {  	s19 =	sor.u32 $0x380, s19;
	v12 =	vor.u32 $0x180, v14;
	v9 =	vor.u32 $0x200, v14;
	s14 =	sor.u32 $0x300, s3;
	v11 =	vor.u32 $0x200, v10;
	s13 =	sor.u32 $0x380, s13;
	v27 =	vld.idx.msk [tilespmem:v16+s2+$0x0], $0xffff;
	[tilespmem:s20+$0x15000] =	vst v19  }
0x34e: {  	v29 =	vor.u32 $0x300, v2;
	s3 =	sor.u32 $0x380, s3;
	v19 =	vor.u32 $0x280, v14;
	v28 =	vld.idx.msk [tilespmem:v8+s2+$0x0], $0xffff;
	v8 =	vor.u32 $0x280, v10;
	[tilespmem:s8+$0x15000] =	vst v23;
	s8 =	smov.u32 s19  }
0x34f: {  	s5 =	sadd.s32 $0x200, s5;
	v32 =	vor.u32 $0x80, v16;
	v30 =	vor.u32 $0x300, v10;
	v31 =	vor.u32 $0x300, v14;
	v23 =	vld.idx.msk [tilespmem:v10+s2+$0x0], $0xffff;
	[tilespmem:s7+$0x15000] =	vst v17;
	s7 =	smov.u32 s3  }
0x350: {  	v33 =	vor.u32 $0x380, v10;
	s3 =	sand.u32 $0x3C00, s5;
	v17 =	vor.u32 $0x80, v1;
	v10 =	vor.u32 $0x380, v14;
	v34 =	vld.idx.msk [tilespmem:v14+s2+$0x0], $0xffff  }
0x351: {  	s30 =	sor.u32 $0x280, s15;
	s20 =	sadd.s32 $0x15000, s3;
	v35 =	vld.idx.msk [tilespmem:v21+s2+$0x0], $0xffff;
	[tilespmem:s10+$0x15000] =	vst v25  }
0x352: {  	s19 =	sor.u32 s9, s20;
	s10 =	sor.u32 s16, s20;
	s3 =	sor.u32 s11, s20;
	v14 =	vld.idx.msk [tilespmem:v7+s2+$0x0], $0xffff;
	[tilespmem:s30+$0x15000] =	vst v18;
	v7 =	vmov v19  }
0x353: {  	s20 =	sor.u32 s6, s20;
	[tilespmem:s3+$0x0] =	vst v27;
	v18 =	vld.idx.msk [tilespmem:v29+s2+$0x0], $0xffff  }
0x354: {  	[tilespmem:s20+$0x0] =	vst v20;
	v19 =	vld.idx.msk [tilespmem:v32+s2+$0x0], $0xffff  }
0x355: {  	v20 =	vor.u32 $0x380, v2;
	v2 =	vmov v16;
	v17 =	vld.idx.msk [tilespmem:v17+s2+$0x0], $0xffff;
	[tilespmem:s19+$0x0] =	vst v23  }
0x356: {  	v21 =	vor.u32 $0x100, v2;
	v16 =	vld.idx.msk [tilespmem:v22+s2+$0x0], $0xffff;
	[tilespmem:s10+$0x0] =	vst v34  }
0x357: {  	v22 =	vor.u32 $0x100, v1;
	v15 =	vld.idx.msk [tilespmem:v15+s2+$0x0], $0xffff;
	[tilespmem:s26+$0x15000] =	vst v28  }
0x358: {  	s6 =	sor.u32 $0x300, s15;
	v23 =	vld.idx.msk [tilespmem:v6+s2+$0x0], $0xffff;
	[tilespmem:s24+$0x15000] =	vst v14;
	v6 =	vmov v30  }
0x359: {  	v14 =	vld.idx.msk [tilespmem:v5+s2+$0x0], $0xffff;
	[tilespmem:s6+$0x15000] =	vst v18;
	v5 =	vmov v31  }
0x35a: {  	v25 =	vor.u32 $0x300, v0;
	[tilespmem:s3+$0x80] =	vst v19;
	v27 =	vld.idx.msk [tilespmem:v20+s2+$0x0], $0xffff  }
0x35b: {  	[tilespmem:s20+$0x80] =	vst v17;
	v19 =	vld.idx.msk [tilespmem:v21+s2+$0x0], $0xffff  }
.Ltmp5:
0x35c: {  	v17 =	vld.idx.msk [tilespmem:v22+s2+$0x0], $0xffff;
	[tilespmem:s19+$0x80] =	vst v16;
	(pc) =	sbr.rel @p1 .LBB2_12-.Ltmp5, $4  }
0x35d: {  	v22 =	vor.u32 $0x180, v2;
	v18 =	vld.idx.msk [tilespmem:v24+s2+$0x0], $0xffff;
	[tilespmem:s10+$0x80] =	vst v15  }
0x35e: {  	v21 =	vor.u32 $0x180, v1;
	v20 =	vld.idx.msk [tilespmem:v26+s2+$0x0], $0xffff;
	[tilespmem:s21+$0x15000] =	vst v35  }
0x35f: {  	s6 =	sor.u32 $0x380, s15;
	v15 =	vld.idx.msk [tilespmem:v25+s2+$0x0], $0xffff;
	[tilespmem:s17+$0x15000] =	vst v23  }
0x360: {  	s12 =	sadd.s32 $0x40, s12;
	v16 =	vld.idx.msk [tilespmem:v4+s2+$0x0], $0xffff;
	[tilespmem:s6+$0x15000] =	vst v27;
	v4 =	vmov v33  }
0x361: {  	_ =	sdelay $0x2  }
0x362: {  	[tilespmem:s3+$0x100] =	vst v19  }
0x363: {  	v19 =	vld.idx.msk [tilespmem:v22+s2+$0x0], $0xffff;
	[tilespmem:s19+$0x100] =	vst v18  }
0x364: {  	[tilespmem:s20+$0x100] =	vst v17;
	v18 =	vor.u32 $0x200, v2;
	v13 =	vld.idx.msk [tilespmem:v13+s2+$0x0], $0xffff  }
0x365: {  	v17 =	vld.idx.msk [tilespmem:v21+s2+$0x0], $0xffff;
	[tilespmem:s10+$0x100] =	vst v20  }
0x366: {  	v20 =	vor.u32 $0x200, v1;
	v12 =	vld.idx.msk [tilespmem:v12+s2+$0x0], $0xffff;
	_ =	sdelay $0x1  }
0x367: {  	p0 =	por !p0, !p0;
	[tilespmem:s3+$0x180] =	vst v19;
	s3 =	simm.s32 $0x1  }
0x368: {  	v18 =	vld.idx.msk [tilespmem:v18+s2+$0x0], $0xffff;
	s3 =	simm.s32 @!p0 $0x0;
	[tilespmem:s19+$0x180] =	vst v13  }
0x369: {  	[tilespmem:s20+$0x180] =	vst v17;
	v13 =	vor.u32 $0x280, v2;
	s3 =	sshll.u32 s3, $0x6;
	v11 =	vld.idx.msk [tilespmem:v11+s2+$0x0], $0xffff  }
0x36a: {  	[tilespmem:s10+$0x180] =	vst v12;
	v12 =	vld.idx.msk [tilespmem:v20+s2+$0x0], $0xffff;
	s3 =	sadd.s32 s3, s5  }
0x36b: {  	v17 =	vor.u32 $0x280, v1;
	v9 =	vld.idx.msk [tilespmem:v9+s2+$0x0], $0xffff;
	s4 =	sadd.s32 $0x30, s3  }
0x36c: {  	s5 =	sadd.s32 $0x10, s3;
	s6 =	sor.u32 $0x200, s4  }
0x36d: {  	s12 =	sor.u32 $0x200, s5;
	[tilespmem:s6+$0x15000] =	vst v18  }
0x36e: {  	s9 =	sadd.s32 $0x20, s3;
	s16 =	sor.u32 $0x200, s3;
	v13 =	vld.idx.msk [tilespmem:v13+s2+$0x0], $0xffff;
	[tilespmem:s12+$0x15000] =	vst v11  }
0x36f: {  	s15 =	sor.u32 $0x200, s9;
	v11 =	vor.u32 $0x300, v2;
	[tilespmem:s16+$0x15000] =	vst v12;
	v8 =	vld.idx.msk [tilespmem:v8+s2+$0x0], $0xffff  }
0x370: {  	[tilespmem:s15+$0x15000] =	vst v9;
	v9 =	vld.idx.msk [tilespmem:v17+s2+$0x0], $0xffff  }
0x371: {  	v12 =	vor.u32 $0x300, v1;
	v7 =	vld.idx.msk [tilespmem:v7+s2+$0x0], $0xffff  }
0x372: {  	[tilespmem:s18+$0x15000] =	vst v14;
	s17 =	sor.u32 $0x280, s4  }
0x373: {  	s18 =	sor.u32 $0x280, s5;
	[tilespmem:s17+$0x15000] =	vst v13  }
0x374: {  	v0 =	vor.u32 $0x380, v0;
	s20 =	sor.u32 $0x280, s3;
	v11 =	vld.idx.msk [tilespmem:v11+s2+$0x0], $0xffff;
	[tilespmem:s18+$0x15000] =	vst v8  }
0x375: {  	s19 =	sor.u32 $0x280, s9;
	v2 =	vor.u32 $0x380, v2;
	[tilespmem:s20+$0x15000] =	vst v9;
	v6 =	vld.idx.msk [tilespmem:v6+s2+$0x0], $0xffff  }
0x376: {  	[tilespmem:s19+$0x15000] =	vst v7;
	v7 =	vld.idx.msk [tilespmem:v12+s2+$0x0], $0xffff  }
0x377: {  	[tilespmem:s14+$0x15000] =	vst v15;
	v1 =	vor.u32 $0x380, v1;
	v5 =	vld.idx.msk [tilespmem:v5+s2+$0x0], $0xffff  }
0x378: {  	v3 =	vld.idx.msk [tilespmem:v3+s2+$0x0], $0xffff;
	[tilespmem:s13+$0x15000] =	vst v16;
	s21 =	sor.u32 $0x300, s4  }
0x379: {  	v0 =	vld.idx.msk [tilespmem:v0+s2+$0x0], $0xffff;
	s24 =	sor.u32 $0x300, s5;
	[tilespmem:s21+$0x15000] =	vst v11  }
0x37a: {  	s30 =	sor.u32 $0x300, s3;
	v2 =	vld.idx.msk [tilespmem:v2+s2+$0x0], $0xffff;
	[tilespmem:s24+$0x15000] =	vst v6  }
0x37b: {  	s26 =	sor.u32 $0x300, s9;
	[tilespmem:s30+$0x15000] =	vst v7;
	v4 =	vld.idx.msk [tilespmem:v4+s2+$0x0], $0xffff  }
0x37c: {  	[tilespmem:s26+$0x15000] =	vst v5;
	v1 =	vld.idx.msk [tilespmem:v1+s2+$0x0], $0xffff  }
0x37d: {  	[tilespmem:s8+$0x15000] =	vst v3;
	v5 =	vld.idx.msk [tilespmem:v10+s2+$0x0], $0xffff  }
0x37e: {  	[tilespmem:s7+$0x15000] =	vst v0;
	s4 =	sor.u32 $0x380, s4  }
0x37f: {  	s5 =	sor.u32 $0x380, s5;
	[tilespmem:s4+$0x15000] =	vst v2  }
0x380: {  	s3 =	sor.u32 $0x380, s3;
	[tilespmem:s5+$0x15000] =	vst v4  }
0x381: {  	s8 =	sor.u32 $0x380, s9;
	[tilespmem:s3+$0x15000] =	vst v1  }
0x382: {  	[tilespmem:s8+$0x15000] =	vst v5  }
0x383: {  	s10 =	simm.s32 $0x15000;
	s9 =	simm.s32 $0x0;
	s4 =	rddreg [dreg:$0x17]  }
0x384: {  	[hbm4b:s4+s9] =	stream.linear.scatter [tilespmem:s10], [sflag:$0x4], $0x4000, $0x38;
	[tilespmem:$0x19000] =	vst v63  }
0x385: {  	s12 =	simm.s32 $0x10800;
	s11 =	rddreg [dreg:$0x11]  }
0x386: {  	[tilespmem:s12], [sflag:$0x2] =	stream.strided.gather [hbm4b:s11+s22], $0x800, s23, s22, $0x38;
	[tilespmem:$0x19000] =	vst v63  }
0x387: {  	_ =	swait.ge [sflag:s25], $0x800  }
0x388: {  	[sflag:s25] =	ssyncset.done $0x0  }
0x389: {  	s13 =	simm.s32 $0x0;
	[sflag:s25] =	ssyncadd.s32 $0xFFFFF800  }
0x38a: {  	s14 =	sand.u32 $0x40, s13;
	s4 =	sand.u32 $0x780, s13;
	_ =	swait.ge [sflag:s31], $0x4000  }
0x38b: {  	s15 =	sor.u32 $0x30, s14;
	s4 =	sor.u32 $0x10000, s4;
	[sflag:s31] =	ssyncset.done $0x0  }
0x38c: {  	s16 =	sor.u32 s15, s4;
	[sflag:s31] =	ssyncadd.s32 $0xFFFFC000  }
0x38d: {  	s17 =	simm.s32 $0x10000;
	v0 =	vld [tilespmem:s16+$0x0]  }
0x38e: {  	s18 =	sor.u32 $0x10, s14;
	v1 =	vld [tilespmem:s17+$0x0]  }
0x38f: {  	s20 =	sor.u32 $0x20, s14;
	s19 =	sor.u32 s18, s4  }
0x390: {  	s4 =	sor.u32 s20, s4;
	v2 =	vld [tilespmem:s19+$0x0]  }
0x391: {  	v3 =	vld [tilespmem:s4+$0x0]  }
0x392: {  	v4 =	vshll.u32 v0, $0x3  }
0x393: {  	v5 =	vshll.u32 v1, $0x3;
	v0 =	vand.u32 $0x7F, v0;
	v4 =	vand.u32 $0xFFFFFC00, v4  }
0x394: {  	v1 =	vand.u32 $0x7F, v1;
	v6 =	vand.u32 $0xFFFFFC00, v5;
	v5 =	vor.u32 v0, v4  }
0x395: {  	v0 =	vor.u32 v1, v6;
	v1 =	vshll.u32 v2, $0x3  }
0x396: {  	v4 =	vshll.u32 v3, $0x3;
	v2 =	vand.u32 $0x7F, v2;
	v1 =	vand.u32 $0xFFFFFC00, v1  }
0x397: {  	v6 =	vand.u32 $0xFFFFFC00, v4;
	v4 =	vor.u32 v2, v1;
	v1 =	vand.u32 $0x7F, v3  }
0x398: {  	v3 =	vor.u32 v1, v6  }
0x399: {  	v1 =	vld.idx.msk [tilespmem:v5+s2+$0x0], $0xffff  }
0x39a: {  	v6 =	vor.u32 $0x80, v5;
	v2 =	vld.idx.msk [tilespmem:v0+s2+$0x0], $0xffff  }
0x39b: {  	s3 =	sand.u32 $0x3C00, s9;
	v7 =	vor.u32 $0x80, v0  }
0x39c: {  	s3 =	sadd.s32 $0x11000, s3;
	v8 =	vld.idx.msk [tilespmem:v4+s2+$0x0], $0xffff  }
0x39d: {  	s11 =	sor.u32 s15, s3;
	v9 =	vor.u32 $0x80, v4;
	v10 =	vld.idx.msk [tilespmem:v3+s2+$0x0], $0xffff  }
0x39e: {  	s21 =	sor.u32 s14, s3;
	v11 =	vor.u32 $0x80, v3;
	[tilespmem:s11+$0x0] =	vst v1  }
0x39f: {  	[tilespmem:s21+$0x0] =	vst v2;
	v1 =	vld.idx.msk [tilespmem:v6+s2+$0x0], $0xffff  }
0x3a0: {  	s7 =	sor.u32 s18, s3;
	v2 =	vld.idx.msk [tilespmem:v7+s2+$0x0], $0xffff;
	v6 =	vor.u32 $0x100, v5  }
0x3a1: {  	s24 =	sor.u32 s20, s3;
	v7 =	vor.u32 $0x100, v0;
	[tilespmem:s7+$0x0] =	vst v8  }
0x3a2: {  	v8 =	vld.idx.msk [tilespmem:v9+s2+$0x0], $0xffff;
	[tilespmem:s24+$0x0] =	vst v10  }
0x3a3: {  	v9 =	vor.u32 $0x100, v4;
	v10 =	vld.idx.msk [tilespmem:v11+s2+$0x0], $0xffff  }
0x3a4: {  	v11 =	vor.u32 $0x100, v3;
	[tilespmem:s11+$0x80] =	vst v1  }
0x3a5: {  	[tilespmem:s21+$0x80] =	vst v2;
	v1 =	vld.idx.msk [tilespmem:v6+s2+$0x0], $0xffff  }
0x3a6: {  	v2 =	vld.idx.msk [tilespmem:v7+s2+$0x0], $0xffff;
	v6 =	vor.u32 $0x180, v5  }
0x3a7: {  	v7 =	vor.u32 $0x180, v0;
	[tilespmem:s7+$0x80] =	vst v8  }
0x3a8: {  	v8 =	vld.idx.msk [tilespmem:v9+s2+$0x0], $0xffff;
	[tilespmem:s24+$0x80] =	vst v10  }
0x3a9: {  	s26 =	simm.s32 $0x10040;
	s4 =	simm.s32 $0x40;
	v9 =	vor.u32 $0x180, v4;
	v10 =	vld.idx.msk [tilespmem:v11+s2+$0x0], $0xffff  }
0x3aa: {  	s8 =	sand.u32 $0x40, s4;
	s30 =	sand.u32 $0x780, s4;
	v11 =	vld [tilespmem:s26+$0x0];
	[tilespmem:s11+$0x100] =	vst v1  }
0x3ab: {  	s12 =	sor.u32 $0x10000, s30;
	s9 =	sor.u32 $0x30, s8;
	[tilespmem:s21+$0x100] =	vst v2;
	v1 =	vld.idx.msk [tilespmem:v6+s2+$0x0], $0xffff  }
0x3ac: {  	s18 =	sor.u32 s9, s12;
	v2 =	vor.u32 $0x180, v3;
	v6 =	vld.idx.msk [tilespmem:v7+s2+$0x0], $0xffff  }
0x3ad: {  	s19 =	sor.u32 $0x10, s8;
	v7 =	vor.u32 $0x200, v5;
	[tilespmem:s7+$0x100] =	vst v8;
	v8 =	vld [tilespmem:s18+$0x0]  }
0x3ae: {  	s17 =	sor.u32 s19, s12;
	s18 =	sor.u32 $0x20, s8;
	v9 =	vld.idx.msk [tilespmem:v9+s2+$0x0], $0xffff  }
0x3af: {  	v13 =	vld [tilespmem:s17+$0x0];
	v12 =	vor.u32 $0x200, v4;
	s12 =	sor.u32 s18, s12;
	v14 =	vshll.u32 v11, $0x3  }
0x3b0: {  	[tilespmem:s24+$0x100] =	vst v10;
	v10 =	vor.u32 $0x200, v0;
	v11 =	vand.u32 $0x7F, v11;
	v15 =	vld [tilespmem:s12+$0x0];
	v14 =	vand.u32 $0xFFFFFC00, v14  }
0x3b1: {  	p0 =	por $0x0, $0x0;
	v16 =	vld.idx.msk [tilespmem:v2+s2+$0x0], $0xffff;
	[tilespmem:s11+$0x180] =	vst v1;
	v1 =	vor.u32 v11, v14;
	s11 =	simm.s32 $0x1  }
0x3b2: {  	v11 =	vor.u32 $0x200, v3;
	v7 =	vld.idx.msk [tilespmem:v7+s2+$0x0], $0xffff;
	v2 =	vshll.u32 v8, $0x3;
	s11 =	simm.s32 @!p0 $0x0  }
0x3b3: {  	v8 =	vand.u32 $0x7F, v8;
	[tilespmem:s7+$0x180] =	vst v9;
	v2 =	vand.u32 $0xFFFFFC00, v2;
	s20 =	sshll.u32 s11, $0x6;
	v9 =	vor.u32 $0x280, v5  }
0x3b4: {  	v14 =	vor.u32 $0x280, v4;
	[tilespmem:s21+$0x180] =	vst v6;
	v6 =	vld.idx.msk [tilespmem:v12+s2+$0x0], $0xffff;
	v12 =	vshll.u32 v13, $0x3;
	v2 =	vor.u32 v8, v2;
	s6 =	sadd.s32 $0x0, s20  }
0x3b5: {  	v8 =	vld.idx.msk [tilespmem:v10+s2+$0x0], $0xffff;
	v10 =	vshll.u32 v15, $0x3;
	v13 =	vand.u32 $0x7F, v13;
	v12 =	vand.u32 $0xFFFFFC00, v12;
	s7 =	sadd.s32 $0x30, s6  }
0x3b6: {  	v10 =	vand.u32 $0xFFFFFC00, v10;
	[tilespmem:s24+$0x180] =	vst v16;
	v17 =	vld.idx.msk [tilespmem:v1+s2+$0x0], $0xffff;
	v21 =	vor.u32 v13, v12;
	v12 =	vand.u32 $0x7F, v15;
	s21 =	sor.u32 $0x200, s7  }
0x3b7: {  	s11 =	sadd.s32 $0x10, s6;
	v11 =	vld.idx.msk [tilespmem:v11+s2+$0x0], $0xffff;
	v10 =	vor.u32 v12, v10;
	[tilespmem:s21+$0x11000] =	vst v7  }
0x3b8: {  	s24 =	sor.u32 $0x200, s11;
	v7 =	vor.u32 $0x280, v0;
	v9 =	vld.idx.msk [tilespmem:v9+s2+$0x0], $0xffff  }
0x3b9: {  	s5 =	simm.s32 $0x200;
	s26 =	sor.u32 $0x200, s6;
	v12 =	vor.u32 $0x280, v3;
	v13 =	vld.idx.msk [tilespmem:v2+s2+$0x0], $0xffff;
	[tilespmem:s24+$0x11000] =	vst v6  }
0x3ba: {  	s15 =	sand.u32 $0x3C00, s5;
	s12 =	sadd.s32 $0x20, s6;
	[tilespmem:s26+$0x11000] =	vst v8;
	v8 =	vor.u32 $0x80, v1;
	v6 =	vld.idx.msk [tilespmem:v14+s2+$0x0], $0xffff  }
0x3bb: {  	s13 =	sadd.s32 $0x11000, s15;
	s30 =	sor.u32 $0x200, s12;
	v14 =	vor.u32 $0x300, v5;
	v15 =	vld.idx.msk [tilespmem:v21+s2+$0x0], $0xffff  }
0x3bc: {  	s20 =	sor.u32 s8, s13;
	v16 =	vor.u32 $0x80, v2;
	[tilespmem:s30+$0x11000] =	vst v11;
	v18 =	vld.idx.msk [tilespmem:v10+s2+$0x0], $0xffff  }
0x3bd: {  	s16 =	sor.u32 $0x280, s7;
	v19 =	vor.u32 $0x80, v21;
	[tilespmem:s20+$0x0] =	vst v17;
	v7 =	vld.idx.msk [tilespmem:v7+s2+$0x0], $0xffff  }
0x3be: {  	s3 =	sor.u32 s9, s13;
	v11 =	vor.u32 $0x80, v10;
	v12 =	vld.idx.msk [tilespmem:v12+s2+$0x0], $0xffff;
	[tilespmem:s16+$0x11000] =	vst v9  }
0x3bf: {  	s17 =	sor.u32 $0x280, s11;
	v9 =	vor.u32 $0x300, v4;
	[tilespmem:s3+$0x0] =	vst v13;
	v8 =	vld.idx.msk [tilespmem:v8+s2+$0x0], $0xffff  }
0x3c0: {  	s19 =	sor.u32 s19, s13;
	v13 =	vld.idx.msk [tilespmem:v14+s2+$0x0], $0xffff;
	v14 =	vor.u32 $0x300, v3;
	[tilespmem:s17+$0x11000] =	vst v6  }
0x3c1: {  	s10 =	sor.u32 s18, s13;
	v5 =	vor.u32 $0x380, v5;
	v16 =	vld.idx.msk [tilespmem:v16+s2+$0x0], $0xffff;
	[tilespmem:s19+$0x0] =	vst v15  }
0x3c2: {  	s18 =	sor.u32 $0x280, s12;
	v17 =	vor.u32 $0x100, v2;
	v15 =	vld.idx.msk [tilespmem:v19+s2+$0x0], $0xffff;
	[tilespmem:s10+$0x0] =	vst v18  }
0x3c3: {  	v18 =	vor.u32 $0x100, v1;
	[tilespmem:s18+$0x11000] =	vst v12;
	v20 =	vld.idx.msk [tilespmem:v11+s2+$0x0], $0xffff  }
0x3c4: {  	s21 =	sor.u32 $0x300, s7;
	v6 =	vor.u32 $0x100, v21;
	v22 =	vld.idx.msk [tilespmem:v9+s2+$0x0], $0xffff;
	[tilespmem:s20+$0x80] =	vst v8  }
0x3c5: {  	v23 =	vor.u32 $0x100, v10;
	v14 =	vld.idx.msk [tilespmem:v14+s2+$0x0], $0xffff;
	[tilespmem:s21+$0x11000] =	vst v13  }
0x3c6: {  	[tilespmem:s3+$0x80] =	vst v16;
	v16 =	vor.u32 $0x300, v0;
	v24 =	vld.idx.msk [tilespmem:v5+s2+$0x0], $0xffff  }
0x3c7: {  	v25 =	vor.u32 $0x380, v4;
	v19 =	vld.idx.msk [tilespmem:v17+s2+$0x0], $0xffff;
	[tilespmem:s19+$0x80] =	vst v15  }
0x3c8: {  	s26 =	sor.u32 $0x300, s11;
	v4 =	vor.u32 $0x380, v21;
	v17 =	vld.idx.msk [tilespmem:v18+s2+$0x0], $0xffff;
	[tilespmem:s10+$0x80] =	vst v20  }
0x3c9: {  	s24 =	sor.u32 $0x280, s6;
	v11 =	vor.u32 $0x200, v21;
	v8 =	vor.u32 $0x280, v21;
	v18 =	vld.idx.msk [tilespmem:v6+s2+$0x0], $0xffff;
	[tilespmem:s26+$0x11000] =	vst v22;
	v22 =	vor.u32 $0x180, v2  }
0x3ca: {  	s14 =	sor.u32 $0x300, s6;
	[tilespmem:s24+$0x11000] =	vst v7;
	v13 =	vor.u32 $0x180, v21;
	v6 =	vor.u32 $0x300, v21;
	v21 =	vor.u32 $0x180, v1;
	v20 =	vld.idx.msk [tilespmem:v23+s2+$0x0], $0xffff  }
0x3cb: {  	s13 =	sor.u32 $0x380, s11;
	s8 =	sor.u32 $0x380, s12;
	s30 =	sor.u32 $0x380, s7;
	v3 =	vor.u32 $0x380, v3;
	v12 =	vor.u32 $0x180, v10;
	v7 =	vor.u32 $0x280, v10;
	v15 =	vld.idx.msk [tilespmem:v16+s2+$0x0], $0xffff  }
0x3cc: {  	s7 =	sor.u32 $0x380, s6;
	s18 =	sor.u32 $0x300, s12;
	s12 =	simm.s32 $0x10080;
	v9 =	vor.u32 $0x200, v10;
	v5 =	vor.u32 $0x300, v10;
	v10 =	vor.u32 $0x380, v10;
	v16 =	vld.idx.msk [tilespmem:v25+s2+$0x0], $0xffff;
	[tilespmem:s30+$0x11000] =	vst v24  }
.LBB2_14:
0x3cd: {  	s4 =	sadd.s32 $0x40, s4;
	v23 =	vld [tilespmem:s12+$0x0];
	[tilespmem:s3+$0x100] =	vst v19  }
0x3ce: {  	s6 =	sand.u32 $0x40, s4;
	s11 =	sand.u32 $0x780, s4;
	p1 =	slt.u32 s4, $0x7C0;
	[tilespmem:s20+$0x100] =	vst v17;
	v17 =	vld.idx.msk [tilespmem:v22+s2+$0x0], $0xffff  }
0x3cf: {  	s9 =	sor.u32 $0x10, s6;
	s15 =	sor.u32 $0x10000, s11;
	s11 =	sor.u32 $0x30, s6;
	v19 =	vld.idx.msk [tilespmem:v21+s2+$0x0], $0xffff;
	[tilespmem:s19+$0x100] =	vst v18  }
0x3d0: {  	s16 =	sor.u32 $0x20, s6;
	v18 =	vor.u32 $0x200, v2;
	s17 =	sor.u32 s9, s15;
	s21 =	sor.u32 s11, s15;
	v13 =	vld.idx.msk [tilespmem:v13+s2+$0x0], $0xffff;
	[tilespmem:s10+$0x100] =	vst v20  }
0x3d1: {  	v21 =	vor.u32 $0x200, v1;
	s15 =	sor.u32 s16, s15;
	v20 =	vld [tilespmem:s21+$0x0];
	[tilespmem:s18+$0x11000] =	vst v14  }
0x3d2: {  	v14 =	vld [tilespmem:s17+$0x0];
	[tilespmem:s14+$0x11000] =	vst v15  }
0x3d3: {  	v15 =	vshll.u32 v23, $0x3;
	v22 =	vld [tilespmem:s15+$0x0];
	[tilespmem:s13+$0x11000] =	vst v16  }
0x3d4: {  	v16 =	vand.u32 $0x7F, v23;
	v15 =	vand.u32 $0xFFFFFC00, v15;
	v12 =	vld.idx.msk [tilespmem:v12+s2+$0x0], $0xffff;
	[tilespmem:s3+$0x180] =	vst v17;
	v17 =	vor.u32 $0x380, v0;
	v0 =	vmovc v1  }
0x3d5: {  	p0 =	por !p0, !p0;
	v1 =	vor.u32 v16, v15;
	s3 =	simm.s32 $0x1;
	[tilespmem:s20+$0x180] =	vst v19;
	v15 =	vld.idx.msk [tilespmem:v18+s2+$0x0], $0xffff  }
0x3d6: {  	s3 =	simm.s32 @!p0 $0x0;
	v16 =	vshll.u32 v20, $0x3;
	v18 =	vld.idx.msk [tilespmem:v21+s2+$0x0], $0xffff;
	[tilespmem:s19+$0x180] =	vst v13  }
0x3d7: {  	v13 =	vand.u32 $0x7F, v20;
	s3 =	sshll.u32 s3, $0x6;
	v16 =	vand.u32 $0xFFFFFC00, v16;
	v19 =	vld.idx.msk [tilespmem:v11+s2+$0x0], $0xffff;
	v11 =	vor.u32 $0x280, v2  }
0x3d8: {  	v20 =	vshll.u32 v14, $0x3;
	s3 =	sadd.s32 s3, s5;
	v21 =	vshll.u32 v22, $0x3;
	v16 =	vor.u32 v13, v16;
	v23 =	vld.idx.msk [tilespmem:v3+s2+$0x0], $0xffff;
	v3 =	vmovc v10  }
0x3d9: {  	v10 =	vand.u32 $0x7F, v14;
	v13 =	vand.u32 $0xFFFFFC00, v20;
	s13 =	sadd.s32 $0x10, s3;
	s19 =	sadd.s32 $0x20, s3;
	s15 =	sadd.s32 $0x30, s3;
	v14 =	vand.u32 $0xFFFFFC00, v21;
	v17 =	vld.idx.msk [tilespmem:v17+s2+$0x0], $0xffff  }
0x3da: {  	v10 =	vor.u32 v10, v13;
	v13 =	vand.u32 $0x7F, v22;
	v21 =	vor.u32 $0x280, v0;
	s20 =	sor.u32 $0x200, s13;
	s14 =	sor.u32 $0x200, s15;
	v20 =	vld.idx.msk [tilespmem:v1+s2+$0x0], $0xffff;
	[tilespmem:s10+$0x180] =	vst v12;
	s10 =	sor.u32 $0x200, s19  }
0x3db: {  	s17 =	sor.u32 $0x200, s3;
	s26 =	sor.u32 $0x280, s13;
	s24 =	sor.u32 $0x280, s19;
	v22 =	vor.u32 $0x80, v10;
	v24 =	vor.u32 $0x100, v10;
	v14 =	vor.u32 v13, v14;
	v25 =	vld.idx.msk [tilespmem:v9+s2+$0x0], $0xffff;
	[tilespmem:s14+$0x11000] =	vst v15  }
0x3dc: {  	s21 =	sor.u32 $0x280, s3;
	s18 =	sor.u32 $0x300, s19;
	v13 =	vor.u32 $0x180, v10;
	v15 =	vor.u32 $0x80, v14;
	v26 =	vor.u32 $0x100, v14;
	[tilespmem:s17+$0x11000] =	vst v18;
	s17 =	sor.u32 $0x300, s13;
	v18 =	vld.idx.msk [tilespmem:v11+s2+$0x0], $0xffff  }
0x3dd: {  	s19 =	sor.u32 $0x380, s19;
	v12 =	vor.u32 $0x180, v14;
	v9 =	vor.u32 $0x200, v14;
	s14 =	sor.u32 $0x300, s3;
	v11 =	vor.u32 $0x200, v10;
	s13 =	sor.u32 $0x380, s13;
	v27 =	vld.idx.msk [tilespmem:v16+s2+$0x0], $0xffff;
	[tilespmem:s20+$0x11000] =	vst v19  }
0x3de: {  	v29 =	vor.u32 $0x300, v2;
	s3 =	sor.u32 $0x380, s3;
	v19 =	vor.u32 $0x280, v14;
	v28 =	vld.idx.msk [tilespmem:v8+s2+$0x0], $0xffff;
	v8 =	vor.u32 $0x280, v10;
	[tilespmem:s8+$0x11000] =	vst v23;
	s8 =	smov.u32 s19  }
0x3df: {  	s5 =	sadd.s32 $0x200, s5;
	v32 =	vor.u32 $0x80, v16;
	v30 =	vor.u32 $0x300, v10;
	v31 =	vor.u32 $0x300, v14;
	v23 =	vld.idx.msk [tilespmem:v10+s2+$0x0], $0xffff;
	[tilespmem:s7+$0x11000] =	vst v17;
	s7 =	smov.u32 s3  }
0x3e0: {  	v33 =	vor.u32 $0x380, v10;
	s3 =	sand.u32 $0x3C00, s5;
	v17 =	vor.u32 $0x80, v1;
	v10 =	vor.u32 $0x380, v14;
	v34 =	vld.idx.msk [tilespmem:v14+s2+$0x0], $0xffff  }
0x3e1: {  	s30 =	sor.u32 $0x280, s15;
	s20 =	sadd.s32 $0x11000, s3;
	v35 =	vld.idx.msk [tilespmem:v21+s2+$0x0], $0xffff;
	[tilespmem:s10+$0x11000] =	vst v25  }
0x3e2: {  	s19 =	sor.u32 s9, s20;
	s10 =	sor.u32 s16, s20;
	s3 =	sor.u32 s11, s20;
	v14 =	vld.idx.msk [tilespmem:v7+s2+$0x0], $0xffff;
	[tilespmem:s30+$0x11000] =	vst v18;
	v7 =	vmov v19  }
0x3e3: {  	s20 =	sor.u32 s6, s20;
	[tilespmem:s3+$0x0] =	vst v27;
	v18 =	vld.idx.msk [tilespmem:v29+s2+$0x0], $0xffff  }
0x3e4: {  	[tilespmem:s20+$0x0] =	vst v20;
	v19 =	vld.idx.msk [tilespmem:v32+s2+$0x0], $0xffff  }
0x3e5: {  	v20 =	vor.u32 $0x380, v2;
	v2 =	vmov v16;
	v17 =	vld.idx.msk [tilespmem:v17+s2+$0x0], $0xffff;
	[tilespmem:s19+$0x0] =	vst v23  }
0x3e6: {  	v21 =	vor.u32 $0x100, v2;
	v16 =	vld.idx.msk [tilespmem:v22+s2+$0x0], $0xffff;
	[tilespmem:s10+$0x0] =	vst v34  }
0x3e7: {  	v22 =	vor.u32 $0x100, v1;
	v15 =	vld.idx.msk [tilespmem:v15+s2+$0x0], $0xffff;
	[tilespmem:s26+$0x11000] =	vst v28  }
0x3e8: {  	s6 =	sor.u32 $0x300, s15;
	v23 =	vld.idx.msk [tilespmem:v6+s2+$0x0], $0xffff;
	[tilespmem:s24+$0x11000] =	vst v14;
	v6 =	vmov v30  }
0x3e9: {  	v14 =	vld.idx.msk [tilespmem:v5+s2+$0x0], $0xffff;
	[tilespmem:s6+$0x11000] =	vst v18;
	v5 =	vmov v31  }
0x3ea: {  	v25 =	vor.u32 $0x300, v0;
	[tilespmem:s3+$0x80] =	vst v19;
	v27 =	vld.idx.msk [tilespmem:v20+s2+$0x0], $0xffff  }
0x3eb: {  	[tilespmem:s20+$0x80] =	vst v17;
	v19 =	vld.idx.msk [tilespmem:v21+s2+$0x0], $0xffff  }
.Ltmp6:
0x3ec: {  	v17 =	vld.idx.msk [tilespmem:v22+s2+$0x0], $0xffff;
	[tilespmem:s19+$0x80] =	vst v16;
	(pc) =	sbr.rel @p1 .LBB2_14-.Ltmp6, $4  }
0x3ed: {  	v22 =	vor.u32 $0x180, v2;
	v18 =	vld.idx.msk [tilespmem:v24+s2+$0x0], $0xffff;
	[tilespmem:s10+$0x80] =	vst v15  }
0x3ee: {  	v21 =	vor.u32 $0x180, v1;
	v20 =	vld.idx.msk [tilespmem:v26+s2+$0x0], $0xffff;
	[tilespmem:s21+$0x11000] =	vst v35  }
0x3ef: {  	s6 =	sor.u32 $0x380, s15;
	v15 =	vld.idx.msk [tilespmem:v25+s2+$0x0], $0xffff;
	[tilespmem:s17+$0x11000] =	vst v23  }
0x3f0: {  	s12 =	sadd.s32 $0x40, s12;
	v16 =	vld.idx.msk [tilespmem:v4+s2+$0x0], $0xffff;
	[tilespmem:s6+$0x11000] =	vst v27;
	v4 =	vmov v33  }
0x3f1: {  	_ =	sdelay $0x2  }
0x3f2: {  	[tilespmem:s3+$0x100] =	vst v19  }
0x3f3: {  	v19 =	vld.idx.msk [tilespmem:v22+s2+$0x0], $0xffff;
	[tilespmem:s19+$0x100] =	vst v18  }
0x3f4: {  	[tilespmem:s20+$0x100] =	vst v17;
	v18 =	vor.u32 $0x200, v2;
	v13 =	vld.idx.msk [tilespmem:v13+s2+$0x0], $0xffff  }
0x3f5: {  	v17 =	vld.idx.msk [tilespmem:v21+s2+$0x0], $0xffff;
	[tilespmem:s10+$0x100] =	vst v20  }
0x3f6: {  	v20 =	vor.u32 $0x200, v1;
	v12 =	vld.idx.msk [tilespmem:v12+s2+$0x0], $0xffff;
	_ =	sdelay $0x1  }
0x3f7: {  	p0 =	por !p0, !p0;
	[tilespmem:s3+$0x180] =	vst v19;
	s3 =	simm.s32 $0x1  }
0x3f8: {  	v18 =	vld.idx.msk [tilespmem:v18+s2+$0x0], $0xffff;
	s3 =	simm.s32 @!p0 $0x0;
	[tilespmem:s19+$0x180] =	vst v13  }
0x3f9: {  	[tilespmem:s20+$0x180] =	vst v17;
	v13 =	vor.u32 $0x280, v2;
	s3 =	sshll.u32 s3, $0x6;
	v11 =	vld.idx.msk [tilespmem:v11+s2+$0x0], $0xffff  }
0x3fa: {  	[tilespmem:s10+$0x180] =	vst v12;
	v12 =	vld.idx.msk [tilespmem:v20+s2+$0x0], $0xffff;
	s3 =	sadd.s32 s3, s5  }
0x3fb: {  	v17 =	vor.u32 $0x280, v1;
	v9 =	vld.idx.msk [tilespmem:v9+s2+$0x0], $0xffff;
	s4 =	sadd.s32 $0x30, s3  }
0x3fc: {  	s5 =	sadd.s32 $0x10, s3;
	s6 =	sor.u32 $0x200, s4  }
0x3fd: {  	s12 =	sor.u32 $0x200, s5;
	[tilespmem:s6+$0x11000] =	vst v18  }
0x3fe: {  	s9 =	sadd.s32 $0x20, s3;
	s16 =	sor.u32 $0x200, s3;
	v13 =	vld.idx.msk [tilespmem:v13+s2+$0x0], $0xffff;
	[tilespmem:s12+$0x11000] =	vst v11  }
0x3ff: {  	s15 =	sor.u32 $0x200, s9;
	v11 =	vor.u32 $0x300, v2;
	[tilespmem:s16+$0x11000] =	vst v12;
	v8 =	vld.idx.msk [tilespmem:v8+s2+$0x0], $0xffff  }
0x400: {  	[tilespmem:s15+$0x11000] =	vst v9;
	v9 =	vld.idx.msk [tilespmem:v17+s2+$0x0], $0xffff  }
0x401: {  	v12 =	vor.u32 $0x300, v1;
	v7 =	vld.idx.msk [tilespmem:v7+s2+$0x0], $0xffff  }
0x402: {  	[tilespmem:s18+$0x11000] =	vst v14;
	s17 =	sor.u32 $0x280, s4  }
0x403: {  	s18 =	sor.u32 $0x280, s5;
	[tilespmem:s17+$0x11000] =	vst v13  }
0x404: {  	v0 =	vor.u32 $0x380, v0;
	s20 =	sor.u32 $0x280, s3;
	v11 =	vld.idx.msk [tilespmem:v11+s2+$0x0], $0xffff;
	[tilespmem:s18+$0x11000] =	vst v8  }
0x405: {  	s19 =	sor.u32 $0x280, s9;
	v2 =	vor.u32 $0x380, v2;
	[tilespmem:s20+$0x11000] =	vst v9;
	v6 =	vld.idx.msk [tilespmem:v6+s2+$0x0], $0xffff  }
0x406: {  	[tilespmem:s19+$0x11000] =	vst v7;
	v7 =	vld.idx.msk [tilespmem:v12+s2+$0x0], $0xffff  }
0x407: {  	[tilespmem:s14+$0x11000] =	vst v15;
	v1 =	vor.u32 $0x380, v1;
	v5 =	vld.idx.msk [tilespmem:v5+s2+$0x0], $0xffff  }
0x408: {  	v3 =	vld.idx.msk [tilespmem:v3+s2+$0x0], $0xffff;
	[tilespmem:s13+$0x11000] =	vst v16;
	s21 =	sor.u32 $0x300, s4  }
0x409: {  	v0 =	vld.idx.msk [tilespmem:v0+s2+$0x0], $0xffff;
	s24 =	sor.u32 $0x300, s5;
	[tilespmem:s21+$0x11000] =	vst v11  }
0x40a: {  	s30 =	sor.u32 $0x300, s3;
	v2 =	vld.idx.msk [tilespmem:v2+s2+$0x0], $0xffff;
	[tilespmem:s24+$0x11000] =	vst v6  }
0x40b: {  	s26 =	sor.u32 $0x300, s9;
	[tilespmem:s30+$0x11000] =	vst v7;
	v4 =	vld.idx.msk [tilespmem:v4+s2+$0x0], $0xffff  }
0x40c: {  	[tilespmem:s26+$0x11000] =	vst v5;
	v1 =	vld.idx.msk [tilespmem:v1+s2+$0x0], $0xffff  }
0x40d: {  	[tilespmem:s8+$0x11000] =	vst v3;
	v5 =	vld.idx.msk [tilespmem:v10+s2+$0x0], $0xffff  }
0x40e: {  	[tilespmem:s7+$0x11000] =	vst v0;
	s4 =	sor.u32 $0x380, s4  }
0x40f: {  	s5 =	sor.u32 $0x380, s5;
	[tilespmem:s4+$0x11000] =	vst v2  }
0x410: {  	s3 =	sor.u32 $0x380, s3;
	[tilespmem:s5+$0x11000] =	vst v4  }
0x411: {  	s10 =	sor.u32 $0x380, s9;
	[tilespmem:s3+$0x11000] =	vst v1  }
0x412: {  	[tilespmem:s10+$0x11000] =	vst v5  }
0x413: {  	s11 =	simm.s32 $0x0;
	s12 =	simm.s32 $0x11000;
	s4 =	rddreg [dreg:$0x12]  }
0x414: {  	[hbm4b:s4+s11] =	stream.linear.scatter [tilespmem:s12], [sflag:$0x3], $0x4000, $0x38;
	[tilespmem:$0x19000] =	vst v63  }
0x415: {  	_ =	swait.ge [sflag:s29], $0x800  }
0x416: {  	[sflag:s29] =	ssyncset.done $0x0  }
0x417: {  	s13 =	simm.s32 $0x0;
	[sflag:s29] =	ssyncadd.s32 $0xFFFFF800  }
0x418: {  	s14 =	sand.u32 $0x40, s13;
	s4 =	sand.u32 $0x780, s13;
	_ =	swait.ge [sflag:s0], $0x4000  }
0x419: {  	s15 =	sor.u32 $0x30, s14;
	s4 =	sor.u32 $0x10800, s4;
	[sflag:s0] =	ssyncset.done $0x0  }
0x41a: {  	s16 =	sor.u32 s15, s4;
	[sflag:s0] =	ssyncadd.s32 $0xFFFFC000  }
0x41b: {  	s17 =	simm.s32 $0x10800;
	v0 =	vld [tilespmem:s16+$0x0]  }
0x41c: {  	s18 =	sor.u32 $0x10, s14;
	v1 =	vld [tilespmem:s17+$0x0]  }
0x41d: {  	s20 =	sor.u32 $0x20, s14;
	s19 =	sor.u32 s18, s4  }
0x41e: {  	s4 =	sor.u32 s20, s4;
	v2 =	vld [tilespmem:s19+$0x0]  }
0x41f: {  	v3 =	vld [tilespmem:s4+$0x0]  }
0x420: {  	v4 =	vshll.u32 v0, $0x3  }
0x421: {  	v5 =	vshll.u32 v1, $0x3;
	v0 =	vand.u32 $0x7F, v0;
	v4 =	vand.u32 $0xFFFFFC00, v4  }
0x422: {  	v1 =	vand.u32 $0x7F, v1;
	v6 =	vand.u32 $0xFFFFFC00, v5;
	v5 =	vor.u32 v0, v4  }
0x423: {  	v0 =	vor.u32 v1, v6;
	v1 =	vshll.u32 v2, $0x3  }
0x424: {  	v4 =	vshll.u32 v3, $0x3;
	v2 =	vand.u32 $0x7F, v2;
	v1 =	vand.u32 $0xFFFFFC00, v1  }
0x425: {  	v6 =	vand.u32 $0xFFFFFC00, v4;
	v4 =	vor.u32 v2, v1;
	v1 =	vand.u32 $0x7F, v3  }
0x426: {  	v3 =	vor.u32 v1, v6  }
0x427: {  	v1 =	vld.idx.msk [tilespmem:v5+s2+$0x0], $0xffff  }
0x428: {  	v6 =	vor.u32 $0x80, v5;
	v2 =	vld.idx.msk [tilespmem:v0+s2+$0x0], $0xffff  }
0x429: {  	s3 =	sand.u32 $0x3C00, s11;
	v7 =	vor.u32 $0x80, v0  }
0x42a: {  	s3 =	sadd.s32 $0x15000, s3;
	v8 =	vld.idx.msk [tilespmem:v4+s2+$0x0], $0xffff  }
0x42b: {  	s11 =	sor.u32 s15, s3;
	v9 =	vor.u32 $0x80, v4;
	v10 =	vld.idx.msk [tilespmem:v3+s2+$0x0], $0xffff  }
0x42c: {  	s21 =	sor.u32 s14, s3;
	v11 =	vor.u32 $0x80, v3;
	[tilespmem:s11+$0x0] =	vst v1  }
0x42d: {  	[tilespmem:s21+$0x0] =	vst v2;
	v1 =	vld.idx.msk [tilespmem:v6+s2+$0x0], $0xffff  }
0x42e: {  	s7 =	sor.u32 s18, s3;
	v2 =	vld.idx.msk [tilespmem:v7+s2+$0x0], $0xffff;
	v6 =	vor.u32 $0x100, v5  }
0x42f: {  	s24 =	sor.u32 s20, s3;
	v7 =	vor.u32 $0x100, v0;
	[tilespmem:s7+$0x0] =	vst v8  }
0x430: {  	v8 =	vld.idx.msk [tilespmem:v9+s2+$0x0], $0xffff;
	[tilespmem:s24+$0x0] =	vst v10  }
0x431: {  	v9 =	vor.u32 $0x100, v4;
	v10 =	vld.idx.msk [tilespmem:v11+s2+$0x0], $0xffff  }
0x432: {  	v11 =	vor.u32 $0x100, v3;
	[tilespmem:s11+$0x80] =	vst v1  }
0x433: {  	[tilespmem:s21+$0x80] =	vst v2;
	v1 =	vld.idx.msk [tilespmem:v6+s2+$0x0], $0xffff  }
0x434: {  	v2 =	vld.idx.msk [tilespmem:v7+s2+$0x0], $0xffff;
	v6 =	vor.u32 $0x180, v5  }
0x435: {  	v7 =	vor.u32 $0x180, v0;
	[tilespmem:s7+$0x80] =	vst v8  }
0x436: {  	v8 =	vld.idx.msk [tilespmem:v9+s2+$0x0], $0xffff;
	[tilespmem:s24+$0x80] =	vst v10  }
0x437: {  	s26 =	simm.s32 $0x10840;
	s4 =	simm.s32 $0x40;
	v9 =	vor.u32 $0x180, v4;
	v10 =	vld.idx.msk [tilespmem:v11+s2+$0x0], $0xffff  }
0x438: {  	s8 =	sand.u32 $0x40, s4;
	s30 =	sand.u32 $0x780, s4;
	v11 =	vld [tilespmem:s26+$0x0];
	[tilespmem:s11+$0x100] =	vst v1  }
0x439: {  	s12 =	sor.u32 $0x10800, s30;
	s9 =	sor.u32 $0x30, s8;
	[tilespmem:s21+$0x100] =	vst v2;
	v1 =	vld.idx.msk [tilespmem:v6+s2+$0x0], $0xffff  }
0x43a: {  	s18 =	sor.u32 s9, s12;
	v2 =	vor.u32 $0x180, v3;
	v6 =	vld.idx.msk [tilespmem:v7+s2+$0x0], $0xffff  }
0x43b: {  	s19 =	sor.u32 $0x10, s8;
	v7 =	vor.u32 $0x200, v5;
	[tilespmem:s7+$0x100] =	vst v8;
	v8 =	vld [tilespmem:s18+$0x0]  }
0x43c: {  	s17 =	sor.u32 s19, s12;
	s18 =	sor.u32 $0x20, s8;
	v9 =	vld.idx.msk [tilespmem:v9+s2+$0x0], $0xffff  }
0x43d: {  	v13 =	vld [tilespmem:s17+$0x0];
	v12 =	vor.u32 $0x200, v4;
	s12 =	sor.u32 s18, s12;
	v14 =	vshll.u32 v11, $0x3  }
0x43e: {  	[tilespmem:s24+$0x100] =	vst v10;
	v10 =	vor.u32 $0x200, v0;
	v11 =	vand.u32 $0x7F, v11;
	v15 =	vld [tilespmem:s12+$0x0];
	v14 =	vand.u32 $0xFFFFFC00, v14  }
0x43f: {  	p0 =	por $0x0, $0x0;
	v16 =	vld.idx.msk [tilespmem:v2+s2+$0x0], $0xffff;
	[tilespmem:s11+$0x180] =	vst v1;
	v1 =	vor.u32 v11, v14;
	s11 =	simm.s32 $0x1  }
0x440: {  	v11 =	vor.u32 $0x200, v3;
	v7 =	vld.idx.msk [tilespmem:v7+s2+$0x0], $0xffff;
	v2 =	vshll.u32 v8, $0x3;
	s11 =	simm.s32 @!p0 $0x0  }
0x441: {  	v8 =	vand.u32 $0x7F, v8;
	[tilespmem:s7+$0x180] =	vst v9;
	v2 =	vand.u32 $0xFFFFFC00, v2;
	s20 =	sshll.u32 s11, $0x6;
	v9 =	vor.u32 $0x280, v5  }
0x442: {  	v14 =	vor.u32 $0x280, v4;
	[tilespmem:s21+$0x180] =	vst v6;
	v6 =	vld.idx.msk [tilespmem:v12+s2+$0x0], $0xffff;
	v12 =	vshll.u32 v13, $0x3;
	v2 =	vor.u32 v8, v2;
	s6 =	sadd.s32 $0x0, s20  }
0x443: {  	v8 =	vld.idx.msk [tilespmem:v10+s2+$0x0], $0xffff;
	v10 =	vshll.u32 v15, $0x3;
	v13 =	vand.u32 $0x7F, v13;
	v12 =	vand.u32 $0xFFFFFC00, v12;
	s7 =	sadd.s32 $0x30, s6  }
0x444: {  	v10 =	vand.u32 $0xFFFFFC00, v10;
	[tilespmem:s24+$0x180] =	vst v16;
	v17 =	vld.idx.msk [tilespmem:v1+s2+$0x0], $0xffff;
	v21 =	vor.u32 v13, v12;
	v12 =	vand.u32 $0x7F, v15;
	s21 =	sor.u32 $0x200, s7  }
0x445: {  	s11 =	sadd.s32 $0x10, s6;
	v11 =	vld.idx.msk [tilespmem:v11+s2+$0x0], $0xffff;
	v10 =	vor.u32 v12, v10;
	[tilespmem:s21+$0x15000] =	vst v7  }
0x446: {  	s24 =	sor.u32 $0x200, s11;
	v7 =	vor.u32 $0x280, v0;
	v9 =	vld.idx.msk [tilespmem:v9+s2+$0x0], $0xffff  }
0x447: {  	s5 =	simm.s32 $0x200;
	s26 =	sor.u32 $0x200, s6;
	v12 =	vor.u32 $0x280, v3;
	v13 =	vld.idx.msk [tilespmem:v2+s2+$0x0], $0xffff;
	[tilespmem:s24+$0x15000] =	vst v6  }
0x448: {  	s15 =	sand.u32 $0x3C00, s5;
	s12 =	sadd.s32 $0x20, s6;
	[tilespmem:s26+$0x15000] =	vst v8;
	v8 =	vor.u32 $0x80, v1;
	v6 =	vld.idx.msk [tilespmem:v14+s2+$0x0], $0xffff  }
0x449: {  	s13 =	sadd.s32 $0x15000, s15;
	s30 =	sor.u32 $0x200, s12;
	v14 =	vor.u32 $0x300, v5;
	v15 =	vld.idx.msk [tilespmem:v21+s2+$0x0], $0xffff  }
0x44a: {  	s20 =	sor.u32 s8, s13;
	v16 =	vor.u32 $0x80, v2;
	[tilespmem:s30+$0x15000] =	vst v11;
	v18 =	vld.idx.msk [tilespmem:v10+s2+$0x0], $0xffff  }
0x44b: {  	s16 =	sor.u32 $0x280, s7;
	v19 =	vor.u32 $0x80, v21;
	[tilespmem:s20+$0x0] =	vst v17;
	v22 =	vld.idx.msk [tilespmem:v7+s2+$0x0], $0xffff  }
0x44c: {  	s3 =	sor.u32 s9, s13;
	v7 =	vor.u32 $0x80, v10;
	v11 =	vld.idx.msk [tilespmem:v12+s2+$0x0], $0xffff;
	[tilespmem:s16+$0x15000] =	vst v9  }
0x44d: {  	s17 =	sor.u32 $0x280, s11;
	v9 =	vor.u32 $0x300, v4;
	[tilespmem:s3+$0x0] =	vst v13;
	v8 =	vld.idx.msk [tilespmem:v8+s2+$0x0], $0xffff  }
0x44e: {  	s19 =	sor.u32 s19, s13;
	v13 =	vor.u32 $0x300, v3;
	v12 =	vld.idx.msk [tilespmem:v14+s2+$0x0], $0xffff;
	[tilespmem:s17+$0x15000] =	vst v6  }
0x44f: {  	s10 =	sor.u32 s18, s13;
	v5 =	vor.u32 $0x380, v5;
	v16 =	vld.idx.msk [tilespmem:v16+s2+$0x0], $0xffff;
	[tilespmem:s19+$0x0] =	vst v15  }
0x450: {  	s18 =	sor.u32 $0x280, s12;
	v17 =	vor.u32 $0x100, v2;
	v15 =	vld.idx.msk [tilespmem:v19+s2+$0x0], $0xffff;
	[tilespmem:s10+$0x0] =	vst v18  }
0x451: {  	s24 =	sor.u32 $0x280, s6;
	v18 =	vor.u32 $0x100, v1;
	[tilespmem:s18+$0x15000] =	vst v11;
	v7 =	vld.idx.msk [tilespmem:v7+s2+$0x0], $0xffff  }
0x452: {  	s21 =	sor.u32 $0x300, s7;
	v6 =	vor.u32 $0x100, v21;
	[tilespmem:s24+$0x15000] =	vst v22;
	v23 =	vld.idx.msk [tilespmem:v9+s2+$0x0], $0xffff  }
0x453: {  	v20 =	vor.u32 $0x100, v10;
	v14 =	vld.idx.msk [tilespmem:v13+s2+$0x0], $0xffff;
	[tilespmem:s21+$0x15000] =	vst v12  }
0x454: {  	[tilespmem:s3+$0x80] =	vst v16;
	v16 =	vor.u32 $0x300, v0;
	v24 =	vld.idx.msk [tilespmem:v5+s2+$0x0], $0xffff  }
0x455: {  	v25 =	vor.u32 $0x380, v4;
	[tilespmem:s20+$0x80] =	vst v8;
	v19 =	vld.idx.msk [tilespmem:v17+s2+$0x0], $0xffff  }
0x456: {  	v4 =	vor.u32 $0x380, v21;
	v17 =	vld.idx.msk [tilespmem:v18+s2+$0x0], $0xffff;
	[tilespmem:s19+$0x80] =	vst v15  }
0x457: {  	v11 =	vor.u32 $0x200, v21;
	v22 =	vor.u32 $0x180, v2;
	v13 =	vor.u32 $0x180, v21;
	v18 =	vld.idx.msk [tilespmem:v6+s2+$0x0], $0xffff;
	[tilespmem:s10+$0x80] =	vst v7  }
0x458: {  	s14 =	sor.u32 $0x300, s6;
	s26 =	sor.u32 $0x300, s11;
	v8 =	vor.u32 $0x280, v21;
	v6 =	vor.u32 $0x300, v21;
	v21 =	vor.u32 $0x180, v1;
	v20 =	vld.idx.msk [tilespmem:v20+s2+$0x0], $0xffff  }
0x459: {  	s13 =	sor.u32 $0x380, s11;
	s8 =	sor.u32 $0x380, s12;
	s30 =	sor.u32 $0x380, s7;
	v3 =	vor.u32 $0x380, v3;
	v9 =	vor.u32 $0x200, v10;
	v12 =	vor.u32 $0x180, v10;
	[tilespmem:s26+$0x15000] =	vst v23;
	v15 =	vld.idx.msk [tilespmem:v16+s2+$0x0], $0xffff  }
0x45a: {  	s7 =	sor.u32 $0x380, s6;
	s18 =	sor.u32 $0x300, s12;
	s12 =	simm.s32 $0x10880;
	v5 =	vor.u32 $0x300, v10;
	v7 =	vor.u32 $0x280, v10;
	v10 =	vor.u32 $0x380, v10;
	v16 =	vld.idx.msk [tilespmem:v25+s2+$0x0], $0xffff;
	[tilespmem:s30+$0x15000] =	vst v24  }
.LBB2_16:
0x45b: {  	s4 =	sadd.s32 $0x40, s4;
	v23 =	vld [tilespmem:s12+$0x0];
	[tilespmem:s3+$0x100] =	vst v19  }
0x45c: {  	s6 =	sand.u32 $0x40, s4;
	s11 =	sand.u32 $0x780, s4;
	p1 =	slt.u32 s4, $0x7C0;
	[tilespmem:s20+$0x100] =	vst v17;
	v17 =	vld.idx.msk [tilespmem:v22+s2+$0x0], $0xffff  }
0x45d: {  	s9 =	sor.u32 $0x10, s6;
	s15 =	sor.u32 $0x10800, s11;
	s11 =	sor.u32 $0x30, s6;
	v19 =	vld.idx.msk [tilespmem:v21+s2+$0x0], $0xffff;
	[tilespmem:s19+$0x100] =	vst v18  }
0x45e: {  	s16 =	sor.u32 $0x20, s6;
	v18 =	vor.u32 $0x200, v2;
	s17 =	sor.u32 s9, s15;
	s21 =	sor.u32 s11, s15;
	v13 =	vld.idx.msk [tilespmem:v13+s2+$0x0], $0xffff;
	[tilespmem:s10+$0x100] =	vst v20  }
0x45f: {  	v21 =	vor.u32 $0x200, v1;
	s15 =	sor.u32 s16, s15;
	v20 =	vld [tilespmem:s21+$0x0];
	[tilespmem:s18+$0x15000] =	vst v14  }
0x460: {  	v14 =	vld [tilespmem:s17+$0x0];
	[tilespmem:s14+$0x15000] =	vst v15  }
0x461: {  	v15 =	vshll.u32 v23, $0x3;
	v22 =	vld [tilespmem:s15+$0x0];
	[tilespmem:s13+$0x15000] =	vst v16  }
0x462: {  	v16 =	vand.u32 $0x7F, v23;
	v15 =	vand.u32 $0xFFFFFC00, v15;
	v12 =	vld.idx.msk [tilespmem:v12+s2+$0x0], $0xffff;
	[tilespmem:s3+$0x180] =	vst v17;
	v17 =	vor.u32 $0x380, v0;
	v0 =	vmovc v1  }
0x463: {  	p0 =	por !p0, !p0;
	v1 =	vor.u32 v16, v15;
	s3 =	simm.s32 $0x1;
	[tilespmem:s20+$0x180] =	vst v19;
	v15 =	vld.idx.msk [tilespmem:v18+s2+$0x0], $0xffff  }
0x464: {  	s3 =	simm.s32 @!p0 $0x0;
	v16 =	vshll.u32 v20, $0x3;
	v18 =	vld.idx.msk [tilespmem:v21+s2+$0x0], $0xffff;
	[tilespmem:s19+$0x180] =	vst v13  }
0x465: {  	v13 =	vand.u32 $0x7F, v20;
	s3 =	sshll.u32 s3, $0x6;
	v16 =	vand.u32 $0xFFFFFC00, v16;
	v19 =	vld.idx.msk [tilespmem:v11+s2+$0x0], $0xffff;
	v11 =	vor.u32 $0x280, v2  }
0x466: {  	v20 =	vshll.u32 v14, $0x3;
	s3 =	sadd.s32 s3, s5;
	v21 =	vshll.u32 v22, $0x3;
	v16 =	vor.u32 v13, v16;
	v23 =	vld.idx.msk [tilespmem:v3+s2+$0x0], $0xffff;
	v3 =	vmovc v10  }
0x467: {  	v10 =	vand.u32 $0x7F, v14;
	v13 =	vand.u32 $0xFFFFFC00, v20;
	s13 =	sadd.s32 $0x10, s3;
	s19 =	sadd.s32 $0x20, s3;
	s15 =	sadd.s32 $0x30, s3;
	v14 =	vand.u32 $0xFFFFFC00, v21;
	v17 =	vld.idx.msk [tilespmem:v17+s2+$0x0], $0xffff  }
0x468: {  	v10 =	vor.u32 v10, v13;
	v13 =	vand.u32 $0x7F, v22;
	v21 =	vor.u32 $0x280, v0;
	s20 =	sor.u32 $0x200, s13;
	s14 =	sor.u32 $0x200, s15;
	v20 =	vld.idx.msk [tilespmem:v1+s2+$0x0], $0xffff;
	[tilespmem:s10+$0x180] =	vst v12;
	s10 =	sor.u32 $0x200, s19  }
0x469: {  	s17 =	sor.u32 $0x200, s3;
	s26 =	sor.u32 $0x280, s13;
	s24 =	sor.u32 $0x280, s19;
	v22 =	vor.u32 $0x80, v10;
	v24 =	vor.u32 $0x100, v10;
	v14 =	vor.u32 v13, v14;
	v25 =	vld.idx.msk [tilespmem:v9+s2+$0x0], $0xffff;
	[tilespmem:s14+$0x15000] =	vst v15  }
0x46a: {  	s21 =	sor.u32 $0x280, s3;
	s18 =	sor.u32 $0x300, s19;
	v13 =	vor.u32 $0x180, v10;
	v15 =	vor.u32 $0x80, v14;
	v26 =	vor.u32 $0x100, v14;
	[tilespmem:s17+$0x15000] =	vst v18;
	s17 =	sor.u32 $0x300, s13;
	v18 =	vld.idx.msk [tilespmem:v11+s2+$0x0], $0xffff  }
0x46b: {  	s19 =	sor.u32 $0x380, s19;
	v12 =	vor.u32 $0x180, v14;
	v9 =	vor.u32 $0x200, v14;
	s14 =	sor.u32 $0x300, s3;
	v11 =	vor.u32 $0x200, v10;
	s13 =	sor.u32 $0x380, s13;
	v27 =	vld.idx.msk [tilespmem:v16+s2+$0x0], $0xffff;
	[tilespmem:s20+$0x15000] =	vst v19  }
0x46c: {  	v29 =	vor.u32 $0x300, v2;
	s3 =	sor.u32 $0x380, s3;
	v19 =	vor.u32 $0x280, v14;
	v28 =	vld.idx.msk [tilespmem:v8+s2+$0x0], $0xffff;
	v8 =	vor.u32 $0x280, v10;
	[tilespmem:s8+$0x15000] =	vst v23;
	s8 =	smov.u32 s19  }
0x46d: {  	s5 =	sadd.s32 $0x200, s5;
	v32 =	vor.u32 $0x80, v16;
	v30 =	vor.u32 $0x300, v10;
	v31 =	vor.u32 $0x300, v14;
	v23 =	vld.idx.msk [tilespmem:v10+s2+$0x0], $0xffff;
	[tilespmem:s7+$0x15000] =	vst v17;
	s7 =	smov.u32 s3  }
0x46e: {  	v33 =	vor.u32 $0x380, v10;
	s3 =	sand.u32 $0x3C00, s5;
	v17 =	vor.u32 $0x80, v1;
	v10 =	vor.u32 $0x380, v14;
	v34 =	vld.idx.msk [tilespmem:v14+s2+$0x0], $0xffff  }
0x46f: {  	s30 =	sor.u32 $0x280, s15;
	s20 =	sadd.s32 $0x15000, s3;
	v35 =	vld.idx.msk [tilespmem:v21+s2+$0x0], $0xffff;
	[tilespmem:s10+$0x15000] =	vst v25  }
0x470: {  	s19 =	sor.u32 s9, s20;
	s10 =	sor.u32 s16, s20;
	s3 =	sor.u32 s11, s20;
	v14 =	vld.idx.msk [tilespmem:v7+s2+$0x0], $0xffff;
	[tilespmem:s30+$0x15000] =	vst v18;
	v7 =	vmov v19  }
0x471: {  	s20 =	sor.u32 s6, s20;
	[tilespmem:s3+$0x0] =	vst v27;
	v18 =	vld.idx.msk [tilespmem:v29+s2+$0x0], $0xffff  }
0x472: {  	[tilespmem:s20+$0x0] =	vst v20;
	v19 =	vld.idx.msk [tilespmem:v32+s2+$0x0], $0xffff  }
0x473: {  	v20 =	vor.u32 $0x380, v2;
	v2 =	vmov v16;
	v17 =	vld.idx.msk [tilespmem:v17+s2+$0x0], $0xffff;
	[tilespmem:s19+$0x0] =	vst v23  }
0x474: {  	v21 =	vor.u32 $0x100, v2;
	v16 =	vld.idx.msk [tilespmem:v22+s2+$0x0], $0xffff;
	[tilespmem:s10+$0x0] =	vst v34  }
0x475: {  	v22 =	vor.u32 $0x100, v1;
	v15 =	vld.idx.msk [tilespmem:v15+s2+$0x0], $0xffff;
	[tilespmem:s26+$0x15000] =	vst v28  }
0x476: {  	s6 =	sor.u32 $0x300, s15;
	v23 =	vld.idx.msk [tilespmem:v6+s2+$0x0], $0xffff;
	[tilespmem:s24+$0x15000] =	vst v14;
	v6 =	vmov v30  }
0x477: {  	v14 =	vld.idx.msk [tilespmem:v5+s2+$0x0], $0xffff;
	[tilespmem:s6+$0x15000] =	vst v18;
	v5 =	vmov v31  }
0x478: {  	v25 =	vor.u32 $0x300, v0;
	[tilespmem:s3+$0x80] =	vst v19;
	v27 =	vld.idx.msk [tilespmem:v20+s2+$0x0], $0xffff  }
0x479: {  	[tilespmem:s20+$0x80] =	vst v17;
	v19 =	vld.idx.msk [tilespmem:v21+s2+$0x0], $0xffff  }
.Ltmp7:
0x47a: {  	v17 =	vld.idx.msk [tilespmem:v22+s2+$0x0], $0xffff;
	[tilespmem:s19+$0x80] =	vst v16;
	(pc) =	sbr.rel @p1 .LBB2_16-.Ltmp7, $4  }
0x47b: {  	v22 =	vor.u32 $0x180, v2;
	v18 =	vld.idx.msk [tilespmem:v24+s2+$0x0], $0xffff;
	[tilespmem:s10+$0x80] =	vst v15  }
0x47c: {  	v21 =	vor.u32 $0x180, v1;
	v20 =	vld.idx.msk [tilespmem:v26+s2+$0x0], $0xffff;
	[tilespmem:s21+$0x15000] =	vst v35  }
0x47d: {  	s6 =	sor.u32 $0x380, s15;
	v15 =	vld.idx.msk [tilespmem:v25+s2+$0x0], $0xffff;
	[tilespmem:s17+$0x15000] =	vst v23  }
0x47e: {  	s12 =	sadd.s32 $0x40, s12;
	v16 =	vld.idx.msk [tilespmem:v4+s2+$0x0], $0xffff;
	[tilespmem:s6+$0x15000] =	vst v27;
	v4 =	vmov v33  }
0x47f: {  	_ =	sdelay $0x2  }
0x480: {  	[tilespmem:s3+$0x100] =	vst v19  }
0x481: {  	[tilespmem:s20+$0x100] =	vst v17;
	v19 =	vld.idx.msk [tilespmem:v22+s2+$0x0], $0xffff  }
0x482: {  	v53 =	vor.u32 $0x200, v2;
	[tilespmem:s19+$0x100] =	vst v18;
	v17 =	vld.idx.msk [tilespmem:v21+s2+$0x0], $0xffff  }
0x483: {  	v54 =	vor.u32 $0x200, v1;
	v13 =	vld.idx.msk [tilespmem:v13+s2+$0x0], $0xffff;
	[tilespmem:s10+$0x100] =	vst v20  }
0x484: {  	v12 =	vld.idx.msk [tilespmem:v12+s2+$0x0], $0xffff;
	_ =	sdelay $0x1  }
0x485: {  	p0 =	por !p0, !p0;
	[tilespmem:s3+$0x180] =	vst v19;
	s3 =	simm.s32 $0x1  }
0x486: {  	[tilespmem:s20+$0x180] =	vst v17;
	v18 =	vld.idx.msk [tilespmem:v53+s2+$0x0], $0xffff;
	s3 =	simm.s32 @!p0 $0x0  }
0x487: {  	v55 =	vor.u32 $0x280, v2;
	[tilespmem:s19+$0x180] =	vst v13;
	v56 =	vld.idx.msk [tilespmem:v54+s2+$0x0], $0xffff;
	s3 =	sshll.u32 s3, $0x6  }
0x488: {  	v57 =	vor.u32 $0x280, v1;
	v11 =	vld.idx.msk [tilespmem:v11+s2+$0x0], $0xffff;
	[tilespmem:s10+$0x180] =	vst v12;
	s3 =	sadd.s32 s3, s5  }
0x489: {  	v9 =	vld.idx.msk [tilespmem:v9+s2+$0x0], $0xffff;
	s4 =	sadd.s32 $0x30, s3  }
0x48a: {  	s6 =	sor.u32 $0x200, s4  }
0x48b: {  	s5 =	sadd.s32 $0x10, s3;
	s11 =	sor.u32 $0x200, s3;
	[tilespmem:s6+$0x15000] =	vst v18  }
0x48c: {  	s9 =	sadd.s32 $0x20, s3;
	s26 =	sor.u32 $0x200, s5;
	[tilespmem:s11+$0x15000] =	vst v56;
	v13 =	vld.idx.msk [tilespmem:v55+s2+$0x0], $0xffff  }
0x48d: {  	v58 =	vor.u32 $0x300, v2;
	s30 =	sor.u32 $0x200, s9;
	[tilespmem:s26+$0x15000] =	vst v11;
	v59 =	vld.idx.msk [tilespmem:v57+s2+$0x0], $0xffff  }
0x48e: {  	v60 =	vor.u32 $0x300, v1;
	v8 =	vld.idx.msk [tilespmem:v8+s2+$0x0], $0xffff;
	[tilespmem:s30+$0x15000] =	vst v9  }
0x48f: {  	v7 =	vld.idx.msk [tilespmem:v7+s2+$0x0], $0xffff  }
0x490: {  	[tilespmem:s18+$0x15000] =	vst v14;
	s12 =	sor.u32 $0x280, s4  }
0x491: {  	s17 =	sor.u32 $0x280, s3;
	[tilespmem:s12+$0x15000] =	vst v13  }
0x492: {  	v0 =	vor.u32 $0x380, v0;
	s15 =	sor.u32 $0x280, s5;
	[tilespmem:s17+$0x15000] =	vst v59;
	v11 =	vld.idx.msk [tilespmem:v58+s2+$0x0], $0xffff  }
0x493: {  	v61 =	vor.u32 $0x380, v2;
	s16 =	sor.u32 $0x280, s9;
	[tilespmem:s15+$0x15000] =	vst v8;
	v62 =	vld.idx.msk [tilespmem:v60+s2+$0x0], $0xffff  }
0x494: {  	v63 =	vor.u32 $0x380, v1;
	v6 =	vld.idx.msk [tilespmem:v6+s2+$0x0], $0xffff;
	[tilespmem:s16+$0x15000] =	vst v7  }
0x495: {  	[tilespmem:s14+$0x15000] =	vst v15;
	v5 =	vld.idx.msk [tilespmem:v5+s2+$0x0], $0xffff  }
0x496: {  	v3 =	vld.idx.msk [tilespmem:v3+s2+$0x0], $0xffff;
	[tilespmem:s13+$0x15000] =	vst v16;
	s18 =	sor.u32 $0x300, s4  }
0x497: {  	v0 =	vld.idx.msk [tilespmem:v0+s2+$0x0], $0xffff;
	s21 =	sor.u32 $0x300, s3;
	[tilespmem:s18+$0x15000] =	vst v11  }
0x498: {  	s19 =	sor.u32 $0x300, s5;
	[tilespmem:s21+$0x15000] =	vst v62;
	v2 =	vld.idx.msk [tilespmem:v61+s2+$0x0], $0xffff  }
0x499: {  	s20 =	sor.u32 $0x300, s9;
	[tilespmem:s19+$0x15000] =	vst v6;
	v1 =	vld.idx.msk [tilespmem:v63+s2+$0x0], $0xffff  }
0x49a: {  	v4 =	vld.idx.msk [tilespmem:v4+s2+$0x0], $0xffff;
	[tilespmem:s20+$0x15000] =	vst v5  }
0x49b: {  	[tilespmem:s8+$0x15000] =	vst v3;
	v5 =	vld.idx.msk [tilespmem:v10+s2+$0x0], $0xffff  }
0x49c: {  	[tilespmem:s7+$0x15000] =	vst v0;
	s4 =	sor.u32 $0x380, s4  }
0x49d: {  	s3 =	sor.u32 $0x380, s3;
	[tilespmem:s4+$0x15000] =	vst v2  }
0x49e: {  	s5 =	sor.u32 $0x380, s5;
	[tilespmem:s3+$0x15000] =	vst v1  }
0x49f: {  	s24 =	sor.u32 $0x380, s9;
	[tilespmem:s5+$0x15000] =	vst v4  }
0x4a0: {  	[tilespmem:s24+$0x15000] =	vst v5  }
0x4a1: {  	s26 =	simm.s32 $0x15000;
	s3 =	rddreg [dreg:$0x13]  }
0x4a2: {  	[hbm4b:s3+s2] =	stream.linear.scatter [tilespmem:s26], [sflag:$0x4], $0x4000, $0x38;
	[tilespmem:$0x19000] =	vst v63  }
0x4a3: {  	_ =	swait.ge [sflag:s31], $0x4000  }
0x4a4: {  	[sflag:s31] =	ssyncset.done $0x0  }
0x4a5: {  	[sflag:s31] =	ssyncadd.s32 $0xFFFFC000  }
0x4a6: {  	_ =	swait.ge [sflag:s0], $0x4000  }
0x4a7: {  	s1 =	sadd.s32 $0x1, s1;
	s30 =	rddreg [dreg:$0x15]  }
0x4a8: {  	p0 =	sne.s32 s1, s30  }
.Ltmp8:
0x4a9: {  	_ = 	snop;
	(pc) =	sbr.rel @p0 .LBB2_1-.Ltmp8, $3  }
0x4aa: {  	_ =	sdelay $0x1  }
0x4ab: {  	[sflag:s0] =	ssyncset.done $0x0  }
0x4ac: {  	[sflag:s0] =	ssyncadd.s32 $0xFFFFC000  }
0x4ad: {  	_ =	sfence.sel $0x180000  }
0x4ae: {  	[bflag:$0x0] =	sbarrier.arrive $0xFFFF  }
0x4af: {  	_ =	strace $0x90000047  }
0x4b0: {  	s0 =	stileid.u32;
	[bflag:$0x2] =	sbarrier.arrive $0xFFFF  }
0x4b1: {  	p0 =	sne.s32 s0, $0x0;
	s0 =	rddreg [dreg:$0x5]  }
0x4b2: {  	s0 =	sadd.s32 @!p0 $0x100000, s0  }
0x4b3: {  	[sflag:s0] =	ssyncadd.tile.s32 @!p0 $0x1;
	_ =	shalt  }
.Lfunc_end2:
_tile_overlayer_lowered:
.L_overlay_start_2:
0x4b4: {  	(tag) =	ssettag $0x2  }
0x4b5: {  	s0 =	rddreg [dreg:$0x0];
	s2 =	stileid.u32  }
0x4b6: {  	s1 =	rddreg [dreg:$0x1];
	p0 =	sne.s32 s2, $0x0  }
0x4b7: {  	s3 =	rddreg [dreg:$0x2];
	[bflag:$0x3] =	sbarrier.arrive $0xFFFF;
	s2 =	simm.s32 @!p0 $0x1C05  }
0x4b8: {  	[timem:s3], [sflag:s2] =	dma.local @!p0 [hbm:s0], s1  }
0x4b9: {  	s0 =	simm.s32 @!p0 $0x5  }
0x4ba: {  	_ =	swait.ge @!p0 [sflag:s0], s1  }
0x4bb: {  	s1 =	ssub.s32 @!p0 $0x0, s1;
	[sflag:s0] =	ssyncset.done @!p0 $0x0  }
0x4bc: {  	[sflag:s0] =	ssyncadd.s32 @!p0 s1  }
0x4bd: {  	[bflag:$0x3] =	sbarrier.arrive $0xFFFF  }
0x4be: {  	_ =	shalt  }

</sc_bundles>
